<compile_context>
chip_gen: v7x
topology: tpu7x:2x2x1
jax: 0.10.2.dev20260603
libtpu: 0.0.44.dev20260713+nightly
codegen_flags: <defaults>
</compile_context>

<pallas_src>
import functools

import jax
import jax.numpy as jnp
from jax import lax
from jax.experimental import pallas as pl
from jax.experimental.pallas import tpu as pltpu
from jax.experimental.pallas import tpu_sc as plsc

NC = 2
NS = 16
NTILES = NC * NS
EC = 512
SPLIT0 = 95



def _fill_1d(ref, m, value):
    def body(i, carry):
        ref[pl.ds(i * 16, 16)] = jnp.full((16,), value, jnp.float32)
        return carry
    lax.fori_loop(0, m // 16, body, 0)


def _fill_2d(ref, m, w):
    def body(i, carry):
        for c in range(w // 16):
            ref[i, pl.ds(c * 16, 16)] = jnp.zeros((16,), jnp.float32)
        return carry
    lax.fori_loop(0, m, body, 0)


def _make_sc_deg(n1, cpt0, cpt1):
    rpt = n1 // NS
    cptm = max(cpt0, cpt1)

    @functools.partial(
        pl.kernel,
        out_type=[jax.ShapeDtypeStruct((n1,), jnp.float32)] * 4,
        mesh=plsc.VectorSubcoreMesh(core_axis_name="c", subcore_axis_name="s"),
        compiler_params=pltpu.CompilerParams(use_tc_tiling_on_sc=False),
        scratch_types=[
            pltpu.VMEM((cptm, EC), jnp.int32),
            pltpu.VMEM((EC,), jnp.float32),
            pltpu.VMEM((rpt,), jnp.float32),
            pltpu.VMEM_SHARED((n1,), jnp.float32),
            pltpu.VMEM_SHARED((n1,), jnp.float32),
        ],
    )
    def deg_kernel(colf_hbm, cols_hbm,
                   outf0_hbm, outf1_hbm, outs0_hbm, outs1_hbm,
                   colbuf, onesb, zbuf, accf_sh, accs_sh):
        cid = lax.axis_index("c")
        sid = lax.axis_index("s")
        rs = pl.ds(sid * rpt, rpt)
        _fill_1d(onesb, EC, 1.0)
        _fill_1d(zbuf, rpt, 0.0)
        pltpu.sync_copy(zbuf, accf_sh.at[rs])
        pltpu.sync_copy(zbuf, accs_sh.at[rs])
        plsc.subcore_barrier()

        def deg_loop(base, cnt):
            for col_hbm, acc in ((colf_hbm, accf_sh), (cols_hbm, accs_sh)):
                pltpu.sync_copy(col_hbm.at[pl.ds(base, cnt), :],
                                colbuf.at[pl.ds(0, cnt), :])

                def chunk(j, carry):
                    pltpu.sync_copy(onesb, acc.at[colbuf.at[j]], add=True)
                    return carry

                lax.fori_loop(0, cnt, chunk, 0)

        @pl.when(cid == 0)
        def _():
            deg_loop(sid * cpt0, cpt0)

        if cpt1 > 0:
            @pl.when(cid == 1)
            def _():
                deg_loop(NS * cpt0 + sid * cpt1, cpt1)

        plsc.subcore_barrier()

        @pl.when(cid == 0)
        def _():
            pltpu.sync_copy(accf_sh.at[rs], outf0_hbm.at[rs])
            pltpu.sync_copy(accs_sh.at[rs], outs0_hbm.at[rs])

        @pl.when(cid == 1)
        def _():
            pltpu.sync_copy(accf_sh.at[rs], outf1_hbm.at[rs])
            pltpu.sync_copy(accs_sh.at[rs], outs1_hbm.at[rs])

    return deg_kernel



def _make_sc_scatter(n1, cpt0, cpt1, wf, ws):
    rpt = n1 // NS
    cptm = max(cpt0, cpt1)
    shared_bufs = wf == ws
    gtypes = [pltpu.VMEM((EC, wf), jnp.float32),
              pltpu.VMEM((EC, wf), jnp.float32)]
    if not shared_bufs:
        gtypes += [pltpu.VMEM((EC, ws), jnp.float32),
                   pltpu.VMEM((EC, ws), jnp.float32)]

    @functools.partial(
        pl.kernel,
        out_type=[
            jax.ShapeDtypeStruct((NC, n1, wf), jnp.float32),
            jax.ShapeDtypeStruct((NC, n1, ws), jnp.float32),
        ],
        mesh=plsc.VectorSubcoreMesh(core_axis_name="c", subcore_axis_name="s"),
        compiler_params=pltpu.CompilerParams(use_tc_tiling_on_sc=False),
        scratch_types=[
            pltpu.VMEM((cptm, EC), jnp.int32),
            pltpu.VMEM((cptm, EC), jnp.int32),
            pltpu.SemaphoreType.DMA,
            pltpu.SemaphoreType.DMA,
            pltpu.VMEM_SHARED((n1, wf), jnp.float32),
            pltpu.VMEM_SHARED((n1, ws), jnp.float32),
        ] + gtypes,
    )
    def scatter_kernel(tabf_hbm, tabs_hbm, rowf_hbm, colf_hbm, rows_hbm,
                       cols_hbm, outf_hbm, outs_hbm,
                       rowbuf, colbuf, sem0, sem1, accf_sh, accs_sh, *gbufs):
        if shared_bufs:
            gf0, gf1 = gbufs
            gs0, gs1 = gf0, gf1
        else:
            gf0, gf1, gs0, gs1 = gbufs
        cid = lax.axis_index("c")
        sid = lax.axis_index("s")
        rs = pl.ds(sid * rpt, rpt)
        _fill_2d(gf0, EC, wf)
        if not shared_bufs:
            _fill_2d(gs0, EC, ws)
        for gbuf, acc in ((gf0, accf_sh), (gs0, accs_sh)):
            done = 0
            while done < rpt:
                step = min(EC, rpt - done)
                pltpu.sync_copy(gbuf.at[pl.ds(0, step), :],
                                acc.at[pl.ds(sid * rpt + done, step), :])
                done += step
        plsc.subcore_barrier()

        def run_graphs(base, cnt):
            for tab, row_hbm, col_hbm, b0, b1, acc in (
                    (tabf_hbm, rowf_hbm, colf_hbm, gf0, gf1, accf_sh),
                    (tabs_hbm, rows_hbm, cols_hbm, gs0, gs1, accs_sh)):
                pltpu.sync_copy(row_hbm.at[pl.ds(base, cnt), :],
                                rowbuf.at[pl.ds(0, cnt), :])
                pltpu.sync_copy(col_hbm.at[pl.ds(base, cnt), :],
                                colbuf.at[pl.ds(0, cnt), :])
                pltpu.async_copy(tab.at[rowbuf.at[0]], b0, sem0)

                def chunk2(i, carry):
                    jj = 2 * i
                    pltpu.async_copy(tab.at[rowbuf.at[jj + 1]], b1, sem1)
                    pltpu.make_async_copy(
                        tab.at[rowbuf.at[jj]], b0, sem0).wait()
                    pltpu.sync_copy(b0, acc.at[colbuf.at[jj]], add=True)
                    pltpu.async_copy(tab.at[rowbuf.at[jj + 2]], b0, sem0)
                    pltpu.make_async_copy(
                        tab.at[rowbuf.at[jj + 1]], b1, sem1).wait()
                    pltpu.sync_copy(b1, acc.at[colbuf.at[jj + 1]], add=True)
                    return carry

                lax.fori_loop(0, (cnt - 2) // 2, chunk2, 0)
                pltpu.async_copy(tab.at[rowbuf.at[cnt - 1]], b1, sem1)
                pltpu.make_async_copy(
                    tab.at[rowbuf.at[cnt - 2]], b0, sem0).wait()
                pltpu.sync_copy(b0, acc.at[colbuf.at[cnt - 2]], add=True)
                pltpu.make_async_copy(
                    tab.at[rowbuf.at[cnt - 1]], b1, sem1).wait()
                pltpu.sync_copy(b1, acc.at[colbuf.at[cnt - 1]], add=True)

        @pl.when(cid == 0)
        def _():
            run_graphs(sid * cpt0, cpt0)

        if cpt1 > 0:
            @pl.when(cid == 1)
            def _():
                run_graphs(NS * cpt0 + sid * cpt1, cpt1)

        plsc.subcore_barrier()
        pltpu.sync_copy(accf_sh.at[rs], outf_hbm.at[cid, rs, :])
        pltpu.sync_copy(accs_sh.at[rs], outs_hbm.at[cid, rs, :])

    return scatter_kernel



def _dinv(d0, d1):
    return lax.rsqrt(d0[...] + d1[...] + 1.0)


def _tc_a_body(feat, spat, df0, df1, ds0, ds1, fcW, fcb, cW, cb, W1f, W1s,
               h1f_o, h1s_o):
    dinvf = _dinv(df0, df1)
    dinvs = _dinv(ds0, ds1)
    x0f = jnp.maximum(feat[...] @ fcW[...] + fcb[...], 0.0)
    h1f_o[...] = (x0f @ W1f[...]) * dinvf
    x0s = jnp.maximum(spat[...] @ cW[...] + cb[...], 0.0)
    h1s_o[...] = (x0s @ W1s[...]) * dinvs


def _tc_b_body(pf, ps, h1f, h1s, df0, df1, ds0, ds1, b1f, b1s, W2s,
               yf_o, h2s_o):
    dinvf = _dinv(df0, df1)
    dinvs = _dinv(ds0, ds1)
    x1f = jnp.maximum(dinvf * (pf[0] + pf[1] + h1f[...]) + b1f[...], 0.0)
    yf_o[...] = dinvf * x1f
    x1s = jnp.maximum(dinvs * (ps[0] + ps[1] + h1s[...]) + b1s[...], 0.0)
    h2 = (x1s @ W2s[...]) * dinvs
    h2s_o[...] = jnp.concatenate(
        [h2, jnp.zeros((h2.shape[0], 5), jnp.float32)], axis=1)


def _tc_c_body(qf, qs, yf, h2s, df0, df1, ds0, ds1, W2f, b2f, b2s,
               p1W, p1b, p2W, p2b, out_o):
    dinvf = _dinv(df0, df1)
    dinvs = _dinv(ds0, ds1)
    xf2 = (dinvf * (qf[0] + qf[1] + yf[...])) @ W2f[...] + b2f[...]
    xs2 = dinvs * (qs[0] + qs[1] + h2s[...])[:, :11] + b2s[...]
    x = jnp.maximum(jnp.concatenate([xf2, xs2], axis=1), 0.0)
    x = jnp.maximum(x @ p1W[...] + p1b[...], 0.0)
    out_o[...] = x @ p2W[...] + p2b[...]


def _full(shape):
    return pl.BlockSpec(shape, lambda i: tuple(0 for _ in shape))


def _rows(r, *rest):
    ndims = 1 + len(rest)
    if ndims == 1:
        return pl.BlockSpec((r,), lambda i: (i,))
    return pl.BlockSpec((r,) + tuple(rest), lambda i: (i,) + (0,) * len(rest))


def _part(lead, r, *rest):
    return pl.BlockSpec((lead, r) + tuple(rest),
                        lambda i: (0, i) + (0,) * len(rest))



def kernel(feat, spat, feat_edge_index, spat_edge_index,
           fc_W, fc_b, cnn_fc_W, cnn_fc_b,
           fconv1_W, fconv1_b, fconv2_W, fconv2_b,
           sconv1_W, sconv1_b, sconv2_W, sconv2_b,
           proj1_W, proj1_b, proj2_W, proj2_b):
    n, d_in = feat.shape
    e = feat_edge_index.shape[1]
    n1 = ((n + 1 + NS * 16 - 1) // (NS * 16)) * (NS * 16)
    epad = ((e + NTILES * EC - 1) // (NTILES * EC)) * (NTILES * EC)
    tch = epad // (NS * EC)
    cpt0 = 2 * ((tch * SPLIT0 + 100) // 200)
    cpt0 = min(max(cpt0, 2), tch)
    cpt1 = tch - cpt0

    def prep(ei):
        row = jnp.concatenate(
            [ei[0], jnp.zeros((epad - e,), jnp.int32)]).reshape(epad // EC, EC)
        col = jnp.concatenate(
            [ei[1], jnp.full((epad - e,), n, jnp.int32)]).reshape(epad // EC, EC)
        return row, col

    rowf, colf = prep(feat_edge_index)
    rows_, cols_ = prep(spat_edge_index)

    df0, df1, ds0, ds1 = _make_sc_deg(n1, cpt0, cpt1)(colf, cols_)
    df0 = df0.reshape(n1, 1)
    df1 = df1.reshape(n1, 1)
    ds0 = ds0.reshape(n1, 1)
    ds1 = ds1.reshape(n1, 1)

    r = 1000
    grid = (n // r,)
    w_in = d_in

    h1f, h1s = pl.pallas_call(
        _tc_a_body,
        grid=grid,
        in_specs=[
            _rows(r, w_in), _rows(r, w_in),
            _rows(r, 1), _rows(r, 1), _rows(r, 1), _rows(r, 1),
            _full((w_in, 32)), _full((1, 32)),
            _full((w_in, 32)), _full((1, 32)),
            _full((32, 32)), _full((32, 32)),
        ],
        out_specs=[_rows(r, 32), _rows(r, 32)],
        out_shape=[jax.ShapeDtypeStruct((n, 32), jnp.float32)] * 2,
    )(feat, spat, df0, df1, ds0, ds1,
      fc_W, fc_b.reshape(1, 32), cnn_fc_W, cnn_fc_b.reshape(1, 32),
      fconv1_W, sconv1_W)

    pf, ps = _make_sc_scatter(n1, cpt0, cpt1, 32, 32)(
        h1f, h1s, rowf, colf, rows_, cols_)

    yf, h2s = pl.pallas_call(
        _tc_b_body,
        grid=grid,
        in_specs=[
            _part(NC, r, 32), _part(NC, r, 32),
            _rows(r, 32), _rows(r, 32),
            _rows(r, 1), _rows(r, 1), _rows(r, 1), _rows(r, 1),
            _full((1, 32)), _full((1, 32)), _full((32, 11)),
        ],
        out_specs=[_rows(r, 32), _rows(r, 16)],
        out_shape=[jax.ShapeDtypeStruct((n, 32), jnp.float32),
                   jax.ShapeDtypeStruct((n, 16), jnp.float32)],
    )(pf, ps, h1f, h1s, df0, df1, ds0, ds1,
      fconv1_b.reshape(1, 32), sconv1_b.reshape(1, 32), sconv2_W)

    qf, qs = _make_sc_scatter(n1, cpt0, cpt1, 32, 16)(
        yf, h2s, rowf, colf, rows_, cols_)

    out = pl.pallas_call(
        _tc_c_body,
        grid=grid,
        in_specs=[
            _part(NC, r, 32), _part(NC, r, 16),
            _rows(r, 32), _rows(r, 16),
            _rows(r, 1), _rows(r, 1), _rows(r, 1), _rows(r, 1),
            _full((32, 33)), _full((1, 33)), _full((1, 11)),
            _full((44, 33)), _full((1, 33)), _full((33, 128)), _full((1, 128)),
        ],
        out_specs=_rows(r, 128),
        out_shape=jax.ShapeDtypeStruct((n, 128), jnp.float32),
    )(qf, qs, yf, h2s, df0, df1, ds0, ds1,
      fconv2_W, fconv2_b.reshape(1, 33), sconv2_b.reshape(1, 11),
      proj1_W, proj1_b.reshape(1, 33), proj2_W, proj2_b.reshape(1, 128))

    return out

# --- scband reference (transcript-rebuilt; emitter-appended) ---
"""Pipeline reference for scband-snap-gnn-duo-34840774705777 (READ-ONLY COPY).

The authoritative reference and input builder live on the scoring server;
editing this copy changes nothing except your own understanding.
"""

import jax, jax.numpy as jnp
import numpy as np

N = 10000
E = 320000
D_IN = 128
PROJ = 32
FC_OUT = 33
CNN_OUT = 11
LATENT = 33
OUT_DIM = 64


def _lin_params(key, fan_in, fan_out):
    k1, k2 = jax.random.split(key)
    s = 1.0 / np.sqrt(fan_in)
    W = jax.random.uniform(k1, (fan_in, fan_out), minval=-s, maxval=s, dtype=jnp.float32)
    b = jax.random.uniform(k2, (fan_out,), minval=-s, maxval=s, dtype=jnp.float32)
    return W, b


def gcn_conv(x, edge_index, W, b, num_nodes):
    # PyG GCNConv: linear transform, add self-loops, symmetric normalization, scatter-add, bias
    loops = jnp.arange(num_nodes, dtype=edge_index.dtype)
    ei = jnp.concatenate([edge_index, jnp.stack([loops, loops])], axis=1)
    row, col = ei[0], ei[1]
    deg = jax.ops.segment_sum(jnp.ones(ei.shape[1], dtype=x.dtype), col, num_segments=num_nodes)
    dinv = jnp.where(deg > 0, deg ** -0.5, 0.0)
    norm = dinv[row] * dinv[col]
    h = x @ W
    msgs = h[row] * norm[:, None]
    out = jax.ops.segment_sum(msgs, col, num_segments=num_nodes)
    return out + b


def setup_inputs(seed: int = 0) -> dict:
    key = jax.random.key(seed)
    ks = jax.random.split(key, 14)
    feat = jax.random.normal(ks[0], (N, D_IN), dtype=jnp.float32)
    spat = jax.random.normal(ks[1], (N, D_IN), dtype=jnp.float32)
    feat_edge_index = jax.random.randint(ks[2], (2, E), 0, N, dtype=jnp.int32)
    spat_edge_index = jax.random.randint(ks[3], (2, E), 0, N, dtype=jnp.int32)
    fc_W, fc_b = _lin_params(ks[4], D_IN, PROJ)
    cnn_fc_W, cnn_fc_b = _lin_params(ks[5], D_IN, PROJ)
    fconv1_W, fconv1_b = _lin_params(ks[6], PROJ, PROJ)
    fconv2_W, fconv2_b = _lin_params(ks[7], PROJ, FC_OUT)
    sconv1_W, sconv1_b = _lin_params(ks[8], PROJ, PROJ)
    sconv2_W, sconv2_b = _lin_params(ks[9], PROJ, CNN_OUT)
    proj1_W, proj1_b = _lin_params(ks[10], FC_OUT + CNN_OUT, LATENT)
    proj2_W, proj2_b = _lin_params(ks[11], LATENT, OUT_DIM * 2)
    return {
        'feat': feat, 'spat': spat,
        'feat_edge_index': feat_edge_index, 'spat_edge_index': spat_edge_index,
        'fc_W': fc_W, 'fc_b': fc_b, 'cnn_fc_W': cnn_fc_W, 'cnn_fc_b': cnn_fc_b,
        'fconv1_W': fconv1_W, 'fconv1_b': fconv1_b, 'fconv2_W': fconv2_W, 'fconv2_b': fconv2_b,
        'sconv1_W': sconv1_W, 'sconv1_b': sconv1_b, 'sconv2_W': sconv2_W, 'sconv2_b': sconv2_b,
        'proj1_W': proj1_W, 'proj1_b': proj1_b, 'proj2_W': proj2_W, 'proj2_b': proj2_b,
    }


def reference(feat, spat, feat_edge_index, spat_edge_index,
              fc_W, fc_b, cnn_fc_W, cnn_fc_b,
              fconv1_W, fconv1_b, fconv2_W, fconv2_b,
              sconv1_W, sconv1_b, sconv2_W, sconv2_b,
              proj1_W, proj1_b, proj2_W, proj2_b):
    # feat branch
    xf = jax.nn.relu(feat @ fc_W + fc_b)
    xf = jax.nn.relu(gcn_conv(xf, feat_edge_index, fconv1_W, fconv1_b, N))
    xf = gcn_conv(xf, feat_edge_index, fconv2_W, fconv2_b, N)
    # spat branch
    xs = jax.nn.relu(spat @ cnn_fc_W + cnn_fc_b)
    xs = jax.nn.relu(gcn_conv(xs, spat_edge_index, sconv1_W, sconv1_b, N))
    xs = gcn_conv(xs, spat_edge_index, sconv2_W, sconv2_b, N)
    x = jnp.concatenate([xf, xs], axis=1)
    x = jax.nn.relu(x)
    x = jax.nn.relu(x @ proj1_W + proj1_b)
    x = x @ proj2_W + proj2_b
    return x

if __name__ == "__main__":
    import jax
    _d = setup_inputs()
    print(jax.jit(kernel)(*tuple(_d.values())))

</pallas_src>

<mosaic_0001>
#map = affine_map<(d0, d1) -> (0, 0)>
#map1 = affine_map<(d0, d1) -> (0)>
module attributes {stable_mosaic.version = 14 : i64} {
  func.func @deg_kernel(%arg0: i32, %arg1: i32, %arg2: memref<640x512xi32, #tpu.memory_space<hbm>>, %arg3: memref<640x512xi32, #tpu.memory_space<hbm>>, %arg4: memref<10240xf32, #tpu.memory_space<hbm>>, %arg5: memref<10240xf32, #tpu.memory_space<hbm>>, %arg6: memref<10240xf32, #tpu.memory_space<hbm>>, %arg7: memref<10240xf32, #tpu.memory_space<hbm>>, %arg8: memref<38x512xi32, #tpu.memory_space<vmem>>, %arg9: memref<512xf32, #tpu.memory_space<vmem>>, %arg10: memref<640xf32, #tpu.memory_space<vmem>>, %arg11: memref<10240xf32, #tpu.memory_space<vmem_shared>>, %arg12: memref<10240xf32, #tpu.memory_space<vmem_shared>>) attributes {dimension_semantics = [#tpu.dimension_semantics<core_parallel>, #tpu.dimension_semantics<subcore_parallel>], iteration_bounds = array<i64: 2, 16>, scalar_prefetch = 0 : i64, scratch_operands = 5 : i64, tpu.core_type = #tpu.core_type<sc_vector_subcore>, window_params = [{transform_indices = #map}, {transform_indices = #map}, {transform_indices = #map1}, {transform_indices = #map1}, {transform_indices = #map1}, {transform_indices = #map1}]} {
    %mul3A = arith.constant 640 : i32
    %mul3A_0 = arith.muli %arg1, %mul3A : i32
    %scan3A = arith.constant 0 : i32
    %scan3A_1 = arith.constant 0 : i32
    %scan3A_2 = arith.constant 32 : i32
    %scan3A_3 = arith.addi %scan3A_1, %scan3A_2 : i32
    %scan3A_4 = arith.constant 1 : i32
    scf.for %scan3A_30 = %scan3A_1 to %scan3A_3 step %scan3A_4  : i32 {
      %broadcast_in_dim3A = arith.constant 1.000000e+00 : f32
      %broadcast_in_dim3A_31 = vector.broadcast %broadcast_in_dim3A : f32 to vector<16xf32>
      %mul3A_32 = arith.constant 16 : i32
      %mul3A_33 = arith.muli %scan3A_30, %mul3A_32 : i32
      %swap3A = arith.index_cast %mul3A_33 : i32 to index
      %swap3A_34 = tpu.vector_load %arg9[%swap3A] {strides = array<i32>} : memref<512xf32, #tpu.memory_space<vmem>>, vector<16xf32>,
      %swap3A_35 = vector.shape_cast %swap3A_34 : vector<16xf32> to vector<16xf32>
      %swap3A_36 = vector.shape_cast %broadcast_in_dim3A_31 : vector<16xf32> to vector<16xf32>
      tpu.vector_store %arg9[%swap3A], %swap3A_36 {strides = array<i32>} : memref<512xf32, #tpu.memory_space<vmem>>, vector<16xf32>,
    }
    %scan3A_5 = arith.constant 32 : i32
    %scan3A_6 = arith.constant 0 : i32
    %scan3A_7 = arith.constant 0 : i32
    %scan3A_8 = arith.constant 40 : i32
    %scan3A_9 = arith.addi %scan3A_7, %scan3A_8 : i32
    %scan3A_10 = arith.constant 1 : i32
    scf.for %scan3A_30 = %scan3A_7 to %scan3A_9 step %scan3A_10  : i32 {
      %broadcast_in_dim3A = arith.constant 0.000000e+00 : f32
      %broadcast_in_dim3A_31 = vector.broadcast %broadcast_in_dim3A : f32 to vector<16xf32>
      %mul3A_32 = arith.constant 16 : i32
      %mul3A_33 = arith.muli %scan3A_30, %mul3A_32 : i32
      %swap3A = arith.index_cast %mul3A_33 : i32 to index
      %swap3A_34 = tpu.vector_load %arg10[%swap3A] {strides = array<i32>} : memref<640xf32, #tpu.memory_space<vmem>>, vector<16xf32>,
      %swap3A_35 = vector.shape_cast %swap3A_34 : vector<16xf32> to vector<16xf32>
      %swap3A_36 = vector.shape_cast %broadcast_in_dim3A_31 : vector<16xf32> to vector<16xf32>
      tpu.vector_store %arg10[%swap3A], %swap3A_36 {strides = array<i32>} : memref<640xf32, #tpu.memory_space<vmem>>, vector<16xf32>,
    }
    %scan3A_11 = arith.constant 40 : i32
    "tpu.region"() ({
      %run_scoped3A = tpu.sem_alloc : memref<!tpu.dma_semaphore, #tpu.memory_space<semaphore_mem>>
      %dma_start3A = tpu.memref_slice %arg11[%mul3A_0] : memref<10240xf32, #tpu.memory_space<vmem_shared>> -> memref<640xf32, #tpu.memory_space<vmem_shared>>
      %dma_start3A_30 = tpu.memref_slice %arg11[%mul3A_0] : memref<10240xf32, #tpu.memory_space<vmem_shared>> -> memref<640xf32, #tpu.memory_space<vmem_shared>>
      tpu.enqueue_dma source(%arg10 : memref<640xf32, #tpu.memory_space<vmem>>) target(%dma_start3A_30 : memref<640xf32, #tpu.memory_space<vmem_shared>>) target_semaphore(%run_scoped3A : memref<!tpu.dma_semaphore, #tpu.memory_space<semaphore_mem>>)
      %dma_wait3A = tpu.memref_slice %arg11[%mul3A_0] : memref<10240xf32, #tpu.memory_space<vmem_shared>> -> memref<640xf32, #tpu.memory_space<vmem_shared>>
      %dma_wait3A_31 = tpu.memref_slice %arg11[%mul3A_0] : memref<10240xf32, #tpu.memory_space<vmem_shared>> -> memref<640xf32, #tpu.memory_space<vmem_shared>>
      tpu.wait_dma2 semaphore(%run_scoped3A : memref<!tpu.dma_semaphore, #tpu.memory_space<semaphore_mem>>) src(%arg10 : memref<640xf32, #tpu.memory_space<vmem>>) dst(%dma_wait3A_31 : memref<640xf32, #tpu.memory_space<vmem_shared>>)
      tpu.yield
    }) : () -> ()
    "tpu.region"() ({
      %run_scoped3A = tpu.sem_alloc : memref<!tpu.dma_semaphore, #tpu.memory_space<semaphore_mem>>
      %dma_start3A = tpu.memref_slice %arg12[%mul3A_0] : memref<10240xf32, #tpu.memory_space<vmem_shared>> -> memref<640xf32, #tpu.memory_space<vmem_shared>>
      %dma_start3A_30 = tpu.memref_slice %arg12[%mul3A_0] : memref<10240xf32, #tpu.memory_space<vmem_shared>> -> memref<640xf32, #tpu.memory_space<vmem_shared>>
      tpu.enqueue_dma source(%arg10 : memref<640xf32, #tpu.memory_space<vmem>>) target(%dma_start3A_30 : memref<640xf32, #tpu.memory_space<vmem_shared>>) target_semaphore(%run_scoped3A : memref<!tpu.dma_semaphore, #tpu.memory_space<semaphore_mem>>)
      %dma_wait3A = tpu.memref_slice %arg12[%mul3A_0] : memref<10240xf32, #tpu.memory_space<vmem_shared>> -> memref<640xf32, #tpu.memory_space<vmem_shared>>
      %dma_wait3A_31 = tpu.memref_slice %arg12[%mul3A_0] : memref<10240xf32, #tpu.memory_space<vmem_shared>> -> memref<640xf32, #tpu.memory_space<vmem_shared>>
      tpu.wait_dma2 semaphore(%run_scoped3A : memref<!tpu.dma_semaphore, #tpu.memory_space<semaphore_mem>>) src(%arg10 : memref<640xf32, #tpu.memory_space<vmem>>) dst(%dma_wait3A_31 : memref<640xf32, #tpu.memory_space<vmem_shared>>)
      tpu.yield
    }) : () -> ()
    %barrier3A = arith.constant 0 : index
    tpu.barrier barrier_id(%barrier3A)
    %eq3A = arith.constant 0 : i32
    %eq3A_12 = arith.cmpi eq, %arg0, %eq3A : i32
    %convert_element_type3A = arith.extui %eq3A_12 : i1 to i32
    %cond3A = arith.constant 0 : i32
    %cond3A_13 = arith.cmpi ne, %convert_element_type3A, %cond3A : i32
    scf.if %cond3A_13 {
      %mul3A_30 = arith.constant 38 : i32
      %mul3A_31 = arith.muli %arg1, %mul3A_30 : i32
      "tpu.region"() ({
        %run_scoped3A = tpu.sem_alloc : memref<!tpu.dma_semaphore, #tpu.memory_space<semaphore_mem>>
        %dma_start3A = arith.constant 0 : i32
        %dma_start3A_44 = arith.constant 0 : i32
        %dma_start3A_45 = tpu.memref_slice %arg8[%dma_start3A, %dma_start3A_44] : memref<38x512xi32, #tpu.memory_space<vmem>> -> memref<38x512xi32, #tpu.memory_space<vmem>>
        %dma_start3A_46 = arith.constant 0 : i32
        %dma_start3A_47 = tpu.memref_slice %arg2[%mul3A_31, %dma_start3A_46] : memref<640x512xi32, #tpu.memory_space<hbm>> -> memref<38x512xi32, #tpu.memory_space<hbm>>
        %dma_start3A_48 = arith.constant 0 : i32
        %dma_start3A_49 = arith.constant 0 : i32
        %dma_start3A_50 = tpu.memref_slice %arg8[%dma_start3A_48, %dma_start3A_49] : memref<38x512xi32, #tpu.memory_space<vmem>> -> memref<38x512xi32, #tpu.memory_space<vmem>>
        %dma_start3A_51 = arith.constant 0 : i32
        %dma_start3A_52 = tpu.memref_slice %arg2[%mul3A_31, %dma_start3A_51] : memref<640x512xi32, #tpu.memory_space<hbm>> -> memref<38x512xi32, #tpu.memory_space<hbm>>
        tpu.enqueue_dma source(%dma_start3A_52 : memref<38x512xi32, #tpu.memory_space<hbm>>) target(%dma_start3A_50 : memref<38x512xi32, #tpu.memory_space<vmem>>) target_semaphore(%run_scoped3A : memref<!tpu.dma_semaphore, #tpu.memory_space<semaphore_mem>>)
        %dma_wait3A = arith.constant 0 : i32
        %dma_wait3A_53 = arith.constant 0 : i32
        %dma_wait3A_54 = tpu.memref_slice %arg8[%dma_wait3A, %dma_wait3A_53] : memref<38x512xi32, #tpu.memory_space<vmem>> -> memref<38x512xi32, #tpu.memory_space<vmem>>
        %dma_wait3A_55 = arith.constant 0 : i32
        %dma_wait3A_56 = tpu.memref_slice %arg2[%mul3A_31, %dma_wait3A_55] : memref<640x512xi32, #tpu.memory_space<hbm>> -> memref<38x512xi32, #tpu.memory_space<hbm>>
        %dma_wait3A_57 = arith.constant 0 : i32
        %dma_wait3A_58 = arith.constant 0 : i32
        %dma_wait3A_59 = tpu.memref_slice %arg8[%dma_wait3A_57, %dma_wait3A_58] : memref<38x512xi32, #tpu.memory_space<vmem>> -> memref<38x512xi32, #tpu.memory_space<vmem>>
        %dma_wait3A_60 = arith.constant 0 : i32
        %dma_wait3A_61 = tpu.memref_slice %arg2[%mul3A_31, %dma_wait3A_60] : memref<640x512xi32, #tpu.memory_space<hbm>> -> memref<38x512xi32, #tpu.memory_space<hbm>>
        tpu.wait_dma2 semaphore(%run_scoped3A : memref<!tpu.dma_semaphore, #tpu.memory_space<semaphore_mem>>) src(%dma_wait3A_61 : memref<38x512xi32, #tpu.memory_space<hbm>>) dst(%dma_wait3A_59 : memref<38x512xi32, #tpu.memory_space<vmem>>)
        tpu.yield
      }) : () -> ()
      %scan3A_32 = arith.constant 0 : i32
      %scan3A_33 = arith.constant 0 : i32
      %scan3A_34 = arith.constant 38 : i32
      %scan3A_35 = arith.addi %scan3A_33, %scan3A_34 : i32
      %scan3A_36 = arith.constant 1 : i32
      scf.for %scan3A_44 = %scan3A_33 to %scan3A_35 step %scan3A_36  : i32 {
        "tpu.region"() ({
          %run_scoped3A = tpu.sem_alloc : memref<!tpu.dma_semaphore, #tpu.memory_space<semaphore_mem>>
          %dma_start3A = arith.constant 0 : i32
          %dma_start3A_45 = tpu.memref_slice %arg8[%scan3A_44, %dma_start3A] : memref<38x512xi32, #tpu.memory_space<vmem>> -> memref<1x512xi32, #tpu.memory_space<vmem>>
          %dma_start3A_46 = tpu.memref_squeeze %dma_start3A_45 : memref<1x512xi32, #tpu.memory_space<vmem>> -> memref<512xi32, #tpu.memory_space<vmem>>
          %dma_start3A_47 = arith.constant 0 : i32
          %dma_start3A_48 = tpu.memref_slice %arg11[%dma_start3A_47] : memref<10240xf32, #tpu.memory_space<vmem_shared>> -> memref<10240xf32, #tpu.memory_space<vmem_shared>>
          tpu.enqueue_indirect_dma source(%arg9 : memref<512xf32, #tpu.memory_space<vmem>>) target(%dma_start3A_48 : memref<10240xf32, #tpu.memory_space<vmem_shared>>) offsets(%dma_start3A_46 : memref<512xi32, #tpu.memory_space<vmem>>) semaphore(%run_scoped3A : memref<!tpu.dma_semaphore, #tpu.memory_space<semaphore_mem>>) {add = true}
          %dma_wait3A = arith.constant 0 : i32
          %dma_wait3A_49 = tpu.memref_slice %arg8[%scan3A_44, %dma_wait3A] : memref<38x512xi32, #tpu.memory_space<vmem>> -> memref<1x512xi32, #tpu.memory_space<vmem>>
          %dma_wait3A_50 = tpu.memref_squeeze %dma_wait3A_49 : memref<1x512xi32, #tpu.memory_space<vmem>> -> memref<512xi32, #tpu.memory_space<vmem>>
          %dma_wait3A_51 = arith.constant 0 : i32
          %dma_wait3A_52 = tpu.memref_slice %arg11[%dma_wait3A_51] : memref<10240xf32, #tpu.memory_space<vmem_shared>> -> memref<10240xf32, #tpu.memory_space<vmem_shared>>
          tpu.wait_indirect_dma semaphore(%run_scoped3A : memref<!tpu.dma_semaphore, #tpu.memory_space<semaphore_mem>>) src(%arg9 : memref<512xf32, #tpu.memory_space<vmem>>) dst(%dma_wait3A_52 : memref<10240xf32, #tpu.memory_space<vmem_shared>>)
          tpu.yield
        }) : () -> ()
      }
      %scan3A_37 = arith.constant 38 : i32
      "tpu.region"() ({
        %run_scoped3A = tpu.sem_alloc : memref<!tpu.dma_semaphore, #tpu.memory_space<semaphore_mem>>
        %dma_start3A = arith.constant 0 : i32
        %dma_start3A_44 = arith.constant 0 : i32
        %dma_start3A_45 = tpu.memref_slice %arg8[%dma_start3A, %dma_start3A_44] : memref<38x512xi32, #tpu.memory_space<vmem>> -> memref<38x512xi32, #tpu.memory_space<vmem>>
        %dma_start3A_46 = arith.constant 0 : i32
        %dma_start3A_47 = tpu.memref_slice %arg3[%mul3A_31, %dma_start3A_46] : memref<640x512xi32, #tpu.memory_space<hbm>> -> memref<38x512xi32, #tpu.memory_space<hbm>>
        %dma_start3A_48 = arith.constant 0 : i32
        %dma_start3A_49 = arith.constant 0 : i32
        %dma_start3A_50 = tpu.memref_slice %arg8[%dma_start3A_48, %dma_start3A_49] : memref<38x512xi32, #tpu.memory_space<vmem>> -> memref<38x512xi32, #tpu.memory_space<vmem>>
        %dma_start3A_51 = arith.constant 0 : i32
        %dma_start3A_52 = tpu.memref_slice %arg3[%mul3A_31, %dma_start3A_51] : memref<640x512xi32, #tpu.memory_space<hbm>> -> memref<38x512xi32, #tpu.memory_space<hbm>>
        tpu.enqueue_dma source(%dma_start3A_52 : memref<38x512xi32, #tpu.memory_space<hbm>>) target(%dma_start3A_50 : memref<38x512xi32, #tpu.memory_space<vmem>>) target_semaphore(%run_scoped3A : memref<!tpu.dma_semaphore, #tpu.memory_space<semaphore_mem>>)
        %dma_wait3A = arith.constant 0 : i32
        %dma_wait3A_53 = arith.constant 0 : i32
        %dma_wait3A_54 = tpu.memref_slice %arg8[%dma_wait3A, %dma_wait3A_53] : memref<38x512xi32, #tpu.memory_space<vmem>> -> memref<38x512xi32, #tpu.memory_space<vmem>>
        %dma_wait3A_55 = arith.constant 0 : i32
        %dma_wait3A_56 = tpu.memref_slice %arg3[%mul3A_31, %dma_wait3A_55] : memref<640x512xi32, #tpu.memory_space<hbm>> -> memref<38x512xi32, #tpu.memory_space<hbm>>
        %dma_wait3A_57 = arith.constant 0 : i32
        %dma_wait3A_58 = arith.constant 0 : i32
        %dma_wait3A_59 = tpu.memref_slice %arg8[%dma_wait3A_57, %dma_wait3A_58] : memref<38x512xi32, #tpu.memory_space<vmem>> -> memref<38x512xi32, #tpu.memory_space<vmem>>
        %dma_wait3A_60 = arith.constant 0 : i32
        %dma_wait3A_61 = tpu.memref_slice %arg3[%mul3A_31, %dma_wait3A_60] : memref<640x512xi32, #tpu.memory_space<hbm>> -> memref<38x512xi32, #tpu.memory_space<hbm>>
        tpu.wait_dma2 semaphore(%run_scoped3A : memref<!tpu.dma_semaphore, #tpu.memory_space<semaphore_mem>>) src(%dma_wait3A_61 : memref<38x512xi32, #tpu.memory_space<hbm>>) dst(%dma_wait3A_59 : memref<38x512xi32, #tpu.memory_space<vmem>>)
        tpu.yield
      }) : () -> ()
      %scan3A_38 = arith.constant 0 : i32
      %scan3A_39 = arith.constant 0 : i32
      %scan3A_40 = arith.constant 38 : i32
      %scan3A_41 = arith.addi %scan3A_39, %scan3A_40 : i32
      %scan3A_42 = arith.constant 1 : i32
      scf.for %scan3A_44 = %scan3A_39 to %scan3A_41 step %scan3A_42  : i32 {
        "tpu.region"() ({
          %run_scoped3A = tpu.sem_alloc : memref<!tpu.dma_semaphore, #tpu.memory_space<semaphore_mem>>
          %dma_start3A = arith.constant 0 : i32
          %dma_start3A_45 = tpu.memref_slice %arg8[%scan3A_44, %dma_start3A] : memref<38x512xi32, #tpu.memory_space<vmem>> -> memref<1x512xi32, #tpu.memory_space<vmem>>
          %dma_start3A_46 = tpu.memref_squeeze %dma_start3A_45 : memref<1x512xi32, #tpu.memory_space<vmem>> -> memref<512xi32, #tpu.memory_space<vmem>>
          %dma_start3A_47 = arith.constant 0 : i32
          %dma_start3A_48 = tpu.memref_slice %arg12[%dma_start3A_47] : memref<10240xf32, #tpu.memory_space<vmem_shared>> -> memref<10240xf32, #tpu.memory_space<vmem_shared>>
          tpu.enqueue_indirect_dma source(%arg9 : memref<512xf32, #tpu.memory_space<vmem>>) target(%dma_start3A_48 : memref<10240xf32, #tpu.memory_space<vmem_shared>>) offsets(%dma_start3A_46 : memref<512xi32, #tpu.memory_space<vmem>>) semaphore(%run_scoped3A : memref<!tpu.dma_semaphore, #tpu.memory_space<semaphore_mem>>) {add = true}
          %dma_wait3A = arith.constant 0 : i32
          %dma_wait3A_49 = tpu.memref_slice %arg8[%scan3A_44, %dma_wait3A] : memref<38x512xi32, #tpu.memory_space<vmem>> -> memref<1x512xi32, #tpu.memory_space<vmem>>
          %dma_wait3A_50 = tpu.memref_squeeze %dma_wait3A_49 : memref<1x512xi32, #tpu.memory_space<vmem>> -> memref<512xi32, #tpu.memory_space<vmem>>
          %dma_wait3A_51 = arith.constant 0 : i32
          %dma_wait3A_52 = tpu.memref_slice %arg12[%dma_wait3A_51] : memref<10240xf32, #tpu.memory_space<vmem_shared>> -> memref<10240xf32, #tpu.memory_space<vmem_shared>>
          tpu.wait_indirect_dma semaphore(%run_scoped3A : memref<!tpu.dma_semaphore, #tpu.memory_space<semaphore_mem>>) src(%arg9 : memref<512xf32, #tpu.memory_space<vmem>>) dst(%dma_wait3A_52 : memref<10240xf32, #tpu.memory_space<vmem_shared>>)
          tpu.yield
        }) : () -> ()
      }
      %scan3A_43 = arith.constant 38 : i32
    } else {
    }
    %eq3A_14 = arith.constant 1 : i32
    %eq3A_15 = arith.cmpi eq, %arg0, %eq3A_14 : i32
    %convert_element_type3A_16 = arith.extui %eq3A_15 : i1 to i32
    %cond3A_17 = arith.constant 0 : i32
    %cond3A_18 = arith.cmpi ne, %convert_element_type3A_16, %cond3A_17 : i32
    scf.if %cond3A_18 {
      %mul3A_30 = arith.constant 2 : i32
      %mul3A_31 = arith.muli %arg1, %mul3A_30 : i32
      %add3A = arith.constant 608 : i32
      %add3A_32 = arith.addi %add3A, %mul3A_31 : i32
      "tpu.region"() ({
        %run_scoped3A = tpu.sem_alloc : memref<!tpu.dma_semaphore, #tpu.memory_space<semaphore_mem>>
        %dma_start3A = arith.constant 0 : i32
        %dma_start3A_45 = arith.constant 0 : i32
        %dma_start3A_46 = tpu.memref_slice %arg8[%dma_start3A, %dma_start3A_45] : memref<38x512xi32, #tpu.memory_space<vmem>> -> memref<2x512xi32, #tpu.memory_space<vmem>>
        %dma_start3A_47 = arith.constant 0 : i32
        %dma_start3A_48 = tpu.memref_slice %arg2[%add3A_32, %dma_start3A_47] : memref<640x512xi32, #tpu.memory_space<hbm>> -> memref<2x512xi32, #tpu.memory_space<hbm>>
        %dma_start3A_49 = arith.constant 0 : i32
        %dma_start3A_50 = arith.constant 0 : i32
        %dma_start3A_51 = tpu.memref_slice %arg8[%dma_start3A_49, %dma_start3A_50] : memref<38x512xi32, #tpu.memory_space<vmem>> -> memref<2x512xi32, #tpu.memory_space<vmem>>
        %dma_start3A_52 = arith.constant 0 : i32
        %dma_start3A_53 = tpu.memref_slice %arg2[%add3A_32, %dma_start3A_52] : memref<640x512xi32, #tpu.memory_space<hbm>> -> memref<2x512xi32, #tpu.memory_space<hbm>>
        tpu.enqueue_dma source(%dma_start3A_53 : memref<2x512xi32, #tpu.memory_space<hbm>>) target(%dma_start3A_51 : memref<2x512xi32, #tpu.memory_space<vmem>>) target_semaphore(%run_scoped3A : memref<!tpu.dma_semaphore, #tpu.memory_space<semaphore_mem>>)
        %dma_wait3A = arith.constant 0 : i32
        %dma_wait3A_54 = arith.constant 0 : i32
        %dma_wait3A_55 = tpu.memref_slice %arg8[%dma_wait3A, %dma_wait3A_54] : memref<38x512xi32, #tpu.memory_space<vmem>> -> memref<2x512xi32, #tpu.memory_space<vmem>>
        %dma_wait3A_56 = arith.constant 0 : i32
        %dma_wait3A_57 = tpu.memref_slice %arg2[%add3A_32, %dma_wait3A_56] : memref<640x512xi32, #tpu.memory_space<hbm>> -> memref<2x512xi32, #tpu.memory_space<hbm>>
        %dma_wait3A_58 = arith.constant 0 : i32
        %dma_wait3A_59 = arith.constant 0 : i32
        %dma_wait3A_60 = tpu.memref_slice %arg8[%dma_wait3A_58, %dma_wait3A_59] : memref<38x512xi32, #tpu.memory_space<vmem>> -> memref<2x512xi32, #tpu.memory_space<vmem>>
        %dma_wait3A_61 = arith.constant 0 : i32
        %dma_wait3A_62 = tpu.memref_slice %arg2[%add3A_32, %dma_wait3A_61] : memref<640x512xi32, #tpu.memory_space<hbm>> -> memref<2x512xi32, #tpu.memory_space<hbm>>
        tpu.wait_dma2 semaphore(%run_scoped3A : memref<!tpu.dma_semaphore, #tpu.memory_space<semaphore_mem>>) src(%dma_wait3A_62 : memref<2x512xi32, #tpu.memory_space<hbm>>) dst(%dma_wait3A_60 : memref<2x512xi32, #tpu.memory_space<vmem>>)
        tpu.yield
      }) : () -> ()
      %scan3A_33 = arith.constant 0 : i32
      %scan3A_34 = arith.constant 0 : i32
      %scan3A_35 = arith.constant 2 : i32
      %scan3A_36 = arith.addi %scan3A_34, %scan3A_35 : i32
      %scan3A_37 = arith.constant 1 : i32
      scf.for %scan3A_45 = %scan3A_34 to %scan3A_36 step %scan3A_37  : i32 {
        "tpu.region"() ({
          %run_scoped3A = tpu.sem_alloc : memref<!tpu.dma_semaphore, #tpu.memory_space<semaphore_mem>>
          %dma_start3A = arith.constant 0 : i32
          %dma_start3A_46 = tpu.memref_slice %arg8[%scan3A_45, %dma_start3A] : memref<38x512xi32, #tpu.memory_space<vmem>> -> memref<1x512xi32, #tpu.memory_space<vmem>>
          %dma_start3A_47 = tpu.memref_squeeze %dma_start3A_46 : memref<1x512xi32, #tpu.memory_space<vmem>> -> memref<512xi32, #tpu.memory_space<vmem>>
          %dma_start3A_48 = arith.constant 0 : i32
          %dma_start3A_49 = tpu.memref_slice %arg11[%dma_start3A_48] : memref<10240xf32, #tpu.memory_space<vmem_shared>> -> memref<10240xf32, #tpu.memory_space<vmem_shared>>
          tpu.enqueue_indirect_dma source(%arg9 : memref<512xf32, #tpu.memory_space<vmem>>) target(%dma_start3A_49 : memref<10240xf32, #tpu.memory_space<vmem_shared>>) offsets(%dma_start3A_47 : memref<512xi32, #tpu.memory_space<vmem>>) semaphore(%run_scoped3A : memref<!tpu.dma_semaphore, #tpu.memory_space<semaphore_mem>>) {add = true}
          %dma_wait3A = arith.constant 0 : i32
          %dma_wait3A_50 = tpu.memref_slice %arg8[%scan3A_45, %dma_wait3A] : memref<38x512xi32, #tpu.memory_space<vmem>> -> memref<1x512xi32, #tpu.memory_space<vmem>>
          %dma_wait3A_51 = tpu.memref_squeeze %dma_wait3A_50 : memref<1x512xi32, #tpu.memory_space<vmem>> -> memref<512xi32, #tpu.memory_space<vmem>>
          %dma_wait3A_52 = arith.constant 0 : i32
          %dma_wait3A_53 = tpu.memref_slice %arg11[%dma_wait3A_52] : memref<10240xf32, #tpu.memory_space<vmem_shared>> -> memref<10240xf32, #tpu.memory_space<vmem_shared>>
          tpu.wait_indirect_dma semaphore(%run_scoped3A : memref<!tpu.dma_semaphore, #tpu.memory_space<semaphore_mem>>) src(%arg9 : memref<512xf32, #tpu.memory_space<vmem>>) dst(%dma_wait3A_53 : memref<10240xf32, #tpu.memory_space<vmem_shared>>)
          tpu.yield
        }) : () -> ()
      }
      %scan3A_38 = arith.constant 2 : i32
      "tpu.region"() ({
        %run_scoped3A = tpu.sem_alloc : memref<!tpu.dma_semaphore, #tpu.memory_space<semaphore_mem>>
        %dma_start3A = arith.constant 0 : i32
        %dma_start3A_45 = arith.constant 0 : i32
        %dma_start3A_46 = tpu.memref_slice %arg8[%dma_start3A, %dma_start3A_45] : memref<38x512xi32, #tpu.memory_space<vmem>> -> memref<2x512xi32, #tpu.memory_space<vmem>>
        %dma_start3A_47 = arith.constant 0 : i32
        %dma_start3A_48 = tpu.memref_slice %arg3[%add3A_32, %dma_start3A_47] : memref<640x512xi32, #tpu.memory_space<hbm>> -> memref<2x512xi32, #tpu.memory_space<hbm>>
        %dma_start3A_49 = arith.constant 0 : i32
        %dma_start3A_50 = arith.constant 0 : i32
        %dma_start3A_51 = tpu.memref_slice %arg8[%dma_start3A_49, %dma_start3A_50] : memref<38x512xi32, #tpu.memory_space<vmem>> -> memref<2x512xi32, #tpu.memory_space<vmem>>
        %dma_start3A_52 = arith.constant 0 : i32
        %dma_start3A_53 = tpu.memref_slice %arg3[%add3A_32, %dma_start3A_52] : memref<640x512xi32, #tpu.memory_space<hbm>> -> memref<2x512xi32, #tpu.memory_space<hbm>>
        tpu.enqueue_dma source(%dma_start3A_53 : memref<2x512xi32, #tpu.memory_space<hbm>>) target(%dma_start3A_51 : memref<2x512xi32, #tpu.memory_space<vmem>>) target_semaphore(%run_scoped3A : memref<!tpu.dma_semaphore, #tpu.memory_space<semaphore_mem>>)
        %dma_wait3A = arith.constant 0 : i32
        %dma_wait3A_54 = arith.constant 0 : i32
        %dma_wait3A_55 = tpu.memref_slice %arg8[%dma_wait3A, %dma_wait3A_54] : memref<38x512xi32, #tpu.memory_space<vmem>> -> memref<2x512xi32, #tpu.memory_space<vmem>>
        %dma_wait3A_56 = arith.constant 0 : i32
        %dma_wait3A_57 = tpu.memref_slice %arg3[%add3A_32, %dma_wait3A_56] : memref<640x512xi32, #tpu.memory_space<hbm>> -> memref<2x512xi32, #tpu.memory_space<hbm>>
        %dma_wait3A_58 = arith.constant 0 : i32
        %dma_wait3A_59 = arith.constant 0 : i32
        %dma_wait3A_60 = tpu.memref_slice %arg8[%dma_wait3A_58, %dma_wait3A_59] : memref<38x512xi32, #tpu.memory_space<vmem>> -> memref<2x512xi32, #tpu.memory_space<vmem>>
        %dma_wait3A_61 = arith.constant 0 : i32
        %dma_wait3A_62 = tpu.memref_slice %arg3[%add3A_32, %dma_wait3A_61] : memref<640x512xi32, #tpu.memory_space<hbm>> -> memref<2x512xi32, #tpu.memory_space<hbm>>
        tpu.wait_dma2 semaphore(%run_scoped3A : memref<!tpu.dma_semaphore, #tpu.memory_space<semaphore_mem>>) src(%dma_wait3A_62 : memref<2x512xi32, #tpu.memory_space<hbm>>) dst(%dma_wait3A_60 : memref<2x512xi32, #tpu.memory_space<vmem>>)
        tpu.yield
      }) : () -> ()
      %scan3A_39 = arith.constant 0 : i32
      %scan3A_40 = arith.constant 0 : i32
      %scan3A_41 = arith.constant 2 : i32
      %scan3A_42 = arith.addi %scan3A_40, %scan3A_41 : i32
      %scan3A_43 = arith.constant 1 : i32
      scf.for %scan3A_45 = %scan3A_40 to %scan3A_42 step %scan3A_43  : i32 {
        "tpu.region"() ({
          %run_scoped3A = tpu.sem_alloc : memref<!tpu.dma_semaphore, #tpu.memory_space<semaphore_mem>>
          %dma_start3A = arith.constant 0 : i32
          %dma_start3A_46 = tpu.memref_slice %arg8[%scan3A_45, %dma_start3A] : memref<38x512xi32, #tpu.memory_space<vmem>> -> memref<1x512xi32, #tpu.memory_space<vmem>>
          %dma_start3A_47 = tpu.memref_squeeze %dma_start3A_46 : memref<1x512xi32, #tpu.memory_space<vmem>> -> memref<512xi32, #tpu.memory_space<vmem>>
          %dma_start3A_48 = arith.constant 0 : i32
          %dma_start3A_49 = tpu.memref_slice %arg12[%dma_start3A_48] : memref<10240xf32, #tpu.memory_space<vmem_shared>> -> memref<10240xf32, #tpu.memory_space<vmem_shared>>
          tpu.enqueue_indirect_dma source(%arg9 : memref<512xf32, #tpu.memory_space<vmem>>) target(%dma_start3A_49 : memref<10240xf32, #tpu.memory_space<vmem_shared>>) offsets(%dma_start3A_47 : memref<512xi32, #tpu.memory_space<vmem>>) semaphore(%run_scoped3A : memref<!tpu.dma_semaphore, #tpu.memory_space<semaphore_mem>>) {add = true}
          %dma_wait3A = arith.constant 0 : i32
          %dma_wait3A_50 = tpu.memref_slice %arg8[%scan3A_45, %dma_wait3A] : memref<38x512xi32, #tpu.memory_space<vmem>> -> memref<1x512xi32, #tpu.memory_space<vmem>>
          %dma_wait3A_51 = tpu.memref_squeeze %dma_wait3A_50 : memref<1x512xi32, #tpu.memory_space<vmem>> -> memref<512xi32, #tpu.memory_space<vmem>>
          %dma_wait3A_52 = arith.constant 0 : i32
          %dma_wait3A_53 = tpu.memref_slice %arg12[%dma_wait3A_52] : memref<10240xf32, #tpu.memory_space<vmem_shared>> -> memref<10240xf32, #tpu.memory_space<vmem_shared>>
          tpu.wait_indirect_dma semaphore(%run_scoped3A : memref<!tpu.dma_semaphore, #tpu.memory_space<semaphore_mem>>) src(%arg9 : memref<512xf32, #tpu.memory_space<vmem>>) dst(%dma_wait3A_53 : memref<10240xf32, #tpu.memory_space<vmem_shared>>)
          tpu.yield
        }) : () -> ()
      }
      %scan3A_44 = arith.constant 2 : i32
    } else {
    }
    %barrier3A_19 = arith.constant 0 : index
    tpu.barrier barrier_id(%barrier3A_19)
    %eq3A_20 = arith.constant 0 : i32
    %eq3A_21 = arith.cmpi eq, %arg0, %eq3A_20 : i32
    %convert_element_type3A_22 = arith.extui %eq3A_21 : i1 to i32
    %cond3A_23 = arith.constant 0 : i32
    %cond3A_24 = arith.cmpi ne, %convert_element_type3A_22, %cond3A_23 : i32
    scf.if %cond3A_24 {
      "tpu.region"() ({
        %run_scoped3A = tpu.sem_alloc : memref<!tpu.dma_semaphore, #tpu.memory_space<semaphore_mem>>
        %dma_start3A = tpu.memref_slice %arg4[%mul3A_0] : memref<10240xf32, #tpu.memory_space<hbm>> -> memref<640xf32, #tpu.memory_space<hbm>>
        %dma_start3A_30 = tpu.memref_slice %arg11[%mul3A_0] : memref<10240xf32, #tpu.memory_space<vmem_shared>> -> memref<640xf32, #tpu.memory_space<vmem_shared>>
        tpu.enqueue_dma source(%dma_start3A_30 : memref<640xf32, #tpu.memory_space<vmem_shared>>) target(%dma_start3A : memref<640xf32, #tpu.memory_space<hbm>>) target_semaphore(%run_scoped3A : memref<!tpu.dma_semaphore, #tpu.memory_space<semaphore_mem>>)
        %dma_wait3A = tpu.memref_slice %arg4[%mul3A_0] : memref<10240xf32, #tpu.memory_space<hbm>> -> memref<640xf32, #tpu.memory_space<hbm>>
        %dma_wait3A_31 = tpu.memref_slice %arg11[%mul3A_0] : memref<10240xf32, #tpu.memory_space<vmem_shared>> -> memref<640xf32, #tpu.memory_space<vmem_shared>>
        tpu.wait_dma2 semaphore(%run_scoped3A : memref<!tpu.dma_semaphore, #tpu.memory_space<semaphore_mem>>) src(%dma_wait3A_31 : memref<640xf32, #tpu.memory_space<vmem_shared>>) dst(%dma_wait3A : memref<640xf32, #tpu.memory_space<hbm>>)
        tpu.yield
      }) : () -> ()
      "tpu.region"() ({
        %run_scoped3A = tpu.sem_alloc : memref<!tpu.dma_semaphore, #tpu.memory_space<semaphore_mem>>
        %dma_start3A = tpu.memref_slice %arg6[%mul3A_0] : memref<10240xf32, #tpu.memory_space<hbm>> -> memref<640xf32, #tpu.memory_space<hbm>>
        %dma_start3A_30 = tpu.memref_slice %arg12[%mul3A_0] : memref<10240xf32, #tpu.memory_space<vmem_shared>> -> memref<640xf32, #tpu.memory_space<vmem_shared>>
        tpu.enqueue_dma source(%dma_start3A_30 : memref<640xf32, #tpu.memory_space<vmem_shared>>) target(%dma_start3A : memref<640xf32, #tpu.memory_space<hbm>>) target_semaphore(%run_scoped3A : memref<!tpu.dma_semaphore, #tpu.memory_space<semaphore_mem>>)
        %dma_wait3A = tpu.memref_slice %arg6[%mul3A_0] : memref<10240xf32, #tpu.memory_space<hbm>> -> memref<640xf32, #tpu.memory_space<hbm>>
        %dma_wait3A_31 = tpu.memref_slice %arg12[%mul3A_0] : memref<10240xf32, #tpu.memory_space<vmem_shared>> -> memref<640xf32, #tpu.memory_space<vmem_shared>>
        tpu.wait_dma2 semaphore(%run_scoped3A : memref<!tpu.dma_semaphore, #tpu.memory_space<semaphore_mem>>) src(%dma_wait3A_31 : memref<640xf32, #tpu.memory_space<vmem_shared>>) dst(%dma_wait3A : memref<640xf32, #tpu.memory_space<hbm>>)
        tpu.yield
      }) : () -> ()
    } else {
    }
    %eq3A_25 = arith.constant 1 : i32
    %eq3A_26 = arith.cmpi eq, %arg0, %eq3A_25 : i32
    %convert_element_type3A_27 = arith.extui %eq3A_26 : i1 to i32
    %cond3A_28 = arith.constant 0 : i32
    %cond3A_29 = arith.cmpi ne, %convert_element_type3A_27, %cond3A_28 : i32
    scf.if %cond3A_29 {
      "tpu.region"() ({
        %run_scoped3A = tpu.sem_alloc : memref<!tpu.dma_semaphore, #tpu.memory_space<semaphore_mem>>
        %dma_start3A = tpu.memref_slice %arg5[%mul3A_0] : memref<10240xf32, #tpu.memory_space<hbm>> -> memref<640xf32, #tpu.memory_space<hbm>>
        %dma_start3A_30 = tpu.memref_slice %arg11[%mul3A_0] : memref<10240xf32, #tpu.memory_space<vmem_shared>> -> memref<640xf32, #tpu.memory_space<vmem_shared>>
        tpu.enqueue_dma source(%dma_start3A_30 : memref<640xf32, #tpu.memory_space<vmem_shared>>) target(%dma_start3A : memref<640xf32, #tpu.memory_space<hbm>>) target_semaphore(%run_scoped3A : memref<!tpu.dma_semaphore, #tpu.memory_space<semaphore_mem>>)
        %dma_wait3A = tpu.memref_slice %arg5[%mul3A_0] : memref<10240xf32, #tpu.memory_space<hbm>> -> memref<640xf32, #tpu.memory_space<hbm>>
        %dma_wait3A_31 = tpu.memref_slice %arg11[%mul3A_0] : memref<10240xf32, #tpu.memory_space<vmem_shared>> -> memref<640xf32, #tpu.memory_space<vmem_shared>>
        tpu.wait_dma2 semaphore(%run_scoped3A : memref<!tpu.dma_semaphore, #tpu.memory_space<semaphore_mem>>) src(%dma_wait3A_31 : memref<640xf32, #tpu.memory_space<vmem_shared>>) dst(%dma_wait3A : memref<640xf32, #tpu.memory_space<hbm>>)
        tpu.yield
      }) : () -> ()
      "tpu.region"() ({
        %run_scoped3A = tpu.sem_alloc : memref<!tpu.dma_semaphore, #tpu.memory_space<semaphore_mem>>
        %dma_start3A = tpu.memref_slice %arg7[%mul3A_0] : memref<10240xf32, #tpu.memory_space<hbm>> -> memref<640xf32, #tpu.memory_space<hbm>>
        %dma_start3A_30 = tpu.memref_slice %arg12[%mul3A_0] : memref<10240xf32, #tpu.memory_space<vmem_shared>> -> memref<640xf32, #tpu.memory_space<vmem_shared>>
        tpu.enqueue_dma source(%dma_start3A_30 : memref<640xf32, #tpu.memory_space<vmem_shared>>) target(%dma_start3A : memref<640xf32, #tpu.memory_space<hbm>>) target_semaphore(%run_scoped3A : memref<!tpu.dma_semaphore, #tpu.memory_space<semaphore_mem>>)
        %dma_wait3A = tpu.memref_slice %arg7[%mul3A_0] : memref<10240xf32, #tpu.memory_space<hbm>> -> memref<640xf32, #tpu.memory_space<hbm>>
        %dma_wait3A_31 = tpu.memref_slice %arg12[%mul3A_0] : memref<10240xf32, #tpu.memory_space<vmem_shared>> -> memref<640xf32, #tpu.memory_space<vmem_shared>>
        tpu.wait_dma2 semaphore(%run_scoped3A : memref<!tpu.dma_semaphore, #tpu.memory_space<semaphore_mem>>) src(%dma_wait3A_31 : memref<640xf32, #tpu.memory_space<vmem_shared>>) dst(%dma_wait3A : memref<640xf32, #tpu.memory_space<hbm>>)
        tpu.yield
      }) : () -> ()
    } else {
    }
    return
  }
}

#map = affine_map<(d0, d1) -> (0, 0)>
#map1 = affine_map<(d0, d1) -> (0, 0, 0)>
module attributes {stable_mosaic.version = 14 : i64} {
  func.func @scatter_kernel(%arg0: i32, %arg1: i32, %arg2: memref<10000x32xf32, #tpu.memory_space<hbm>>, %arg3: memref<10000x32xf32, #tpu.memory_space<hbm>>, %arg4: memref<640x512xi32, #tpu.memory_space<hbm>>, %arg5: memref<640x512xi32, #tpu.memory_space<hbm>>, %arg6: memref<640x512xi32, #tpu.memory_space<hbm>>, %arg7: memref<640x512xi32, #tpu.memory_space<hbm>>, %arg8: memref<2x10240x32xf32, #tpu.memory_space<hbm>>, %arg9: memref<2x10240x32xf32, #tpu.memory_space<hbm>>, %arg10: memref<38x512xi32, #tpu.memory_space<vmem>>, %arg11: memref<38x512xi32, #tpu.memory_space<vmem>>, %arg12: memref<!tpu.dma_semaphore, #tpu.memory_space<semaphore_mem>>, %arg13: memref<!tpu.dma_semaphore, #tpu.memory_space<semaphore_mem>>, %arg14: memref<10240x32xf32, #tpu.memory_space<vmem_shared>>, %arg15: memref<10240x32xf32, #tpu.memory_space<vmem_shared>>, %arg16: memref<512x32xf32, #tpu.memory_space<vmem>>, %arg17: memref<512x32xf32, #tpu.memory_space<vmem>>) attributes {dimension_semantics = [#tpu.dimension_semantics<core_parallel>, #tpu.dimension_semantics<subcore_parallel>], iteration_bounds = array<i64: 2, 16>, scalar_prefetch = 0 : i64, scratch_operands = 8 : i64, tpu.core_type = #tpu.core_type<sc_vector_subcore>, window_params = [{transform_indices = #map}, {transform_indices = #map}, {transform_indices = #map}, {transform_indices = #map}, {transform_indices = #map}, {transform_indices = #map}, {transform_indices = #map1}, {transform_indices = #map1}]} {
    %mul3A = arith.constant 640 : i32
    %mul3A_0 = arith.muli %arg1, %mul3A : i32
    %scan3A = arith.constant 0 : i32
    %scan3A_1 = arith.constant 0 : i32
    %scan3A_2 = arith.constant 512 : i32
    %scan3A_3 = arith.addi %scan3A_1, %scan3A_2 : i32
    %scan3A_4 = arith.constant 1 : i32
    scf.for %scan3A_29 = %scan3A_1 to %scan3A_3 step %scan3A_4  : i32 {
      %broadcast_in_dim3A = arith.constant 0.000000e+00 : f32
      %broadcast_in_dim3A_30 = vector.broadcast %broadcast_in_dim3A : f32 to vector<16xf32>
      %swap3A = arith.index_cast %scan3A_29 : i32 to index
      %swap3A_31 = arith.constant 0 : index
      %swap3A_32 = tpu.vector_load %arg16[%swap3A, %swap3A_31] {strides = array<i32>} : memref<512x32xf32, #tpu.memory_space<vmem>>, vector<1x16xf32>,
      %swap3A_33 = vector.shape_cast %swap3A_32 : vector<1x16xf32> to vector<16xf32>
      %swap3A_34 = vector.shape_cast %broadcast_in_dim3A_30 : vector<16xf32> to vector<1x16xf32>
      tpu.vector_store %arg16[%swap3A, %swap3A_31], %swap3A_34 {strides = array<i32>} : memref<512x32xf32, #tpu.memory_space<vmem>>, vector<1x16xf32>,
      %broadcast_in_dim3A_35 = arith.constant 0.000000e+00 : f32
      %broadcast_in_dim3A_36 = vector.broadcast %broadcast_in_dim3A_35 : f32 to vector<16xf32>
      %swap3A_37 = arith.index_cast %scan3A_29 : i32 to index
      %swap3A_38 = arith.constant 16 : index
      %swap3A_39 = tpu.vector_load %arg16[%swap3A_37, %swap3A_38] {strides = array<i32>} : memref<512x32xf32, #tpu.memory_space<vmem>>, vector<1x16xf32>,
      %swap3A_40 = vector.shape_cast %swap3A_39 : vector<1x16xf32> to vector<16xf32>
      %swap3A_41 = vector.shape_cast %broadcast_in_dim3A_36 : vector<16xf32> to vector<1x16xf32>
      tpu.vector_store %arg16[%swap3A_37, %swap3A_38], %swap3A_41 {strides = array<i32>} : memref<512x32xf32, #tpu.memory_space<vmem>>, vector<1x16xf32>,
    }
    %scan3A_5 = arith.constant 512 : i32
    %mul3A_6 = arith.constant 640 : i32
    %mul3A_7 = arith.muli %arg1, %mul3A_6 : i32
    %add3A = arith.constant 0 : i32
    %add3A_8 = arith.addi %mul3A_7, %add3A : i32
    "tpu.region"() ({
      %run_scoped3A = tpu.sem_alloc : memref<!tpu.dma_semaphore, #tpu.memory_space<semaphore_mem>>
      %dma_start3A = arith.constant 0 : i32
      %dma_start3A_29 = arith.constant 0 : i32
      %dma_start3A_30 = tpu.memref_slice %arg16[%dma_start3A, %dma_start3A_29] : memref<512x32xf32, #tpu.memory_space<vmem>> -> memref<512x32xf32, #tpu.memory_space<vmem>>
      %dma_start3A_31 = arith.constant 0 : i32
      %dma_start3A_32 = tpu.memref_slice %arg14[%add3A_8, %dma_start3A_31] : memref<10240x32xf32, #tpu.memory_space<vmem_shared>> -> memref<512x32xf32, #tpu.memory_space<vmem_shared>>
      %dma_start3A_33 = arith.constant 0 : i32
      %dma_start3A_34 = tpu.memref_slice %arg14[%add3A_8, %dma_start3A_33] : memref<10240x32xf32, #tpu.memory_space<vmem_shared>> -> memref<512x32xf32, #tpu.memory_space<vmem_shared>>
      %dma_start3A_35 = arith.constant 0 : i32
      %dma_start3A_36 = arith.constant 0 : i32
      %dma_start3A_37 = tpu.memref_slice %arg16[%dma_start3A_35, %dma_start3A_36] : memref<512x32xf32, #tpu.memory_space<vmem>> -> memref<512x32xf32, #tpu.memory_space<vmem>>
      tpu.enqueue_dma source(%dma_start3A_37 : memref<512x32xf32, #tpu.memory_space<vmem>>) target(%dma_start3A_34 : memref<512x32xf32, #tpu.memory_space<vmem_shared>>) target_semaphore(%run_scoped3A : memref<!tpu.dma_semaphore, #tpu.memory_space<semaphore_mem>>)
      %dma_wait3A = arith.constant 0 : i32
      %dma_wait3A_38 = arith.constant 0 : i32
      %dma_wait3A_39 = tpu.memref_slice %arg16[%dma_wait3A, %dma_wait3A_38] : memref<512x32xf32, #tpu.memory_space<vmem>> -> memref<512x32xf32, #tpu.memory_space<vmem>>
      %dma_wait3A_40 = arith.constant 0 : i32
      %dma_wait3A_41 = tpu.memref_slice %arg14[%add3A_8, %dma_wait3A_40] : memref<10240x32xf32, #tpu.memory_space<vmem_shared>> -> memref<512x32xf32, #tpu.memory_space<vmem_shared>>
      %dma_wait3A_42 = arith.constant 0 : i32
      %dma_wait3A_43 = tpu.memref_slice %arg14[%add3A_8, %dma_wait3A_42] : memref<10240x32xf32, #tpu.memory_space<vmem_shared>> -> memref<512x32xf32, #tpu.memory_space<vmem_shared>>
      %dma_wait3A_44 = arith.constant 0 : i32
      %dma_wait3A_45 = arith.constant 0 : i32
      %dma_wait3A_46 = tpu.memref_slice %arg16[%dma_wait3A_44, %dma_wait3A_45] : memref<512x32xf32, #tpu.memory_space<vmem>> -> memref<512x32xf32, #tpu.memory_space<vmem>>
      tpu.wait_dma2 semaphore(%run_scoped3A : memref<!tpu.dma_semaphore, #tpu.memory_space<semaphore_mem>>) src(%dma_wait3A_46 : memref<512x32xf32, #tpu.memory_space<vmem>>) dst(%dma_wait3A_43 : memref<512x32xf32, #tpu.memory_space<vmem_shared>>)
      tpu.yield
    }) : () -> ()
    %mul3A_9 = arith.constant 640 : i32
    %mul3A_10 = arith.muli %arg1, %mul3A_9 : i32
    %add3A_11 = arith.constant 512 : i32
    %add3A_12 = arith.addi %mul3A_10, %add3A_11 : i32
    "tpu.region"() ({
      %run_scoped3A = tpu.sem_alloc : memref<!tpu.dma_semaphore, #tpu.memory_space<semaphore_mem>>
      %dma_start3A = arith.constant 0 : i32
      %dma_start3A_29 = arith.constant 0 : i32
      %dma_start3A_30 = tpu.memref_slice %arg16[%dma_start3A, %dma_start3A_29] : memref<512x32xf32, #tpu.memory_space<vmem>> -> memref<128x32xf32, #tpu.memory_space<vmem>>
      %dma_start3A_31 = arith.constant 0 : i32
      %dma_start3A_32 = tpu.memref_slice %arg14[%add3A_12, %dma_start3A_31] : memref<10240x32xf32, #tpu.memory_space<vmem_shared>> -> memref<128x32xf32, #tpu.memory_space<vmem_shared>>
      %dma_start3A_33 = arith.constant 0 : i32
      %dma_start3A_34 = tpu.memref_slice %arg14[%add3A_12, %dma_start3A_33] : memref<10240x32xf32, #tpu.memory_space<vmem_shared>> -> memref<128x32xf32, #tpu.memory_space<vmem_shared>>
      %dma_start3A_35 = arith.constant 0 : i32
      %dma_start3A_36 = arith.constant 0 : i32
      %dma_start3A_37 = tpu.memref_slice %arg16[%dma_start3A_35, %dma_start3A_36] : memref<512x32xf32, #tpu.memory_space<vmem>> -> memref<128x32xf32, #tpu.memory_space<vmem>>
      tpu.enqueue_dma source(%dma_start3A_37 : memref<128x32xf32, #tpu.memory_space<vmem>>) target(%dma_start3A_34 : memref<128x32xf32, #tpu.memory_space<vmem_shared>>) target_semaphore(%run_scoped3A : memref<!tpu.dma_semaphore, #tpu.memory_space<semaphore_mem>>)
      %dma_wait3A = arith.constant 0 : i32
      %dma_wait3A_38 = arith.constant 0 : i32
      %dma_wait3A_39 = tpu.memref_slice %arg16[%dma_wait3A, %dma_wait3A_38] : memref<512x32xf32, #tpu.memory_space<vmem>> -> memref<128x32xf32, #tpu.memory_space<vmem>>
      %dma_wait3A_40 = arith.constant 0 : i32
      %dma_wait3A_41 = tpu.memref_slice %arg14[%add3A_12, %dma_wait3A_40] : memref<10240x32xf32, #tpu.memory_space<vmem_shared>> -> memref<128x32xf32, #tpu.memory_space<vmem_shared>>
      %dma_wait3A_42 = arith.constant 0 : i32
      %dma_wait3A_43 = tpu.memref_slice %arg14[%add3A_12, %dma_wait3A_42] : memref<10240x32xf32, #tpu.memory_space<vmem_shared>> -> memref<128x32xf32, #tpu.memory_space<vmem_shared>>
      %dma_wait3A_44 = arith.constant 0 : i32
      %dma_wait3A_45 = arith.constant 0 : i32
      %dma_wait3A_46 = tpu.memref_slice %arg16[%dma_wait3A_44, %dma_wait3A_45] : memref<512x32xf32, #tpu.memory_space<vmem>> -> memref<128x32xf32, #tpu.memory_space<vmem>>
      tpu.wait_dma2 semaphore(%run_scoped3A : memref<!tpu.dma_semaphore, #tpu.memory_space<semaphore_mem>>) src(%dma_wait3A_46 : memref<128x32xf32, #tpu.memory_space<vmem>>) dst(%dma_wait3A_43 : memref<128x32xf32, #tpu.memory_space<vmem_shared>>)
      tpu.yield
    }) : () -> ()
    %mul3A_13 = arith.constant 640 : i32
    %mul3A_14 = arith.muli %arg1, %mul3A_13 : i32
    %add3A_15 = arith.constant 0 : i32
    %add3A_16 = arith.addi %mul3A_14, %add3A_15 : i32
    "tpu.region"() ({
      %run_scoped3A = tpu.sem_alloc : memref<!tpu.dma_semaphore, #tpu.memory_space<semaphore_mem>>
      %dma_start3A = arith.constant 0 : i32
      %dma_start3A_29 = arith.constant 0 : i32
      %dma_start3A_30 = tpu.memref_slice %arg16[%dma_start3A, %dma_start3A_29] : memref<512x32xf32, #tpu.memory_space<vmem>> -> memref<512x32xf32, #tpu.memory_space<vmem>>
      %dma_start3A_31 = arith.constant 0 : i32
      %dma_start3A_32 = tpu.memref_slice %arg15[%add3A_16, %dma_start3A_31] : memref<10240x32xf32, #tpu.memory_space<vmem_shared>> -> memref<512x32xf32, #tpu.memory_space<vmem_shared>>
      %dma_start3A_33 = arith.constant 0 : i32
      %dma_start3A_34 = tpu.memref_slice %arg15[%add3A_16, %dma_start3A_33] : memref<10240x32xf32, #tpu.memory_space<vmem_shared>> -> memref<512x32xf32, #tpu.memory_space<vmem_shared>>
      %dma_start3A_35 = arith.constant 0 : i32
      %dma_start3A_36 = arith.constant 0 : i32
      %dma_start3A_37 = tpu.memref_slice %arg16[%dma_start3A_35, %dma_start3A_36] : memref<512x32xf32, #tpu.memory_space<vmem>> -> memref<512x32xf32, #tpu.memory_space<vmem>>
      tpu.enqueue_dma source(%dma_start3A_37 : memref<512x32xf32, #tpu.memory_space<vmem>>) target(%dma_start3A_34 : memref<512x32xf32, #tpu.memory_space<vmem_shared>>) target_semaphore(%run_scoped3A : memref<!tpu.dma_semaphore, #tpu.memory_space<semaphore_mem>>)
      %dma_wait3A = arith.constant 0 : i32
      %dma_wait3A_38 = arith.constant 0 : i32
      %dma_wait3A_39 = tpu.memref_slice %arg16[%dma_wait3A, %dma_wait3A_38] : memref<512x32xf32, #tpu.memory_space<vmem>> -> memref<512x32xf32, #tpu.memory_space<vmem>>
      %dma_wait3A_40 = arith.constant 0 : i32
      %dma_wait3A_41 = tpu.memref_slice %arg15[%add3A_16, %dma_wait3A_40] : memref<10240x32xf32, #tpu.memory_space<vmem_shared>> -> memref<512x32xf32, #tpu.memory_space<vmem_shared>>
      %dma_wait3A_42 = arith.constant 0 : i32
      %dma_wait3A_43 = tpu.memref_slice %arg15[%add3A_16, %dma_wait3A_42] : memref<10240x32xf32, #tpu.memory_space<vmem_shared>> -> memref<512x32xf32, #tpu.memory_space<vmem_shared>>
      %dma_wait3A_44 = arith.constant 0 : i32
      %dma_wait3A_45 = arith.constant 0 : i32
      %dma_wait3A_46 = tpu.memref_slice %arg16[%dma_wait3A_44, %dma_wait3A_45] : memref<512x32xf32, #tpu.memory_space<vmem>> -> memref<512x32xf32, #tpu.memory_space<vmem>>
      tpu.wait_dma2 semaphore(%run_scoped3A : memref<!tpu.dma_semaphore, #tpu.memory_space<semaphore_mem>>) src(%dma_wait3A_46 : memref<512x32xf32, #tpu.memory_space<vmem>>) dst(%dma_wait3A_43 : memref<512x32xf32, #tpu.memory_space<vmem_shared>>)
      tpu.yield
    }) : () -> ()
    %mul3A_17 = arith.constant 640 : i32
    %mul3A_18 = arith.muli %arg1, %mul3A_17 : i32
    %add3A_19 = arith.constant 512 : i32
    %add3A_20 = arith.addi %mul3A_18, %add3A_19 : i32
    "tpu.region"() ({
      %run_scoped3A = tpu.sem_alloc : memref<!tpu.dma_semaphore, #tpu.memory_space<semaphore_mem>>
      %dma_start3A = arith.constant 0 : i32
      %dma_start3A_29 = arith.constant 0 : i32
      %dma_start3A_30 = tpu.memref_slice %arg16[%dma_start3A, %dma_start3A_29] : memref<512x32xf32, #tpu.memory_space<vmem>> -> memref<128x32xf32, #tpu.memory_space<vmem>>
      %dma_start3A_31 = arith.constant 0 : i32
      %dma_start3A_32 = tpu.memref_slice %arg15[%add3A_20, %dma_start3A_31] : memref<10240x32xf32, #tpu.memory_space<vmem_shared>> -> memref<128x32xf32, #tpu.memory_space<vmem_shared>>
      %dma_start3A_33 = arith.constant 0 : i32
      %dma_start3A_34 = tpu.memref_slice %arg15[%add3A_20, %dma_start3A_33] : memref<10240x32xf32, #tpu.memory_space<vmem_shared>> -> memref<128x32xf32, #tpu.memory_space<vmem_shared>>
      %dma_start3A_35 = arith.constant 0 : i32
      %dma_start3A_36 = arith.constant 0 : i32
      %dma_start3A_37 = tpu.memref_slice %arg16[%dma_start3A_35, %dma_start3A_36] : memref<512x32xf32, #tpu.memory_space<vmem>> -> memref<128x32xf32, #tpu.memory_space<vmem>>
      tpu.enqueue_dma source(%dma_start3A_37 : memref<128x32xf32, #tpu.memory_space<vmem>>) target(%dma_start3A_34 : memref<128x32xf32, #tpu.memory_space<vmem_shared>>) target_semaphore(%run_scoped3A : memref<!tpu.dma_semaphore, #tpu.memory_space<semaphore_mem>>)
      %dma_wait3A = arith.constant 0 : i32
      %dma_wait3A_38 = arith.constant 0 : i32
      %dma_wait3A_39 = tpu.memref_slice %arg16[%dma_wait3A, %dma_wait3A_38] : memref<512x32xf32, #tpu.memory_space<vmem>> -> memref<128x32xf32, #tpu.memory_space<vmem>>
      %dma_wait3A_40 = arith.constant 0 : i32
      %dma_wait3A_41 = tpu.memref_slice %arg15[%add3A_20, %dma_wait3A_40] : memref<10240x32xf32, #tpu.memory_space<vmem_shared>> -> memref<128x32xf32, #tpu.memory_space<vmem_shared>>
      %dma_wait3A_42 = arith.constant 0 : i32
      %dma_wait3A_43 = tpu.memref_slice %arg15[%add3A_20, %dma_wait3A_42] : memref<10240x32xf32, #tpu.memory_space<vmem_shared>> -> memref<128x32xf32, #tpu.memory_space<vmem_shared>>
      %dma_wait3A_44 = arith.constant 0 : i32
      %dma_wait3A_45 = arith.constant 0 : i32
      %dma_wait3A_46 = tpu.memref_slice %arg16[%dma_wait3A_44, %dma_wait3A_45] : memref<512x32xf32, #tpu.memory_space<vmem>> -> memref<128x32xf32, #tpu.memory_space<vmem>>
      tpu.wait_dma2 semaphore(%run_scoped3A : memref<!tpu.dma_semaphore, #tpu.memory_space<semaphore_mem>>) src(%dma_wait3A_46 : memref<128x32xf32, #tpu.memory_space<vmem>>) dst(%dma_wait3A_43 : memref<128x32xf32, #tpu.memory_space<vmem_shared>>)
      tpu.yield
    }) : () -> ()
    %barrier3A = arith.constant 0 : index
    tpu.barrier barrier_id(%barrier3A)
    %eq3A = arith.constant 0 : i32
    %eq3A_21 = arith.cmpi eq, %arg0, %eq3A : i32
    %convert_element_type3A = arith.extui %eq3A_21 : i1 to i32
    %cond3A = arith.constant 0 : i32
    %cond3A_22 = arith.cmpi ne, %convert_element_type3A, %cond3A : i32
    scf.if %cond3A_22 {
      %mul3A_29 = arith.constant 38 : i32
      %mul3A_30 = arith.muli %arg1, %mul3A_29 : i32
      "tpu.region"() ({
        %run_scoped3A_100 = tpu.sem_alloc : memref<!tpu.dma_semaphore, #tpu.memory_space<semaphore_mem>>
        %dma_start3A_101 = arith.constant 0 : i32
        %dma_start3A_102 = arith.constant 0 : i32
        %dma_start3A_103 = tpu.memref_slice %arg10[%dma_start3A_101, %dma_start3A_102] : memref<38x512xi32, #tpu.memory_space<vmem>> -> memref<38x512xi32, #tpu.memory_space<vmem>>
        %dma_start3A_104 = arith.constant 0 : i32
        %dma_start3A_105 = tpu.memref_slice %arg4[%mul3A_30, %dma_start3A_104] : memref<640x512xi32, #tpu.memory_space<hbm>> -> memref<38x512xi32, #tpu.memory_space<hbm>>
        %dma_start3A_106 = arith.constant 0 : i32
        %dma_start3A_107 = arith.constant 0 : i32
        %dma_start3A_108 = tpu.memref_slice %arg10[%dma_start3A_106, %dma_start3A_107] : memref<38x512xi32, #tpu.memory_space<vmem>> -> memref<38x512xi32, #tpu.memory_space<vmem>>
        %dma_start3A_109 = arith.constant 0 : i32
        %dma_start3A_110 = tpu.memref_slice %arg4[%mul3A_30, %dma_start3A_109] : memref<640x512xi32, #tpu.memory_space<hbm>> -> memref<38x512xi32, #tpu.memory_space<hbm>>
        tpu.enqueue_dma source(%dma_start3A_110 : memref<38x512xi32, #tpu.memory_space<hbm>>) target(%dma_start3A_108 : memref<38x512xi32, #tpu.memory_space<vmem>>) target_semaphore(%run_scoped3A_100 : memref<!tpu.dma_semaphore, #tpu.memory_space<semaphore_mem>>)
        %dma_wait3A_111 = arith.constant 0 : i32
        %dma_wait3A_112 = arith.constant 0 : i32
        %dma_wait3A_113 = tpu.memref_slice %arg10[%dma_wait3A_111, %dma_wait3A_112] : memref<38x512xi32, #tpu.memory_space<vmem>> -> memref<38x512xi32, #tpu.memory_space<vmem>>
        %dma_wait3A_114 = arith.constant 0 : i32
        %dma_wait3A_115 = tpu.memref_slice %arg4[%mul3A_30, %dma_wait3A_114] : memref<640x512xi32, #tpu.memory_space<hbm>> -> memref<38x512xi32, #tpu.memory_space<hbm>>
        %dma_wait3A_116 = arith.constant 0 : i32
        %dma_wait3A_117 = arith.constant 0 : i32
        %dma_wait3A_118 = tpu.memref_slice %arg10[%dma_wait3A_116, %dma_wait3A_117] : memref<38x512xi32, #tpu.memory_space<vmem>> -> memref<38x512xi32, #tpu.memory_space<vmem>>
        %dma_wait3A_119 = arith.constant 0 : i32
        %dma_wait3A_120 = tpu.memref_slice %arg4[%mul3A_30, %dma_wait3A_119] : memref<640x512xi32, #tpu.memory_space<hbm>> -> memref<38x512xi32, #tpu.memory_space<hbm>>
        tpu.wait_dma2 semaphore(%run_scoped3A_100 : memref<!tpu.dma_semaphore, #tpu.memory_space<semaphore_mem>>) src(%dma_wait3A_120 : memref<38x512xi32, #tpu.memory_space<hbm>>) dst(%dma_wait3A_118 : memref<38x512xi32, #tpu.memory_space<vmem>>)
        tpu.yield
      }) : () -> ()
      "tpu.region"() ({
        %run_scoped3A_100 = tpu.sem_alloc : memref<!tpu.dma_semaphore, #tpu.memory_space<semaphore_mem>>
        %dma_start3A_101 = arith.constant 0 : i32
        %dma_start3A_102 = arith.constant 0 : i32
        %dma_start3A_103 = tpu.memref_slice %arg11[%dma_start3A_101, %dma_start3A_102] : memref<38x512xi32, #tpu.memory_space<vmem>> -> memref<38x512xi32, #tpu.memory_space<vmem>>
        %dma_start3A_104 = arith.constant 0 : i32
        %dma_start3A_105 = tpu.memref_slice %arg5[%mul3A_30, %dma_start3A_104] : memref<640x512xi32, #tpu.memory_space<hbm>> -> memref<38x512xi32, #tpu.memory_space<hbm>>
        %dma_start3A_106 = arith.constant 0 : i32
        %dma_start3A_107 = arith.constant 0 : i32
        %dma_start3A_108 = tpu.memref_slice %arg11[%dma_start3A_106, %dma_start3A_107] : memref<38x512xi32, #tpu.memory_space<vmem>> -> memref<38x512xi32, #tpu.memory_space<vmem>>
        %dma_start3A_109 = arith.constant 0 : i32
        %dma_start3A_110 = tpu.memref_slice %arg5[%mul3A_30, %dma_start3A_109] : memref<640x512xi32, #tpu.memory_space<hbm>> -> memref<38x512xi32, #tpu.memory_space<hbm>>
        tpu.enqueue_dma source(%dma_start3A_110 : memref<38x512xi32, #tpu.memory_space<hbm>>) target(%dma_start3A_108 : memref<38x512xi32, #tpu.memory_space<vmem>>) target_semaphore(%run_scoped3A_100 : memref<!tpu.dma_semaphore, #tpu.memory_space<semaphore_mem>>)
        %dma_wait3A_111 = arith.constant 0 : i32
        %dma_wait3A_112 = arith.constant 0 : i32
        %dma_wait3A_113 = tpu.memref_slice %arg11[%dma_wait3A_111, %dma_wait3A_112] : memref<38x512xi32, #tpu.memory_space<vmem>> -> memref<38x512xi32, #tpu.memory_space<vmem>>
        %dma_wait3A_114 = arith.constant 0 : i32
        %dma_wait3A_115 = tpu.memref_slice %arg5[%mul3A_30, %dma_wait3A_114] : memref<640x512xi32, #tpu.memory_space<hbm>> -> memref<38x512xi32, #tpu.memory_space<hbm>>
        %dma_wait3A_116 = arith.constant 0 : i32
        %dma_wait3A_117 = arith.constant 0 : i32
        %dma_wait3A_118 = tpu.memref_slice %arg11[%dma_wait3A_116, %dma_wait3A_117] : memref<38x512xi32, #tpu.memory_space<vmem>> -> memref<38x512xi32, #tpu.memory_space<vmem>>
        %dma_wait3A_119 = arith.constant 0 : i32
        %dma_wait3A_120 = tpu.memref_slice %arg5[%mul3A_30, %dma_wait3A_119] : memref<640x512xi32, #tpu.memory_space<hbm>> -> memref<38x512xi32, #tpu.memory_space<hbm>>
        tpu.wait_dma2 semaphore(%run_scoped3A_100 : memref<!tpu.dma_semaphore, #tpu.memory_space<semaphore_mem>>) src(%dma_wait3A_120 : memref<38x512xi32, #tpu.memory_space<hbm>>) dst(%dma_wait3A_118 : memref<38x512xi32, #tpu.memory_space<vmem>>)
        tpu.yield
      }) : () -> ()
      %dma_start3A = arith.constant 0 : i32
      %dma_start3A_31 = arith.constant 0 : i32
      %dma_start3A_32 = tpu.memref_slice %arg10[%dma_start3A, %dma_start3A_31] : memref<38x512xi32, #tpu.memory_space<vmem>> -> memref<1x512xi32, #tpu.memory_space<vmem>>
      %dma_start3A_33 = tpu.memref_squeeze %dma_start3A_32 : memref<1x512xi32, #tpu.memory_space<vmem>> -> memref<512xi32, #tpu.memory_space<vmem>>
      %dma_start3A_34 = arith.constant 0 : i32
      %dma_start3A_35 = arith.constant 0 : i32
      %dma_start3A_36 = tpu.memref_slice %arg2[%dma_start3A_34, %dma_start3A_35] : memref<10000x32xf32, #tpu.memory_space<hbm>> -> memref<10000x32xf32, #tpu.memory_space<hbm>>
      tpu.enqueue_indirect_dma source(%dma_start3A_36 : memref<10000x32xf32, #tpu.memory_space<hbm>>) target(%arg16 : memref<512x32xf32, #tpu.memory_space<vmem>>) offsets(%dma_start3A_33 : memref<512xi32, #tpu.memory_space<vmem>>) semaphore(%arg12 : memref<!tpu.dma_semaphore, #tpu.memory_space<semaphore_mem>>)
      %scan3A_37 = arith.constant 0 : i32
      %scan3A_38 = arith.constant 0 : i32
      %scan3A_39 = arith.constant 18 : i32
      %scan3A_40 = arith.addi %scan3A_38, %scan3A_39 : i32
      %scan3A_41 = arith.constant 1 : i32
      scf.for %scan3A_100 = %scan3A_38 to %scan3A_40 step %scan3A_41  : i32 {
        %mul3A_101 = arith.constant 2 : i32
        %mul3A_102 = arith.muli %mul3A_101, %scan3A_100 : i32
        %add3A_103 = arith.constant 1 : i32
        %add3A_104 = arith.addi %mul3A_102, %add3A_103 : i32
        %dma_start3A_105 = arith.constant 0 : i32
        %dma_start3A_106 = tpu.memref_slice %arg10[%add3A_104, %dma_start3A_105] : memref<38x512xi32, #tpu.memory_space<vmem>> -> memref<1x512xi32, #tpu.memory_space<vmem>>
        %dma_start3A_107 = tpu.memref_squeeze %dma_start3A_106 : memref<1x512xi32, #tpu.memory_space<vmem>> -> memref<512xi32, #tpu.memory_space<vmem>>
        %dma_start3A_108 = arith.constant 0 : i32
        %dma_start3A_109 = arith.constant 0 : i32
        %dma_start3A_110 = tpu.memref_slice %arg2[%dma_start3A_108, %dma_start3A_109] : memref<10000x32xf32, #tpu.memory_space<hbm>> -> memref<10000x32xf32, #tpu.memory_space<hbm>>
        tpu.enqueue_indirect_dma source(%dma_start3A_110 : memref<10000x32xf32, #tpu.memory_space<hbm>>) target(%arg17 : memref<512x32xf32, #tpu.memory_space<vmem>>) offsets(%dma_start3A_107 : memref<512xi32, #tpu.memory_space<vmem>>) semaphore(%arg13 : memref<!tpu.dma_semaphore, #tpu.memory_space<semaphore_mem>>)
        %dma_wait3A_111 = arith.constant 0 : i32
        %dma_wait3A_112 = tpu.memref_slice %arg10[%mul3A_102, %dma_wait3A_111] : memref<38x512xi32, #tpu.memory_space<vmem>> -> memref<1x512xi32, #tpu.memory_space<vmem>>
        %dma_wait3A_113 = tpu.memref_squeeze %dma_wait3A_112 : memref<1x512xi32, #tpu.memory_space<vmem>> -> memref<512xi32, #tpu.memory_space<vmem>>
        %dma_wait3A_114 = arith.constant 0 : i32
        %dma_wait3A_115 = arith.constant 0 : i32
        %dma_wait3A_116 = tpu.memref_slice %arg2[%dma_wait3A_114, %dma_wait3A_115] : memref<10000x32xf32, #tpu.memory_space<hbm>> -> memref<10000x32xf32, #tpu.memory_space<hbm>>
        tpu.wait_indirect_dma semaphore(%arg12 : memref<!tpu.dma_semaphore, #tpu.memory_space<semaphore_mem>>) src(%dma_wait3A_116 : memref<10000x32xf32, #tpu.memory_space<hbm>>) dst(%arg16 : memref<512x32xf32, #tpu.memory_space<vmem>>)
        "tpu.region"() ({
          %run_scoped3A_135 = tpu.sem_alloc : memref<!tpu.dma_semaphore, #tpu.memory_space<semaphore_mem>>
          %dma_start3A_136 = arith.constant 0 : i32
          %dma_start3A_137 = tpu.memref_slice %arg11[%mul3A_102, %dma_start3A_136] : memref<38x512xi32, #tpu.memory_space<vmem>> -> memref<1x512xi32, #tpu.memory_space<vmem>>
          %dma_start3A_138 = tpu.memref_squeeze %dma_start3A_137 : memref<1x512xi32, #tpu.memory_space<vmem>> -> memref<512xi32, #tpu.memory_space<vmem>>
          %dma_start3A_139 = arith.constant 0 : i32
          %dma_start3A_140 = arith.constant 0 : i32
          %dma_start3A_141 = tpu.memref_slice %arg14[%dma_start3A_139, %dma_start3A_140] : memref<10240x32xf32, #tpu.memory_space<vmem_shared>> -> memref<10240x32xf32, #tpu.memory_space<vmem_shared>>
          tpu.enqueue_indirect_dma source(%arg16 : memref<512x32xf32, #tpu.memory_space<vmem>>) target(%dma_start3A_141 : memref<10240x32xf32, #tpu.memory_space<vmem_shared>>) offsets(%dma_start3A_138 : memref<512xi32, #tpu.memory_space<vmem>>) semaphore(%run_scoped3A_135 : memref<!tpu.dma_semaphore, #tpu.memory_space<semaphore_mem>>) {add = true}
          %dma_wait3A_142 = arith.constant 0 : i32
          %dma_wait3A_143 = tpu.memref_slice %arg11[%mul3A_102, %dma_wait3A_142] : memref<38x512xi32, #tpu.memory_space<vmem>> -> memref<1x512xi32, #tpu.memory_space<vmem>>
          %dma_wait3A_144 = tpu.memref_squeeze %dma_wait3A_143 : memref<1x512xi32, #tpu.memory_space<vmem>> -> memref<512xi32, #tpu.memory_space<vmem>>
          %dma_wait3A_145 = arith.constant 0 : i32
          %dma_wait3A_146 = arith.constant 0 : i32
          %dma_wait3A_147 = tpu.memref_slice %arg14[%dma_wait3A_145, %dma_wait3A_146] : memref<10240x32xf32, #tpu.memory_space<vmem_shared>> -> memref<10240x32xf32, #tpu.memory_space<vmem_shared>>
          tpu.wait_indirect_dma semaphore(%run_scoped3A_135 : memref<!tpu.dma_semaphore, #tpu.memory_space<semaphore_mem>>) src(%arg16 : memref<512x32xf32, #tpu.memory_space<vmem>>) dst(%dma_wait3A_147 : memref<10240x32xf32, #tpu.memory_space<vmem_shared>>)
          tpu.yield
        }) : () -> ()
        %add3A_117 = arith.constant 2 : i32
        %add3A_118 = arith.addi %mul3A_102, %add3A_117 : i32
        %dma_start3A_119 = arith.constant 0 : i32
        %dma_start3A_120 = tpu.memref_slice %arg10[%add3A_118, %dma_start3A_119] : memref<38x512xi32, #tpu.memory_space<vmem>> -> memref<1x512xi32, #tpu.memory_space<vmem>>
        %dma_start3A_121 = tpu.memref_squeeze %dma_start3A_120 : memref<1x512xi32, #tpu.memory_space<vmem>> -> memref<512xi32, #tpu.memory_space<vmem>>
        %dma_start3A_122 = arith.constant 0 : i32
        %dma_start3A_123 = arith.constant 0 : i32
        %dma_start3A_124 = tpu.memref_slice %arg2[%dma_start3A_122, %dma_start3A_123] : memref<10000x32xf32, #tpu.memory_space<hbm>> -> memref<10000x32xf32, #tpu.memory_space<hbm>>
        tpu.enqueue_indirect_dma source(%dma_start3A_124 : memref<10000x32xf32, #tpu.memory_space<hbm>>) target(%arg16 : memref<512x32xf32, #tpu.memory_space<vmem>>) offsets(%dma_start3A_121 : memref<512xi32, #tpu.memory_space<vmem>>) semaphore(%arg12 : memref<!tpu.dma_semaphore, #tpu.memory_space<semaphore_mem>>)
        %add3A_125 = arith.constant 1 : i32
        %add3A_126 = arith.addi %mul3A_102, %add3A_125 : i32
        %dma_wait3A_127 = arith.constant 0 : i32
        %dma_wait3A_128 = tpu.memref_slice %arg10[%add3A_126, %dma_wait3A_127] : memref<38x512xi32, #tpu.memory_space<vmem>> -> memref<1x512xi32, #tpu.memory_space<vmem>>
        %dma_wait3A_129 = tpu.memref_squeeze %dma_wait3A_128 : memref<1x512xi32, #tpu.memory_space<vmem>> -> memref<512xi32, #tpu.memory_space<vmem>>
        %dma_wait3A_130 = arith.constant 0 : i32
        %dma_wait3A_131 = arith.constant 0 : i32
        %dma_wait3A_132 = tpu.memref_slice %arg2[%dma_wait3A_130, %dma_wait3A_131] : memref<10000x32xf32, #tpu.memory_space<hbm>> -> memref<10000x32xf32, #tpu.memory_space<hbm>>
        tpu.wait_indirect_dma semaphore(%arg13 : memref<!tpu.dma_semaphore, #tpu.memory_space<semaphore_mem>>) src(%dma_wait3A_132 : memref<10000x32xf32, #tpu.memory_space<hbm>>) dst(%arg17 : memref<512x32xf32, #tpu.memory_space<vmem>>)
        %add3A_133 = arith.constant 1 : i32
        %add3A_134 = arith.addi %mul3A_102, %add3A_133 : i32
        "tpu.region"() ({
          %run_scoped3A_135 = tpu.sem_alloc : memref<!tpu.dma_semaphore, #tpu.memory_space<semaphore_mem>>
          %dma_start3A_136 = arith.constant 0 : i32
          %dma_start3A_137 = tpu.memref_slice %arg11[%add3A_134, %dma_start3A_136] : memref<38x512xi32, #tpu.memory_space<vmem>> -> memref<1x512xi32, #tpu.memory_space<vmem>>
          %dma_start3A_138 = tpu.memref_squeeze %dma_start3A_137 : memref<1x512xi32, #tpu.memory_space<vmem>> -> memref<512xi32, #tpu.memory_space<vmem>>
          %dma_start3A_139 = arith.constant 0 : i32
          %dma_start3A_140 = arith.constant 0 : i32
          %dma_start3A_141 = tpu.memref_slice %arg14[%dma_start3A_139, %dma_start3A_140] : memref<10240x32xf32, #tpu.memory_space<vmem_shared>> -> memref<10240x32xf32, #tpu.memory_space<vmem_shared>>
          tpu.enqueue_indirect_dma source(%arg17 : memref<512x32xf32, #tpu.memory_space<vmem>>) target(%dma_start3A_141 : memref<10240x32xf32, #tpu.memory_space<vmem_shared>>) offsets(%dma_start3A_138 : memref<512xi32, #tpu.memory_space<vmem>>) semaphore(%run_scoped3A_135 : memref<!tpu.dma_semaphore, #tpu.memory_space<semaphore_mem>>) {add = true}
          %dma_wait3A_142 = arith.constant 0 : i32
          %dma_wait3A_143 = tpu.memref_slice %arg11[%add3A_134, %dma_wait3A_142] : memref<38x512xi32, #tpu.memory_space<vmem>> -> memref<1x512xi32, #tpu.memory_space<vmem>>
          %dma_wait3A_144 = tpu.memref_squeeze %dma_wait3A_143 : memref<1x512xi32, #tpu.memory_space<vmem>> -> memref<512xi32, #tpu.memory_space<vmem>>
          %dma_wait3A_145 = arith.constant 0 : i32
          %dma_wait3A_146 = arith.constant 0 : i32
          %dma_wait3A_147 = tpu.memref_slice %arg14[%dma_wait3A_145, %dma_wait3A_146] : memref<10240x32xf32, #tpu.memory_space<vmem_shared>> -> memref<10240x32xf32, #tpu.memory_space<vmem_shared>>
          tpu.wait_indirect_dma semaphore(%run_scoped3A_135 : memref<!tpu.dma_semaphore, #tpu.memory_space<semaphore_mem>>) src(%arg17 : memref<512x32xf32, #tpu.memory_space<vmem>>) dst(%dma_wait3A_147 : memref<10240x32xf32, #tpu.memory_space<vmem_shared>>)
          tpu.yield
        }) : () -> ()
      }
      %scan3A_42 = arith.constant 18 : i32
      %dma_start3A_43 = arith.constant 37 : i32
      %dma_start3A_44 = arith.constant 0 : i32
      %dma_start3A_45 = tpu.memref_slice %arg10[%dma_start3A_43, %dma_start3A_44] : memref<38x512xi32, #tpu.memory_space<vmem>> -> memref<1x512xi32, #tpu.memory_space<vmem>>
      %dma_start3A_46 = tpu.memref_squeeze %dma_start3A_45 : memref<1x512xi32, #tpu.memory_space<vmem>> -> memref<512xi32, #tpu.memory_space<vmem>>
      %dma_start3A_47 = arith.constant 0 : i32
      %dma_start3A_48 = arith.constant 0 : i32
      %dma_start3A_49 = tpu.memref_slice %arg2[%dma_start3A_47, %dma_start3A_48] : memref<10000x32xf32, #tpu.memory_space<hbm>> -> memref<10000x32xf32, #tpu.memory_space<hbm>>
      tpu.enqueue_indirect_dma source(%dma_start3A_49 : memref<10000x32xf32, #tpu.memory_space<hbm>>) target(%arg17 : memref<512x32xf32, #tpu.memory_space<vmem>>) offsets(%dma_start3A_46 : memref<512xi32, #tpu.memory_space<vmem>>) semaphore(%arg13 : memref<!tpu.dma_semaphore, #tpu.memory_space<semaphore_mem>>)
      %dma_wait3A = arith.constant 36 : i32
      %dma_wait3A_50 = arith.constant 0 : i32
      %dma_wait3A_51 = tpu.memref_slice %arg10[%dma_wait3A, %dma_wait3A_50] : memref<38x512xi32, #tpu.memory_space<vmem>> -> memref<1x512xi32, #tpu.memory_space<vmem>>
      %dma_wait3A_52 = tpu.memref_squeeze %dma_wait3A_51 : memref<1x512xi32, #tpu.memory_space<vmem>> -> memref<512xi32, #tpu.memory_space<vmem>>
      %dma_wait3A_53 = arith.constant 0 : i32
      %dma_wait3A_54 = arith.constant 0 : i32
      %dma_wait3A_55 = tpu.memref_slice %arg2[%dma_wait3A_53, %dma_wait3A_54] : memref<10000x32xf32, #tpu.memory_space<hbm>> -> memref<10000x32xf32, #tpu.memory_space<hbm>>
      tpu.wait_indirect_dma semaphore(%arg12 : memref<!tpu.dma_semaphore, #tpu.memory_space<semaphore_mem>>) src(%dma_wait3A_55 : memref<10000x32xf32, #tpu.memory_space<hbm>>) dst(%arg16 : memref<512x32xf32, #tpu.memory_space<vmem>>)
      %run_scoped3A = arith.constant 36 : i32
      "tpu.region"() ({
        %run_scoped3A_100 = tpu.sem_alloc : memref<!tpu.dma_semaphore, #tpu.memory_space<semaphore_mem>>
        %dma_start3A_101 = arith.constant 0 : i32
        %dma_start3A_102 = tpu.memref_slice %arg11[%run_scoped3A, %dma_start3A_101] : memref<38x512xi32, #tpu.memory_space<vmem>> -> memref<1x512xi32, #tpu.memory_space<vmem>>
        %dma_start3A_103 = tpu.memref_squeeze %dma_start3A_102 : memref<1x512xi32, #tpu.memory_space<vmem>> -> memref<512xi32, #tpu.memory_space<vmem>>
        %dma_start3A_104 = arith.constant 0 : i32
        %dma_start3A_105 = arith.constant 0 : i32
        %dma_start3A_106 = tpu.memref_slice %arg14[%dma_start3A_104, %dma_start3A_105] : memref<10240x32xf32, #tpu.memory_space<vmem_shared>> -> memref<10240x32xf32, #tpu.memory_space<vmem_shared>>
        tpu.enqueue_indirect_dma source(%arg16 : memref<512x32xf32, #tpu.memory_space<vmem>>) target(%dma_start3A_106 : memref<10240x32xf32, #tpu.memory_space<vmem_shared>>) offsets(%dma_start3A_103 : memref<512xi32, #tpu.memory_space<vmem>>) semaphore(%run_scoped3A_100 : memref<!tpu.dma_semaphore, #tpu.memory_space<semaphore_mem>>) {add = true}
        %dma_wait3A_107 = arith.constant 0 : i32
        %dma_wait3A_108 = tpu.memref_slice %arg11[%run_scoped3A, %dma_wait3A_107] : memref<38x512xi32, #tpu.memory_space<vmem>> -> memref<1x512xi32, #tpu.memory_space<vmem>>
        %dma_wait3A_109 = tpu.memref_squeeze %dma_wait3A_108 : memref<1x512xi32, #tpu.memory_space<vmem>> -> memref<512xi32, #tpu.memory_space<vmem>>
        %dma_wait3A_110 = arith.constant 0 : i32
        %dma_wait3A_111 = arith.constant 0 : i32
        %dma_wait3A_112 = tpu.memref_slice %arg14[%dma_wait3A_110, %dma_wait3A_111] : memref<10240x32xf32, #tpu.memory_space<vmem_shared>> -> memref<10240x32xf32, #tpu.memory_space<vmem_shared>>
        tpu.wait_indirect_dma semaphore(%run_scoped3A_100 : memref<!tpu.dma_semaphore, #tpu.memory_space<semaphore_mem>>) src(%arg16 : memref<512x32xf32, #tpu.memory_space<vmem>>) dst(%dma_wait3A_112 : memref<10240x32xf32, #tpu.memory_space<vmem_shared>>)
        tpu.yield
      }) : () -> ()
      %dma_wait3A_56 = arith.constant 37 : i32
      %dma_wait3A_57 = arith.constant 0 : i32
      %dma_wait3A_58 = tpu.memref_slice %arg10[%dma_wait3A_56, %dma_wait3A_57] : memref<38x512xi32, #tpu.memory_space<vmem>> -> memref<1x512xi32, #tpu.memory_space<vmem>>
      %dma_wait3A_59 = tpu.memref_squeeze %dma_wait3A_58 : memref<1x512xi32, #tpu.memory_space<vmem>> -> memref<512xi32, #tpu.memory_space<vmem>>
      %dma_wait3A_60 = arith.constant 0 : i32
      %dma_wait3A_61 = arith.constant 0 : i32
      %dma_wait3A_62 = tpu.memref_slice %arg2[%dma_wait3A_60, %dma_wait3A_61] : memref<10000x32xf32, #tpu.memory_space<hbm>> -> memref<10000x32xf32, #tpu.memory_space<hbm>>
      tpu.wait_indirect_dma semaphore(%arg13 : memref<!tpu.dma_semaphore, #tpu.memory_space<semaphore_mem>>) src(%dma_wait3A_62 : memref<10000x32xf32, #tpu.memory_space<hbm>>) dst(%arg17 : memref<512x32xf32, #tpu.memory_space<vmem>>)
      %run_scoped3A_63 = arith.constant 37 : i32
      "tpu.region"() ({
        %run_scoped3A_100 = tpu.sem_alloc : memref<!tpu.dma_semaphore, #tpu.memory_space<semaphore_mem>>
        %dma_start3A_101 = arith.constant 0 : i32
        %dma_start3A_102 = tpu.memref_slice %arg11[%run_scoped3A_63, %dma_start3A_101] : memref<38x512xi32, #tpu.memory_space<vmem>> -> memref<1x512xi32, #tpu.memory_space<vmem>>
        %dma_start3A_103 = tpu.memref_squeeze %dma_start3A_102 : memref<1x512xi32, #tpu.memory_space<vmem>> -> memref<512xi32, #tpu.memory_space<vmem>>
        %dma_start3A_104 = arith.constant 0 : i32
        %dma_start3A_105 = arith.constant 0 : i32
        %dma_start3A_106 = tpu.memref_slice %arg14[%dma_start3A_104, %dma_start3A_105] : memref<10240x32xf32, #tpu.memory_space<vmem_shared>> -> memref<10240x32xf32, #tpu.memory_space<vmem_shared>>
        tpu.enqueue_indirect_dma source(%arg17 : memref<512x32xf32, #tpu.memory_space<vmem>>) target(%dma_start3A_106 : memref<10240x32xf32, #tpu.memory_space<vmem_shared>>) offsets(%dma_start3A_103 : memref<512xi32, #tpu.memory_space<vmem>>) semaphore(%run_scoped3A_100 : memref<!tpu.dma_semaphore, #tpu.memory_space<semaphore_mem>>) {add = true}
        %dma_wait3A_107 = arith.constant 0 : i32
        %dma_wait3A_108 = tpu.memref_slice %arg11[%run_scoped3A_63, %dma_wait3A_107] : memref<38x512xi32, #tpu.memory_space<vmem>> -> memref<1x512xi32, #tpu.memory_space<vmem>>
        %dma_wait3A_109 = tpu.memref_squeeze %dma_wait3A_108 : memref<1x512xi32, #tpu.memory_space<vmem>> -> memref<512xi32, #tpu.memory_space<vmem>>
        %dma_wait3A_110 = arith.constant 0 : i32
        %dma_wait3A_111 = arith.constant 0 : i32
        %dma_wait3A_112 = tpu.memref_slice %arg14[%dma_wait3A_110, %dma_wait3A_111] : memref<10240x32xf32, #tpu.memory_space<vmem_shared>> -> memref<10240x32xf32, #tpu.memory_space<vmem_shared>>
        tpu.wait_indirect_dma semaphore(%run_scoped3A_100 : memref<!tpu.dma_semaphore, #tpu.memory_space<semaphore_mem>>) src(%arg17 : memref<512x32xf32, #tpu.memory_space<vmem>>) dst(%dma_wait3A_112 : memref<10240x32xf32, #tpu.memory_space<vmem_shared>>)
        tpu.yield
      }) : () -> ()
      "tpu.region"() ({
        %run_scoped3A_100 = tpu.sem_alloc : memref<!tpu.dma_semaphore, #tpu.memory_space<semaphore_mem>>
        %dma_start3A_101 = arith.constant 0 : i32
        %dma_start3A_102 = arith.constant 0 : i32
        %dma_start3A_103 = tpu.memref_slice %arg10[%dma_start3A_101, %dma_start3A_102] : memref<38x512xi32, #tpu.memory_space<vmem>> -> memref<38x512xi32, #tpu.memory_space<vmem>>
        %dma_start3A_104 = arith.constant 0 : i32
        %dma_start3A_105 = tpu.memref_slice %arg6[%mul3A_30, %dma_start3A_104] : memref<640x512xi32, #tpu.memory_space<hbm>> -> memref<38x512xi32, #tpu.memory_space<hbm>>
        %dma_start3A_106 = arith.constant 0 : i32
        %dma_start3A_107 = arith.constant 0 : i32
        %dma_start3A_108 = tpu.memref_slice %arg10[%dma_start3A_106, %dma_start3A_107] : memref<38x512xi32, #tpu.memory_space<vmem>> -> memref<38x512xi32, #tpu.memory_space<vmem>>
        %dma_start3A_109 = arith.constant 0 : i32
        %dma_start3A_110 = tpu.memref_slice %arg6[%mul3A_30, %dma_start3A_109] : memref<640x512xi32, #tpu.memory_space<hbm>> -> memref<38x512xi32, #tpu.memory_space<hbm>>
        tpu.enqueue_dma source(%dma_start3A_110 : memref<38x512xi32, #tpu.memory_space<hbm>>) target(%dma_start3A_108 : memref<38x512xi32, #tpu.memory_space<vmem>>) target_semaphore(%run_scoped3A_100 : memref<!tpu.dma_semaphore, #tpu.memory_space<semaphore_mem>>)
        %dma_wait3A_111 = arith.constant 0 : i32
        %dma_wait3A_112 = arith.constant 0 : i32
        %dma_wait3A_113 = tpu.memref_slice %arg10[%dma_wait3A_111, %dma_wait3A_112] : memref<38x512xi32, #tpu.memory_space<vmem>> -> memref<38x512xi32, #tpu.memory_space<vmem>>
        %dma_wait3A_114 = arith.constant 0 : i32
        %dma_wait3A_115 = tpu.memref_slice %arg6[%mul3A_30, %dma_wait3A_114] : memref<640x512xi32, #tpu.memory_space<hbm>> -> memref<38x512xi32, #tpu.memory_space<hbm>>
        %dma_wait3A_116 = arith.constant 0 : i32
        %dma_wait3A_117 = arith.constant 0 : i32
        %dma_wait3A_118 = tpu.memref_slice %arg10[%dma_wait3A_116, %dma_wait3A_117] : memref<38x512xi32, #tpu.memory_space<vmem>> -> memref<38x512xi32, #tpu.memory_space<vmem>>
        %dma_wait3A_119 = arith.constant 0 : i32
        %dma_wait3A_120 = tpu.memref_slice %arg6[%mul3A_30, %dma_wait3A_119] : memref<640x512xi32, #tpu.memory_space<hbm>> -> memref<38x512xi32, #tpu.memory_space<hbm>>
        tpu.wait_dma2 semaphore(%run_scoped3A_100 : memref<!tpu.dma_semaphore, #tpu.memory_space<semaphore_mem>>) src(%dma_wait3A_120 : memref<38x512xi32, #tpu.memory_space<hbm>>) dst(%dma_wait3A_118 : memref<38x512xi32, #tpu.memory_space<vmem>>)
        tpu.yield
      }) : () -> ()
      "tpu.region"() ({
        %run_scoped3A_100 = tpu.sem_alloc : memref<!tpu.dma_semaphore, #tpu.memory_space<semaphore_mem>>
        %dma_start3A_101 = arith.constant 0 : i32
        %dma_start3A_102 = arith.constant 0 : i32
        %dma_start3A_103 = tpu.memref_slice %arg11[%dma_start3A_101, %dma_start3A_102] : memref<38x512xi32, #tpu.memory_space<vmem>> -> memref<38x512xi32, #tpu.memory_space<vmem>>
        %dma_start3A_104 = arith.constant 0 : i32
        %dma_start3A_105 = tpu.memref_slice %arg7[%mul3A_30, %dma_start3A_104] : memref<640x512xi32, #tpu.memory_space<hbm>> -> memref<38x512xi32, #tpu.memory_space<hbm>>
        %dma_start3A_106 = arith.constant 0 : i32
        %dma_start3A_107 = arith.constant 0 : i32
        %dma_start3A_108 = tpu.memref_slice %arg11[%dma_start3A_106, %dma_start3A_107] : memref<38x512xi32, #tpu.memory_space<vmem>> -> memref<38x512xi32, #tpu.memory_space<vmem>>
        %dma_start3A_109 = arith.constant 0 : i32
        %dma_start3A_110 = tpu.memref_slice %arg7[%mul3A_30, %dma_start3A_109] : memref<640x512xi32, #tpu.memory_space<hbm>> -> memref<38x512xi32, #tpu.memory_space<hbm>>
        tpu.enqueue_dma source(%dma_start3A_110 : memref<38x512xi32, #tpu.memory_space<hbm>>) target(%dma_start3A_108 : memref<38x512xi32, #tpu.memory_space<vmem>>) target_semaphore(%run_scoped3A_100 : memref<!tpu.dma_semaphore, #tpu.memory_space<semaphore_mem>>)
        %dma_wait3A_111 = arith.constant 0 : i32
        %dma_wait3A_112 = arith.constant 0 : i32
        %dma_wait3A_113 = tpu.memref_slice %arg11[%dma_wait3A_111, %dma_wait3A_112] : memref<38x512xi32, #tpu.memory_space<vmem>> -> memref<38x512xi32, #tpu.memory_space<vmem>>
        %dma_wait3A_114 = arith.constant 0 : i32
        %dma_wait3A_115 = tpu.memref_slice %arg7[%mul3A_30, %dma_wait3A_114] : memref<640x512xi32, #tpu.memory_space<hbm>> -> memref<38x512xi32, #tpu.memory_space<hbm>>
        %dma_wait3A_116 = arith.constant 0 : i32
        %dma_wait3A_117 = arith.constant 0 : i32
        %dma_wait3A_118 = tpu.memref_slice %arg11[%dma_wait3A_116, %dma_wait3A_117] : memref<38x512xi32, #tpu.memory_space<vmem>> -> memref<38x512xi32, #tpu.memory_space<vmem>>
        %dma_wait3A_119 = arith.constant 0 : i32
        %dma_wait3A_120 = tpu.memref_slice %arg7[%mul3A_30, %dma_wait3A_119] : memref<640x512xi32, #tpu.memory_space<hbm>> -> memref<38x512xi32, #tpu.memory_space<hbm>>
        tpu.wait_dma2 semaphore(%run_scoped3A_100 : memref<!tpu.dma_semaphore, #tpu.memory_space<semaphore_mem>>) src(%dma_wait3A_120 : memref<38x512xi32, #tpu.memory_space<hbm>>) dst(%dma_wait3A_118 : memref<38x512xi32, #tpu.memory_space<vmem>>)
        tpu.yield
      }) : () -> ()
      %dma_start3A_64 = arith.constant 0 : i32
      %dma_start3A_65 = arith.constant 0 : i32
      %dma_start3A_66 = tpu.memref_slice %arg10[%dma_start3A_64, %dma_start3A_65] : memref<38x512xi32, #tpu.memory_space<vmem>> -> memref<1x512xi32, #tpu.memory_space<vmem>>
      %dma_start3A_67 = tpu.memref_squeeze %dma_start3A_66 : memref<1x512xi32, #tpu.memory_space<vmem>> -> memref<512xi32, #tpu.memory_space<vmem>>
      %dma_start3A_68 = arith.constant 0 : i32
      %dma_start3A_69 = arith.constant 0 : i32
      %dma_start3A_70 = tpu.memref_slice %arg3[%dma_start3A_68, %dma_start3A_69] : memref<10000x32xf32, #tpu.memory_space<hbm>> -> memref<10000x32xf32, #tpu.memory_space<hbm>>
      tpu.enqueue_indirect_dma source(%dma_start3A_70 : memref<10000x32xf32, #tpu.memory_space<hbm>>) target(%arg16 : memref<512x32xf32, #tpu.memory_space<vmem>>) offsets(%dma_start3A_67 : memref<512xi32, #tpu.memory_space<vmem>>) semaphore(%arg12 : memref<!tpu.dma_semaphore, #tpu.memory_space<semaphore_mem>>)
      %scan3A_71 = arith.constant 0 : i32
      %scan3A_72 = arith.constant 0 : i32
      %scan3A_73 = arith.constant 18 : i32
      %scan3A_74 = arith.addi %scan3A_72, %scan3A_73 : i32
      %scan3A_75 = arith.constant 1 : i32
      scf.for %scan3A_100 = %scan3A_72 to %scan3A_74 step %scan3A_75  : i32 {
        %mul3A_101 = arith.constant 2 : i32
        %mul3A_102 = arith.muli %mul3A_101, %scan3A_100 : i32
        %add3A_103 = arith.constant 1 : i32
        %add3A_104 = arith.addi %mul3A_102, %add3A_103 : i32
        %dma_start3A_105 = arith.constant 0 : i32
        %dma_start3A_106 = tpu.memref_slice %arg10[%add3A_104, %dma_start3A_105] : memref<38x512xi32, #tpu.memory_space<vmem>> -> memref<1x512xi32, #tpu.memory_space<vmem>>
        %dma_start3A_107 = tpu.memref_squeeze %dma_start3A_106 : memref<1x512xi32, #tpu.memory_space<vmem>> -> memref<512xi32, #tpu.memory_space<vmem>>
        %dma_start3A_108 = arith.constant 0 : i32
        %dma_start3A_109 = arith.constant 0 : i32
        %dma_start3A_110 = tpu.memref_slice %arg3[%dma_start3A_108, %dma_start3A_109] : memref<10000x32xf32, #tpu.memory_space<hbm>> -> memref<10000x32xf32, #tpu.memory_space<hbm>>
        tpu.enqueue_indirect_dma source(%dma_start3A_110 : memref<10000x32xf32, #tpu.memory_space<hbm>>) target(%arg17 : memref<512x32xf32, #tpu.memory_space<vmem>>) offsets(%dma_start3A_107 : memref<512xi32, #tpu.memory_space<vmem>>) semaphore(%arg13 : memref<!tpu.dma_semaphore, #tpu.memory_space<semaphore_mem>>)
        %dma_wait3A_111 = arith.constant 0 : i32
        %dma_wait3A_112 = tpu.memref_slice %arg10[%mul3A_102, %dma_wait3A_111] : memref<38x512xi32, #tpu.memory_space<vmem>> -> memref<1x512xi32, #tpu.memory_space<vmem>>
        %dma_wait3A_113 = tpu.memref_squeeze %dma_wait3A_112 : memref<1x512xi32, #tpu.memory_space<vmem>> -> memref<512xi32, #tpu.memory_space<vmem>>
        %dma_wait3A_114 = arith.constant 0 : i32
        %dma_wait3A_115 = arith.constant 0 : i32
        %dma_wait3A_116 = tpu.memref_slice %arg3[%dma_wait3A_114, %dma_wait3A_115] : memref<10000x32xf32, #tpu.memory_space<hbm>> -> memref<10000x32xf32, #tpu.memory_space<hbm>>
        tpu.wait_indirect_dma semaphore(%arg12 : memref<!tpu.dma_semaphore, #tpu.memory_space<semaphore_mem>>) src(%dma_wait3A_116 : memref<10000x32xf32, #tpu.memory_space<hbm>>) dst(%arg16 : memref<512x32xf32, #tpu.memory_space<vmem>>)
        "tpu.region"() ({
          %run_scoped3A_135 = tpu.sem_alloc : memref<!tpu.dma_semaphore, #tpu.memory_space<semaphore_mem>>
          %dma_start3A_136 = arith.constant 0 : i32
          %dma_start3A_137 = tpu.memref_slice %arg11[%mul3A_102, %dma_start3A_136] : memref<38x512xi32, #tpu.memory_space<vmem>> -> memref<1x512xi32, #tpu.memory_space<vmem>>
          %dma_start3A_138 = tpu.memref_squeeze %dma_start3A_137 : memref<1x512xi32, #tpu.memory_space<vmem>> -> memref<512xi32, #tpu.memory_space<vmem>>
          %dma_start3A_139 = arith.constant 0 : i32
          %dma_start3A_140 = arith.constant 0 : i32
          %dma_start3A_141 = tpu.memref_slice %arg15[%dma_start3A_139, %dma_start3A_140] : memref<10240x32xf32, #tpu.memory_space<vmem_shared>> -> memref<10240x32xf32, #tpu.memory_space<vmem_shared>>
          tpu.enqueue_indirect_dma source(%arg16 : memref<512x32xf32, #tpu.memory_space<vmem>>) target(%dma_start3A_141 : memref<10240x32xf32, #tpu.memory_space<vmem_shared>>) offsets(%dma_start3A_138 : memref<512xi32, #tpu.memory_space<vmem>>) semaphore(%run_scoped3A_135 : memref<!tpu.dma_semaphore, #tpu.memory_space<semaphore_mem>>) {add = true}
          %dma_wait3A_142 = arith.constant 0 : i32
          %dma_wait3A_143 = tpu.memref_slice %arg11[%mul3A_102, %dma_wait3A_142] : memref<38x512xi32, #tpu.memory_space<vmem>> -> memref<1x512xi32, #tpu.memory_space<vmem>>
          %dma_wait3A_144 = tpu.memref_squeeze %dma_wait3A_143 : memref<1x512xi32, #tpu.memory_space<vmem>> -> memref<512xi32, #tpu.memory_space<vmem>>
          %dma_wait3A_145 = arith.constant 0 : i32
          %dma_wait3A_146 = arith.constant 0 : i32
          %dma_wait3A_147 = tpu.memref_slice %arg15[%dma_wait3A_145, %dma_wait3A_146] : memref<10240x32xf32, #tpu.memory_space<vmem_shared>> -> memref<10240x32xf32, #tpu.memory_space<vmem_shared>>
          tpu.wait_indirect_dma semaphore(%run_scoped3A_135 : memref<!tpu.dma_semaphore, #tpu.memory_space<semaphore_mem>>) src(%arg16 : memref<512x32xf32, #tpu.memory_space<vmem>>) dst(%dma_wait3A_147 : memref<10240x32xf32, #tpu.memory_space<vmem_shared>>)
          tpu.yield
        }) : () -> ()
        %add3A_117 = arith.constant 2 : i32
        %add3A_118 = arith.addi %mul3A_102, %add3A_117 : i32
        %dma_start3A_119 = arith.constant 0 : i32
        %dma_start3A_120 = tpu.memref_slice %arg10[%add3A_118, %dma_start3A_119] : memref<38x512xi32, #tpu.memory_space<vmem>> -> memref<1x512xi32, #tpu.memory_space<vmem>>
        %dma_start3A_121 = tpu.memref_squeeze %dma_start3A_120 : memref<1x512xi32, #tpu.memory_space<vmem>> -> memref<512xi32, #tpu.memory_space<vmem>>
        %dma_start3A_122 = arith.constant 0 : i32
        %dma_start3A_123 = arith.constant 0 : i32
        %dma_start3A_124 = tpu.memref_slice %arg3[%dma_start3A_122, %dma_start3A_123] : memref<10000x32xf32, #tpu.memory_space<hbm>> -> memref<10000x32xf32, #tpu.memory_space<hbm>>
        tpu.enqueue_indirect_dma source(%dma_start3A_124 : memref<10000x32xf32, #tpu.memory_space<hbm>>) target(%arg16 : memref<512x32xf32, #tpu.memory_space<vmem>>) offsets(%dma_start3A_121 : memref<512xi32, #tpu.memory_space<vmem>>) semaphore(%arg12 : memref<!tpu.dma_semaphore, #tpu.memory_space<semaphore_mem>>)
        %add3A_125 = arith.constant 1 : i32
        %add3A_126 = arith.addi %mul3A_102, %add3A_125 : i32
        %dma_wait3A_127 = arith.constant 0 : i32
        %dma_wait3A_128 = tpu.memref_slice %arg10[%add3A_126, %dma_wait3A_127] : memref<38x512xi32, #tpu.memory_space<vmem>> -> memref<1x512xi32, #tpu.memory_space<vmem>>
        %dma_wait3A_129 = tpu.memref_squeeze %dma_wait3A_128 : memref<1x512xi32, #tpu.memory_space<vmem>> -> memref<512xi32, #tpu.memory_space<vmem>>
        %dma_wait3A_130 = arith.constant 0 : i32
        %dma_wait3A_131 = arith.constant 0 : i32
        %dma_wait3A_132 = tpu.memref_slice %arg3[%dma_wait3A_130, %dma_wait3A_131] : memref<10000x32xf32, #tpu.memory_space<hbm>> -> memref<10000x32xf32, #tpu.memory_space<hbm>>
        tpu.wait_indirect_dma semaphore(%arg13 : memref<!tpu.dma_semaphore, #tpu.memory_space<semaphore_mem>>) src(%dma_wait3A_132 : memref<10000x32xf32, #tpu.memory_space<hbm>>) dst(%arg17 : memref<512x32xf32, #tpu.memory_space<vmem>>)
        %add3A_133 = arith.constant 1 : i32
        %add3A_134 = arith.addi %mul3A_102, %add3A_133 : i32
        "tpu.region"() ({
          %run_scoped3A_135 = tpu.sem_alloc : memref<!tpu.dma_semaphore, #tpu.memory_space<semaphore_mem>>
          %dma_start3A_136 = arith.constant 0 : i32
          %dma_start3A_137 = tpu.memref_slice %arg11[%add3A_134, %dma_start3A_136] : memref<38x512xi32, #tpu.memory_space<vmem>> -> memref<1x512xi32, #tpu.memory_space<vmem>>
          %dma_start3A_138 = tpu.memref_squeeze %dma_start3A_137 : memref<1x512xi32, #tpu.memory_space<vmem>> -> memref<512xi32, #tpu.memory_space<vmem>>
          %dma_start3A_139 = arith.constant 0 : i32
          %dma_start3A_140 = arith.constant 0 : i32
          %dma_start3A_141 = tpu.memref_slice %arg15[%dma_start3A_139, %dma_start3A_140] : memref<10240x32xf32, #tpu.memory_space<vmem_shared>> -> memref<10240x32xf32, #tpu.memory_space<vmem_shared>>
          tpu.enqueue_indirect_dma source(%arg17 : memref<512x32xf32, #tpu.memory_space<vmem>>) target(%dma_start3A_141 : memref<10240x32xf32, #tpu.memory_space<vmem_shared>>) offsets(%dma_start3A_138 : memref<512xi32, #tpu.memory_space<vmem>>) semaphore(%run_scoped3A_135 : memref<!tpu.dma_semaphore, #tpu.memory_space<semaphore_mem>>) {add = true}
          %dma_wait3A_142 = arith.constant 0 : i32
          %dma_wait3A_143 = tpu.memref_slice %arg11[%add3A_134, %dma_wait3A_142] : memref<38x512xi32, #tpu.memory_space<vmem>> -> memref<1x512xi32, #tpu.memory_space<vmem>>
          %dma_wait3A_144 = tpu.memref_squeeze %dma_wait3A_143 : memref<1x512xi32, #tpu.memory_space<vmem>> -> memref<512xi32, #tpu.memory_space<vmem>>
          %dma_wait3A_145 = arith.constant 0 : i32
          %dma_wait3A_146 = arith.constant 0 : i32
          %dma_wait3A_147 = tpu.memref_slice %arg15[%dma_wait3A_145, %dma_wait3A_146] : memref<10240x32xf32, #tpu.memory_space<vmem_shared>> -> memref<10240x32xf32, #tpu.memory_space<vmem_shared>>
          tpu.wait_indirect_dma semaphore(%run_scoped3A_135 : memref<!tpu.dma_semaphore, #tpu.memory_space<semaphore_mem>>) src(%arg17 : memref<512x32xf32, #tpu.memory_space<vmem>>) dst(%dma_wait3A_147 : memref<10240x32xf32, #tpu.memory_space<vmem_shared>>)
          tpu.yield
        }) : () -> ()
      }
      %scan3A_76 = arith.constant 18 : i32
      %dma_start3A_77 = arith.constant 37 : i32
      %dma_start3A_78 = arith.constant 0 : i32
      %dma_start3A_79 = tpu.memref_slice %arg10[%dma_start3A_77, %dma_start3A_78] : memref<38x512xi32, #tpu.memory_space<vmem>> -> memref<1x512xi32, #tpu.memory_space<vmem>>
      %dma_start3A_80 = tpu.memref_squeeze %dma_start3A_79 : memref<1x512xi32, #tpu.memory_space<vmem>> -> memref<512xi32, #tpu.memory_space<vmem>>
      %dma_start3A_81 = arith.constant 0 : i32
      %dma_start3A_82 = arith.constant 0 : i32
      %dma_start3A_83 = tpu.memref_slice %arg3[%dma_start3A_81, %dma_start3A_82] : memref<10000x32xf32, #tpu.memory_space<hbm>> -> memref<10000x32xf32, #tpu.memory_space<hbm>>
      tpu.enqueue_indirect_dma source(%dma_start3A_83 : memref<10000x32xf32, #tpu.memory_space<hbm>>) target(%arg17 : memref<512x32xf32, #tpu.memory_space<vmem>>) offsets(%dma_start3A_80 : memref<512xi32, #tpu.memory_space<vmem>>) semaphore(%arg13 : memref<!tpu.dma_semaphore, #tpu.memory_space<semaphore_mem>>)
      %dma_wait3A_84 = arith.constant 36 : i32
      %dma_wait3A_85 = arith.constant 0 : i32
      %dma_wait3A_86 = tpu.memref_slice %arg10[%dma_wait3A_84, %dma_wait3A_85] : memref<38x512xi32, #tpu.memory_space<vmem>> -> memref<1x512xi32, #tpu.memory_space<vmem>>
      %dma_wait3A_87 = tpu.memref_squeeze %dma_wait3A_86 : memref<1x512xi32, #tpu.memory_space<vmem>> -> memref<512xi32, #tpu.memory_space<vmem>>
      %dma_wait3A_88 = arith.constant 0 : i32
      %dma_wait3A_89 = arith.constant 0 : i32
      %dma_wait3A_90 = tpu.memref_slice %arg3[%dma_wait3A_88, %dma_wait3A_89] : memref<10000x32xf32, #tpu.memory_space<hbm>> -> memref<10000x32xf32, #tpu.memory_space<hbm>>
      tpu.wait_indirect_dma semaphore(%arg12 : memref<!tpu.dma_semaphore, #tpu.memory_space<semaphore_mem>>) src(%dma_wait3A_90 : memref<10000x32xf32, #tpu.memory_space<hbm>>) dst(%arg16 : memref<512x32xf32, #tpu.memory_space<vmem>>)
      %run_scoped3A_91 = arith.constant 36 : i32
      "tpu.region"() ({
        %run_scoped3A_100 = tpu.sem_alloc : memref<!tpu.dma_semaphore, #tpu.memory_space<semaphore_mem>>
        %dma_start3A_101 = arith.constant 0 : i32
        %dma_start3A_102 = tpu.memref_slice %arg11[%run_scoped3A_91, %dma_start3A_101] : memref<38x512xi32, #tpu.memory_space<vmem>> -> memref<1x512xi32, #tpu.memory_space<vmem>>
        %dma_start3A_103 = tpu.memref_squeeze %dma_start3A_102 : memref<1x512xi32, #tpu.memory_space<vmem>> -> memref<512xi32, #tpu.memory_space<vmem>>
        %dma_start3A_104 = arith.constant 0 : i32
        %dma_start3A_105 = arith.constant 0 : i32
        %dma_start3A_106 = tpu.memref_slice %arg15[%dma_start3A_104, %dma_start3A_105] : memref<10240x32xf32, #tpu.memory_space<vmem_shared>> -> memref<10240x32xf32, #tpu.memory_space<vmem_shared>>
        tpu.enqueue_indirect_dma source(%arg16 : memref<512x32xf32, #tpu.memory_space<vmem>>) target(%dma_start3A_106 : memref<10240x32xf32, #tpu.memory_space<vmem_shared>>) offsets(%dma_start3A_103 : memref<512xi32, #tpu.memory_space<vmem>>) semaphore(%run_scoped3A_100 : memref<!tpu.dma_semaphore, #tpu.memory_space<semaphore_mem>>) {add = true}
        %dma_wait3A_107 = arith.constant 0 : i32
        %dma_wait3A_108 = tpu.memref_slice %arg11[%run_scoped3A_91, %dma_wait3A_107] : memref<38x512xi32, #tpu.memory_space<vmem>> -> memref<1x512xi32, #tpu.memory_space<vmem>>
        %dma_wait3A_109 = tpu.memref_squeeze %dma_wait3A_108 : memref<1x512xi32, #tpu.memory_space<vmem>> -> memref<512xi32, #tpu.memory_space<vmem>>
        %dma_wait3A_110 = arith.constant 0 : i32
        %dma_wait3A_111 = arith.constant 0 : i32
        %dma_wait3A_112 = tpu.memref_slice %arg15[%dma_wait3A_110, %dma_wait3A_111] : memref<10240x32xf32, #tpu.memory_space<vmem_shared>> -> memref<10240x32xf32, #tpu.memory_space<vmem_shared>>
        tpu.wait_indirect_dma semaphore(%run_scoped3A_100 : memref<!tpu.dma_semaphore, #tpu.memory_space<semaphore_mem>>) src(%arg16 : memref<512x32xf32, #tpu.memory_space<vmem>>) dst(%dma_wait3A_112 : memref<10240x32xf32, #tpu.memory_space<vmem_shared>>)
        tpu.yield
      }) : () -> ()
      %dma_wait3A_92 = arith.constant 37 : i32
      %dma_wait3A_93 = arith.constant 0 : i32
      %dma_wait3A_94 = tpu.memref_slice %arg10[%dma_wait3A_92, %dma_wait3A_93] : memref<38x512xi32, #tpu.memory_space<vmem>> -> memref<1x512xi32, #tpu.memory_space<vmem>>
      %dma_wait3A_95 = tpu.memref_squeeze %dma_wait3A_94 : memref<1x512xi32, #tpu.memory_space<vmem>> -> memref<512xi32, #tpu.memory_space<vmem>>
      %dma_wait3A_96 = arith.constant 0 : i32
      %dma_wait3A_97 = arith.constant 0 : i32
      %dma_wait3A_98 = tpu.memref_slice %arg3[%dma_wait3A_96, %dma_wait3A_97] : memref<10000x32xf32, #tpu.memory_space<hbm>> -> memref<10000x32xf32, #tpu.memory_space<hbm>>
      tpu.wait_indirect_dma semaphore(%arg13 : memref<!tpu.dma_semaphore, #tpu.memory_space<semaphore_mem>>) src(%dma_wait3A_98 : memref<10000x32xf32, #tpu.memory_space<hbm>>) dst(%arg17 : memref<512x32xf32, #tpu.memory_space<vmem>>)
      %run_scoped3A_99 = arith.constant 37 : i32
      "tpu.region"() ({
        %run_scoped3A_100 = tpu.sem_alloc : memref<!tpu.dma_semaphore, #tpu.memory_space<semaphore_mem>>
        %dma_start3A_101 = arith.constant 0 : i32
        %dma_start3A_102 = tpu.memref_slice %arg11[%run_scoped3A_99, %dma_start3A_101] : memref<38x512xi32, #tpu.memory_space<vmem>> -> memref<1x512xi32, #tpu.memory_space<vmem>>
        %dma_start3A_103 = tpu.memref_squeeze %dma_start3A_102 : memref<1x512xi32, #tpu.memory_space<vmem>> -> memref<512xi32, #tpu.memory_space<vmem>>
        %dma_start3A_104 = arith.constant 0 : i32
        %dma_start3A_105 = arith.constant 0 : i32
        %dma_start3A_106 = tpu.memref_slice %arg15[%dma_start3A_104, %dma_start3A_105] : memref<10240x32xf32, #tpu.memory_space<vmem_shared>> -> memref<10240x32xf32, #tpu.memory_space<vmem_shared>>
        tpu.enqueue_indirect_dma source(%arg17 : memref<512x32xf32, #tpu.memory_space<vmem>>) target(%dma_start3A_106 : memref<10240x32xf32, #tpu.memory_space<vmem_shared>>) offsets(%dma_start3A_103 : memref<512xi32, #tpu.memory_space<vmem>>) semaphore(%run_scoped3A_100 : memref<!tpu.dma_semaphore, #tpu.memory_space<semaphore_mem>>) {add = true}
        %dma_wait3A_107 = arith.constant 0 : i32
        %dma_wait3A_108 = tpu.memref_slice %arg11[%run_scoped3A_99, %dma_wait3A_107] : memref<38x512xi32, #tpu.memory_space<vmem>> -> memref<1x512xi32, #tpu.memory_space<vmem>>
        %dma_wait3A_109 = tpu.memref_squeeze %dma_wait3A_108 : memref<1x512xi32, #tpu.memory_space<vmem>> -> memref<512xi32, #tpu.memory_space<vmem>>
        %dma_wait3A_110 = arith.constant 0 : i32
        %dma_wait3A_111 = arith.constant 0 : i32
        %dma_wait3A_112 = tpu.memref_slice %arg15[%dma_wait3A_110, %dma_wait3A_111] : memref<10240x32xf32, #tpu.memory_space<vmem_shared>> -> memref<10240x32xf32, #tpu.memory_space<vmem_shared>>
        tpu.wait_indirect_dma semaphore(%run_scoped3A_100 : memref<!tpu.dma_semaphore, #tpu.memory_space<semaphore_mem>>) src(%arg17 : memref<512x32xf32, #tpu.memory_space<vmem>>) dst(%dma_wait3A_112 : memref<10240x32xf32, #tpu.memory_space<vmem_shared>>)
        tpu.yield
      }) : () -> ()
    } else {
    }
    %eq3A_23 = arith.constant 1 : i32
    %eq3A_24 = arith.cmpi eq, %arg0, %eq3A_23 : i32
    %convert_element_type3A_25 = arith.extui %eq3A_24 : i1 to i32
    %cond3A_26 = arith.constant 0 : i32
    %cond3A_27 = arith.cmpi ne, %convert_element_type3A_25, %cond3A_26 : i32
    scf.if %cond3A_27 {
      %mul3A_29 = arith.constant 2 : i32
      %mul3A_30 = arith.muli %arg1, %mul3A_29 : i32
      %add3A_31 = arith.constant 608 : i32
      %add3A_32 = arith.addi %add3A_31, %mul3A_30 : i32
      "tpu.region"() ({
        %run_scoped3A_100 = tpu.sem_alloc : memref<!tpu.dma_semaphore, #tpu.memory_space<semaphore_mem>>
        %dma_start3A_101 = arith.constant 0 : i32
        %dma_start3A_102 = arith.constant 0 : i32
        %dma_start3A_103 = tpu.memref_slice %arg10[%dma_start3A_101, %dma_start3A_102] : memref<38x512xi32, #tpu.memory_space<vmem>> -> memref<2x512xi32, #tpu.memory_space<vmem>>
        %dma_start3A_104 = arith.constant 0 : i32
        %dma_start3A_105 = tpu.memref_slice %arg4[%add3A_32, %dma_start3A_104] : memref<640x512xi32, #tpu.memory_space<hbm>> -> memref<2x512xi32, #tpu.memory_space<hbm>>
        %dma_start3A_106 = arith.constant 0 : i32
        %dma_start3A_107 = arith.constant 0 : i32
        %dma_start3A_108 = tpu.memref_slice %arg10[%dma_start3A_106, %dma_start3A_107] : memref<38x512xi32, #tpu.memory_space<vmem>> -> memref<2x512xi32, #tpu.memory_space<vmem>>
        %dma_start3A_109 = arith.constant 0 : i32
        %dma_start3A_110 = tpu.memref_slice %arg4[%add3A_32, %dma_start3A_109] : memref<640x512xi32, #tpu.memory_space<hbm>> -> memref<2x512xi32, #tpu.memory_space<hbm>>
        tpu.enqueue_dma source(%dma_start3A_110 : memref<2x512xi32, #tpu.memory_space<hbm>>) target(%dma_start3A_108 : memref<2x512xi32, #tpu.memory_space<vmem>>) target_semaphore(%run_scoped3A_100 : memref<!tpu.dma_semaphore, #tpu.memory_space<semaphore_mem>>)
        %dma_wait3A_111 = arith.constant 0 : i32
        %dma_wait3A_112 = arith.constant 0 : i32
        %dma_wait3A_113 = tpu.memref_slice %arg10[%dma_wait3A_111, %dma_wait3A_112] : memref<38x512xi32, #tpu.memory_space<vmem>> -> memref<2x512xi32, #tpu.memory_space<vmem>>
        %dma_wait3A_114 = arith.constant 0 : i32
        %dma_wait3A_115 = tpu.memref_slice %arg4[%add3A_32, %dma_wait3A_114] : memref<640x512xi32, #tpu.memory_space<hbm>> -> memref<2x512xi32, #tpu.memory_space<hbm>>
        %dma_wait3A_116 = arith.constant 0 : i32
        %dma_wait3A_117 = arith.constant 0 : i32
        %dma_wait3A_118 = tpu.memref_slice %arg10[%dma_wait3A_116, %dma_wait3A_117] : memref<38x512xi32, #tpu.memory_space<vmem>> -> memref<2x512xi32, #tpu.memory_space<vmem>>
        %dma_wait3A_119 = arith.constant 0 : i32
        %dma_wait3A_120 = tpu.memref_slice %arg4[%add3A_32, %dma_wait3A_119] : memref<640x512xi32, #tpu.memory_space<hbm>> -> memref<2x512xi32, #tpu.memory_space<hbm>>
        tpu.wait_dma2 semaphore(%run_scoped3A_100 : memref<!tpu.dma_semaphore, #tpu.memory_space<semaphore_mem>>) src(%dma_wait3A_120 : memref<2x512xi32, #tpu.memory_space<hbm>>) dst(%dma_wait3A_118 : memref<2x512xi32, #tpu.memory_space<vmem>>)
        tpu.yield
      }) : () -> ()
      "tpu.region"() ({
        %run_scoped3A_100 = tpu.sem_alloc : memref<!tpu.dma_semaphore, #tpu.memory_space<semaphore_mem>>
        %dma_start3A_101 = arith.constant 0 : i32
        %dma_start3A_102 = arith.constant 0 : i32
        %dma_start3A_103 = tpu.memref_slice %arg11[%dma_start3A_101, %dma_start3A_102] : memref<38x512xi32, #tpu.memory_space<vmem>> -> memref<2x512xi32, #tpu.memory_space<vmem>>
        %dma_start3A_104 = arith.constant 0 : i32
        %dma_start3A_105 = tpu.memref_slice %arg5[%add3A_32, %dma_start3A_104] : memref<640x512xi32, #tpu.memory_space<hbm>> -> memref<2x512xi32, #tpu.memory_space<hbm>>
        %dma_start3A_106 = arith.constant 0 : i32
        %dma_start3A_107 = arith.constant 0 : i32
        %dma_start3A_108 = tpu.memref_slice %arg11[%dma_start3A_106, %dma_start3A_107] : memref<38x512xi32, #tpu.memory_space<vmem>> -> memref<2x512xi32, #tpu.memory_space<vmem>>
        %dma_start3A_109 = arith.constant 0 : i32
        %dma_start3A_110 = tpu.memref_slice %arg5[%add3A_32, %dma_start3A_109] : memref<640x512xi32, #tpu.memory_space<hbm>> -> memref<2x512xi32, #tpu.memory_space<hbm>>
        tpu.enqueue_dma source(%dma_start3A_110 : memref<2x512xi32, #tpu.memory_space<hbm>>) target(%dma_start3A_108 : memref<2x512xi32, #tpu.memory_space<vmem>>) target_semaphore(%run_scoped3A_100 : memref<!tpu.dma_semaphore, #tpu.memory_space<semaphore_mem>>)
        %dma_wait3A_111 = arith.constant 0 : i32
        %dma_wait3A_112 = arith.constant 0 : i32
        %dma_wait3A_113 = tpu.memref_slice %arg11[%dma_wait3A_111, %dma_wait3A_112] : memref<38x512xi32, #tpu.memory_space<vmem>> -> memref<2x512xi32, #tpu.memory_space<vmem>>
        %dma_wait3A_114 = arith.constant 0 : i32
        %dma_wait3A_115 = tpu.memref_slice %arg5[%add3A_32, %dma_wait3A_114] : memref<640x512xi32, #tpu.memory_space<hbm>> -> memref<2x512xi32, #tpu.memory_space<hbm>>
        %dma_wait3A_116 = arith.constant 0 : i32
        %dma_wait3A_117 = arith.constant 0 : i32
        %dma_wait3A_118 = tpu.memref_slice %arg11[%dma_wait3A_116, %dma_wait3A_117] : memref<38x512xi32, #tpu.memory_space<vmem>> -> memref<2x512xi32, #tpu.memory_space<vmem>>
        %dma_wait3A_119 = arith.constant 0 : i32
        %dma_wait3A_120 = tpu.memref_slice %arg5[%add3A_32, %dma_wait3A_119] : memref<640x512xi32, #tpu.memory_space<hbm>> -> memref<2x512xi32, #tpu.memory_space<hbm>>
        tpu.wait_dma2 semaphore(%run_scoped3A_100 : memref<!tpu.dma_semaphore, #tpu.memory_space<semaphore_mem>>) src(%dma_wait3A_120 : memref<2x512xi32, #tpu.memory_space<hbm>>) dst(%dma_wait3A_118 : memref<2x512xi32, #tpu.memory_space<vmem>>)
        tpu.yield
      }) : () -> ()
      %dma_start3A = arith.constant 0 : i32
      %dma_start3A_33 = arith.constant 0 : i32
      %dma_start3A_34 = tpu.memref_slice %arg10[%dma_start3A, %dma_start3A_33] : memref<38x512xi32, #tpu.memory_space<vmem>> -> memref<1x512xi32, #tpu.memory_space<vmem>>
      %dma_start3A_35 = tpu.memref_squeeze %dma_start3A_34 : memref<1x512xi32, #tpu.memory_space<vmem>> -> memref<512xi32, #tpu.memory_space<vmem>>
      %dma_start3A_36 = arith.constant 0 : i32
      %dma_start3A_37 = arith.constant 0 : i32
      %dma_start3A_38 = tpu.memref_slice %arg2[%dma_start3A_36, %dma_start3A_37] : memref<10000x32xf32, #tpu.memory_space<hbm>> -> memref<10000x32xf32, #tpu.memory_space<hbm>>
      tpu.enqueue_indirect_dma source(%dma_start3A_38 : memref<10000x32xf32, #tpu.memory_space<hbm>>) target(%arg16 : memref<512x32xf32, #tpu.memory_space<vmem>>) offsets(%dma_start3A_35 : memref<512xi32, #tpu.memory_space<vmem>>) semaphore(%arg12 : memref<!tpu.dma_semaphore, #tpu.memory_space<semaphore_mem>>)
      %scan3A_39 = arith.constant 0 : i32
      %scan3A_40 = arith.constant 0 : i32
      %scan3A_41 = arith.constant 0 : i32
      %scan3A_42 = arith.addi %scan3A_40, %scan3A_41 : i32
      %scan3A_43 = arith.constant 0 : i32
      %dma_start3A_44 = arith.constant 1 : i32
      %dma_start3A_45 = arith.constant 0 : i32
      %dma_start3A_46 = tpu.memref_slice %arg10[%dma_start3A_44, %dma_start3A_45] : memref<38x512xi32, #tpu.memory_space<vmem>> -> memref<1x512xi32, #tpu.memory_space<vmem>>
      %dma_start3A_47 = tpu.memref_squeeze %dma_start3A_46 : memref<1x512xi32, #tpu.memory_space<vmem>> -> memref<512xi32, #tpu.memory_space<vmem>>
      %dma_start3A_48 = arith.constant 0 : i32
      %dma_start3A_49 = arith.constant 0 : i32
      %dma_start3A_50 = tpu.memref_slice %arg2[%dma_start3A_48, %dma_start3A_49] : memref<10000x32xf32, #tpu.memory_space<hbm>> -> memref<10000x32xf32, #tpu.memory_space<hbm>>
      tpu.enqueue_indirect_dma source(%dma_start3A_50 : memref<10000x32xf32, #tpu.memory_space<hbm>>) target(%arg17 : memref<512x32xf32, #tpu.memory_space<vmem>>) offsets(%dma_start3A_47 : memref<512xi32, #tpu.memory_space<vmem>>) semaphore(%arg13 : memref<!tpu.dma_semaphore, #tpu.memory_space<semaphore_mem>>)
      %dma_wait3A = arith.constant 0 : i32
      %dma_wait3A_51 = arith.constant 0 : i32
      %dma_wait3A_52 = tpu.memref_slice %arg10[%dma_wait3A, %dma_wait3A_51] : memref<38x512xi32, #tpu.memory_space<vmem>> -> memref<1x512xi32, #tpu.memory_space<vmem>>
      %dma_wait3A_53 = tpu.memref_squeeze %dma_wait3A_52 : memref<1x512xi32, #tpu.memory_space<vmem>> -> memref<512xi32, #tpu.memory_space<vmem>>
      %dma_wait3A_54 = arith.constant 0 : i32
      %dma_wait3A_55 = arith.constant 0 : i32
      %dma_wait3A_56 = tpu.memref_slice %arg2[%dma_wait3A_54, %dma_wait3A_55] : memref<10000x32xf32, #tpu.memory_space<hbm>> -> memref<10000x32xf32, #tpu.memory_space<hbm>>
      tpu.wait_indirect_dma semaphore(%arg12 : memref<!tpu.dma_semaphore, #tpu.memory_space<semaphore_mem>>) src(%dma_wait3A_56 : memref<10000x32xf32, #tpu.memory_space<hbm>>) dst(%arg16 : memref<512x32xf32, #tpu.memory_space<vmem>>)
      %run_scoped3A = arith.constant 0 : i32
      "tpu.region"() ({
        %run_scoped3A_100 = tpu.sem_alloc : memref<!tpu.dma_semaphore, #tpu.memory_space<semaphore_mem>>
        %dma_start3A_101 = arith.constant 0 : i32
        %dma_start3A_102 = tpu.memref_slice %arg11[%run_scoped3A, %dma_start3A_101] : memref<38x512xi32, #tpu.memory_space<vmem>> -> memref<1x512xi32, #tpu.memory_space<vmem>>
        %dma_start3A_103 = tpu.memref_squeeze %dma_start3A_102 : memref<1x512xi32, #tpu.memory_space<vmem>> -> memref<512xi32, #tpu.memory_space<vmem>>
        %dma_start3A_104 = arith.constant 0 : i32
        %dma_start3A_105 = arith.constant 0 : i32
        %dma_start3A_106 = tpu.memref_slice %arg14[%dma_start3A_104, %dma_start3A_105] : memref<10240x32xf32, #tpu.memory_space<vmem_shared>> -> memref<10240x32xf32, #tpu.memory_space<vmem_shared>>
        tpu.enqueue_indirect_dma source(%arg16 : memref<512x32xf32, #tpu.memory_space<vmem>>) target(%dma_start3A_106 : memref<10240x32xf32, #tpu.memory_space<vmem_shared>>) offsets(%dma_start3A_103 : memref<512xi32, #tpu.memory_space<vmem>>) semaphore(%run_scoped3A_100 : memref<!tpu.dma_semaphore, #tpu.memory_space<semaphore_mem>>) {add = true}
        %dma_wait3A_107 = arith.constant 0 : i32
        %dma_wait3A_108 = tpu.memref_slice %arg11[%run_scoped3A, %dma_wait3A_107] : memref<38x512xi32, #tpu.memory_space<vmem>> -> memref<1x512xi32, #tpu.memory_space<vmem>>
        %dma_wait3A_109 = tpu.memref_squeeze %dma_wait3A_108 : memref<1x512xi32, #tpu.memory_space<vmem>> -> memref<512xi32, #tpu.memory_space<vmem>>
        %dma_wait3A_110 = arith.constant 0 : i32
        %dma_wait3A_111 = arith.constant 0 : i32
        %dma_wait3A_112 = tpu.memref_slice %arg14[%dma_wait3A_110, %dma_wait3A_111] : memref<10240x32xf32, #tpu.memory_space<vmem_shared>> -> memref<10240x32xf32, #tpu.memory_space<vmem_shared>>
        tpu.wait_indirect_dma semaphore(%run_scoped3A_100 : memref<!tpu.dma_semaphore, #tpu.memory_space<semaphore_mem>>) src(%arg16 : memref<512x32xf32, #tpu.memory_space<vmem>>) dst(%dma_wait3A_112 : memref<10240x32xf32, #tpu.memory_space<vmem_shared>>)
        tpu.yield
      }) : () -> ()
      %dma_wait3A_57 = arith.constant 1 : i32
      %dma_wait3A_58 = arith.constant 0 : i32
      %dma_wait3A_59 = tpu.memref_slice %arg10[%dma_wait3A_57, %dma_wait3A_58] : memref<38x512xi32, #tpu.memory_space<vmem>> -> memref<1x512xi32, #tpu.memory_space<vmem>>
      %dma_wait3A_60 = tpu.memref_squeeze %dma_wait3A_59 : memref<1x512xi32, #tpu.memory_space<vmem>> -> memref<512xi32, #tpu.memory_space<vmem>>
      %dma_wait3A_61 = arith.constant 0 : i32
      %dma_wait3A_62 = arith.constant 0 : i32
      %dma_wait3A_63 = tpu.memref_slice %arg2[%dma_wait3A_61, %dma_wait3A_62] : memref<10000x32xf32, #tpu.memory_space<hbm>> -> memref<10000x32xf32, #tpu.memory_space<hbm>>
      tpu.wait_indirect_dma semaphore(%arg13 : memref<!tpu.dma_semaphore, #tpu.memory_space<semaphore_mem>>) src(%dma_wait3A_63 : memref<10000x32xf32, #tpu.memory_space<hbm>>) dst(%arg17 : memref<512x32xf32, #tpu.memory_space<vmem>>)
      %run_scoped3A_64 = arith.constant 1 : i32
      "tpu.region"() ({
        %run_scoped3A_100 = tpu.sem_alloc : memref<!tpu.dma_semaphore, #tpu.memory_space<semaphore_mem>>
        %dma_start3A_101 = arith.constant 0 : i32
        %dma_start3A_102 = tpu.memref_slice %arg11[%run_scoped3A_64, %dma_start3A_101] : memref<38x512xi32, #tpu.memory_space<vmem>> -> memref<1x512xi32, #tpu.memory_space<vmem>>
        %dma_start3A_103 = tpu.memref_squeeze %dma_start3A_102 : memref<1x512xi32, #tpu.memory_space<vmem>> -> memref<512xi32, #tpu.memory_space<vmem>>
        %dma_start3A_104 = arith.constant 0 : i32
        %dma_start3A_105 = arith.constant 0 : i32
        %dma_start3A_106 = tpu.memref_slice %arg14[%dma_start3A_104, %dma_start3A_105] : memref<10240x32xf32, #tpu.memory_space<vmem_shared>> -> memref<10240x32xf32, #tpu.memory_space<vmem_shared>>
        tpu.enqueue_indirect_dma source(%arg17 : memref<512x32xf32, #tpu.memory_space<vmem>>) target(%dma_start3A_106 : memref<10240x32xf32, #tpu.memory_space<vmem_shared>>) offsets(%dma_start3A_103 : memref<512xi32, #tpu.memory_space<vmem>>) semaphore(%run_scoped3A_100 : memref<!tpu.dma_semaphore, #tpu.memory_space<semaphore_mem>>) {add = true}
        %dma_wait3A_107 = arith.constant 0 : i32
        %dma_wait3A_108 = tpu.memref_slice %arg11[%run_scoped3A_64, %dma_wait3A_107] : memref<38x512xi32, #tpu.memory_space<vmem>> -> memref<1x512xi32, #tpu.memory_space<vmem>>
        %dma_wait3A_109 = tpu.memref_squeeze %dma_wait3A_108 : memref<1x512xi32, #tpu.memory_space<vmem>> -> memref<512xi32, #tpu.memory_space<vmem>>
        %dma_wait3A_110 = arith.constant 0 : i32
        %dma_wait3A_111 = arith.constant 0 : i32
        %dma_wait3A_112 = tpu.memref_slice %arg14[%dma_wait3A_110, %dma_wait3A_111] : memref<10240x32xf32, #tpu.memory_space<vmem_shared>> -> memref<10240x32xf32, #tpu.memory_space<vmem_shared>>
        tpu.wait_indirect_dma semaphore(%run_scoped3A_100 : memref<!tpu.dma_semaphore, #tpu.memory_space<semaphore_mem>>) src(%arg17 : memref<512x32xf32, #tpu.memory_space<vmem>>) dst(%dma_wait3A_112 : memref<10240x32xf32, #tpu.memory_space<vmem_shared>>)
        tpu.yield
      }) : () -> ()
      "tpu.region"() ({
        %run_scoped3A_100 = tpu.sem_alloc : memref<!tpu.dma_semaphore, #tpu.memory_space<semaphore_mem>>
        %dma_start3A_101 = arith.constant 0 : i32
        %dma_start3A_102 = arith.constant 0 : i32
        %dma_start3A_103 = tpu.memref_slice %arg10[%dma_start3A_101, %dma_start3A_102] : memref<38x512xi32, #tpu.memory_space<vmem>> -> memref<2x512xi32, #tpu.memory_space<vmem>>
        %dma_start3A_104 = arith.constant 0 : i32
        %dma_start3A_105 = tpu.memref_slice %arg6[%add3A_32, %dma_start3A_104] : memref<640x512xi32, #tpu.memory_space<hbm>> -> memref<2x512xi32, #tpu.memory_space<hbm>>
        %dma_start3A_106 = arith.constant 0 : i32
        %dma_start3A_107 = arith.constant 0 : i32
        %dma_start3A_108 = tpu.memref_slice %arg10[%dma_start3A_106, %dma_start3A_107] : memref<38x512xi32, #tpu.memory_space<vmem>> -> memref<2x512xi32, #tpu.memory_space<vmem>>
        %dma_start3A_109 = arith.constant 0 : i32
        %dma_start3A_110 = tpu.memref_slice %arg6[%add3A_32, %dma_start3A_109] : memref<640x512xi32, #tpu.memory_space<hbm>> -> memref<2x512xi32, #tpu.memory_space<hbm>>
        tpu.enqueue_dma source(%dma_start3A_110 : memref<2x512xi32, #tpu.memory_space<hbm>>) target(%dma_start3A_108 : memref<2x512xi32, #tpu.memory_space<vmem>>) target_semaphore(%run_scoped3A_100 : memref<!tpu.dma_semaphore, #tpu.memory_space<semaphore_mem>>)
        %dma_wait3A_111 = arith.constant 0 : i32
        %dma_wait3A_112 = arith.constant 0 : i32
        %dma_wait3A_113 = tpu.memref_slice %arg10[%dma_wait3A_111, %dma_wait3A_112] : memref<38x512xi32, #tpu.memory_space<vmem>> -> memref<2x512xi32, #tpu.memory_space<vmem>>
        %dma_wait3A_114 = arith.constant 0 : i32
        %dma_wait3A_115 = tpu.memref_slice %arg6[%add3A_32, %dma_wait3A_114] : memref<640x512xi32, #tpu.memory_space<hbm>> -> memref<2x512xi32, #tpu.memory_space<hbm>>
        %dma_wait3A_116 = arith.constant 0 : i32
        %dma_wait3A_117 = arith.constant 0 : i32
        %dma_wait3A_118 = tpu.memref_slice %arg10[%dma_wait3A_116, %dma_wait3A_117] : memref<38x512xi32, #tpu.memory_space<vmem>> -> memref<2x512xi32, #tpu.memory_space<vmem>>
        %dma_wait3A_119 = arith.constant 0 : i32
        %dma_wait3A_120 = tpu.memref_slice %arg6[%add3A_32, %dma_wait3A_119] : memref<640x512xi32, #tpu.memory_space<hbm>> -> memref<2x512xi32, #tpu.memory_space<hbm>>
        tpu.wait_dma2 semaphore(%run_scoped3A_100 : memref<!tpu.dma_semaphore, #tpu.memory_space<semaphore_mem>>) src(%dma_wait3A_120 : memref<2x512xi32, #tpu.memory_space<hbm>>) dst(%dma_wait3A_118 : memref<2x512xi32, #tpu.memory_space<vmem>>)
        tpu.yield
      }) : () -> ()
      "tpu.region"() ({
        %run_scoped3A_100 = tpu.sem_alloc : memref<!tpu.dma_semaphore, #tpu.memory_space<semaphore_mem>>
        %dma_start3A_101 = arith.constant 0 : i32
        %dma_start3A_102 = arith.constant 0 : i32
        %dma_start3A_103 = tpu.memref_slice %arg11[%dma_start3A_101, %dma_start3A_102] : memref<38x512xi32, #tpu.memory_space<vmem>> -> memref<2x512xi32, #tpu.memory_space<vmem>>
        %dma_start3A_104 = arith.constant 0 : i32
        %dma_start3A_105 = tpu.memref_slice %arg7[%add3A_32, %dma_start3A_104] : memref<640x512xi32, #tpu.memory_space<hbm>> -> memref<2x512xi32, #tpu.memory_space<hbm>>
        %dma_start3A_106 = arith.constant 0 : i32
        %dma_start3A_107 = arith.constant 0 : i32
        %dma_start3A_108 = tpu.memref_slice %arg11[%dma_start3A_106, %dma_start3A_107] : memref<38x512xi32, #tpu.memory_space<vmem>> -> memref<2x512xi32, #tpu.memory_space<vmem>>
        %dma_start3A_109 = arith.constant 0 : i32
        %dma_start3A_110 = tpu.memref_slice %arg7[%add3A_32, %dma_start3A_109] : memref<640x512xi32, #tpu.memory_space<hbm>> -> memref<2x512xi32, #tpu.memory_space<hbm>>
        tpu.enqueue_dma source(%dma_start3A_110 : memref<2x512xi32, #tpu.memory_space<hbm>>) target(%dma_start3A_108 : memref<2x512xi32, #tpu.memory_space<vmem>>) target_semaphore(%run_scoped3A_100 : memref<!tpu.dma_semaphore, #tpu.memory_space<semaphore_mem>>)
        %dma_wait3A_111 = arith.constant 0 : i32
        %dma_wait3A_112 = arith.constant 0 : i32
        %dma_wait3A_113 = tpu.memref_slice %arg11[%dma_wait3A_111, %dma_wait3A_112] : memref<38x512xi32, #tpu.memory_space<vmem>> -> memref<2x512xi32, #tpu.memory_space<vmem>>
        %dma_wait3A_114 = arith.constant 0 : i32
        %dma_wait3A_115 = tpu.memref_slice %arg7[%add3A_32, %dma_wait3A_114] : memref<640x512xi32, #tpu.memory_space<hbm>> -> memref<2x512xi32, #tpu.memory_space<hbm>>
        %dma_wait3A_116 = arith.constant 0 : i32
        %dma_wait3A_117 = arith.constant 0 : i32
        %dma_wait3A_118 = tpu.memref_slice %arg11[%dma_wait3A_116, %dma_wait3A_117] : memref<38x512xi32, #tpu.memory_space<vmem>> -> memref<2x512xi32, #tpu.memory_space<vmem>>
        %dma_wait3A_119 = arith.constant 0 : i32
        %dma_wait3A_120 = tpu.memref_slice %arg7[%add3A_32, %dma_wait3A_119] : memref<640x512xi32, #tpu.memory_space<hbm>> -> memref<2x512xi32, #tpu.memory_space<hbm>>
        tpu.wait_dma2 semaphore(%run_scoped3A_100 : memref<!tpu.dma_semaphore, #tpu.memory_space<semaphore_mem>>) src(%dma_wait3A_120 : memref<2x512xi32, #tpu.memory_space<hbm>>) dst(%dma_wait3A_118 : memref<2x512xi32, #tpu.memory_space<vmem>>)
        tpu.yield
      }) : () -> ()
      %dma_start3A_65 = arith.constant 0 : i32
      %dma_start3A_66 = arith.constant 0 : i32
      %dma_start3A_67 = tpu.memref_slice %arg10[%dma_start3A_65, %dma_start3A_66] : memref<38x512xi32, #tpu.memory_space<vmem>> -> memref<1x512xi32, #tpu.memory_space<vmem>>
      %dma_start3A_68 = tpu.memref_squeeze %dma_start3A_67 : memref<1x512xi32, #tpu.memory_space<vmem>> -> memref<512xi32, #tpu.memory_space<vmem>>
      %dma_start3A_69 = arith.constant 0 : i32
      %dma_start3A_70 = arith.constant 0 : i32
      %dma_start3A_71 = tpu.memref_slice %arg3[%dma_start3A_69, %dma_start3A_70] : memref<10000x32xf32, #tpu.memory_space<hbm>> -> memref<10000x32xf32, #tpu.memory_space<hbm>>
      tpu.enqueue_indirect_dma source(%dma_start3A_71 : memref<10000x32xf32, #tpu.memory_space<hbm>>) target(%arg16 : memref<512x32xf32, #tpu.memory_space<vmem>>) offsets(%dma_start3A_68 : memref<512xi32, #tpu.memory_space<vmem>>) semaphore(%arg12 : memref<!tpu.dma_semaphore, #tpu.memory_space<semaphore_mem>>)
      %scan3A_72 = arith.constant 0 : i32
      %scan3A_73 = arith.constant 0 : i32
      %scan3A_74 = arith.constant 0 : i32
      %scan3A_75 = arith.addi %scan3A_73, %scan3A_74 : i32
      %scan3A_76 = arith.constant 0 : i32
      %dma_start3A_77 = arith.constant 1 : i32
      %dma_start3A_78 = arith.constant 0 : i32
      %dma_start3A_79 = tpu.memref_slice %arg10[%dma_start3A_77, %dma_start3A_78] : memref<38x512xi32, #tpu.memory_space<vmem>> -> memref<1x512xi32, #tpu.memory_space<vmem>>
      %dma_start3A_80 = tpu.memref_squeeze %dma_start3A_79 : memref<1x512xi32, #tpu.memory_space<vmem>> -> memref<512xi32, #tpu.memory_space<vmem>>
      %dma_start3A_81 = arith.constant 0 : i32
      %dma_start3A_82 = arith.constant 0 : i32
      %dma_start3A_83 = tpu.memref_slice %arg3[%dma_start3A_81, %dma_start3A_82] : memref<10000x32xf32, #tpu.memory_space<hbm>> -> memref<10000x32xf32, #tpu.memory_space<hbm>>
      tpu.enqueue_indirect_dma source(%dma_start3A_83 : memref<10000x32xf32, #tpu.memory_space<hbm>>) target(%arg17 : memref<512x32xf32, #tpu.memory_space<vmem>>) offsets(%dma_start3A_80 : memref<512xi32, #tpu.memory_space<vmem>>) semaphore(%arg13 : memref<!tpu.dma_semaphore, #tpu.memory_space<semaphore_mem>>)
      %dma_wait3A_84 = arith.constant 0 : i32
      %dma_wait3A_85 = arith.constant 0 : i32
      %dma_wait3A_86 = tpu.memref_slice %arg10[%dma_wait3A_84, %dma_wait3A_85] : memref<38x512xi32, #tpu.memory_space<vmem>> -> memref<1x512xi32, #tpu.memory_space<vmem>>
      %dma_wait3A_87 = tpu.memref_squeeze %dma_wait3A_86 : memref<1x512xi32, #tpu.memory_space<vmem>> -> memref<512xi32, #tpu.memory_space<vmem>>
      %dma_wait3A_88 = arith.constant 0 : i32
      %dma_wait3A_89 = arith.constant 0 : i32
      %dma_wait3A_90 = tpu.memref_slice %arg3[%dma_wait3A_88, %dma_wait3A_89] : memref<10000x32xf32, #tpu.memory_space<hbm>> -> memref<10000x32xf32, #tpu.memory_space<hbm>>
      tpu.wait_indirect_dma semaphore(%arg12 : memref<!tpu.dma_semaphore, #tpu.memory_space<semaphore_mem>>) src(%dma_wait3A_90 : memref<10000x32xf32, #tpu.memory_space<hbm>>) dst(%arg16 : memref<512x32xf32, #tpu.memory_space<vmem>>)
      %run_scoped3A_91 = arith.constant 0 : i32
      "tpu.region"() ({
        %run_scoped3A_100 = tpu.sem_alloc : memref<!tpu.dma_semaphore, #tpu.memory_space<semaphore_mem>>
        %dma_start3A_101 = arith.constant 0 : i32
        %dma_start3A_102 = tpu.memref_slice %arg11[%run_scoped3A_91, %dma_start3A_101] : memref<38x512xi32, #tpu.memory_space<vmem>> -> memref<1x512xi32, #tpu.memory_space<vmem>>
        %dma_start3A_103 = tpu.memref_squeeze %dma_start3A_102 : memref<1x512xi32, #tpu.memory_space<vmem>> -> memref<512xi32, #tpu.memory_space<vmem>>
        %dma_start3A_104 = arith.constant 0 : i32
        %dma_start3A_105 = arith.constant 0 : i32
        %dma_start3A_106 = tpu.memref_slice %arg15[%dma_start3A_104, %dma_start3A_105] : memref<10240x32xf32, #tpu.memory_space<vmem_shared>> -> memref<10240x32xf32, #tpu.memory_space<vmem_shared>>
        tpu.enqueue_indirect_dma source(%arg16 : memref<512x32xf32, #tpu.memory_space<vmem>>) target(%dma_start3A_106 : memref<10240x32xf32, #tpu.memory_space<vmem_shared>>) offsets(%dma_start3A_103 : memref<512xi32, #tpu.memory_space<vmem>>) semaphore(%run_scoped3A_100 : memref<!tpu.dma_semaphore, #tpu.memory_space<semaphore_mem>>) {add = true}
        %dma_wait3A_107 = arith.constant 0 : i32
        %dma_wait3A_108 = tpu.memref_slice %arg11[%run_scoped3A_91, %dma_wait3A_107] : memref<38x512xi32, #tpu.memory_space<vmem>> -> memref<1x512xi32, #tpu.memory_space<vmem>>
        %dma_wait3A_109 = tpu.memref_squeeze %dma_wait3A_108 : memref<1x512xi32, #tpu.memory_space<vmem>> -> memref<512xi32, #tpu.memory_space<vmem>>
        %dma_wait3A_110 = arith.constant 0 : i32
        %dma_wait3A_111 = arith.constant 0 : i32
        %dma_wait3A_112 = tpu.memref_slice %arg15[%dma_wait3A_110, %dma_wait3A_111] : memref<10240x32xf32, #tpu.memory_space<vmem_shared>> -> memref<10240x32xf32, #tpu.memory_space<vmem_shared>>
        tpu.wait_indirect_dma semaphore(%run_scoped3A_100 : memref<!tpu.dma_semaphore, #tpu.memory_space<semaphore_mem>>) src(%arg16 : memref<512x32xf32, #tpu.memory_space<vmem>>) dst(%dma_wait3A_112 : memref<10240x32xf32, #tpu.memory_space<vmem_shared>>)
        tpu.yield
      }) : () -> ()
      %dma_wait3A_92 = arith.constant 1 : i32
      %dma_wait3A_93 = arith.constant 0 : i32
      %dma_wait3A_94 = tpu.memref_slice %arg10[%dma_wait3A_92, %dma_wait3A_93] : memref<38x512xi32, #tpu.memory_space<vmem>> -> memref<1x512xi32, #tpu.memory_space<vmem>>
      %dma_wait3A_95 = tpu.memref_squeeze %dma_wait3A_94 : memref<1x512xi32, #tpu.memory_space<vmem>> -> memref<512xi32, #tpu.memory_space<vmem>>
      %dma_wait3A_96 = arith.constant 0 : i32
      %dma_wait3A_97 = arith.constant 0 : i32
      %dma_wait3A_98 = tpu.memref_slice %arg3[%dma_wait3A_96, %dma_wait3A_97] : memref<10000x32xf32, #tpu.memory_space<hbm>> -> memref<10000x32xf32, #tpu.memory_space<hbm>>
      tpu.wait_indirect_dma semaphore(%arg13 : memref<!tpu.dma_semaphore, #tpu.memory_space<semaphore_mem>>) src(%dma_wait3A_98 : memref<10000x32xf32, #tpu.memory_space<hbm>>) dst(%arg17 : memref<512x32xf32, #tpu.memory_space<vmem>>)
      %run_scoped3A_99 = arith.constant 1 : i32
      "tpu.region"() ({
        %run_scoped3A_100 = tpu.sem_alloc : memref<!tpu.dma_semaphore, #tpu.memory_space<semaphore_mem>>
        %dma_start3A_101 = arith.constant 0 : i32
        %dma_start3A_102 = tpu.memref_slice %arg11[%run_scoped3A_99, %dma_start3A_101] : memref<38x512xi32, #tpu.memory_space<vmem>> -> memref<1x512xi32, #tpu.memory_space<vmem>>
        %dma_start3A_103 = tpu.memref_squeeze %dma_start3A_102 : memref<1x512xi32, #tpu.memory_space<vmem>> -> memref<512xi32, #tpu.memory_space<vmem>>
        %dma_start3A_104 = arith.constant 0 : i32
        %dma_start3A_105 = arith.constant 0 : i32
        %dma_start3A_106 = tpu.memref_slice %arg15[%dma_start3A_104, %dma_start3A_105] : memref<10240x32xf32, #tpu.memory_space<vmem_shared>> -> memref<10240x32xf32, #tpu.memory_space<vmem_shared>>
        tpu.enqueue_indirect_dma source(%arg17 : memref<512x32xf32, #tpu.memory_space<vmem>>) target(%dma_start3A_106 : memref<10240x32xf32, #tpu.memory_space<vmem_shared>>) offsets(%dma_start3A_103 : memref<512xi32, #tpu.memory_space<vmem>>) semaphore(%run_scoped3A_100 : memref<!tpu.dma_semaphore, #tpu.memory_space<semaphore_mem>>) {add = true}
        %dma_wait3A_107 = arith.constant 0 : i32
        %dma_wait3A_108 = tpu.memref_slice %arg11[%run_scoped3A_99, %dma_wait3A_107] : memref<38x512xi32, #tpu.memory_space<vmem>> -> memref<1x512xi32, #tpu.memory_space<vmem>>
        %dma_wait3A_109 = tpu.memref_squeeze %dma_wait3A_108 : memref<1x512xi32, #tpu.memory_space<vmem>> -> memref<512xi32, #tpu.memory_space<vmem>>
        %dma_wait3A_110 = arith.constant 0 : i32
        %dma_wait3A_111 = arith.constant 0 : i32
        %dma_wait3A_112 = tpu.memref_slice %arg15[%dma_wait3A_110, %dma_wait3A_111] : memref<10240x32xf32, #tpu.memory_space<vmem_shared>> -> memref<10240x32xf32, #tpu.memory_space<vmem_shared>>
        tpu.wait_indirect_dma semaphore(%run_scoped3A_100 : memref<!tpu.dma_semaphore, #tpu.memory_space<semaphore_mem>>) src(%arg17 : memref<512x32xf32, #tpu.memory_space<vmem>>) dst(%dma_wait3A_112 : memref<10240x32xf32, #tpu.memory_space<vmem_shared>>)
        tpu.yield
      }) : () -> ()
    } else {
    }
    %barrier3A_28 = arith.constant 0 : index
    tpu.barrier barrier_id(%barrier3A_28)
    "tpu.region"() ({
      %run_scoped3A = tpu.sem_alloc : memref<!tpu.dma_semaphore, #tpu.memory_space<semaphore_mem>>
      %dma_start3A = arith.constant 0 : i32
      %dma_start3A_29 = tpu.memref_slice %arg8[%arg0, %mul3A_0, %dma_start3A] : memref<2x10240x32xf32, #tpu.memory_space<hbm>> -> memref<1x640x32xf32, #tpu.memory_space<hbm>>
      %dma_start3A_30 = tpu.memref_squeeze %dma_start3A_29 : memref<1x640x32xf32, #tpu.memory_space<hbm>> -> memref<640x32xf32, #tpu.memory_space<hbm>>
      %dma_start3A_31 = arith.constant 0 : i32
      %dma_start3A_32 = tpu.memref_slice %arg14[%mul3A_0, %dma_start3A_31] : memref<10240x32xf32, #tpu.memory_space<vmem_shared>> -> memref<640x32xf32, #tpu.memory_space<vmem_shared>>
      tpu.enqueue_dma source(%dma_start3A_32 : memref<640x32xf32, #tpu.memory_space<vmem_shared>>) target(%dma_start3A_30 : memref<640x32xf32, #tpu.memory_space<hbm>>) target_semaphore(%run_scoped3A : memref<!tpu.dma_semaphore, #tpu.memory_space<semaphore_mem>>)
      %dma_wait3A = arith.constant 0 : i32
      %dma_wait3A_33 = tpu.memref_slice %arg8[%arg0, %mul3A_0, %dma_wait3A] : memref<2x10240x32xf32, #tpu.memory_space<hbm>> -> memref<1x640x32xf32, #tpu.memory_space<hbm>>
      %dma_wait3A_34 = tpu.memref_squeeze %dma_wait3A_33 : memref<1x640x32xf32, #tpu.memory_space<hbm>> -> memref<640x32xf32, #tpu.memory_space<hbm>>
      %dma_wait3A_35 = arith.constant 0 : i32
      %dma_wait3A_36 = tpu.memref_slice %arg14[%mul3A_0, %dma_wait3A_35] : memref<10240x32xf32, #tpu.memory_space<vmem_shared>> -> memref<640x32xf32, #tpu.memory_space<vmem_shared>>
      tpu.wait_dma2 semaphore(%run_scoped3A : memref<!tpu.dma_semaphore, #tpu.memory_space<semaphore_mem>>) src(%dma_wait3A_36 : memref<640x32xf32, #tpu.memory_space<vmem_shared>>) dst(%dma_wait3A_34 : memref<640x32xf32, #tpu.memory_space<hbm>>)
      tpu.yield
    }) : () -> ()
    "tpu.region"() ({
      %run_scoped3A = tpu.sem_alloc : memref<!tpu.dma_semaphore, #tpu.memory_space<semaphore_mem>>
      %dma_start3A = arith.constant 0 : i32
      %dma_start3A_29 = tpu.memref_slice %arg9[%arg0, %mul3A_0, %dma_start3A] : memref<2x10240x32xf32, #tpu.memory_space<hbm>> -> memref<1x640x32xf32, #tpu.memory_space<hbm>>
      %dma_start3A_30 = tpu.memref_squeeze %dma_start3A_29 : memref<1x640x32xf32, #tpu.memory_space<hbm>> -> memref<640x32xf32, #tpu.memory_space<hbm>>
      %dma_start3A_31 = arith.constant 0 : i32
      %dma_start3A_32 = tpu.memref_slice %arg15[%mul3A_0, %dma_start3A_31] : memref<10240x32xf32, #tpu.memory_space<vmem_shared>> -> memref<640x32xf32, #tpu.memory_space<vmem_shared>>
      tpu.enqueue_dma source(%dma_start3A_32 : memref<640x32xf32, #tpu.memory_space<vmem_shared>>) target(%dma_start3A_30 : memref<640x32xf32, #tpu.memory_space<hbm>>) target_semaphore(%run_scoped3A : memref<!tpu.dma_semaphore, #tpu.memory_space<semaphore_mem>>)
      %dma_wait3A = arith.constant 0 : i32
      %dma_wait3A_33 = tpu.memref_slice %arg9[%arg0, %mul3A_0, %dma_wait3A] : memref<2x10240x32xf32, #tpu.memory_space<hbm>> -> memref<1x640x32xf32, #tpu.memory_space<hbm>>
      %dma_wait3A_34 = tpu.memref_squeeze %dma_wait3A_33 : memref<1x640x32xf32, #tpu.memory_space<hbm>> -> memref<640x32xf32, #tpu.memory_space<hbm>>
      %dma_wait3A_35 = arith.constant 0 : i32
      %dma_wait3A_36 = tpu.memref_slice %arg15[%mul3A_0, %dma_wait3A_35] : memref<10240x32xf32, #tpu.memory_space<vmem_shared>> -> memref<640x32xf32, #tpu.memory_space<vmem_shared>>
      tpu.wait_dma2 semaphore(%run_scoped3A : memref<!tpu.dma_semaphore, #tpu.memory_space<semaphore_mem>>) src(%dma_wait3A_36 : memref<640x32xf32, #tpu.memory_space<vmem_shared>>) dst(%dma_wait3A_34 : memref<640x32xf32, #tpu.memory_space<hbm>>)
      tpu.yield
    }) : () -> ()
    return
  }
}

#map = affine_map<(d0, d1) -> (0, 0)>
#map1 = affine_map<(d0, d1) -> (0, 0, 0)>
module attributes {stable_mosaic.version = 14 : i64} {
  func.func @scatter_kernel(%arg0: i32, %arg1: i32, %arg2: memref<10000x32xf32, #tpu.memory_space<hbm>>, %arg3: memref<10000x16xf32, #tpu.memory_space<hbm>>, %arg4: memref<640x512xi32, #tpu.memory_space<hbm>>, %arg5: memref<640x512xi32, #tpu.memory_space<hbm>>, %arg6: memref<640x512xi32, #tpu.memory_space<hbm>>, %arg7: memref<640x512xi32, #tpu.memory_space<hbm>>, %arg8: memref<2x10240x32xf32, #tpu.memory_space<hbm>>, %arg9: memref<2x10240x16xf32, #tpu.memory_space<hbm>>, %arg10: memref<38x512xi32, #tpu.memory_space<vmem>>, %arg11: memref<38x512xi32, #tpu.memory_space<vmem>>, %arg12: memref<!tpu.dma_semaphore, #tpu.memory_space<semaphore_mem>>, %arg13: memref<!tpu.dma_semaphore, #tpu.memory_space<semaphore_mem>>, %arg14: memref<10240x32xf32, #tpu.memory_space<vmem_shared>>, %arg15: memref<10240x16xf32, #tpu.memory_space<vmem_shared>>, %arg16: memref<512x32xf32, #tpu.memory_space<vmem>>, %arg17: memref<512x32xf32, #tpu.memory_space<vmem>>, %arg18: memref<512x16xf32, #tpu.memory_space<vmem>>, %arg19: memref<512x16xf32, #tpu.memory_space<vmem>>) attributes {dimension_semantics = [#tpu.dimension_semantics<core_parallel>, #tpu.dimension_semantics<subcore_parallel>], iteration_bounds = array<i64: 2, 16>, scalar_prefetch = 0 : i64, scratch_operands = 10 : i64, tpu.core_type = #tpu.core_type<sc_vector_subcore>, window_params = [{transform_indices = #map}, {transform_indices = #map}, {transform_indices = #map}, {transform_indices = #map}, {transform_indices = #map}, {transform_indices = #map}, {transform_indices = #map1}, {transform_indices = #map1}]} {
    %mul3A = arith.constant 640 : i32
    %mul3A_0 = arith.muli %arg1, %mul3A : i32
    %scan3A = arith.constant 0 : i32
    %scan3A_1 = arith.constant 0 : i32
    %scan3A_2 = arith.constant 512 : i32
    %scan3A_3 = arith.addi %scan3A_1, %scan3A_2 : i32
    %scan3A_4 = arith.constant 1 : i32
    scf.for %scan3A_35 = %scan3A_1 to %scan3A_3 step %scan3A_4  : i32 {
      %broadcast_in_dim3A = arith.constant 0.000000e+00 : f32
      %broadcast_in_dim3A_36 = vector.broadcast %broadcast_in_dim3A : f32 to vector<16xf32>
      %swap3A = arith.index_cast %scan3A_35 : i32 to index
      %swap3A_37 = arith.constant 0 : index
      %swap3A_38 = tpu.vector_load %arg16[%swap3A, %swap3A_37] {strides = array<i32>} : memref<512x32xf32, #tpu.memory_space<vmem>>, vector<1x16xf32>,
      %swap3A_39 = vector.shape_cast %swap3A_38 : vector<1x16xf32> to vector<16xf32>
      %swap3A_40 = vector.shape_cast %broadcast_in_dim3A_36 : vector<16xf32> to vector<1x16xf32>
      tpu.vector_store %arg16[%swap3A, %swap3A_37], %swap3A_40 {strides = array<i32>} : memref<512x32xf32, #tpu.memory_space<vmem>>, vector<1x16xf32>,
      %broadcast_in_dim3A_41 = arith.constant 0.000000e+00 : f32
      %broadcast_in_dim3A_42 = vector.broadcast %broadcast_in_dim3A_41 : f32 to vector<16xf32>
      %swap3A_43 = arith.index_cast %scan3A_35 : i32 to index
      %swap3A_44 = arith.constant 16 : index
      %swap3A_45 = tpu.vector_load %arg16[%swap3A_43, %swap3A_44] {strides = array<i32>} : memref<512x32xf32, #tpu.memory_space<vmem>>, vector<1x16xf32>,
      %swap3A_46 = vector.shape_cast %swap3A_45 : vector<1x16xf32> to vector<16xf32>
      %swap3A_47 = vector.shape_cast %broadcast_in_dim3A_42 : vector<16xf32> to vector<1x16xf32>
      tpu.vector_store %arg16[%swap3A_43, %swap3A_44], %swap3A_47 {strides = array<i32>} : memref<512x32xf32, #tpu.memory_space<vmem>>, vector<1x16xf32>,
    }
    %scan3A_5 = arith.constant 512 : i32
    %scan3A_6 = arith.constant 0 : i32
    %scan3A_7 = arith.constant 0 : i32
    %scan3A_8 = arith.constant 512 : i32
    %scan3A_9 = arith.addi %scan3A_7, %scan3A_8 : i32
    %scan3A_10 = arith.constant 1 : i32
    scf.for %scan3A_35 = %scan3A_7 to %scan3A_9 step %scan3A_10  : i32 {
      %broadcast_in_dim3A = arith.constant 0.000000e+00 : f32
      %broadcast_in_dim3A_36 = vector.broadcast %broadcast_in_dim3A : f32 to vector<16xf32>
      %swap3A = arith.index_cast %scan3A_35 : i32 to index
      %swap3A_37 = arith.constant 0 : index
      %swap3A_38 = tpu.vector_load %arg18[%swap3A, %swap3A_37] {strides = array<i32>} : memref<512x16xf32, #tpu.memory_space<vmem>>, vector<1x16xf32>,
      %swap3A_39 = vector.shape_cast %swap3A_38 : vector<1x16xf32> to vector<16xf32>
      %swap3A_40 = vector.shape_cast %broadcast_in_dim3A_36 : vector<16xf32> to vector<1x16xf32>
      tpu.vector_store %arg18[%swap3A, %swap3A_37], %swap3A_40 {strides = array<i32>} : memref<512x16xf32, #tpu.memory_space<vmem>>, vector<1x16xf32>,
    }
    %scan3A_11 = arith.constant 512 : i32
    %mul3A_12 = arith.constant 640 : i32
    %mul3A_13 = arith.muli %arg1, %mul3A_12 : i32
    %add3A = arith.constant 0 : i32
    %add3A_14 = arith.addi %mul3A_13, %add3A : i32
    "tpu.region"() ({
      %run_scoped3A = tpu.sem_alloc : memref<!tpu.dma_semaphore, #tpu.memory_space<semaphore_mem>>
      %dma_start3A = arith.constant 0 : i32
      %dma_start3A_35 = arith.constant 0 : i32
      %dma_start3A_36 = tpu.memref_slice %arg16[%dma_start3A, %dma_start3A_35] : memref<512x32xf32, #tpu.memory_space<vmem>> -> memref<512x32xf32, #tpu.memory_space<vmem>>
      %dma_start3A_37 = arith.constant 0 : i32
      %dma_start3A_38 = tpu.memref_slice %arg14[%add3A_14, %dma_start3A_37] : memref<10240x32xf32, #tpu.memory_space<vmem_shared>> -> memref<512x32xf32, #tpu.memory_space<vmem_shared>>
      %dma_start3A_39 = arith.constant 0 : i32
      %dma_start3A_40 = tpu.memref_slice %arg14[%add3A_14, %dma_start3A_39] : memref<10240x32xf32, #tpu.memory_space<vmem_shared>> -> memref<512x32xf32, #tpu.memory_space<vmem_shared>>
      %dma_start3A_41 = arith.constant 0 : i32
      %dma_start3A_42 = arith.constant 0 : i32
      %dma_start3A_43 = tpu.memref_slice %arg16[%dma_start3A_41, %dma_start3A_42] : memref<512x32xf32, #tpu.memory_space<vmem>> -> memref<512x32xf32, #tpu.memory_space<vmem>>
      tpu.enqueue_dma source(%dma_start3A_43 : memref<512x32xf32, #tpu.memory_space<vmem>>) target(%dma_start3A_40 : memref<512x32xf32, #tpu.memory_space<vmem_shared>>) target_semaphore(%run_scoped3A : memref<!tpu.dma_semaphore, #tpu.memory_space<semaphore_mem>>)
      %dma_wait3A = arith.constant 0 : i32
      %dma_wait3A_44 = arith.constant 0 : i32
      %dma_wait3A_45 = tpu.memref_slice %arg16[%dma_wait3A, %dma_wait3A_44] : memref<512x32xf32, #tpu.memory_space<vmem>> -> memref<512x32xf32, #tpu.memory_space<vmem>>
      %dma_wait3A_46 = arith.constant 0 : i32
      %dma_wait3A_47 = tpu.memref_slice %arg14[%add3A_14, %dma_wait3A_46] : memref<10240x32xf32, #tpu.memory_space<vmem_shared>> -> memref<512x32xf32, #tpu.memory_space<vmem_shared>>
      %dma_wait3A_48 = arith.constant 0 : i32
      %dma_wait3A_49 = tpu.memref_slice %arg14[%add3A_14, %dma_wait3A_48] : memref<10240x32xf32, #tpu.memory_space<vmem_shared>> -> memref<512x32xf32, #tpu.memory_space<vmem_shared>>
      %dma_wait3A_50 = arith.constant 0 : i32
      %dma_wait3A_51 = arith.constant 0 : i32
      %dma_wait3A_52 = tpu.memref_slice %arg16[%dma_wait3A_50, %dma_wait3A_51] : memref<512x32xf32, #tpu.memory_space<vmem>> -> memref<512x32xf32, #tpu.memory_space<vmem>>
      tpu.wait_dma2 semaphore(%run_scoped3A : memref<!tpu.dma_semaphore, #tpu.memory_space<semaphore_mem>>) src(%dma_wait3A_52 : memref<512x32xf32, #tpu.memory_space<vmem>>) dst(%dma_wait3A_49 : memref<512x32xf32, #tpu.memory_space<vmem_shared>>)
      tpu.yield
    }) : () -> ()
    %mul3A_15 = arith.constant 640 : i32
    %mul3A_16 = arith.muli %arg1, %mul3A_15 : i32
    %add3A_17 = arith.constant 512 : i32
    %add3A_18 = arith.addi %mul3A_16, %add3A_17 : i32
    "tpu.region"() ({
      %run_scoped3A = tpu.sem_alloc : memref<!tpu.dma_semaphore, #tpu.memory_space<semaphore_mem>>
      %dma_start3A = arith.constant 0 : i32
      %dma_start3A_35 = arith.constant 0 : i32
      %dma_start3A_36 = tpu.memref_slice %arg16[%dma_start3A, %dma_start3A_35] : memref<512x32xf32, #tpu.memory_space<vmem>> -> memref<128x32xf32, #tpu.memory_space<vmem>>
      %dma_start3A_37 = arith.constant 0 : i32
      %dma_start3A_38 = tpu.memref_slice %arg14[%add3A_18, %dma_start3A_37] : memref<10240x32xf32, #tpu.memory_space<vmem_shared>> -> memref<128x32xf32, #tpu.memory_space<vmem_shared>>
      %dma_start3A_39 = arith.constant 0 : i32
      %dma_start3A_40 = tpu.memref_slice %arg14[%add3A_18, %dma_start3A_39] : memref<10240x32xf32, #tpu.memory_space<vmem_shared>> -> memref<128x32xf32, #tpu.memory_space<vmem_shared>>
      %dma_start3A_41 = arith.constant 0 : i32
      %dma_start3A_42 = arith.constant 0 : i32
      %dma_start3A_43 = tpu.memref_slice %arg16[%dma_start3A_41, %dma_start3A_42] : memref<512x32xf32, #tpu.memory_space<vmem>> -> memref<128x32xf32, #tpu.memory_space<vmem>>
      tpu.enqueue_dma source(%dma_start3A_43 : memref<128x32xf32, #tpu.memory_space<vmem>>) target(%dma_start3A_40 : memref<128x32xf32, #tpu.memory_space<vmem_shared>>) target_semaphore(%run_scoped3A : memref<!tpu.dma_semaphore, #tpu.memory_space<semaphore_mem>>)
      %dma_wait3A = arith.constant 0 : i32
      %dma_wait3A_44 = arith.constant 0 : i32
      %dma_wait3A_45 = tpu.memref_slice %arg16[%dma_wait3A, %dma_wait3A_44] : memref<512x32xf32, #tpu.memory_space<vmem>> -> memref<128x32xf32, #tpu.memory_space<vmem>>
      %dma_wait3A_46 = arith.constant 0 : i32
      %dma_wait3A_47 = tpu.memref_slice %arg14[%add3A_18, %dma_wait3A_46] : memref<10240x32xf32, #tpu.memory_space<vmem_shared>> -> memref<128x32xf32, #tpu.memory_space<vmem_shared>>
      %dma_wait3A_48 = arith.constant 0 : i32
      %dma_wait3A_49 = tpu.memref_slice %arg14[%add3A_18, %dma_wait3A_48] : memref<10240x32xf32, #tpu.memory_space<vmem_shared>> -> memref<128x32xf32, #tpu.memory_space<vmem_shared>>
      %dma_wait3A_50 = arith.constant 0 : i32
      %dma_wait3A_51 = arith.constant 0 : i32
      %dma_wait3A_52 = tpu.memref_slice %arg16[%dma_wait3A_50, %dma_wait3A_51] : memref<512x32xf32, #tpu.memory_space<vmem>> -> memref<128x32xf32, #tpu.memory_space<vmem>>
      tpu.wait_dma2 semaphore(%run_scoped3A : memref<!tpu.dma_semaphore, #tpu.memory_space<semaphore_mem>>) src(%dma_wait3A_52 : memref<128x32xf32, #tpu.memory_space<vmem>>) dst(%dma_wait3A_49 : memref<128x32xf32, #tpu.memory_space<vmem_shared>>)
      tpu.yield
    }) : () -> ()
    %mul3A_19 = arith.constant 640 : i32
    %mul3A_20 = arith.muli %arg1, %mul3A_19 : i32
    %add3A_21 = arith.constant 0 : i32
    %add3A_22 = arith.addi %mul3A_20, %add3A_21 : i32
    "tpu.region"() ({
      %run_scoped3A = tpu.sem_alloc : memref<!tpu.dma_semaphore, #tpu.memory_space<semaphore_mem>>
      %dma_start3A = arith.constant 0 : i32
      %dma_start3A_35 = arith.constant 0 : i32
      %dma_start3A_36 = tpu.memref_slice %arg18[%dma_start3A, %dma_start3A_35] : memref<512x16xf32, #tpu.memory_space<vmem>> -> memref<512x16xf32, #tpu.memory_space<vmem>>
      %dma_start3A_37 = arith.constant 0 : i32
      %dma_start3A_38 = tpu.memref_slice %arg15[%add3A_22, %dma_start3A_37] : memref<10240x16xf32, #tpu.memory_space<vmem_shared>> -> memref<512x16xf32, #tpu.memory_space<vmem_shared>>
      %dma_start3A_39 = arith.constant 0 : i32
      %dma_start3A_40 = tpu.memref_slice %arg15[%add3A_22, %dma_start3A_39] : memref<10240x16xf32, #tpu.memory_space<vmem_shared>> -> memref<512x16xf32, #tpu.memory_space<vmem_shared>>
      %dma_start3A_41 = arith.constant 0 : i32
      %dma_start3A_42 = arith.constant 0 : i32
      %dma_start3A_43 = tpu.memref_slice %arg18[%dma_start3A_41, %dma_start3A_42] : memref<512x16xf32, #tpu.memory_space<vmem>> -> memref<512x16xf32, #tpu.memory_space<vmem>>
      tpu.enqueue_dma source(%dma_start3A_43 : memref<512x16xf32, #tpu.memory_space<vmem>>) target(%dma_start3A_40 : memref<512x16xf32, #tpu.memory_space<vmem_shared>>) target_semaphore(%run_scoped3A : memref<!tpu.dma_semaphore, #tpu.memory_space<semaphore_mem>>)
      %dma_wait3A = arith.constant 0 : i32
      %dma_wait3A_44 = arith.constant 0 : i32
      %dma_wait3A_45 = tpu.memref_slice %arg18[%dma_wait3A, %dma_wait3A_44] : memref<512x16xf32, #tpu.memory_space<vmem>> -> memref<512x16xf32, #tpu.memory_space<vmem>>
      %dma_wait3A_46 = arith.constant 0 : i32
      %dma_wait3A_47 = tpu.memref_slice %arg15[%add3A_22, %dma_wait3A_46] : memref<10240x16xf32, #tpu.memory_space<vmem_shared>> -> memref<512x16xf32, #tpu.memory_space<vmem_shared>>
      %dma_wait3A_48 = arith.constant 0 : i32
      %dma_wait3A_49 = tpu.memref_slice %arg15[%add3A_22, %dma_wait3A_48] : memref<10240x16xf32, #tpu.memory_space<vmem_shared>> -> memref<512x16xf32, #tpu.memory_space<vmem_shared>>
      %dma_wait3A_50 = arith.constant 0 : i32
      %dma_wait3A_51 = arith.constant 0 : i32
      %dma_wait3A_52 = tpu.memref_slice %arg18[%dma_wait3A_50, %dma_wait3A_51] : memref<512x16xf32, #tpu.memory_space<vmem>> -> memref<512x16xf32, #tpu.memory_space<vmem>>
      tpu.wait_dma2 semaphore(%run_scoped3A : memref<!tpu.dma_semaphore, #tpu.memory_space<semaphore_mem>>) src(%dma_wait3A_52 : memref<512x16xf32, #tpu.memory_space<vmem>>) dst(%dma_wait3A_49 : memref<512x16xf32, #tpu.memory_space<vmem_shared>>)
      tpu.yield
    }) : () -> ()
    %mul3A_23 = arith.constant 640 : i32
    %mul3A_24 = arith.muli %arg1, %mul3A_23 : i32
    %add3A_25 = arith.constant 512 : i32
    %add3A_26 = arith.addi %mul3A_24, %add3A_25 : i32
    "tpu.region"() ({
      %run_scoped3A = tpu.sem_alloc : memref<!tpu.dma_semaphore, #tpu.memory_space<semaphore_mem>>
      %dma_start3A = arith.constant 0 : i32
      %dma_start3A_35 = arith.constant 0 : i32
      %dma_start3A_36 = tpu.memref_slice %arg18[%dma_start3A, %dma_start3A_35] : memref<512x16xf32, #tpu.memory_space<vmem>> -> memref<128x16xf32, #tpu.memory_space<vmem>>
      %dma_start3A_37 = arith.constant 0 : i32
      %dma_start3A_38 = tpu.memref_slice %arg15[%add3A_26, %dma_start3A_37] : memref<10240x16xf32, #tpu.memory_space<vmem_shared>> -> memref<128x16xf32, #tpu.memory_space<vmem_shared>>
      %dma_start3A_39 = arith.constant 0 : i32
      %dma_start3A_40 = tpu.memref_slice %arg15[%add3A_26, %dma_start3A_39] : memref<10240x16xf32, #tpu.memory_space<vmem_shared>> -> memref<128x16xf32, #tpu.memory_space<vmem_shared>>
      %dma_start3A_41 = arith.constant 0 : i32
      %dma_start3A_42 = arith.constant 0 : i32
      %dma_start3A_43 = tpu.memref_slice %arg18[%dma_start3A_41, %dma_start3A_42] : memref<512x16xf32, #tpu.memory_space<vmem>> -> memref<128x16xf32, #tpu.memory_space<vmem>>
      tpu.enqueue_dma source(%dma_start3A_43 : memref<128x16xf32, #tpu.memory_space<vmem>>) target(%dma_start3A_40 : memref<128x16xf32, #tpu.memory_space<vmem_shared>>) target_semaphore(%run_scoped3A : memref<!tpu.dma_semaphore, #tpu.memory_space<semaphore_mem>>)
      %dma_wait3A = arith.constant 0 : i32
      %dma_wait3A_44 = arith.constant 0 : i32
      %dma_wait3A_45 = tpu.memref_slice %arg18[%dma_wait3A, %dma_wait3A_44] : memref<512x16xf32, #tpu.memory_space<vmem>> -> memref<128x16xf32, #tpu.memory_space<vmem>>
      %dma_wait3A_46 = arith.constant 0 : i32
      %dma_wait3A_47 = tpu.memref_slice %arg15[%add3A_26, %dma_wait3A_46] : memref<10240x16xf32, #tpu.memory_space<vmem_shared>> -> memref<128x16xf32, #tpu.memory_space<vmem_shared>>
      %dma_wait3A_48 = arith.constant 0 : i32
      %dma_wait3A_49 = tpu.memref_slice %arg15[%add3A_26, %dma_wait3A_48] : memref<10240x16xf32, #tpu.memory_space<vmem_shared>> -> memref<128x16xf32, #tpu.memory_space<vmem_shared>>
      %dma_wait3A_50 = arith.constant 0 : i32
      %dma_wait3A_51 = arith.constant 0 : i32
      %dma_wait3A_52 = tpu.memref_slice %arg18[%dma_wait3A_50, %dma_wait3A_51] : memref<512x16xf32, #tpu.memory_space<vmem>> -> memref<128x16xf32, #tpu.memory_space<vmem>>
      tpu.wait_dma2 semaphore(%run_scoped3A : memref<!tpu.dma_semaphore, #tpu.memory_space<semaphore_mem>>) src(%dma_wait3A_52 : memref<128x16xf32, #tpu.memory_space<vmem>>) dst(%dma_wait3A_49 : memref<128x16xf32, #tpu.memory_space<vmem_shared>>)
      tpu.yield
    }) : () -> ()
    %barrier3A = arith.constant 0 : index
    tpu.barrier barrier_id(%barrier3A)
    %eq3A = arith.constant 0 : i32
    %eq3A_27 = arith.cmpi eq, %arg0, %eq3A : i32
    %convert_element_type3A = arith.extui %eq3A_27 : i1 to i32
    %cond3A = arith.constant 0 : i32
    %cond3A_28 = arith.cmpi ne, %convert_element_type3A, %cond3A : i32
    scf.if %cond3A_28 {
      %mul3A_35 = arith.constant 38 : i32
      %mul3A_36 = arith.muli %arg1, %mul3A_35 : i32
      "tpu.region"() ({
        %run_scoped3A_106 = tpu.sem_alloc : memref<!tpu.dma_semaphore, #tpu.memory_space<semaphore_mem>>
        %dma_start3A_107 = arith.constant 0 : i32
        %dma_start3A_108 = arith.constant 0 : i32
        %dma_start3A_109 = tpu.memref_slice %arg10[%dma_start3A_107, %dma_start3A_108] : memref<38x512xi32, #tpu.memory_space<vmem>> -> memref<38x512xi32, #tpu.memory_space<vmem>>
        %dma_start3A_110 = arith.constant 0 : i32
        %dma_start3A_111 = tpu.memref_slice %arg4[%mul3A_36, %dma_start3A_110] : memref<640x512xi32, #tpu.memory_space<hbm>> -> memref<38x512xi32, #tpu.memory_space<hbm>>
        %dma_start3A_112 = arith.constant 0 : i32
        %dma_start3A_113 = arith.constant 0 : i32
        %dma_start3A_114 = tpu.memref_slice %arg10[%dma_start3A_112, %dma_start3A_113] : memref<38x512xi32, #tpu.memory_space<vmem>> -> memref<38x512xi32, #tpu.memory_space<vmem>>
        %dma_start3A_115 = arith.constant 0 : i32
        %dma_start3A_116 = tpu.memref_slice %arg4[%mul3A_36, %dma_start3A_115] : memref<640x512xi32, #tpu.memory_space<hbm>> -> memref<38x512xi32, #tpu.memory_space<hbm>>
        tpu.enqueue_dma source(%dma_start3A_116 : memref<38x512xi32, #tpu.memory_space<hbm>>) target(%dma_start3A_114 : memref<38x512xi32, #tpu.memory_space<vmem>>) target_semaphore(%run_scoped3A_106 : memref<!tpu.dma_semaphore, #tpu.memory_space<semaphore_mem>>)
        %dma_wait3A_117 = arith.constant 0 : i32
        %dma_wait3A_118 = arith.constant 0 : i32
        %dma_wait3A_119 = tpu.memref_slice %arg10[%dma_wait3A_117, %dma_wait3A_118] : memref<38x512xi32, #tpu.memory_space<vmem>> -> memref<38x512xi32, #tpu.memory_space<vmem>>
        %dma_wait3A_120 = arith.constant 0 : i32
        %dma_wait3A_121 = tpu.memref_slice %arg4[%mul3A_36, %dma_wait3A_120] : memref<640x512xi32, #tpu.memory_space<hbm>> -> memref<38x512xi32, #tpu.memory_space<hbm>>
        %dma_wait3A_122 = arith.constant 0 : i32
        %dma_wait3A_123 = arith.constant 0 : i32
        %dma_wait3A_124 = tpu.memref_slice %arg10[%dma_wait3A_122, %dma_wait3A_123] : memref<38x512xi32, #tpu.memory_space<vmem>> -> memref<38x512xi32, #tpu.memory_space<vmem>>
        %dma_wait3A_125 = arith.constant 0 : i32
        %dma_wait3A_126 = tpu.memref_slice %arg4[%mul3A_36, %dma_wait3A_125] : memref<640x512xi32, #tpu.memory_space<hbm>> -> memref<38x512xi32, #tpu.memory_space<hbm>>
        tpu.wait_dma2 semaphore(%run_scoped3A_106 : memref<!tpu.dma_semaphore, #tpu.memory_space<semaphore_mem>>) src(%dma_wait3A_126 : memref<38x512xi32, #tpu.memory_space<hbm>>) dst(%dma_wait3A_124 : memref<38x512xi32, #tpu.memory_space<vmem>>)
        tpu.yield
      }) : () -> ()
      "tpu.region"() ({
        %run_scoped3A_106 = tpu.sem_alloc : memref<!tpu.dma_semaphore, #tpu.memory_space<semaphore_mem>>
        %dma_start3A_107 = arith.constant 0 : i32
        %dma_start3A_108 = arith.constant 0 : i32
        %dma_start3A_109 = tpu.memref_slice %arg11[%dma_start3A_107, %dma_start3A_108] : memref<38x512xi32, #tpu.memory_space<vmem>> -> memref<38x512xi32, #tpu.memory_space<vmem>>
        %dma_start3A_110 = arith.constant 0 : i32
        %dma_start3A_111 = tpu.memref_slice %arg5[%mul3A_36, %dma_start3A_110] : memref<640x512xi32, #tpu.memory_space<hbm>> -> memref<38x512xi32, #tpu.memory_space<hbm>>
        %dma_start3A_112 = arith.constant 0 : i32
        %dma_start3A_113 = arith.constant 0 : i32
        %dma_start3A_114 = tpu.memref_slice %arg11[%dma_start3A_112, %dma_start3A_113] : memref<38x512xi32, #tpu.memory_space<vmem>> -> memref<38x512xi32, #tpu.memory_space<vmem>>
        %dma_start3A_115 = arith.constant 0 : i32
        %dma_start3A_116 = tpu.memref_slice %arg5[%mul3A_36, %dma_start3A_115] : memref<640x512xi32, #tpu.memory_space<hbm>> -> memref<38x512xi32, #tpu.memory_space<hbm>>
        tpu.enqueue_dma source(%dma_start3A_116 : memref<38x512xi32, #tpu.memory_space<hbm>>) target(%dma_start3A_114 : memref<38x512xi32, #tpu.memory_space<vmem>>) target_semaphore(%run_scoped3A_106 : memref<!tpu.dma_semaphore, #tpu.memory_space<semaphore_mem>>)
        %dma_wait3A_117 = arith.constant 0 : i32
        %dma_wait3A_118 = arith.constant 0 : i32
        %dma_wait3A_119 = tpu.memref_slice %arg11[%dma_wait3A_117, %dma_wait3A_118] : memref<38x512xi32, #tpu.memory_space<vmem>> -> memref<38x512xi32, #tpu.memory_space<vmem>>
        %dma_wait3A_120 = arith.constant 0 : i32
        %dma_wait3A_121 = tpu.memref_slice %arg5[%mul3A_36, %dma_wait3A_120] : memref<640x512xi32, #tpu.memory_space<hbm>> -> memref<38x512xi32, #tpu.memory_space<hbm>>
        %dma_wait3A_122 = arith.constant 0 : i32
        %dma_wait3A_123 = arith.constant 0 : i32
        %dma_wait3A_124 = tpu.memref_slice %arg11[%dma_wait3A_122, %dma_wait3A_123] : memref<38x512xi32, #tpu.memory_space<vmem>> -> memref<38x512xi32, #tpu.memory_space<vmem>>
        %dma_wait3A_125 = arith.constant 0 : i32
        %dma_wait3A_126 = tpu.memref_slice %arg5[%mul3A_36, %dma_wait3A_125] : memref<640x512xi32, #tpu.memory_space<hbm>> -> memref<38x512xi32, #tpu.memory_space<hbm>>
        tpu.wait_dma2 semaphore(%run_scoped3A_106 : memref<!tpu.dma_semaphore, #tpu.memory_space<semaphore_mem>>) src(%dma_wait3A_126 : memref<38x512xi32, #tpu.memory_space<hbm>>) dst(%dma_wait3A_124 : memref<38x512xi32, #tpu.memory_space<vmem>>)
        tpu.yield
      }) : () -> ()
      %dma_start3A = arith.constant 0 : i32
      %dma_start3A_37 = arith.constant 0 : i32
      %dma_start3A_38 = tpu.memref_slice %arg10[%dma_start3A, %dma_start3A_37] : memref<38x512xi32, #tpu.memory_space<vmem>> -> memref<1x512xi32, #tpu.memory_space<vmem>>
      %dma_start3A_39 = tpu.memref_squeeze %dma_start3A_38 : memref<1x512xi32, #tpu.memory_space<vmem>> -> memref<512xi32, #tpu.memory_space<vmem>>
      %dma_start3A_40 = arith.constant 0 : i32
      %dma_start3A_41 = arith.constant 0 : i32
      %dma_start3A_42 = tpu.memref_slice %arg2[%dma_start3A_40, %dma_start3A_41] : memref<10000x32xf32, #tpu.memory_space<hbm>> -> memref<10000x32xf32, #tpu.memory_space<hbm>>
      tpu.enqueue_indirect_dma source(%dma_start3A_42 : memref<10000x32xf32, #tpu.memory_space<hbm>>) target(%arg16 : memref<512x32xf32, #tpu.memory_space<vmem>>) offsets(%dma_start3A_39 : memref<512xi32, #tpu.memory_space<vmem>>) semaphore(%arg12 : memref<!tpu.dma_semaphore, #tpu.memory_space<semaphore_mem>>)
      %scan3A_43 = arith.constant 0 : i32
      %scan3A_44 = arith.constant 0 : i32
      %scan3A_45 = arith.constant 18 : i32
      %scan3A_46 = arith.addi %scan3A_44, %scan3A_45 : i32
      %scan3A_47 = arith.constant 1 : i32
      scf.for %scan3A_106 = %scan3A_44 to %scan3A_46 step %scan3A_47  : i32 {
        %mul3A_107 = arith.constant 2 : i32
        %mul3A_108 = arith.muli %mul3A_107, %scan3A_106 : i32
        %add3A_109 = arith.constant 1 : i32
        %add3A_110 = arith.addi %mul3A_108, %add3A_109 : i32
        %dma_start3A_111 = arith.constant 0 : i32
        %dma_start3A_112 = tpu.memref_slice %arg10[%add3A_110, %dma_start3A_111] : memref<38x512xi32, #tpu.memory_space<vmem>> -> memref<1x512xi32, #tpu.memory_space<vmem>>
        %dma_start3A_113 = tpu.memref_squeeze %dma_start3A_112 : memref<1x512xi32, #tpu.memory_space<vmem>> -> memref<512xi32, #tpu.memory_space<vmem>>
        %dma_start3A_114 = arith.constant 0 : i32
        %dma_start3A_115 = arith.constant 0 : i32
        %dma_start3A_116 = tpu.memref_slice %arg2[%dma_start3A_114, %dma_start3A_115] : memref<10000x32xf32, #tpu.memory_space<hbm>> -> memref<10000x32xf32, #tpu.memory_space<hbm>>
        tpu.enqueue_indirect_dma source(%dma_start3A_116 : memref<10000x32xf32, #tpu.memory_space<hbm>>) target(%arg17 : memref<512x32xf32, #tpu.memory_space<vmem>>) offsets(%dma_start3A_113 : memref<512xi32, #tpu.memory_space<vmem>>) semaphore(%arg13 : memref<!tpu.dma_semaphore, #tpu.memory_space<semaphore_mem>>)
        %dma_wait3A_117 = arith.constant 0 : i32
        %dma_wait3A_118 = tpu.memref_slice %arg10[%mul3A_108, %dma_wait3A_117] : memref<38x512xi32, #tpu.memory_space<vmem>> -> memref<1x512xi32, #tpu.memory_space<vmem>>
        %dma_wait3A_119 = tpu.memref_squeeze %dma_wait3A_118 : memref<1x512xi32, #tpu.memory_space<vmem>> -> memref<512xi32, #tpu.memory_space<vmem>>
        %dma_wait3A_120 = arith.constant 0 : i32
        %dma_wait3A_121 = arith.constant 0 : i32
        %dma_wait3A_122 = tpu.memref_slice %arg2[%dma_wait3A_120, %dma_wait3A_121] : memref<10000x32xf32, #tpu.memory_space<hbm>> -> memref<10000x32xf32, #tpu.memory_space<hbm>>
        tpu.wait_indirect_dma semaphore(%arg12 : memref<!tpu.dma_semaphore, #tpu.memory_space<semaphore_mem>>) src(%dma_wait3A_122 : memref<10000x32xf32, #tpu.memory_space<hbm>>) dst(%arg16 : memref<512x32xf32, #tpu.memory_space<vmem>>)
        "tpu.region"() ({
          %run_scoped3A_141 = tpu.sem_alloc : memref<!tpu.dma_semaphore, #tpu.memory_space<semaphore_mem>>
          %dma_start3A_142 = arith.constant 0 : i32
          %dma_start3A_143 = tpu.memref_slice %arg11[%mul3A_108, %dma_start3A_142] : memref<38x512xi32, #tpu.memory_space<vmem>> -> memref<1x512xi32, #tpu.memory_space<vmem>>
          %dma_start3A_144 = tpu.memref_squeeze %dma_start3A_143 : memref<1x512xi32, #tpu.memory_space<vmem>> -> memref<512xi32, #tpu.memory_space<vmem>>
          %dma_start3A_145 = arith.constant 0 : i32
          %dma_start3A_146 = arith.constant 0 : i32
          %dma_start3A_147 = tpu.memref_slice %arg14[%dma_start3A_145, %dma_start3A_146] : memref<10240x32xf32, #tpu.memory_space<vmem_shared>> -> memref<10240x32xf32, #tpu.memory_space<vmem_shared>>
          tpu.enqueue_indirect_dma source(%arg16 : memref<512x32xf32, #tpu.memory_space<vmem>>) target(%dma_start3A_147 : memref<10240x32xf32, #tpu.memory_space<vmem_shared>>) offsets(%dma_start3A_144 : memref<512xi32, #tpu.memory_space<vmem>>) semaphore(%run_scoped3A_141 : memref<!tpu.dma_semaphore, #tpu.memory_space<semaphore_mem>>) {add = true}
          %dma_wait3A_148 = arith.constant 0 : i32
          %dma_wait3A_149 = tpu.memref_slice %arg11[%mul3A_108, %dma_wait3A_148] : memref<38x512xi32, #tpu.memory_space<vmem>> -> memref<1x512xi32, #tpu.memory_space<vmem>>
          %dma_wait3A_150 = tpu.memref_squeeze %dma_wait3A_149 : memref<1x512xi32, #tpu.memory_space<vmem>> -> memref<512xi32, #tpu.memory_space<vmem>>
          %dma_wait3A_151 = arith.constant 0 : i32
          %dma_wait3A_152 = arith.constant 0 : i32
          %dma_wait3A_153 = tpu.memref_slice %arg14[%dma_wait3A_151, %dma_wait3A_152] : memref<10240x32xf32, #tpu.memory_space<vmem_shared>> -> memref<10240x32xf32, #tpu.memory_space<vmem_shared>>
          tpu.wait_indirect_dma semaphore(%run_scoped3A_141 : memref<!tpu.dma_semaphore, #tpu.memory_space<semaphore_mem>>) src(%arg16 : memref<512x32xf32, #tpu.memory_space<vmem>>) dst(%dma_wait3A_153 : memref<10240x32xf32, #tpu.memory_space<vmem_shared>>)
          tpu.yield
        }) : () -> ()
        %add3A_123 = arith.constant 2 : i32
        %add3A_124 = arith.addi %mul3A_108, %add3A_123 : i32
        %dma_start3A_125 = arith.constant 0 : i32
        %dma_start3A_126 = tpu.memref_slice %arg10[%add3A_124, %dma_start3A_125] : memref<38x512xi32, #tpu.memory_space<vmem>> -> memref<1x512xi32, #tpu.memory_space<vmem>>
        %dma_start3A_127 = tpu.memref_squeeze %dma_start3A_126 : memref<1x512xi32, #tpu.memory_space<vmem>> -> memref<512xi32, #tpu.memory_space<vmem>>
        %dma_start3A_128 = arith.constant 0 : i32
        %dma_start3A_129 = arith.constant 0 : i32
        %dma_start3A_130 = tpu.memref_slice %arg2[%dma_start3A_128, %dma_start3A_129] : memref<10000x32xf32, #tpu.memory_space<hbm>> -> memref<10000x32xf32, #tpu.memory_space<hbm>>
        tpu.enqueue_indirect_dma source(%dma_start3A_130 : memref<10000x32xf32, #tpu.memory_space<hbm>>) target(%arg16 : memref<512x32xf32, #tpu.memory_space<vmem>>) offsets(%dma_start3A_127 : memref<512xi32, #tpu.memory_space<vmem>>) semaphore(%arg12 : memref<!tpu.dma_semaphore, #tpu.memory_space<semaphore_mem>>)
        %add3A_131 = arith.constant 1 : i32
        %add3A_132 = arith.addi %mul3A_108, %add3A_131 : i32
        %dma_wait3A_133 = arith.constant 0 : i32
        %dma_wait3A_134 = tpu.memref_slice %arg10[%add3A_132, %dma_wait3A_133] : memref<38x512xi32, #tpu.memory_space<vmem>> -> memref<1x512xi32, #tpu.memory_space<vmem>>
        %dma_wait3A_135 = tpu.memref_squeeze %dma_wait3A_134 : memref<1x512xi32, #tpu.memory_space<vmem>> -> memref<512xi32, #tpu.memory_space<vmem>>
        %dma_wait3A_136 = arith.constant 0 : i32
        %dma_wait3A_137 = arith.constant 0 : i32
        %dma_wait3A_138 = tpu.memref_slice %arg2[%dma_wait3A_136, %dma_wait3A_137] : memref<10000x32xf32, #tpu.memory_space<hbm>> -> memref<10000x32xf32, #tpu.memory_space<hbm>>
        tpu.wait_indirect_dma semaphore(%arg13 : memref<!tpu.dma_semaphore, #tpu.memory_space<semaphore_mem>>) src(%dma_wait3A_138 : memref<10000x32xf32, #tpu.memory_space<hbm>>) dst(%arg17 : memref<512x32xf32, #tpu.memory_space<vmem>>)
        %add3A_139 = arith.constant 1 : i32
        %add3A_140 = arith.addi %mul3A_108, %add3A_139 : i32
        "tpu.region"() ({
          %run_scoped3A_141 = tpu.sem_alloc : memref<!tpu.dma_semaphore, #tpu.memory_space<semaphore_mem>>
          %dma_start3A_142 = arith.constant 0 : i32
          %dma_start3A_143 = tpu.memref_slice %arg11[%add3A_140, %dma_start3A_142] : memref<38x512xi32, #tpu.memory_space<vmem>> -> memref<1x512xi32, #tpu.memory_space<vmem>>
          %dma_start3A_144 = tpu.memref_squeeze %dma_start3A_143 : memref<1x512xi32, #tpu.memory_space<vmem>> -> memref<512xi32, #tpu.memory_space<vmem>>
          %dma_start3A_145 = arith.constant 0 : i32
          %dma_start3A_146 = arith.constant 0 : i32
          %dma_start3A_147 = tpu.memref_slice %arg14[%dma_start3A_145, %dma_start3A_146] : memref<10240x32xf32, #tpu.memory_space<vmem_shared>> -> memref<10240x32xf32, #tpu.memory_space<vmem_shared>>
          tpu.enqueue_indirect_dma source(%arg17 : memref<512x32xf32, #tpu.memory_space<vmem>>) target(%dma_start3A_147 : memref<10240x32xf32, #tpu.memory_space<vmem_shared>>) offsets(%dma_start3A_144 : memref<512xi32, #tpu.memory_space<vmem>>) semaphore(%run_scoped3A_141 : memref<!tpu.dma_semaphore, #tpu.memory_space<semaphore_mem>>) {add = true}
          %dma_wait3A_148 = arith.constant 0 : i32
          %dma_wait3A_149 = tpu.memref_slice %arg11[%add3A_140, %dma_wait3A_148] : memref<38x512xi32, #tpu.memory_space<vmem>> -> memref<1x512xi32, #tpu.memory_space<vmem>>
          %dma_wait3A_150 = tpu.memref_squeeze %dma_wait3A_149 : memref<1x512xi32, #tpu.memory_space<vmem>> -> memref<512xi32, #tpu.memory_space<vmem>>
          %dma_wait3A_151 = arith.constant 0 : i32
          %dma_wait3A_152 = arith.constant 0 : i32
          %dma_wait3A_153 = tpu.memref_slice %arg14[%dma_wait3A_151, %dma_wait3A_152] : memref<10240x32xf32, #tpu.memory_space<vmem_shared>> -> memref<10240x32xf32, #tpu.memory_space<vmem_shared>>
          tpu.wait_indirect_dma semaphore(%run_scoped3A_141 : memref<!tpu.dma_semaphore, #tpu.memory_space<semaphore_mem>>) src(%arg17 : memref<512x32xf32, #tpu.memory_space<vmem>>) dst(%dma_wait3A_153 : memref<10240x32xf32, #tpu.memory_space<vmem_shared>>)
          tpu.yield
        }) : () -> ()
      }
      %scan3A_48 = arith.constant 18 : i32
      %dma_start3A_49 = arith.constant 37 : i32
      %dma_start3A_50 = arith.constant 0 : i32
      %dma_start3A_51 = tpu.memref_slice %arg10[%dma_start3A_49, %dma_start3A_50] : memref<38x512xi32, #tpu.memory_space<vmem>> -> memref<1x512xi32, #tpu.memory_space<vmem>>
      %dma_start3A_52 = tpu.memref_squeeze %dma_start3A_51 : memref<1x512xi32, #tpu.memory_space<vmem>> -> memref<512xi32, #tpu.memory_space<vmem>>
      %dma_start3A_53 = arith.constant 0 : i32
      %dma_start3A_54 = arith.constant 0 : i32
      %dma_start3A_55 = tpu.memref_slice %arg2[%dma_start3A_53, %dma_start3A_54] : memref<10000x32xf32, #tpu.memory_space<hbm>> -> memref<10000x32xf32, #tpu.memory_space<hbm>>
      tpu.enqueue_indirect_dma source(%dma_start3A_55 : memref<10000x32xf32, #tpu.memory_space<hbm>>) target(%arg17 : memref<512x32xf32, #tpu.memory_space<vmem>>) offsets(%dma_start3A_52 : memref<512xi32, #tpu.memory_space<vmem>>) semaphore(%arg13 : memref<!tpu.dma_semaphore, #tpu.memory_space<semaphore_mem>>)
      %dma_wait3A = arith.constant 36 : i32
      %dma_wait3A_56 = arith.constant 0 : i32
      %dma_wait3A_57 = tpu.memref_slice %arg10[%dma_wait3A, %dma_wait3A_56] : memref<38x512xi32, #tpu.memory_space<vmem>> -> memref<1x512xi32, #tpu.memory_space<vmem>>
      %dma_wait3A_58 = tpu.memref_squeeze %dma_wait3A_57 : memref<1x512xi32, #tpu.memory_space<vmem>> -> memref<512xi32, #tpu.memory_space<vmem>>
      %dma_wait3A_59 = arith.constant 0 : i32
      %dma_wait3A_60 = arith.constant 0 : i32
      %dma_wait3A_61 = tpu.memref_slice %arg2[%dma_wait3A_59, %dma_wait3A_60] : memref<10000x32xf32, #tpu.memory_space<hbm>> -> memref<10000x32xf32, #tpu.memory_space<hbm>>
      tpu.wait_indirect_dma semaphore(%arg12 : memref<!tpu.dma_semaphore, #tpu.memory_space<semaphore_mem>>) src(%dma_wait3A_61 : memref<10000x32xf32, #tpu.memory_space<hbm>>) dst(%arg16 : memref<512x32xf32, #tpu.memory_space<vmem>>)
      %run_scoped3A = arith.constant 36 : i32
      "tpu.region"() ({
        %run_scoped3A_106 = tpu.sem_alloc : memref<!tpu.dma_semaphore, #tpu.memory_space<semaphore_mem>>
        %dma_start3A_107 = arith.constant 0 : i32
        %dma_start3A_108 = tpu.memref_slice %arg11[%run_scoped3A, %dma_start3A_107] : memref<38x512xi32, #tpu.memory_space<vmem>> -> memref<1x512xi32, #tpu.memory_space<vmem>>
        %dma_start3A_109 = tpu.memref_squeeze %dma_start3A_108 : memref<1x512xi32, #tpu.memory_space<vmem>> -> memref<512xi32, #tpu.memory_space<vmem>>
        %dma_start3A_110 = arith.constant 0 : i32
        %dma_start3A_111 = arith.constant 0 : i32
        %dma_start3A_112 = tpu.memref_slice %arg14[%dma_start3A_110, %dma_start3A_111] : memref<10240x32xf32, #tpu.memory_space<vmem_shared>> -> memref<10240x32xf32, #tpu.memory_space<vmem_shared>>
        tpu.enqueue_indirect_dma source(%arg16 : memref<512x32xf32, #tpu.memory_space<vmem>>) target(%dma_start3A_112 : memref<10240x32xf32, #tpu.memory_space<vmem_shared>>) offsets(%dma_start3A_109 : memref<512xi32, #tpu.memory_space<vmem>>) semaphore(%run_scoped3A_106 : memref<!tpu.dma_semaphore, #tpu.memory_space<semaphore_mem>>) {add = true}
        %dma_wait3A_113 = arith.constant 0 : i32
        %dma_wait3A_114 = tpu.memref_slice %arg11[%run_scoped3A, %dma_wait3A_113] : memref<38x512xi32, #tpu.memory_space<vmem>> -> memref<1x512xi32, #tpu.memory_space<vmem>>
        %dma_wait3A_115 = tpu.memref_squeeze %dma_wait3A_114 : memref<1x512xi32, #tpu.memory_space<vmem>> -> memref<512xi32, #tpu.memory_space<vmem>>
        %dma_wait3A_116 = arith.constant 0 : i32
        %dma_wait3A_117 = arith.constant 0 : i32
        %dma_wait3A_118 = tpu.memref_slice %arg14[%dma_wait3A_116, %dma_wait3A_117] : memref<10240x32xf32, #tpu.memory_space<vmem_shared>> -> memref<10240x32xf32, #tpu.memory_space<vmem_shared>>
        tpu.wait_indirect_dma semaphore(%run_scoped3A_106 : memref<!tpu.dma_semaphore, #tpu.memory_space<semaphore_mem>>) src(%arg16 : memref<512x32xf32, #tpu.memory_space<vmem>>) dst(%dma_wait3A_118 : memref<10240x32xf32, #tpu.memory_space<vmem_shared>>)
        tpu.yield
      }) : () -> ()
      %dma_wait3A_62 = arith.constant 37 : i32
      %dma_wait3A_63 = arith.constant 0 : i32
      %dma_wait3A_64 = tpu.memref_slice %arg10[%dma_wait3A_62, %dma_wait3A_63] : memref<38x512xi32, #tpu.memory_space<vmem>> -> memref<1x512xi32, #tpu.memory_space<vmem>>
      %dma_wait3A_65 = tpu.memref_squeeze %dma_wait3A_64 : memref<1x512xi32, #tpu.memory_space<vmem>> -> memref<512xi32, #tpu.memory_space<vmem>>
      %dma_wait3A_66 = arith.constant 0 : i32
      %dma_wait3A_67 = arith.constant 0 : i32
      %dma_wait3A_68 = tpu.memref_slice %arg2[%dma_wait3A_66, %dma_wait3A_67] : memref<10000x32xf32, #tpu.memory_space<hbm>> -> memref<10000x32xf32, #tpu.memory_space<hbm>>
      tpu.wait_indirect_dma semaphore(%arg13 : memref<!tpu.dma_semaphore, #tpu.memory_space<semaphore_mem>>) src(%dma_wait3A_68 : memref<10000x32xf32, #tpu.memory_space<hbm>>) dst(%arg17 : memref<512x32xf32, #tpu.memory_space<vmem>>)
      %run_scoped3A_69 = arith.constant 37 : i32
      "tpu.region"() ({
        %run_scoped3A_106 = tpu.sem_alloc : memref<!tpu.dma_semaphore, #tpu.memory_space<semaphore_mem>>
        %dma_start3A_107 = arith.constant 0 : i32
        %dma_start3A_108 = tpu.memref_slice %arg11[%run_scoped3A_69, %dma_start3A_107] : memref<38x512xi32, #tpu.memory_space<vmem>> -> memref<1x512xi32, #tpu.memory_space<vmem>>
        %dma_start3A_109 = tpu.memref_squeeze %dma_start3A_108 : memref<1x512xi32, #tpu.memory_space<vmem>> -> memref<512xi32, #tpu.memory_space<vmem>>
        %dma_start3A_110 = arith.constant 0 : i32
        %dma_start3A_111 = arith.constant 0 : i32
        %dma_start3A_112 = tpu.memref_slice %arg14[%dma_start3A_110, %dma_start3A_111] : memref<10240x32xf32, #tpu.memory_space<vmem_shared>> -> memref<10240x32xf32, #tpu.memory_space<vmem_shared>>
        tpu.enqueue_indirect_dma source(%arg17 : memref<512x32xf32, #tpu.memory_space<vmem>>) target(%dma_start3A_112 : memref<10240x32xf32, #tpu.memory_space<vmem_shared>>) offsets(%dma_start3A_109 : memref<512xi32, #tpu.memory_space<vmem>>) semaphore(%run_scoped3A_106 : memref<!tpu.dma_semaphore, #tpu.memory_space<semaphore_mem>>) {add = true}
        %dma_wait3A_113 = arith.constant 0 : i32
        %dma_wait3A_114 = tpu.memref_slice %arg11[%run_scoped3A_69, %dma_wait3A_113] : memref<38x512xi32, #tpu.memory_space<vmem>> -> memref<1x512xi32, #tpu.memory_space<vmem>>
        %dma_wait3A_115 = tpu.memref_squeeze %dma_wait3A_114 : memref<1x512xi32, #tpu.memory_space<vmem>> -> memref<512xi32, #tpu.memory_space<vmem>>
        %dma_wait3A_116 = arith.constant 0 : i32
        %dma_wait3A_117 = arith.constant 0 : i32
        %dma_wait3A_118 = tpu.memref_slice %arg14[%dma_wait3A_116, %dma_wait3A_117] : memref<10240x32xf32, #tpu.memory_space<vmem_shared>> -> memref<10240x32xf32, #tpu.memory_space<vmem_shared>>
        tpu.wait_indirect_dma semaphore(%run_scoped3A_106 : memref<!tpu.dma_semaphore, #tpu.memory_space<semaphore_mem>>) src(%arg17 : memref<512x32xf32, #tpu.memory_space<vmem>>) dst(%dma_wait3A_118 : memref<10240x32xf32, #tpu.memory_space<vmem_shared>>)
        tpu.yield
      }) : () -> ()
      "tpu.region"() ({
        %run_scoped3A_106 = tpu.sem_alloc : memref<!tpu.dma_semaphore, #tpu.memory_space<semaphore_mem>>
        %dma_start3A_107 = arith.constant 0 : i32
        %dma_start3A_108 = arith.constant 0 : i32
        %dma_start3A_109 = tpu.memref_slice %arg10[%dma_start3A_107, %dma_start3A_108] : memref<38x512xi32, #tpu.memory_space<vmem>> -> memref<38x512xi32, #tpu.memory_space<vmem>>
        %dma_start3A_110 = arith.constant 0 : i32
        %dma_start3A_111 = tpu.memref_slice %arg6[%mul3A_36, %dma_start3A_110] : memref<640x512xi32, #tpu.memory_space<hbm>> -> memref<38x512xi32, #tpu.memory_space<hbm>>
        %dma_start3A_112 = arith.constant 0 : i32
        %dma_start3A_113 = arith.constant 0 : i32
        %dma_start3A_114 = tpu.memref_slice %arg10[%dma_start3A_112, %dma_start3A_113] : memref<38x512xi32, #tpu.memory_space<vmem>> -> memref<38x512xi32, #tpu.memory_space<vmem>>
        %dma_start3A_115 = arith.constant 0 : i32
        %dma_start3A_116 = tpu.memref_slice %arg6[%mul3A_36, %dma_start3A_115] : memref<640x512xi32, #tpu.memory_space<hbm>> -> memref<38x512xi32, #tpu.memory_space<hbm>>
        tpu.enqueue_dma source(%dma_start3A_116 : memref<38x512xi32, #tpu.memory_space<hbm>>) target(%dma_start3A_114 : memref<38x512xi32, #tpu.memory_space<vmem>>) target_semaphore(%run_scoped3A_106 : memref<!tpu.dma_semaphore, #tpu.memory_space<semaphore_mem>>)
        %dma_wait3A_117 = arith.constant 0 : i32
        %dma_wait3A_118 = arith.constant 0 : i32
        %dma_wait3A_119 = tpu.memref_slice %arg10[%dma_wait3A_117, %dma_wait3A_118] : memref<38x512xi32, #tpu.memory_space<vmem>> -> memref<38x512xi32, #tpu.memory_space<vmem>>
        %dma_wait3A_120 = arith.constant 0 : i32
        %dma_wait3A_121 = tpu.memref_slice %arg6[%mul3A_36, %dma_wait3A_120] : memref<640x512xi32, #tpu.memory_space<hbm>> -> memref<38x512xi32, #tpu.memory_space<hbm>>
        %dma_wait3A_122 = arith.constant 0 : i32
        %dma_wait3A_123 = arith.constant 0 : i32
        %dma_wait3A_124 = tpu.memref_slice %arg10[%dma_wait3A_122, %dma_wait3A_123] : memref<38x512xi32, #tpu.memory_space<vmem>> -> memref<38x512xi32, #tpu.memory_space<vmem>>
        %dma_wait3A_125 = arith.constant 0 : i32
        %dma_wait3A_126 = tpu.memref_slice %arg6[%mul3A_36, %dma_wait3A_125] : memref<640x512xi32, #tpu.memory_space<hbm>> -> memref<38x512xi32, #tpu.memory_space<hbm>>
        tpu.wait_dma2 semaphore(%run_scoped3A_106 : memref<!tpu.dma_semaphore, #tpu.memory_space<semaphore_mem>>) src(%dma_wait3A_126 : memref<38x512xi32, #tpu.memory_space<hbm>>) dst(%dma_wait3A_124 : memref<38x512xi32, #tpu.memory_space<vmem>>)
        tpu.yield
      }) : () -> ()
      "tpu.region"() ({
        %run_scoped3A_106 = tpu.sem_alloc : memref<!tpu.dma_semaphore, #tpu.memory_space<semaphore_mem>>
        %dma_start3A_107 = arith.constant 0 : i32
        %dma_start3A_108 = arith.constant 0 : i32
        %dma_start3A_109 = tpu.memref_slice %arg11[%dma_start3A_107, %dma_start3A_108] : memref<38x512xi32, #tpu.memory_space<vmem>> -> memref<38x512xi32, #tpu.memory_space<vmem>>
        %dma_start3A_110 = arith.constant 0 : i32
        %dma_start3A_111 = tpu.memref_slice %arg7[%mul3A_36, %dma_start3A_110] : memref<640x512xi32, #tpu.memory_space<hbm>> -> memref<38x512xi32, #tpu.memory_space<hbm>>
        %dma_start3A_112 = arith.constant 0 : i32
        %dma_start3A_113 = arith.constant 0 : i32
        %dma_start3A_114 = tpu.memref_slice %arg11[%dma_start3A_112, %dma_start3A_113] : memref<38x512xi32, #tpu.memory_space<vmem>> -> memref<38x512xi32, #tpu.memory_space<vmem>>
        %dma_start3A_115 = arith.constant 0 : i32
        %dma_start3A_116 = tpu.memref_slice %arg7[%mul3A_36, %dma_start3A_115] : memref<640x512xi32, #tpu.memory_space<hbm>> -> memref<38x512xi32, #tpu.memory_space<hbm>>
        tpu.enqueue_dma source(%dma_start3A_116 : memref<38x512xi32, #tpu.memory_space<hbm>>) target(%dma_start3A_114 : memref<38x512xi32, #tpu.memory_space<vmem>>) target_semaphore(%run_scoped3A_106 : memref<!tpu.dma_semaphore, #tpu.memory_space<semaphore_mem>>)
        %dma_wait3A_117 = arith.constant 0 : i32
        %dma_wait3A_118 = arith.constant 0 : i32
        %dma_wait3A_119 = tpu.memref_slice %arg11[%dma_wait3A_117, %dma_wait3A_118] : memref<38x512xi32, #tpu.memory_space<vmem>> -> memref<38x512xi32, #tpu.memory_space<vmem>>
        %dma_wait3A_120 = arith.constant 0 : i32
        %dma_wait3A_121 = tpu.memref_slice %arg7[%mul3A_36, %dma_wait3A_120] : memref<640x512xi32, #tpu.memory_space<hbm>> -> memref<38x512xi32, #tpu.memory_space<hbm>>
        %dma_wait3A_122 = arith.constant 0 : i32
        %dma_wait3A_123 = arith.constant 0 : i32
        %dma_wait3A_124 = tpu.memref_slice %arg11[%dma_wait3A_122, %dma_wait3A_123] : memref<38x512xi32, #tpu.memory_space<vmem>> -> memref<38x512xi32, #tpu.memory_space<vmem>>
        %dma_wait3A_125 = arith.constant 0 : i32
        %dma_wait3A_126 = tpu.memref_slice %arg7[%mul3A_36, %dma_wait3A_125] : memref<640x512xi32, #tpu.memory_space<hbm>> -> memref<38x512xi32, #tpu.memory_space<hbm>>
        tpu.wait_dma2 semaphore(%run_scoped3A_106 : memref<!tpu.dma_semaphore, #tpu.memory_space<semaphore_mem>>) src(%dma_wait3A_126 : memref<38x512xi32, #tpu.memory_space<hbm>>) dst(%dma_wait3A_124 : memref<38x512xi32, #tpu.memory_space<vmem>>)
        tpu.yield
      }) : () -> ()
      %dma_start3A_70 = arith.constant 0 : i32
      %dma_start3A_71 = arith.constant 0 : i32
      %dma_start3A_72 = tpu.memref_slice %arg10[%dma_start3A_70, %dma_start3A_71] : memref<38x512xi32, #tpu.memory_space<vmem>> -> memref<1x512xi32, #tpu.memory_space<vmem>>
      %dma_start3A_73 = tpu.memref_squeeze %dma_start3A_72 : memref<1x512xi32, #tpu.memory_space<vmem>> -> memref<512xi32, #tpu.memory_space<vmem>>
      %dma_start3A_74 = arith.constant 0 : i32
      %dma_start3A_75 = arith.constant 0 : i32
      %dma_start3A_76 = tpu.memref_slice %arg3[%dma_start3A_74, %dma_start3A_75] : memref<10000x16xf32, #tpu.memory_space<hbm>> -> memref<10000x16xf32, #tpu.memory_space<hbm>>
      tpu.enqueue_indirect_dma source(%dma_start3A_76 : memref<10000x16xf32, #tpu.memory_space<hbm>>) target(%arg18 : memref<512x16xf32, #tpu.memory_space<vmem>>) offsets(%dma_start3A_73 : memref<512xi32, #tpu.memory_space<vmem>>) semaphore(%arg12 : memref<!tpu.dma_semaphore, #tpu.memory_space<semaphore_mem>>)
      %scan3A_77 = arith.constant 0 : i32
      %scan3A_78 = arith.constant 0 : i32
      %scan3A_79 = arith.constant 18 : i32
      %scan3A_80 = arith.addi %scan3A_78, %scan3A_79 : i32
      %scan3A_81 = arith.constant 1 : i32
      scf.for %scan3A_106 = %scan3A_78 to %scan3A_80 step %scan3A_81  : i32 {
        %mul3A_107 = arith.constant 2 : i32
        %mul3A_108 = arith.muli %mul3A_107, %scan3A_106 : i32
        %add3A_109 = arith.constant 1 : i32
        %add3A_110 = arith.addi %mul3A_108, %add3A_109 : i32
        %dma_start3A_111 = arith.constant 0 : i32
        %dma_start3A_112 = tpu.memref_slice %arg10[%add3A_110, %dma_start3A_111] : memref<38x512xi32, #tpu.memory_space<vmem>> -> memref<1x512xi32, #tpu.memory_space<vmem>>
        %dma_start3A_113 = tpu.memref_squeeze %dma_start3A_112 : memref<1x512xi32, #tpu.memory_space<vmem>> -> memref<512xi32, #tpu.memory_space<vmem>>
        %dma_start3A_114 = arith.constant 0 : i32
        %dma_start3A_115 = arith.constant 0 : i32
        %dma_start3A_116 = tpu.memref_slice %arg3[%dma_start3A_114, %dma_start3A_115] : memref<10000x16xf32, #tpu.memory_space<hbm>> -> memref<10000x16xf32, #tpu.memory_space<hbm>>
        tpu.enqueue_indirect_dma source(%dma_start3A_116 : memref<10000x16xf32, #tpu.memory_space<hbm>>) target(%arg19 : memref<512x16xf32, #tpu.memory_space<vmem>>) offsets(%dma_start3A_113 : memref<512xi32, #tpu.memory_space<vmem>>) semaphore(%arg13 : memref<!tpu.dma_semaphore, #tpu.memory_space<semaphore_mem>>)
        %dma_wait3A_117 = arith.constant 0 : i32
        %dma_wait3A_118 = tpu.memref_slice %arg10[%mul3A_108, %dma_wait3A_117] : memref<38x512xi32, #tpu.memory_space<vmem>> -> memref<1x512xi32, #tpu.memory_space<vmem>>
        %dma_wait3A_119 = tpu.memref_squeeze %dma_wait3A_118 : memref<1x512xi32, #tpu.memory_space<vmem>> -> memref<512xi32, #tpu.memory_space<vmem>>
        %dma_wait3A_120 = arith.constant 0 : i32
        %dma_wait3A_121 = arith.constant 0 : i32
        %dma_wait3A_122 = tpu.memref_slice %arg3[%dma_wait3A_120, %dma_wait3A_121] : memref<10000x16xf32, #tpu.memory_space<hbm>> -> memref<10000x16xf32, #tpu.memory_space<hbm>>
        tpu.wait_indirect_dma semaphore(%arg12 : memref<!tpu.dma_semaphore, #tpu.memory_space<semaphore_mem>>) src(%dma_wait3A_122 : memref<10000x16xf32, #tpu.memory_space<hbm>>) dst(%arg18 : memref<512x16xf32, #tpu.memory_space<vmem>>)
        "tpu.region"() ({
          %run_scoped3A_141 = tpu.sem_alloc : memref<!tpu.dma_semaphore, #tpu.memory_space<semaphore_mem>>
          %dma_start3A_142 = arith.constant 0 : i32
          %dma_start3A_143 = tpu.memref_slice %arg11[%mul3A_108, %dma_start3A_142] : memref<38x512xi32, #tpu.memory_space<vmem>> -> memref<1x512xi32, #tpu.memory_space<vmem>>
          %dma_start3A_144 = tpu.memref_squeeze %dma_start3A_143 : memref<1x512xi32, #tpu.memory_space<vmem>> -> memref<512xi32, #tpu.memory_space<vmem>>
          %dma_start3A_145 = arith.constant 0 : i32
          %dma_start3A_146 = arith.constant 0 : i32
          %dma_start3A_147 = tpu.memref_slice %arg15[%dma_start3A_145, %dma_start3A_146] : memref<10240x16xf32, #tpu.memory_space<vmem_shared>> -> memref<10240x16xf32, #tpu.memory_space<vmem_shared>>
          tpu.enqueue_indirect_dma source(%arg18 : memref<512x16xf32, #tpu.memory_space<vmem>>) target(%dma_start3A_147 : memref<10240x16xf32, #tpu.memory_space<vmem_shared>>) offsets(%dma_start3A_144 : memref<512xi32, #tpu.memory_space<vmem>>) semaphore(%run_scoped3A_141 : memref<!tpu.dma_semaphore, #tpu.memory_space<semaphore_mem>>) {add = true}
          %dma_wait3A_148 = arith.constant 0 : i32
          %dma_wait3A_149 = tpu.memref_slice %arg11[%mul3A_108, %dma_wait3A_148] : memref<38x512xi32, #tpu.memory_space<vmem>> -> memref<1x512xi32, #tpu.memory_space<vmem>>
          %dma_wait3A_150 = tpu.memref_squeeze %dma_wait3A_149 : memref<1x512xi32, #tpu.memory_space<vmem>> -> memref<512xi32, #tpu.memory_space<vmem>>
          %dma_wait3A_151 = arith.constant 0 : i32
          %dma_wait3A_152 = arith.constant 0 : i32
          %dma_wait3A_153 = tpu.memref_slice %arg15[%dma_wait3A_151, %dma_wait3A_152] : memref<10240x16xf32, #tpu.memory_space<vmem_shared>> -> memref<10240x16xf32, #tpu.memory_space<vmem_shared>>
          tpu.wait_indirect_dma semaphore(%run_scoped3A_141 : memref<!tpu.dma_semaphore, #tpu.memory_space<semaphore_mem>>) src(%arg18 : memref<512x16xf32, #tpu.memory_space<vmem>>) dst(%dma_wait3A_153 : memref<10240x16xf32, #tpu.memory_space<vmem_shared>>)
          tpu.yield
        }) : () -> ()
        %add3A_123 = arith.constant 2 : i32
        %add3A_124 = arith.addi %mul3A_108, %add3A_123 : i32
        %dma_start3A_125 = arith.constant 0 : i32
        %dma_start3A_126 = tpu.memref_slice %arg10[%add3A_124, %dma_start3A_125] : memref<38x512xi32, #tpu.memory_space<vmem>> -> memref<1x512xi32, #tpu.memory_space<vmem>>
        %dma_start3A_127 = tpu.memref_squeeze %dma_start3A_126 : memref<1x512xi32, #tpu.memory_space<vmem>> -> memref<512xi32, #tpu.memory_space<vmem>>
        %dma_start3A_128 = arith.constant 0 : i32
        %dma_start3A_129 = arith.constant 0 : i32
        %dma_start3A_130 = tpu.memref_slice %arg3[%dma_start3A_128, %dma_start3A_129] : memref<10000x16xf32, #tpu.memory_space<hbm>> -> memref<10000x16xf32, #tpu.memory_space<hbm>>
        tpu.enqueue_indirect_dma source(%dma_start3A_130 : memref<10000x16xf32, #tpu.memory_space<hbm>>) target(%arg18 : memref<512x16xf32, #tpu.memory_space<vmem>>) offsets(%dma_start3A_127 : memref<512xi32, #tpu.memory_space<vmem>>) semaphore(%arg12 : memref<!tpu.dma_semaphore, #tpu.memory_space<semaphore_mem>>)
        %add3A_131 = arith.constant 1 : i32
        %add3A_132 = arith.addi %mul3A_108, %add3A_131 : i32
        %dma_wait3A_133 = arith.constant 0 : i32
        %dma_wait3A_134 = tpu.memref_slice %arg10[%add3A_132, %dma_wait3A_133] : memref<38x512xi32, #tpu.memory_space<vmem>> -> memref<1x512xi32, #tpu.memory_space<vmem>>
        %dma_wait3A_135 = tpu.memref_squeeze %dma_wait3A_134 : memref<1x512xi32, #tpu.memory_space<vmem>> -> memref<512xi32, #tpu.memory_space<vmem>>
        %dma_wait3A_136 = arith.constant 0 : i32
        %dma_wait3A_137 = arith.constant 0 : i32
        %dma_wait3A_138 = tpu.memref_slice %arg3[%dma_wait3A_136, %dma_wait3A_137] : memref<10000x16xf32, #tpu.memory_space<hbm>> -> memref<10000x16xf32, #tpu.memory_space<hbm>>
        tpu.wait_indirect_dma semaphore(%arg13 : memref<!tpu.dma_semaphore, #tpu.memory_space<semaphore_mem>>) src(%dma_wait3A_138 : memref<10000x16xf32, #tpu.memory_space<hbm>>) dst(%arg19 : memref<512x16xf32, #tpu.memory_space<vmem>>)
        %add3A_139 = arith.constant 1 : i32
        %add3A_140 = arith.addi %mul3A_108, %add3A_139 : i32
        "tpu.region"() ({
          %run_scoped3A_141 = tpu.sem_alloc : memref<!tpu.dma_semaphore, #tpu.memory_space<semaphore_mem>>
          %dma_start3A_142 = arith.constant 0 : i32
          %dma_start3A_143 = tpu.memref_slice %arg11[%add3A_140, %dma_start3A_142] : memref<38x512xi32, #tpu.memory_space<vmem>> -> memref<1x512xi32, #tpu.memory_space<vmem>>
          %dma_start3A_144 = tpu.memref_squeeze %dma_start3A_143 : memref<1x512xi32, #tpu.memory_space<vmem>> -> memref<512xi32, #tpu.memory_space<vmem>>
          %dma_start3A_145 = arith.constant 0 : i32
          %dma_start3A_146 = arith.constant 0 : i32
          %dma_start3A_147 = tpu.memref_slice %arg15[%dma_start3A_145, %dma_start3A_146] : memref<10240x16xf32, #tpu.memory_space<vmem_shared>> -> memref<10240x16xf32, #tpu.memory_space<vmem_shared>>
          tpu.enqueue_indirect_dma source(%arg19 : memref<512x16xf32, #tpu.memory_space<vmem>>) target(%dma_start3A_147 : memref<10240x16xf32, #tpu.memory_space<vmem_shared>>) offsets(%dma_start3A_144 : memref<512xi32, #tpu.memory_space<vmem>>) semaphore(%run_scoped3A_141 : memref<!tpu.dma_semaphore, #tpu.memory_space<semaphore_mem>>) {add = true}
          %dma_wait3A_148 = arith.constant 0 : i32
          %dma_wait3A_149 = tpu.memref_slice %arg11[%add3A_140, %dma_wait3A_148] : memref<38x512xi32, #tpu.memory_space<vmem>> -> memref<1x512xi32, #tpu.memory_space<vmem>>
          %dma_wait3A_150 = tpu.memref_squeeze %dma_wait3A_149 : memref<1x512xi32, #tpu.memory_space<vmem>> -> memref<512xi32, #tpu.memory_space<vmem>>
          %dma_wait3A_151 = arith.constant 0 : i32
          %dma_wait3A_152 = arith.constant 0 : i32
          %dma_wait3A_153 = tpu.memref_slice %arg15[%dma_wait3A_151, %dma_wait3A_152] : memref<10240x16xf32, #tpu.memory_space<vmem_shared>> -> memref<10240x16xf32, #tpu.memory_space<vmem_shared>>
          tpu.wait_indirect_dma semaphore(%run_scoped3A_141 : memref<!tpu.dma_semaphore, #tpu.memory_space<semaphore_mem>>) src(%arg19 : memref<512x16xf32, #tpu.memory_space<vmem>>) dst(%dma_wait3A_153 : memref<10240x16xf32, #tpu.memory_space<vmem_shared>>)
          tpu.yield
        }) : () -> ()
      }
      %scan3A_82 = arith.constant 18 : i32
      %dma_start3A_83 = arith.constant 37 : i32
      %dma_start3A_84 = arith.constant 0 : i32
      %dma_start3A_85 = tpu.memref_slice %arg10[%dma_start3A_83, %dma_start3A_84] : memref<38x512xi32, #tpu.memory_space<vmem>> -> memref<1x512xi32, #tpu.memory_space<vmem>>
      %dma_start3A_86 = tpu.memref_squeeze %dma_start3A_85 : memref<1x512xi32, #tpu.memory_space<vmem>> -> memref<512xi32, #tpu.memory_space<vmem>>
      %dma_start3A_87 = arith.constant 0 : i32
      %dma_start3A_88 = arith.constant 0 : i32
      %dma_start3A_89 = tpu.memref_slice %arg3[%dma_start3A_87, %dma_start3A_88] : memref<10000x16xf32, #tpu.memory_space<hbm>> -> memref<10000x16xf32, #tpu.memory_space<hbm>>
      tpu.enqueue_indirect_dma source(%dma_start3A_89 : memref<10000x16xf32, #tpu.memory_space<hbm>>) target(%arg19 : memref<512x16xf32, #tpu.memory_space<vmem>>) offsets(%dma_start3A_86 : memref<512xi32, #tpu.memory_space<vmem>>) semaphore(%arg13 : memref<!tpu.dma_semaphore, #tpu.memory_space<semaphore_mem>>)
      %dma_wait3A_90 = arith.constant 36 : i32
      %dma_wait3A_91 = arith.constant 0 : i32
      %dma_wait3A_92 = tpu.memref_slice %arg10[%dma_wait3A_90, %dma_wait3A_91] : memref<38x512xi32, #tpu.memory_space<vmem>> -> memref<1x512xi32, #tpu.memory_space<vmem>>
      %dma_wait3A_93 = tpu.memref_squeeze %dma_wait3A_92 : memref<1x512xi32, #tpu.memory_space<vmem>> -> memref<512xi32, #tpu.memory_space<vmem>>
      %dma_wait3A_94 = arith.constant 0 : i32
      %dma_wait3A_95 = arith.constant 0 : i32
      %dma_wait3A_96 = tpu.memref_slice %arg3[%dma_wait3A_94, %dma_wait3A_95] : memref<10000x16xf32, #tpu.memory_space<hbm>> -> memref<10000x16xf32, #tpu.memory_space<hbm>>
      tpu.wait_indirect_dma semaphore(%arg12 : memref<!tpu.dma_semaphore, #tpu.memory_space<semaphore_mem>>) src(%dma_wait3A_96 : memref<10000x16xf32, #tpu.memory_space<hbm>>) dst(%arg18 : memref<512x16xf32, #tpu.memory_space<vmem>>)
      %run_scoped3A_97 = arith.constant 36 : i32
      "tpu.region"() ({
        %run_scoped3A_106 = tpu.sem_alloc : memref<!tpu.dma_semaphore, #tpu.memory_space<semaphore_mem>>
        %dma_start3A_107 = arith.constant 0 : i32
        %dma_start3A_108 = tpu.memref_slice %arg11[%run_scoped3A_97, %dma_start3A_107] : memref<38x512xi32, #tpu.memory_space<vmem>> -> memref<1x512xi32, #tpu.memory_space<vmem>>
        %dma_start3A_109 = tpu.memref_squeeze %dma_start3A_108 : memref<1x512xi32, #tpu.memory_space<vmem>> -> memref<512xi32, #tpu.memory_space<vmem>>
        %dma_start3A_110 = arith.constant 0 : i32
        %dma_start3A_111 = arith.constant 0 : i32
        %dma_start3A_112 = tpu.memref_slice %arg15[%dma_start3A_110, %dma_start3A_111] : memref<10240x16xf32, #tpu.memory_space<vmem_shared>> -> memref<10240x16xf32, #tpu.memory_space<vmem_shared>>
        tpu.enqueue_indirect_dma source(%arg18 : memref<512x16xf32, #tpu.memory_space<vmem>>) target(%dma_start3A_112 : memref<10240x16xf32, #tpu.memory_space<vmem_shared>>) offsets(%dma_start3A_109 : memref<512xi32, #tpu.memory_space<vmem>>) semaphore(%run_scoped3A_106 : memref<!tpu.dma_semaphore, #tpu.memory_space<semaphore_mem>>) {add = true}
        %dma_wait3A_113 = arith.constant 0 : i32
        %dma_wait3A_114 = tpu.memref_slice %arg11[%run_scoped3A_97, %dma_wait3A_113] : memref<38x512xi32, #tpu.memory_space<vmem>> -> memref<1x512xi32, #tpu.memory_space<vmem>>
        %dma_wait3A_115 = tpu.memref_squeeze %dma_wait3A_114 : memref<1x512xi32, #tpu.memory_space<vmem>> -> memref<512xi32, #tpu.memory_space<vmem>>
        %dma_wait3A_116 = arith.constant 0 : i32
        %dma_wait3A_117 = arith.constant 0 : i32
        %dma_wait3A_118 = tpu.memref_slice %arg15[%dma_wait3A_116, %dma_wait3A_117] : memref<10240x16xf32, #tpu.memory_space<vmem_shared>> -> memref<10240x16xf32, #tpu.memory_space<vmem_shared>>
        tpu.wait_indirect_dma semaphore(%run_scoped3A_106 : memref<!tpu.dma_semaphore, #tpu.memory_space<semaphore_mem>>) src(%arg18 : memref<512x16xf32, #tpu.memory_space<vmem>>) dst(%dma_wait3A_118 : memref<10240x16xf32, #tpu.memory_space<vmem_shared>>)
        tpu.yield
      }) : () -> ()
      %dma_wait3A_98 = arith.constant 37 : i32
      %dma_wait3A_99 = arith.constant 0 : i32
      %dma_wait3A_100 = tpu.memref_slice %arg10[%dma_wait3A_98, %dma_wait3A_99] : memref<38x512xi32, #tpu.memory_space<vmem>> -> memref<1x512xi32, #tpu.memory_space<vmem>>
      %dma_wait3A_101 = tpu.memref_squeeze %dma_wait3A_100 : memref<1x512xi32, #tpu.memory_space<vmem>> -> memref<512xi32, #tpu.memory_space<vmem>>
      %dma_wait3A_102 = arith.constant 0 : i32
      %dma_wait3A_103 = arith.constant 0 : i32
      %dma_wait3A_104 = tpu.memref_slice %arg3[%dma_wait3A_102, %dma_wait3A_103] : memref<10000x16xf32, #tpu.memory_space<hbm>> -> memref<10000x16xf32, #tpu.memory_space<hbm>>
      tpu.wait_indirect_dma semaphore(%arg13 : memref<!tpu.dma_semaphore, #tpu.memory_space<semaphore_mem>>) src(%dma_wait3A_104 : memref<10000x16xf32, #tpu.memory_space<hbm>>) dst(%arg19 : memref<512x16xf32, #tpu.memory_space<vmem>>)
      %run_scoped3A_105 = arith.constant 37 : i32
      "tpu.region"() ({
        %run_scoped3A_106 = tpu.sem_alloc : memref<!tpu.dma_semaphore, #tpu.memory_space<semaphore_mem>>
        %dma_start3A_107 = arith.constant 0 : i32
        %dma_start3A_108 = tpu.memref_slice %arg11[%run_scoped3A_105, %dma_start3A_107] : memref<38x512xi32, #tpu.memory_space<vmem>> -> memref<1x512xi32, #tpu.memory_space<vmem>>
        %dma_start3A_109 = tpu.memref_squeeze %dma_start3A_108 : memref<1x512xi32, #tpu.memory_space<vmem>> -> memref<512xi32, #tpu.memory_space<vmem>>
        %dma_start3A_110 = arith.constant 0 : i32
        %dma_start3A_111 = arith.constant 0 : i32
        %dma_start3A_112 = tpu.memref_slice %arg15[%dma_start3A_110, %dma_start3A_111] : memref<10240x16xf32, #tpu.memory_space<vmem_shared>> -> memref<10240x16xf32, #tpu.memory_space<vmem_shared>>
        tpu.enqueue_indirect_dma source(%arg19 : memref<512x16xf32, #tpu.memory_space<vmem>>) target(%dma_start3A_112 : memref<10240x16xf32, #tpu.memory_space<vmem_shared>>) offsets(%dma_start3A_109 : memref<512xi32, #tpu.memory_space<vmem>>) semaphore(%run_scoped3A_106 : memref<!tpu.dma_semaphore, #tpu.memory_space<semaphore_mem>>) {add = true}
        %dma_wait3A_113 = arith.constant 0 : i32
        %dma_wait3A_114 = tpu.memref_slice %arg11[%run_scoped3A_105, %dma_wait3A_113] : memref<38x512xi32, #tpu.memory_space<vmem>> -> memref<1x512xi32, #tpu.memory_space<vmem>>
        %dma_wait3A_115 = tpu.memref_squeeze %dma_wait3A_114 : memref<1x512xi32, #tpu.memory_space<vmem>> -> memref<512xi32, #tpu.memory_space<vmem>>
        %dma_wait3A_116 = arith.constant 0 : i32
        %dma_wait3A_117 = arith.constant 0 : i32
        %dma_wait3A_118 = tpu.memref_slice %arg15[%dma_wait3A_116, %dma_wait3A_117] : memref<10240x16xf32, #tpu.memory_space<vmem_shared>> -> memref<10240x16xf32, #tpu.memory_space<vmem_shared>>
        tpu.wait_indirect_dma semaphore(%run_scoped3A_106 : memref<!tpu.dma_semaphore, #tpu.memory_space<semaphore_mem>>) src(%arg19 : memref<512x16xf32, #tpu.memory_space<vmem>>) dst(%dma_wait3A_118 : memref<10240x16xf32, #tpu.memory_space<vmem_shared>>)
        tpu.yield
      }) : () -> ()
    } else {
    }
    %eq3A_29 = arith.constant 1 : i32
    %eq3A_30 = arith.cmpi eq, %arg0, %eq3A_29 : i32
    %convert_element_type3A_31 = arith.extui %eq3A_30 : i1 to i32
    %cond3A_32 = arith.constant 0 : i32
    %cond3A_33 = arith.cmpi ne, %convert_element_type3A_31, %cond3A_32 : i32
    scf.if %cond3A_33 {
      %mul3A_35 = arith.constant 2 : i32
      %mul3A_36 = arith.muli %arg1, %mul3A_35 : i32
      %add3A_37 = arith.constant 608 : i32
      %add3A_38 = arith.addi %add3A_37, %mul3A_36 : i32
      "tpu.region"() ({
        %run_scoped3A_106 = tpu.sem_alloc : memref<!tpu.dma_semaphore, #tpu.memory_space<semaphore_mem>>
        %dma_start3A_107 = arith.constant 0 : i32
        %dma_start3A_108 = arith.constant 0 : i32
        %dma_start3A_109 = tpu.memref_slice %arg10[%dma_start3A_107, %dma_start3A_108] : memref<38x512xi32, #tpu.memory_space<vmem>> -> memref<2x512xi32, #tpu.memory_space<vmem>>
        %dma_start3A_110 = arith.constant 0 : i32
        %dma_start3A_111 = tpu.memref_slice %arg4[%add3A_38, %dma_start3A_110] : memref<640x512xi32, #tpu.memory_space<hbm>> -> memref<2x512xi32, #tpu.memory_space<hbm>>
        %dma_start3A_112 = arith.constant 0 : i32
        %dma_start3A_113 = arith.constant 0 : i32
        %dma_start3A_114 = tpu.memref_slice %arg10[%dma_start3A_112, %dma_start3A_113] : memref<38x512xi32, #tpu.memory_space<vmem>> -> memref<2x512xi32, #tpu.memory_space<vmem>>
        %dma_start3A_115 = arith.constant 0 : i32
        %dma_start3A_116 = tpu.memref_slice %arg4[%add3A_38, %dma_start3A_115] : memref<640x512xi32, #tpu.memory_space<hbm>> -> memref<2x512xi32, #tpu.memory_space<hbm>>
        tpu.enqueue_dma source(%dma_start3A_116 : memref<2x512xi32, #tpu.memory_space<hbm>>) target(%dma_start3A_114 : memref<2x512xi32, #tpu.memory_space<vmem>>) target_semaphore(%run_scoped3A_106 : memref<!tpu.dma_semaphore, #tpu.memory_space<semaphore_mem>>)
        %dma_wait3A_117 = arith.constant 0 : i32
        %dma_wait3A_118 = arith.constant 0 : i32
        %dma_wait3A_119 = tpu.memref_slice %arg10[%dma_wait3A_117, %dma_wait3A_118] : memref<38x512xi32, #tpu.memory_space<vmem>> -> memref<2x512xi32, #tpu.memory_space<vmem>>
        %dma_wait3A_120 = arith.constant 0 : i32
        %dma_wait3A_121 = tpu.memref_slice %arg4[%add3A_38, %dma_wait3A_120] : memref<640x512xi32, #tpu.memory_space<hbm>> -> memref<2x512xi32, #tpu.memory_space<hbm>>
        %dma_wait3A_122 = arith.constant 0 : i32
        %dma_wait3A_123 = arith.constant 0 : i32
        %dma_wait3A_124 = tpu.memref_slice %arg10[%dma_wait3A_122, %dma_wait3A_123] : memref<38x512xi32, #tpu.memory_space<vmem>> -> memref<2x512xi32, #tpu.memory_space<vmem>>
        %dma_wait3A_125 = arith.constant 0 : i32
        %dma_wait3A_126 = tpu.memref_slice %arg4[%add3A_38, %dma_wait3A_125] : memref<640x512xi32, #tpu.memory_space<hbm>> -> memref<2x512xi32, #tpu.memory_space<hbm>>
        tpu.wait_dma2 semaphore(%run_scoped3A_106 : memref<!tpu.dma_semaphore, #tpu.memory_space<semaphore_mem>>) src(%dma_wait3A_126 : memref<2x512xi32, #tpu.memory_space<hbm>>) dst(%dma_wait3A_124 : memref<2x512xi32, #tpu.memory_space<vmem>>)
        tpu.yield
      }) : () -> ()
      "tpu.region"() ({
        %run_scoped3A_106 = tpu.sem_alloc : memref<!tpu.dma_semaphore, #tpu.memory_space<semaphore_mem>>
        %dma_start3A_107 = arith.constant 0 : i32
        %dma_start3A_108 = arith.constant 0 : i32
        %dma_start3A_109 = tpu.memref_slice %arg11[%dma_start3A_107, %dma_start3A_108] : memref<38x512xi32, #tpu.memory_space<vmem>> -> memref<2x512xi32, #tpu.memory_space<vmem>>
        %dma_start3A_110 = arith.constant 0 : i32
        %dma_start3A_111 = tpu.memref_slice %arg5[%add3A_38, %dma_start3A_110] : memref<640x512xi32, #tpu.memory_space<hbm>> -> memref<2x512xi32, #tpu.memory_space<hbm>>
        %dma_start3A_112 = arith.constant 0 : i32
        %dma_start3A_113 = arith.constant 0 : i32
        %dma_start3A_114 = tpu.memref_slice %arg11[%dma_start3A_112, %dma_start3A_113] : memref<38x512xi32, #tpu.memory_space<vmem>> -> memref<2x512xi32, #tpu.memory_space<vmem>>
        %dma_start3A_115 = arith.constant 0 : i32
        %dma_start3A_116 = tpu.memref_slice %arg5[%add3A_38, %dma_start3A_115] : memref<640x512xi32, #tpu.memory_space<hbm>> -> memref<2x512xi32, #tpu.memory_space<hbm>>
        tpu.enqueue_dma source(%dma_start3A_116 : memref<2x512xi32, #tpu.memory_space<hbm>>) target(%dma_start3A_114 : memref<2x512xi32, #tpu.memory_space<vmem>>) target_semaphore(%run_scoped3A_106 : memref<!tpu.dma_semaphore, #tpu.memory_space<semaphore_mem>>)
        %dma_wait3A_117 = arith.constant 0 : i32
        %dma_wait3A_118 = arith.constant 0 : i32
        %dma_wait3A_119 = tpu.memref_slice %arg11[%dma_wait3A_117, %dma_wait3A_118] : memref<38x512xi32, #tpu.memory_space<vmem>> -> memref<2x512xi32, #tpu.memory_space<vmem>>
        %dma_wait3A_120 = arith.constant 0 : i32
        %dma_wait3A_121 = tpu.memref_slice %arg5[%add3A_38, %dma_wait3A_120] : memref<640x512xi32, #tpu.memory_space<hbm>> -> memref<2x512xi32, #tpu.memory_space<hbm>>
        %dma_wait3A_122 = arith.constant 0 : i32
        %dma_wait3A_123 = arith.constant 0 : i32
        %dma_wait3A_124 = tpu.memref_slice %arg11[%dma_wait3A_122, %dma_wait3A_123] : memref<38x512xi32, #tpu.memory_space<vmem>> -> memref<2x512xi32, #tpu.memory_space<vmem>>
        %dma_wait3A_125 = arith.constant 0 : i32
        %dma_wait3A_126 = tpu.memref_slice %arg5[%add3A_38, %dma_wait3A_125] : memref<640x512xi32, #tpu.memory_space<hbm>> -> memref<2x512xi32, #tpu.memory_space<hbm>>
        tpu.wait_dma2 semaphore(%run_scoped3A_106 : memref<!tpu.dma_semaphore, #tpu.memory_space<semaphore_mem>>) src(%dma_wait3A_126 : memref<2x512xi32, #tpu.memory_space<hbm>>) dst(%dma_wait3A_124 : memref<2x512xi32, #tpu.memory_space<vmem>>)
        tpu.yield
      }) : () -> ()
      %dma_start3A = arith.constant 0 : i32
      %dma_start3A_39 = arith.constant 0 : i32
      %dma_start3A_40 = tpu.memref_slice %arg10[%dma_start3A, %dma_start3A_39] : memref<38x512xi32, #tpu.memory_space<vmem>> -> memref<1x512xi32, #tpu.memory_space<vmem>>
      %dma_start3A_41 = tpu.memref_squeeze %dma_start3A_40 : memref<1x512xi32, #tpu.memory_space<vmem>> -> memref<512xi32, #tpu.memory_space<vmem>>
      %dma_start3A_42 = arith.constant 0 : i32
      %dma_start3A_43 = arith.constant 0 : i32
      %dma_start3A_44 = tpu.memref_slice %arg2[%dma_start3A_42, %dma_start3A_43] : memref<10000x32xf32, #tpu.memory_space<hbm>> -> memref<10000x32xf32, #tpu.memory_space<hbm>>
      tpu.enqueue_indirect_dma source(%dma_start3A_44 : memref<10000x32xf32, #tpu.memory_space<hbm>>) target(%arg16 : memref<512x32xf32, #tpu.memory_space<vmem>>) offsets(%dma_start3A_41 : memref<512xi32, #tpu.memory_space<vmem>>) semaphore(%arg12 : memref<!tpu.dma_semaphore, #tpu.memory_space<semaphore_mem>>)
      %scan3A_45 = arith.constant 0 : i32
      %scan3A_46 = arith.constant 0 : i32
      %scan3A_47 = arith.constant 0 : i32
      %scan3A_48 = arith.addi %scan3A_46, %scan3A_47 : i32
      %scan3A_49 = arith.constant 0 : i32
      %dma_start3A_50 = arith.constant 1 : i32
      %dma_start3A_51 = arith.constant 0 : i32
      %dma_start3A_52 = tpu.memref_slice %arg10[%dma_start3A_50, %dma_start3A_51] : memref<38x512xi32, #tpu.memory_space<vmem>> -> memref<1x512xi32, #tpu.memory_space<vmem>>
      %dma_start3A_53 = tpu.memref_squeeze %dma_start3A_52 : memref<1x512xi32, #tpu.memory_space<vmem>> -> memref<512xi32, #tpu.memory_space<vmem>>
      %dma_start3A_54 = arith.constant 0 : i32
      %dma_start3A_55 = arith.constant 0 : i32
      %dma_start3A_56 = tpu.memref_slice %arg2[%dma_start3A_54, %dma_start3A_55] : memref<10000x32xf32, #tpu.memory_space<hbm>> -> memref<10000x32xf32, #tpu.memory_space<hbm>>
      tpu.enqueue_indirect_dma source(%dma_start3A_56 : memref<10000x32xf32, #tpu.memory_space<hbm>>) target(%arg17 : memref<512x32xf32, #tpu.memory_space<vmem>>) offsets(%dma_start3A_53 : memref<512xi32, #tpu.memory_space<vmem>>) semaphore(%arg13 : memref<!tpu.dma_semaphore, #tpu.memory_space<semaphore_mem>>)
      %dma_wait3A = arith.constant 0 : i32
      %dma_wait3A_57 = arith.constant 0 : i32
      %dma_wait3A_58 = tpu.memref_slice %arg10[%dma_wait3A, %dma_wait3A_57] : memref<38x512xi32, #tpu.memory_space<vmem>> -> memref<1x512xi32, #tpu.memory_space<vmem>>
      %dma_wait3A_59 = tpu.memref_squeeze %dma_wait3A_58 : memref<1x512xi32, #tpu.memory_space<vmem>> -> memref<512xi32, #tpu.memory_space<vmem>>
      %dma_wait3A_60 = arith.constant 0 : i32
      %dma_wait3A_61 = arith.constant 0 : i32
      %dma_wait3A_62 = tpu.memref_slice %arg2[%dma_wait3A_60, %dma_wait3A_61] : memref<10000x32xf32, #tpu.memory_space<hbm>> -> memref<10000x32xf32, #tpu.memory_space<hbm>>
      tpu.wait_indirect_dma semaphore(%arg12 : memref<!tpu.dma_semaphore, #tpu.memory_space<semaphore_mem>>) src(%dma_wait3A_62 : memref<10000x32xf32, #tpu.memory_space<hbm>>) dst(%arg16 : memref<512x32xf32, #tpu.memory_space<vmem>>)
      %run_scoped3A = arith.constant 0 : i32
      "tpu.region"() ({
        %run_scoped3A_106 = tpu.sem_alloc : memref<!tpu.dma_semaphore, #tpu.memory_space<semaphore_mem>>
        %dma_start3A_107 = arith.constant 0 : i32
        %dma_start3A_108 = tpu.memref_slice %arg11[%run_scoped3A, %dma_start3A_107] : memref<38x512xi32, #tpu.memory_space<vmem>> -> memref<1x512xi32, #tpu.memory_space<vmem>>
        %dma_start3A_109 = tpu.memref_squeeze %dma_start3A_108 : memref<1x512xi32, #tpu.memory_space<vmem>> -> memref<512xi32, #tpu.memory_space<vmem>>
        %dma_start3A_110 = arith.constant 0 : i32
        %dma_start3A_111 = arith.constant 0 : i32
        %dma_start3A_112 = tpu.memref_slice %arg14[%dma_start3A_110, %dma_start3A_111] : memref<10240x32xf32, #tpu.memory_space<vmem_shared>> -> memref<10240x32xf32, #tpu.memory_space<vmem_shared>>
        tpu.enqueue_indirect_dma source(%arg16 : memref<512x32xf32, #tpu.memory_space<vmem>>) target(%dma_start3A_112 : memref<10240x32xf32, #tpu.memory_space<vmem_shared>>) offsets(%dma_start3A_109 : memref<512xi32, #tpu.memory_space<vmem>>) semaphore(%run_scoped3A_106 : memref<!tpu.dma_semaphore, #tpu.memory_space<semaphore_mem>>) {add = true}
        %dma_wait3A_113 = arith.constant 0 : i32
        %dma_wait3A_114 = tpu.memref_slice %arg11[%run_scoped3A, %dma_wait3A_113] : memref<38x512xi32, #tpu.memory_space<vmem>> -> memref<1x512xi32, #tpu.memory_space<vmem>>
        %dma_wait3A_115 = tpu.memref_squeeze %dma_wait3A_114 : memref<1x512xi32, #tpu.memory_space<vmem>> -> memref<512xi32, #tpu.memory_space<vmem>>
        %dma_wait3A_116 = arith.constant 0 : i32
        %dma_wait3A_117 = arith.constant 0 : i32
        %dma_wait3A_118 = tpu.memref_slice %arg14[%dma_wait3A_116, %dma_wait3A_117] : memref<10240x32xf32, #tpu.memory_space<vmem_shared>> -> memref<10240x32xf32, #tpu.memory_space<vmem_shared>>
        tpu.wait_indirect_dma semaphore(%run_scoped3A_106 : memref<!tpu.dma_semaphore, #tpu.memory_space<semaphore_mem>>) src(%arg16 : memref<512x32xf32, #tpu.memory_space<vmem>>) dst(%dma_wait3A_118 : memref<10240x32xf32, #tpu.memory_space<vmem_shared>>)
        tpu.yield
      }) : () -> ()
      %dma_wait3A_63 = arith.constant 1 : i32
      %dma_wait3A_64 = arith.constant 0 : i32
      %dma_wait3A_65 = tpu.memref_slice %arg10[%dma_wait3A_63, %dma_wait3A_64] : memref<38x512xi32, #tpu.memory_space<vmem>> -> memref<1x512xi32, #tpu.memory_space<vmem>>
      %dma_wait3A_66 = tpu.memref_squeeze %dma_wait3A_65 : memref<1x512xi32, #tpu.memory_space<vmem>> -> memref<512xi32, #tpu.memory_space<vmem>>
      %dma_wait3A_67 = arith.constant 0 : i32
      %dma_wait3A_68 = arith.constant 0 : i32
      %dma_wait3A_69 = tpu.memref_slice %arg2[%dma_wait3A_67, %dma_wait3A_68] : memref<10000x32xf32, #tpu.memory_space<hbm>> -> memref<10000x32xf32, #tpu.memory_space<hbm>>
      tpu.wait_indirect_dma semaphore(%arg13 : memref<!tpu.dma_semaphore, #tpu.memory_space<semaphore_mem>>) src(%dma_wait3A_69 : memref<10000x32xf32, #tpu.memory_space<hbm>>) dst(%arg17 : memref<512x32xf32, #tpu.memory_space<vmem>>)
      %run_scoped3A_70 = arith.constant 1 : i32
      "tpu.region"() ({
        %run_scoped3A_106 = tpu.sem_alloc : memref<!tpu.dma_semaphore, #tpu.memory_space<semaphore_mem>>
        %dma_start3A_107 = arith.constant 0 : i32
        %dma_start3A_108 = tpu.memref_slice %arg11[%run_scoped3A_70, %dma_start3A_107] : memref<38x512xi32, #tpu.memory_space<vmem>> -> memref<1x512xi32, #tpu.memory_space<vmem>>
        %dma_start3A_109 = tpu.memref_squeeze %dma_start3A_108 : memref<1x512xi32, #tpu.memory_space<vmem>> -> memref<512xi32, #tpu.memory_space<vmem>>
        %dma_start3A_110 = arith.constant 0 : i32
        %dma_start3A_111 = arith.constant 0 : i32
        %dma_start3A_112 = tpu.memref_slice %arg14[%dma_start3A_110, %dma_start3A_111] : memref<10240x32xf32, #tpu.memory_space<vmem_shared>> -> memref<10240x32xf32, #tpu.memory_space<vmem_shared>>
        tpu.enqueue_indirect_dma source(%arg17 : memref<512x32xf32, #tpu.memory_space<vmem>>) target(%dma_start3A_112 : memref<10240x32xf32, #tpu.memory_space<vmem_shared>>) offsets(%dma_start3A_109 : memref<512xi32, #tpu.memory_space<vmem>>) semaphore(%run_scoped3A_106 : memref<!tpu.dma_semaphore, #tpu.memory_space<semaphore_mem>>) {add = true}
        %dma_wait3A_113 = arith.constant 0 : i32
        %dma_wait3A_114 = tpu.memref_slice %arg11[%run_scoped3A_70, %dma_wait3A_113] : memref<38x512xi32, #tpu.memory_space<vmem>> -> memref<1x512xi32, #tpu.memory_space<vmem>>
        %dma_wait3A_115 = tpu.memref_squeeze %dma_wait3A_114 : memref<1x512xi32, #tpu.memory_space<vmem>> -> memref<512xi32, #tpu.memory_space<vmem>>
        %dma_wait3A_116 = arith.constant 0 : i32
        %dma_wait3A_117 = arith.constant 0 : i32
        %dma_wait3A_118 = tpu.memref_slice %arg14[%dma_wait3A_116, %dma_wait3A_117] : memref<10240x32xf32, #tpu.memory_space<vmem_shared>> -> memref<10240x32xf32, #tpu.memory_space<vmem_shared>>
        tpu.wait_indirect_dma semaphore(%run_scoped3A_106 : memref<!tpu.dma_semaphore, #tpu.memory_space<semaphore_mem>>) src(%arg17 : memref<512x32xf32, #tpu.memory_space<vmem>>) dst(%dma_wait3A_118 : memref<10240x32xf32, #tpu.memory_space<vmem_shared>>)
        tpu.yield
      }) : () -> ()
      "tpu.region"() ({
        %run_scoped3A_106 = tpu.sem_alloc : memref<!tpu.dma_semaphore, #tpu.memory_space<semaphore_mem>>
        %dma_start3A_107 = arith.constant 0 : i32
        %dma_start3A_108 = arith.constant 0 : i32
        %dma_start3A_109 = tpu.memref_slice %arg10[%dma_start3A_107, %dma_start3A_108] : memref<38x512xi32, #tpu.memory_space<vmem>> -> memref<2x512xi32, #tpu.memory_space<vmem>>
        %dma_start3A_110 = arith.constant 0 : i32
        %dma_start3A_111 = tpu.memref_slice %arg6[%add3A_38, %dma_start3A_110] : memref<640x512xi32, #tpu.memory_space<hbm>> -> memref<2x512xi32, #tpu.memory_space<hbm>>
        %dma_start3A_112 = arith.constant 0 : i32
        %dma_start3A_113 = arith.constant 0 : i32
        %dma_start3A_114 = tpu.memref_slice %arg10[%dma_start3A_112, %dma_start3A_113] : memref<38x512xi32, #tpu.memory_space<vmem>> -> memref<2x512xi32, #tpu.memory_space<vmem>>
        %dma_start3A_115 = arith.constant 0 : i32
        %dma_start3A_116 = tpu.memref_slice %arg6[%add3A_38, %dma_start3A_115] : memref<640x512xi32, #tpu.memory_space<hbm>> -> memref<2x512xi32, #tpu.memory_space<hbm>>
        tpu.enqueue_dma source(%dma_start3A_116 : memref<2x512xi32, #tpu.memory_space<hbm>>) target(%dma_start3A_114 : memref<2x512xi32, #tpu.memory_space<vmem>>) target_semaphore(%run_scoped3A_106 : memref<!tpu.dma_semaphore, #tpu.memory_space<semaphore_mem>>)
        %dma_wait3A_117 = arith.constant 0 : i32
        %dma_wait3A_118 = arith.constant 0 : i32
        %dma_wait3A_119 = tpu.memref_slice %arg10[%dma_wait3A_117, %dma_wait3A_118] : memref<38x512xi32, #tpu.memory_space<vmem>> -> memref<2x512xi32, #tpu.memory_space<vmem>>
        %dma_wait3A_120 = arith.constant 0 : i32
        %dma_wait3A_121 = tpu.memref_slice %arg6[%add3A_38, %dma_wait3A_120] : memref<640x512xi32, #tpu.memory_space<hbm>> -> memref<2x512xi32, #tpu.memory_space<hbm>>
        %dma_wait3A_122 = arith.constant 0 : i32
        %dma_wait3A_123 = arith.constant 0 : i32
        %dma_wait3A_124 = tpu.memref_slice %arg10[%dma_wait3A_122, %dma_wait3A_123] : memref<38x512xi32, #tpu.memory_space<vmem>> -> memref<2x512xi32, #tpu.memory_space<vmem>>
        %dma_wait3A_125 = arith.constant 0 : i32
        %dma_wait3A_126 = tpu.memref_slice %arg6[%add3A_38, %dma_wait3A_125] : memref<640x512xi32, #tpu.memory_space<hbm>> -> memref<2x512xi32, #tpu.memory_space<hbm>>
        tpu.wait_dma2 semaphore(%run_scoped3A_106 : memref<!tpu.dma_semaphore, #tpu.memory_space<semaphore_mem>>) src(%dma_wait3A_126 : memref<2x512xi32, #tpu.memory_space<hbm>>) dst(%dma_wait3A_124 : memref<2x512xi32, #tpu.memory_space<vmem>>)
        tpu.yield
      }) : () -> ()
      "tpu.region"() ({
        %run_scoped3A_106 = tpu.sem_alloc : memref<!tpu.dma_semaphore, #tpu.memory_space<semaphore_mem>>
        %dma_start3A_107 = arith.constant 0 : i32
        %dma_start3A_108 = arith.constant 0 : i32
        %dma_start3A_109 = tpu.memref_slice %arg11[%dma_start3A_107, %dma_start3A_108] : memref<38x512xi32, #tpu.memory_space<vmem>> -> memref<2x512xi32, #tpu.memory_space<vmem>>
        %dma_start3A_110 = arith.constant 0 : i32
        %dma_start3A_111 = tpu.memref_slice %arg7[%add3A_38, %dma_start3A_110] : memref<640x512xi32, #tpu.memory_space<hbm>> -> memref<2x512xi32, #tpu.memory_space<hbm>>
        %dma_start3A_112 = arith.constant 0 : i32
        %dma_start3A_113 = arith.constant 0 : i32
        %dma_start3A_114 = tpu.memref_slice %arg11[%dma_start3A_112, %dma_start3A_113] : memref<38x512xi32, #tpu.memory_space<vmem>> -> memref<2x512xi32, #tpu.memory_space<vmem>>
        %dma_start3A_115 = arith.constant 0 : i32
        %dma_start3A_116 = tpu.memref_slice %arg7[%add3A_38, %dma_start3A_115] : memref<640x512xi32, #tpu.memory_space<hbm>> -> memref<2x512xi32, #tpu.memory_space<hbm>>
        tpu.enqueue_dma source(%dma_start3A_116 : memref<2x512xi32, #tpu.memory_space<hbm>>) target(%dma_start3A_114 : memref<2x512xi32, #tpu.memory_space<vmem>>) target_semaphore(%run_scoped3A_106 : memref<!tpu.dma_semaphore, #tpu.memory_space<semaphore_mem>>)
        %dma_wait3A_117 = arith.constant 0 : i32
        %dma_wait3A_118 = arith.constant 0 : i32
        %dma_wait3A_119 = tpu.memref_slice %arg11[%dma_wait3A_117, %dma_wait3A_118] : memref<38x512xi32, #tpu.memory_space<vmem>> -> memref<2x512xi32, #tpu.memory_space<vmem>>
        %dma_wait3A_120 = arith.constant 0 : i32
        %dma_wait3A_121 = tpu.memref_slice %arg7[%add3A_38, %dma_wait3A_120] : memref<640x512xi32, #tpu.memory_space<hbm>> -> memref<2x512xi32, #tpu.memory_space<hbm>>
        %dma_wait3A_122 = arith.constant 0 : i32
        %dma_wait3A_123 = arith.constant 0 : i32
        %dma_wait3A_124 = tpu.memref_slice %arg11[%dma_wait3A_122, %dma_wait3A_123] : memref<38x512xi32, #tpu.memory_space<vmem>> -> memref<2x512xi32, #tpu.memory_space<vmem>>
        %dma_wait3A_125 = arith.constant 0 : i32
        %dma_wait3A_126 = tpu.memref_slice %arg7[%add3A_38, %dma_wait3A_125] : memref<640x512xi32, #tpu.memory_space<hbm>> -> memref<2x512xi32, #tpu.memory_space<hbm>>
        tpu.wait_dma2 semaphore(%run_scoped3A_106 : memref<!tpu.dma_semaphore, #tpu.memory_space<semaphore_mem>>) src(%dma_wait3A_126 : memref<2x512xi32, #tpu.memory_space<hbm>>) dst(%dma_wait3A_124 : memref<2x512xi32, #tpu.memory_space<vmem>>)
        tpu.yield
      }) : () -> ()
      %dma_start3A_71 = arith.constant 0 : i32
      %dma_start3A_72 = arith.constant 0 : i32
      %dma_start3A_73 = tpu.memref_slice %arg10[%dma_start3A_71, %dma_start3A_72] : memref<38x512xi32, #tpu.memory_space<vmem>> -> memref<1x512xi32, #tpu.memory_space<vmem>>
      %dma_start3A_74 = tpu.memref_squeeze %dma_start3A_73 : memref<1x512xi32, #tpu.memory_space<vmem>> -> memref<512xi32, #tpu.memory_space<vmem>>
      %dma_start3A_75 = arith.constant 0 : i32
      %dma_start3A_76 = arith.constant 0 : i32
      %dma_start3A_77 = tpu.memref_slice %arg3[%dma_start3A_75, %dma_start3A_76] : memref<10000x16xf32, #tpu.memory_space<hbm>> -> memref<10000x16xf32, #tpu.memory_space<hbm>>
      tpu.enqueue_indirect_dma source(%dma_start3A_77 : memref<10000x16xf32, #tpu.memory_space<hbm>>) target(%arg18 : memref<512x16xf32, #tpu.memory_space<vmem>>) offsets(%dma_start3A_74 : memref<512xi32, #tpu.memory_space<vmem>>) semaphore(%arg12 : memref<!tpu.dma_semaphore, #tpu.memory_space<semaphore_mem>>)
      %scan3A_78 = arith.constant 0 : i32
      %scan3A_79 = arith.constant 0 : i32
      %scan3A_80 = arith.constant 0 : i32
      %scan3A_81 = arith.addi %scan3A_79, %scan3A_80 : i32
      %scan3A_82 = arith.constant 0 : i32
      %dma_start3A_83 = arith.constant 1 : i32
      %dma_start3A_84 = arith.constant 0 : i32
      %dma_start3A_85 = tpu.memref_slice %arg10[%dma_start3A_83, %dma_start3A_84] : memref<38x512xi32, #tpu.memory_space<vmem>> -> memref<1x512xi32, #tpu.memory_space<vmem>>
      %dma_start3A_86 = tpu.memref_squeeze %dma_start3A_85 : memref<1x512xi32, #tpu.memory_space<vmem>> -> memref<512xi32, #tpu.memory_space<vmem>>
      %dma_start3A_87 = arith.constant 0 : i32
      %dma_start3A_88 = arith.constant 0 : i32
      %dma_start3A_89 = tpu.memref_slice %arg3[%dma_start3A_87, %dma_start3A_88] : memref<10000x16xf32, #tpu.memory_space<hbm>> -> memref<10000x16xf32, #tpu.memory_space<hbm>>
      tpu.enqueue_indirect_dma source(%dma_start3A_89 : memref<10000x16xf32, #tpu.memory_space<hbm>>) target(%arg19 : memref<512x16xf32, #tpu.memory_space<vmem>>) offsets(%dma_start3A_86 : memref<512xi32, #tpu.memory_space<vmem>>) semaphore(%arg13 : memref<!tpu.dma_semaphore, #tpu.memory_space<semaphore_mem>>)
      %dma_wait3A_90 = arith.constant 0 : i32
      %dma_wait3A_91 = arith.constant 0 : i32
      %dma_wait3A_92 = tpu.memref_slice %arg10[%dma_wait3A_90, %dma_wait3A_91] : memref<38x512xi32, #tpu.memory_space<vmem>> -> memref<1x512xi32, #tpu.memory_space<vmem>>
      %dma_wait3A_93 = tpu.memref_squeeze %dma_wait3A_92 : memref<1x512xi32, #tpu.memory_space<vmem>> -> memref<512xi32, #tpu.memory_space<vmem>>
      %dma_wait3A_94 = arith.constant 0 : i32
      %dma_wait3A_95 = arith.constant 0 : i32
      %dma_wait3A_96 = tpu.memref_slice %arg3[%dma_wait3A_94, %dma_wait3A_95] : memref<10000x16xf32, #tpu.memory_space<hbm>> -> memref<10000x16xf32, #tpu.memory_space<hbm>>
      tpu.wait_indirect_dma semaphore(%arg12 : memref<!tpu.dma_semaphore, #tpu.memory_space<semaphore_mem>>) src(%dma_wait3A_96 : memref<10000x16xf32, #tpu.memory_space<hbm>>) dst(%arg18 : memref<512x16xf32, #tpu.memory_space<vmem>>)
      %run_scoped3A_97 = arith.constant 0 : i32
      "tpu.region"() ({
        %run_scoped3A_106 = tpu.sem_alloc : memref<!tpu.dma_semaphore, #tpu.memory_space<semaphore_mem>>
        %dma_start3A_107 = arith.constant 0 : i32
        %dma_start3A_108 = tpu.memref_slice %arg11[%run_scoped3A_97, %dma_start3A_107] : memref<38x512xi32, #tpu.memory_space<vmem>> -> memref<1x512xi32, #tpu.memory_space<vmem>>
        %dma_start3A_109 = tpu.memref_squeeze %dma_start3A_108 : memref<1x512xi32, #tpu.memory_space<vmem>> -> memref<512xi32, #tpu.memory_space<vmem>>
        %dma_start3A_110 = arith.constant 0 : i32
        %dma_start3A_111 = arith.constant 0 : i32
        %dma_start3A_112 = tpu.memref_slice %arg15[%dma_start3A_110, %dma_start3A_111] : memref<10240x16xf32, #tpu.memory_space<vmem_shared>> -> memref<10240x16xf32, #tpu.memory_space<vmem_shared>>
        tpu.enqueue_indirect_dma source(%arg18 : memref<512x16xf32, #tpu.memory_space<vmem>>) target(%dma_start3A_112 : memref<10240x16xf32, #tpu.memory_space<vmem_shared>>) offsets(%dma_start3A_109 : memref<512xi32, #tpu.memory_space<vmem>>) semaphore(%run_scoped3A_106 : memref<!tpu.dma_semaphore, #tpu.memory_space<semaphore_mem>>) {add = true}
        %dma_wait3A_113 = arith.constant 0 : i32
        %dma_wait3A_114 = tpu.memref_slice %arg11[%run_scoped3A_97, %dma_wait3A_113] : memref<38x512xi32, #tpu.memory_space<vmem>> -> memref<1x512xi32, #tpu.memory_space<vmem>>
        %dma_wait3A_115 = tpu.memref_squeeze %dma_wait3A_114 : memref<1x512xi32, #tpu.memory_space<vmem>> -> memref<512xi32, #tpu.memory_space<vmem>>
        %dma_wait3A_116 = arith.constant 0 : i32
        %dma_wait3A_117 = arith.constant 0 : i32
        %dma_wait3A_118 = tpu.memref_slice %arg15[%dma_wait3A_116, %dma_wait3A_117] : memref<10240x16xf32, #tpu.memory_space<vmem_shared>> -> memref<10240x16xf32, #tpu.memory_space<vmem_shared>>
        tpu.wait_indirect_dma semaphore(%run_scoped3A_106 : memref<!tpu.dma_semaphore, #tpu.memory_space<semaphore_mem>>) src(%arg18 : memref<512x16xf32, #tpu.memory_space<vmem>>) dst(%dma_wait3A_118 : memref<10240x16xf32, #tpu.memory_space<vmem_shared>>)
        tpu.yield
      }) : () -> ()
      %dma_wait3A_98 = arith.constant 1 : i32
      %dma_wait3A_99 = arith.constant 0 : i32
      %dma_wait3A_100 = tpu.memref_slice %arg10[%dma_wait3A_98, %dma_wait3A_99] : memref<38x512xi32, #tpu.memory_space<vmem>> -> memref<1x512xi32, #tpu.memory_space<vmem>>
      %dma_wait3A_101 = tpu.memref_squeeze %dma_wait3A_100 : memref<1x512xi32, #tpu.memory_space<vmem>> -> memref<512xi32, #tpu.memory_space<vmem>>
      %dma_wait3A_102 = arith.constant 0 : i32
      %dma_wait3A_103 = arith.constant 0 : i32
      %dma_wait3A_104 = tpu.memref_slice %arg3[%dma_wait3A_102, %dma_wait3A_103] : memref<10000x16xf32, #tpu.memory_space<hbm>> -> memref<10000x16xf32, #tpu.memory_space<hbm>>
      tpu.wait_indirect_dma semaphore(%arg13 : memref<!tpu.dma_semaphore, #tpu.memory_space<semaphore_mem>>) src(%dma_wait3A_104 : memref<10000x16xf32, #tpu.memory_space<hbm>>) dst(%arg19 : memref<512x16xf32, #tpu.memory_space<vmem>>)
      %run_scoped3A_105 = arith.constant 1 : i32
      "tpu.region"() ({
        %run_scoped3A_106 = tpu.sem_alloc : memref<!tpu.dma_semaphore, #tpu.memory_space<semaphore_mem>>
        %dma_start3A_107 = arith.constant 0 : i32
        %dma_start3A_108 = tpu.memref_slice %arg11[%run_scoped3A_105, %dma_start3A_107] : memref<38x512xi32, #tpu.memory_space<vmem>> -> memref<1x512xi32, #tpu.memory_space<vmem>>
        %dma_start3A_109 = tpu.memref_squeeze %dma_start3A_108 : memref<1x512xi32, #tpu.memory_space<vmem>> -> memref<512xi32, #tpu.memory_space<vmem>>
        %dma_start3A_110 = arith.constant 0 : i32
        %dma_start3A_111 = arith.constant 0 : i32
        %dma_start3A_112 = tpu.memref_slice %arg15[%dma_start3A_110, %dma_start3A_111] : memref<10240x16xf32, #tpu.memory_space<vmem_shared>> -> memref<10240x16xf32, #tpu.memory_space<vmem_shared>>
        tpu.enqueue_indirect_dma source(%arg19 : memref<512x16xf32, #tpu.memory_space<vmem>>) target(%dma_start3A_112 : memref<10240x16xf32, #tpu.memory_space<vmem_shared>>) offsets(%dma_start3A_109 : memref<512xi32, #tpu.memory_space<vmem>>) semaphore(%run_scoped3A_106 : memref<!tpu.dma_semaphore, #tpu.memory_space<semaphore_mem>>) {add = true}
        %dma_wait3A_113 = arith.constant 0 : i32
        %dma_wait3A_114 = tpu.memref_slice %arg11[%run_scoped3A_105, %dma_wait3A_113] : memref<38x512xi32, #tpu.memory_space<vmem>> -> memref<1x512xi32, #tpu.memory_space<vmem>>
        %dma_wait3A_115 = tpu.memref_squeeze %dma_wait3A_114 : memref<1x512xi32, #tpu.memory_space<vmem>> -> memref<512xi32, #tpu.memory_space<vmem>>
        %dma_wait3A_116 = arith.constant 0 : i32
        %dma_wait3A_117 = arith.constant 0 : i32
        %dma_wait3A_118 = tpu.memref_slice %arg15[%dma_wait3A_116, %dma_wait3A_117] : memref<10240x16xf32, #tpu.memory_space<vmem_shared>> -> memref<10240x16xf32, #tpu.memory_space<vmem_shared>>
        tpu.wait_indirect_dma semaphore(%run_scoped3A_106 : memref<!tpu.dma_semaphore, #tpu.memory_space<semaphore_mem>>) src(%arg19 : memref<512x16xf32, #tpu.memory_space<vmem>>) dst(%dma_wait3A_118 : memref<10240x16xf32, #tpu.memory_space<vmem_shared>>)
        tpu.yield
      }) : () -> ()
    } else {
    }
    %barrier3A_34 = arith.constant 0 : index
    tpu.barrier barrier_id(%barrier3A_34)
    "tpu.region"() ({
      %run_scoped3A = tpu.sem_alloc : memref<!tpu.dma_semaphore, #tpu.memory_space<semaphore_mem>>
      %dma_start3A = arith.constant 0 : i32
      %dma_start3A_35 = tpu.memref_slice %arg8[%arg0, %mul3A_0, %dma_start3A] : memref<2x10240x32xf32, #tpu.memory_space<hbm>> -> memref<1x640x32xf32, #tpu.memory_space<hbm>>
      %dma_start3A_36 = tpu.memref_squeeze %dma_start3A_35 : memref<1x640x32xf32, #tpu.memory_space<hbm>> -> memref<640x32xf32, #tpu.memory_space<hbm>>
      %dma_start3A_37 = arith.constant 0 : i32
      %dma_start3A_38 = tpu.memref_slice %arg14[%mul3A_0, %dma_start3A_37] : memref<10240x32xf32, #tpu.memory_space<vmem_shared>> -> memref<640x32xf32, #tpu.memory_space<vmem_shared>>
      tpu.enqueue_dma source(%dma_start3A_38 : memref<640x32xf32, #tpu.memory_space<vmem_shared>>) target(%dma_start3A_36 : memref<640x32xf32, #tpu.memory_space<hbm>>) target_semaphore(%run_scoped3A : memref<!tpu.dma_semaphore, #tpu.memory_space<semaphore_mem>>)
      %dma_wait3A = arith.constant 0 : i32
      %dma_wait3A_39 = tpu.memref_slice %arg8[%arg0, %mul3A_0, %dma_wait3A] : memref<2x10240x32xf32, #tpu.memory_space<hbm>> -> memref<1x640x32xf32, #tpu.memory_space<hbm>>
      %dma_wait3A_40 = tpu.memref_squeeze %dma_wait3A_39 : memref<1x640x32xf32, #tpu.memory_space<hbm>> -> memref<640x32xf32, #tpu.memory_space<hbm>>
      %dma_wait3A_41 = arith.constant 0 : i32
      %dma_wait3A_42 = tpu.memref_slice %arg14[%mul3A_0, %dma_wait3A_41] : memref<10240x32xf32, #tpu.memory_space<vmem_shared>> -> memref<640x32xf32, #tpu.memory_space<vmem_shared>>
      tpu.wait_dma2 semaphore(%run_scoped3A : memref<!tpu.dma_semaphore, #tpu.memory_space<semaphore_mem>>) src(%dma_wait3A_42 : memref<640x32xf32, #tpu.memory_space<vmem_shared>>) dst(%dma_wait3A_40 : memref<640x32xf32, #tpu.memory_space<hbm>>)
      tpu.yield
    }) : () -> ()
    "tpu.region"() ({
      %run_scoped3A = tpu.sem_alloc : memref<!tpu.dma_semaphore, #tpu.memory_space<semaphore_mem>>
      %dma_start3A = arith.constant 0 : i32
      %dma_start3A_35 = tpu.memref_slice %arg9[%arg0, %mul3A_0, %dma_start3A] : memref<2x10240x16xf32, #tpu.memory_space<hbm>> -> memref<1x640x16xf32, #tpu.memory_space<hbm>>
      %dma_start3A_36 = tpu.memref_squeeze %dma_start3A_35 : memref<1x640x16xf32, #tpu.memory_space<hbm>> -> memref<640x16xf32, #tpu.memory_space<hbm>>
      %dma_start3A_37 = arith.constant 0 : i32
      %dma_start3A_38 = tpu.memref_slice %arg15[%mul3A_0, %dma_start3A_37] : memref<10240x16xf32, #tpu.memory_space<vmem_shared>> -> memref<640x16xf32, #tpu.memory_space<vmem_shared>>
      tpu.enqueue_dma source(%dma_start3A_38 : memref<640x16xf32, #tpu.memory_space<vmem_shared>>) target(%dma_start3A_36 : memref<640x16xf32, #tpu.memory_space<hbm>>) target_semaphore(%run_scoped3A : memref<!tpu.dma_semaphore, #tpu.memory_space<semaphore_mem>>)
      %dma_wait3A = arith.constant 0 : i32
      %dma_wait3A_39 = tpu.memref_slice %arg9[%arg0, %mul3A_0, %dma_wait3A] : memref<2x10240x16xf32, #tpu.memory_space<hbm>> -> memref<1x640x16xf32, #tpu.memory_space<hbm>>
      %dma_wait3A_40 = tpu.memref_squeeze %dma_wait3A_39 : memref<1x640x16xf32, #tpu.memory_space<hbm>> -> memref<640x16xf32, #tpu.memory_space<hbm>>
      %dma_wait3A_41 = arith.constant 0 : i32
      %dma_wait3A_42 = tpu.memref_slice %arg15[%mul3A_0, %dma_wait3A_41] : memref<10240x16xf32, #tpu.memory_space<vmem_shared>> -> memref<640x16xf32, #tpu.memory_space<vmem_shared>>
      tpu.wait_dma2 semaphore(%run_scoped3A : memref<!tpu.dma_semaphore, #tpu.memory_space<semaphore_mem>>) src(%dma_wait3A_42 : memref<640x16xf32, #tpu.memory_space<vmem_shared>>) dst(%dma_wait3A_40 : memref<640x16xf32, #tpu.memory_space<hbm>>)
      tpu.yield
    }) : () -> ()
    return
  }
}

module attributes {stable_mosaic.version = 14 : i64} {
  func.func @_tc_a_body(%arg0: i32, %arg1: memref<1000x128xf32, #tpu.memory_space<vmem>>, %arg2: memref<1000x128xf32, #tpu.memory_space<vmem>>, %arg3: memref<1000x1xf32, #tpu.memory_space<vmem>>, %arg4: memref<1000x1xf32, #tpu.memory_space<vmem>>, %arg5: memref<1000x1xf32, #tpu.memory_space<vmem>>, %arg6: memref<1000x1xf32, #tpu.memory_space<vmem>>, %arg7: memref<128x32xf32, #tpu.memory_space<vmem>>, %arg8: memref<1x32xf32, #tpu.memory_space<vmem>>, %arg9: memref<128x32xf32, #tpu.memory_space<vmem>>, %arg10: memref<1x32xf32, #tpu.memory_space<vmem>>, %arg11: memref<32x32xf32, #tpu.memory_space<vmem>>, %arg12: memref<32x32xf32, #tpu.memory_space<vmem>>, %arg13: memref<1000x32xf32, #tpu.memory_space<vmem>>, %arg14: memref<1000x32xf32, #tpu.memory_space<vmem>>) attributes {dimension_semantics = [#tpu.dimension_semantics<arbitrary>], iteration_bounds = array<i64: 10>, scalar_prefetch = 0 : i64, scratch_operands = 0 : i64, tpu.core_type = #tpu.core_type<tc>, window_params = [{transform_indices = @transform_0, window_bounds = array<i64: 1000, 128>}, {transform_indices = @transform_1, window_bounds = array<i64: 1000, 128>}, {transform_indices = @transform_2, window_bounds = array<i64: 1000, 1>}, {transform_indices = @transform_3, window_bounds = array<i64: 1000, 1>}, {transform_indices = @transform_4, window_bounds = array<i64: 1000, 1>}, {transform_indices = @transform_5, window_bounds = array<i64: 1000, 1>}, {pipeline_mode = #tpu.pipeline_mode<synchronous>, transform_indices = @transform_6, window_bounds = array<i64: 128, 32>}, {pipeline_mode = #tpu.pipeline_mode<synchronous>, transform_indices = @transform_7, window_bounds = array<i64: 1, 32>}, {pipeline_mode = #tpu.pipeline_mode<synchronous>, transform_indices = @transform_8, window_bounds = array<i64: 128, 32>}, {pipeline_mode = #tpu.pipeline_mode<synchronous>, transform_indices = @transform_9, window_bounds = array<i64: 1, 32>}, {pipeline_mode = #tpu.pipeline_mode<synchronous>, transform_indices = @transform_10, window_bounds = array<i64: 32, 32>}, {pipeline_mode = #tpu.pipeline_mode<synchronous>, transform_indices = @transform_11, window_bounds = array<i64: 32, 32>}, {transform_indices = @transform_12, window_bounds = array<i64: 1000, 32>}, {transform_indices = @transform_13, window_bounds = array<i64: 1000, 32>}]} {
    %get3A = arith.constant 0 : index
    %get3A_0 = arith.constant 0 : index
    %get3A_1 = vector.load %arg3[%get3A, %get3A_0] : memref<1000x1xf32, #tpu.memory_space<vmem>>, vector<1000x1xf32>
    %get3A_2 = arith.constant 0 : index
    %get3A_3 = arith.constant 0 : index
    %get3A_4 = vector.load %arg4[%get3A_2, %get3A_3] : memref<1000x1xf32, #tpu.memory_space<vmem>>, vector<1000x1xf32>
    %add3A = arith.addf %get3A_1, %get3A_4 : vector<1000x1xf32>
    %add3A_5 = arith.constant 1.000000e+00 : f32
    %add3A_6 = vector.broadcast %add3A_5 : f32 to vector<1000x1xf32>
    %add3A_7 = arith.addf %add3A, %add3A_6 : vector<1000x1xf32>
    %rsqrt3A = math.rsqrt %add3A_7 : vector<1000x1xf32>
    %get3A_8 = arith.constant 0 : index
    %get3A_9 = arith.constant 0 : index
    %get3A_10 = vector.load %arg5[%get3A_8, %get3A_9] : memref<1000x1xf32, #tpu.memory_space<vmem>>, vector<1000x1xf32>
    %get3A_11 = arith.constant 0 : index
    %get3A_12 = arith.constant 0 : index
    %get3A_13 = vector.load %arg6[%get3A_11, %get3A_12] : memref<1000x1xf32, #tpu.memory_space<vmem>>, vector<1000x1xf32>
    %add3A_14 = arith.addf %get3A_10, %get3A_13 : vector<1000x1xf32>
    %add3A_15 = arith.constant 1.000000e+00 : f32
    %add3A_16 = vector.broadcast %add3A_15 : f32 to vector<1000x1xf32>
    %add3A_17 = arith.addf %add3A_14, %add3A_16 : vector<1000x1xf32>
    %rsqrt3A_18 = math.rsqrt %add3A_17 : vector<1000x1xf32>
    %get3A_19 = arith.constant 0 : index
    %get3A_20 = arith.constant 0 : index
    %get3A_21 = vector.load %arg1[%get3A_19, %get3A_20] : memref<1000x128xf32, #tpu.memory_space<vmem>>, vector<1000x128xf32>
    %get3A_22 = arith.constant 0 : index
    %get3A_23 = arith.constant 0 : index
    %get3A_24 = vector.load %arg7[%get3A_22, %get3A_23] : memref<128x32xf32, #tpu.memory_space<vmem>>, vector<128x32xf32>
    %dot_general3A = arith.constant dense<0.000000e+00> : vector<1000x32xf32>
    %dot_general3A_25 = tpu.matmul %get3A_21, %get3A_24, %dot_general3A {dimension_numbers = #tpu.dot_dimension_numbers<[1], [0], [0], [1], [0, 0, 1, 1], [], []>, transpose_lhs_hint = false} : vector<1000x128xf32>, vector<128x32xf32>, vector<1000x32xf32> -> vector<1000x32xf32>
    %get3A_26 = arith.constant 0 : index
    %get3A_27 = arith.constant 0 : index
    %get3A_28 = vector.load %arg8[%get3A_26, %get3A_27] : memref<1x32xf32, #tpu.memory_space<vmem>>, vector<1x32xf32>
    %add3A_29 = vector.broadcast %get3A_28 : vector<1x32xf32> to vector<1000x32xf32>
    %add3A_30 = arith.addf %dot_general3A_25, %add3A_29 : vector<1000x32xf32>
    %max3A = arith.constant 0.000000e+00 : f32
    %max3A_31 = vector.broadcast %max3A : f32 to vector<1000x32xf32>
    %max3A_32 = arith.maximumf %add3A_30, %max3A_31 : vector<1000x32xf32>
    %get3A_33 = arith.constant 0 : index
    %get3A_34 = arith.constant 0 : index
    %get3A_35 = vector.load %arg11[%get3A_33, %get3A_34] : memref<32x32xf32, #tpu.memory_space<vmem>>, vector<32x32xf32>
    %dot_general3A_36 = arith.constant dense<0.000000e+00> : vector<1000x32xf32>
    %dot_general3A_37 = tpu.matmul %max3A_32, %get3A_35, %dot_general3A_36 {dimension_numbers = #tpu.dot_dimension_numbers<[1], [0], [0], [1], [0, 0, 1, 1], [], []>, transpose_lhs_hint = false} : vector<1000x32xf32>, vector<32x32xf32>, vector<1000x32xf32> -> vector<1000x32xf32>
    %mul3A = vector.broadcast %rsqrt3A : vector<1000x1xf32> to vector<1000x32xf32>
    %mul3A_38 = arith.mulf %dot_general3A_37, %mul3A : vector<1000x32xf32>
    %swap3A = arith.constant 0 : index
    %swap3A_39 = arith.constant 0 : index
    %swap3A_40 = vector.load %arg13[%swap3A, %swap3A_39] : memref<1000x32xf32, #tpu.memory_space<vmem>>, vector<1000x32xf32>
    tpu.vector_store %arg13[%swap3A, %swap3A_39], %mul3A_38 {strides = array<i32>} : memref<1000x32xf32, #tpu.memory_space<vmem>>, vector<1000x32xf32>,
    %get3A_41 = arith.constant 0 : index
    %get3A_42 = arith.constant 0 : index
    %get3A_43 = vector.load %arg2[%get3A_41, %get3A_42] : memref<1000x128xf32, #tpu.memory_space<vmem>>, vector<1000x128xf32>
    %get3A_44 = arith.constant 0 : index
    %get3A_45 = arith.constant 0 : index
    %get3A_46 = vector.load %arg9[%get3A_44, %get3A_45] : memref<128x32xf32, #tpu.memory_space<vmem>>, vector<128x32xf32>
    %dot_general3A_47 = arith.constant dense<0.000000e+00> : vector<1000x32xf32>
    %dot_general3A_48 = tpu.matmul %get3A_43, %get3A_46, %dot_general3A_47 {dimension_numbers = #tpu.dot_dimension_numbers<[1], [0], [0], [1], [0, 0, 1, 1], [], []>, transpose_lhs_hint = false} : vector<1000x128xf32>, vector<128x32xf32>, vector<1000x32xf32> -> vector<1000x32xf32>
    %get3A_49 = arith.constant 0 : index
    %get3A_50 = arith.constant 0 : index
    %get3A_51 = vector.load %arg10[%get3A_49, %get3A_50] : memref<1x32xf32, #tpu.memory_space<vmem>>, vector<1x32xf32>
    %add3A_52 = vector.broadcast %get3A_51 : vector<1x32xf32> to vector<1000x32xf32>
    %add3A_53 = arith.addf %dot_general3A_48, %add3A_52 : vector<1000x32xf32>
    %max3A_54 = arith.constant 0.000000e+00 : f32
    %max3A_55 = vector.broadcast %max3A_54 : f32 to vector<1000x32xf32>
    %max3A_56 = arith.maximumf %add3A_53, %max3A_55 : vector<1000x32xf32>
    %get3A_57 = arith.constant 0 : index
    %get3A_58 = arith.constant 0 : index
    %get3A_59 = vector.load %arg12[%get3A_57, %get3A_58] : memref<32x32xf32, #tpu.memory_space<vmem>>, vector<32x32xf32>
    %dot_general3A_60 = arith.constant dense<0.000000e+00> : vector<1000x32xf32>
    %dot_general3A_61 = tpu.matmul %max3A_56, %get3A_59, %dot_general3A_60 {dimension_numbers = #tpu.dot_dimension_numbers<[1], [0], [0], [1], [0, 0, 1, 1], [], []>, transpose_lhs_hint = false} : vector<1000x32xf32>, vector<32x32xf32>, vector<1000x32xf32> -> vector<1000x32xf32>
    %mul3A_62 = vector.broadcast %rsqrt3A_18 : vector<1000x1xf32> to vector<1000x32xf32>
    %mul3A_63 = arith.mulf %dot_general3A_61, %mul3A_62 : vector<1000x32xf32>
    %swap3A_64 = arith.constant 0 : index
    %swap3A_65 = arith.constant 0 : index
    %swap3A_66 = vector.load %arg14[%swap3A_64, %swap3A_65] : memref<1000x32xf32, #tpu.memory_space<vmem>>, vector<1000x32xf32>
    tpu.vector_store %arg14[%swap3A_64, %swap3A_65], %mul3A_63 {strides = array<i32>} : memref<1000x32xf32, #tpu.memory_space<vmem>>, vector<1000x32xf32>,
    return
  }
  func.func @transform_0(%arg0: i32) -> (i32, i32) {
    %c0_i32 = arith.constant 0 : i32
    %c0_i32_0 = arith.constant 0 : i32
    return %arg0, %c0_i32 : i32, i32
  }
  func.func @transform_1(%arg0: i32) -> (i32, i32) {
    %c0_i32 = arith.constant 0 : i32
    %c0_i32_0 = arith.constant 0 : i32
    return %arg0, %c0_i32 : i32, i32
  }
  func.func @transform_2(%arg0: i32) -> (i32, i32) {
    %c0_i32 = arith.constant 0 : i32
    %c0_i32_0 = arith.constant 0 : i32
    return %arg0, %c0_i32 : i32, i32
  }
  func.func @transform_3(%arg0: i32) -> (i32, i32) {
    %c0_i32 = arith.constant 0 : i32
    %c0_i32_0 = arith.constant 0 : i32
    return %arg0, %c0_i32 : i32, i32
  }
  func.func @transform_4(%arg0: i32) -> (i32, i32) {
    %c0_i32 = arith.constant 0 : i32
    %c0_i32_0 = arith.constant 0 : i32
    return %arg0, %c0_i32 : i32, i32
  }
  func.func @transform_5(%arg0: i32) -> (i32, i32) {
    %c0_i32 = arith.constant 0 : i32
    %c0_i32_0 = arith.constant 0 : i32
    return %arg0, %c0_i32 : i32, i32
  }
  func.func @transform_6(%arg0: i32) -> (i32, i32) {
    %c0_i32 = arith.constant 0 : i32
    %c0_i32_0 = arith.constant 0 : i32
    %c0_i32_1 = arith.constant 0 : i32
    return %c0_i32, %c0_i32_0 : i32, i32
  }
  func.func @transform_7(%arg0: i32) -> (i32, i32) {
    %c0_i32 = arith.constant 0 : i32
    %c0_i32_0 = arith.constant 0 : i32
    %c0_i32_1 = arith.constant 0 : i32
    return %c0_i32, %c0_i32_0 : i32, i32
  }
  func.func @transform_8(%arg0: i32) -> (i32, i32) {
    %c0_i32 = arith.constant 0 : i32
    %c0_i32_0 = arith.constant 0 : i32
    %c0_i32_1 = arith.constant 0 : i32
    return %c0_i32, %c0_i32_0 : i32, i32
  }
  func.func @transform_9(%arg0: i32) -> (i32, i32) {
    %c0_i32 = arith.constant 0 : i32
    %c0_i32_0 = arith.constant 0 : i32
    %c0_i32_1 = arith.constant 0 : i32
    return %c0_i32, %c0_i32_0 : i32, i32
  }
  func.func @transform_10(%arg0: i32) -> (i32, i32) {
    %c0_i32 = arith.constant 0 : i32
    %c0_i32_0 = arith.constant 0 : i32
    %c0_i32_1 = arith.constant 0 : i32
    return %c0_i32, %c0_i32_0 : i32, i32
  }
  func.func @transform_11(%arg0: i32) -> (i32, i32) {
    %c0_i32 = arith.constant 0 : i32
    %c0_i32_0 = arith.constant 0 : i32
    %c0_i32_1 = arith.constant 0 : i32
    return %c0_i32, %c0_i32_0 : i32, i32
  }
  func.func @transform_12(%arg0: i32) -> (i32, i32) {
    %c0_i32 = arith.constant 0 : i32
    %c0_i32_0 = arith.constant 0 : i32
    return %arg0, %c0_i32 : i32, i32
  }
  func.func @transform_13(%arg0: i32) -> (i32, i32) {
    %c0_i32 = arith.constant 0 : i32
    %c0_i32_0 = arith.constant 0 : i32
    return %arg0, %c0_i32 : i32, i32
  }
}

module attributes {stable_mosaic.version = 14 : i64} {
  func.func @_tc_b_body(%arg0: i32, %arg1: memref<2x1000x32xf32, #tpu.memory_space<vmem>>, %arg2: memref<2x1000x32xf32, #tpu.memory_space<vmem>>, %arg3: memref<1000x32xf32, #tpu.memory_space<vmem>>, %arg4: memref<1000x32xf32, #tpu.memory_space<vmem>>, %arg5: memref<1000x1xf32, #tpu.memory_space<vmem>>, %arg6: memref<1000x1xf32, #tpu.memory_space<vmem>>, %arg7: memref<1000x1xf32, #tpu.memory_space<vmem>>, %arg8: memref<1000x1xf32, #tpu.memory_space<vmem>>, %arg9: memref<1x32xf32, #tpu.memory_space<vmem>>, %arg10: memref<1x32xf32, #tpu.memory_space<vmem>>, %arg11: memref<32x11xf32, #tpu.memory_space<vmem>>, %arg12: memref<1000x32xf32, #tpu.memory_space<vmem>>, %arg13: memref<1000x16xf32, #tpu.memory_space<vmem>>) attributes {dimension_semantics = [#tpu.dimension_semantics<arbitrary>], iteration_bounds = array<i64: 10>, scalar_prefetch = 0 : i64, scratch_operands = 0 : i64, tpu.core_type = #tpu.core_type<tc>, window_params = [{transform_indices = @transform_0, window_bounds = array<i64: 2, 1000, 32>}, {transform_indices = @transform_1, window_bounds = array<i64: 2, 1000, 32>}, {transform_indices = @transform_2, window_bounds = array<i64: 1000, 32>}, {transform_indices = @transform_3, window_bounds = array<i64: 1000, 32>}, {transform_indices = @transform_4, window_bounds = array<i64: 1000, 1>}, {transform_indices = @transform_5, window_bounds = array<i64: 1000, 1>}, {transform_indices = @transform_6, window_bounds = array<i64: 1000, 1>}, {transform_indices = @transform_7, window_bounds = array<i64: 1000, 1>}, {pipeline_mode = #tpu.pipeline_mode<synchronous>, transform_indices = @transform_8, window_bounds = array<i64: 1, 32>}, {pipeline_mode = #tpu.pipeline_mode<synchronous>, transform_indices = @transform_9, window_bounds = array<i64: 1, 32>}, {pipeline_mode = #tpu.pipeline_mode<synchronous>, transform_indices = @transform_10, window_bounds = array<i64: 32, 11>}, {transform_indices = @transform_11, window_bounds = array<i64: 1000, 32>}, {transform_indices = @transform_12, window_bounds = array<i64: 1000, 16>}]} {
    %get3A = arith.constant 0 : index
    %get3A_0 = arith.constant 0 : index
    %get3A_1 = vector.load %arg5[%get3A, %get3A_0] : memref<1000x1xf32, #tpu.memory_space<vmem>>, vector<1000x1xf32>
    %get3A_2 = arith.constant 0 : index
    %get3A_3 = arith.constant 0 : index
    %get3A_4 = vector.load %arg6[%get3A_2, %get3A_3] : memref<1000x1xf32, #tpu.memory_space<vmem>>, vector<1000x1xf32>
    %add3A = arith.addf %get3A_1, %get3A_4 : vector<1000x1xf32>
    %add3A_5 = arith.constant 1.000000e+00 : f32
    %add3A_6 = vector.broadcast %add3A_5 : f32 to vector<1000x1xf32>
    %add3A_7 = arith.addf %add3A, %add3A_6 : vector<1000x1xf32>
    %rsqrt3A = math.rsqrt %add3A_7 : vector<1000x1xf32>
    %get3A_8 = arith.constant 0 : index
    %get3A_9 = arith.constant 0 : index
    %get3A_10 = vector.load %arg7[%get3A_8, %get3A_9] : memref<1000x1xf32, #tpu.memory_space<vmem>>, vector<1000x1xf32>
    %get3A_11 = arith.constant 0 : index
    %get3A_12 = arith.constant 0 : index
    %get3A_13 = vector.load %arg8[%get3A_11, %get3A_12] : memref<1000x1xf32, #tpu.memory_space<vmem>>, vector<1000x1xf32>
    %add3A_14 = arith.addf %get3A_10, %get3A_13 : vector<1000x1xf32>
    %add3A_15 = arith.constant 1.000000e+00 : f32
    %add3A_16 = vector.broadcast %add3A_15 : f32 to vector<1000x1xf32>
    %add3A_17 = arith.addf %add3A_14, %add3A_16 : vector<1000x1xf32>
    %rsqrt3A_18 = math.rsqrt %add3A_17 : vector<1000x1xf32>
    %get3A_19 = arith.constant 0 : index
    %get3A_20 = arith.constant 0 : index
    %get3A_21 = arith.constant 0 : index
    %get3A_22 = vector.load %arg1[%get3A_19, %get3A_20, %get3A_21] : memref<2x1000x32xf32, #tpu.memory_space<vmem>>, vector<1x1000x32xf32>
    %get3A_23 = vector.shape_cast %get3A_22 : vector<1x1000x32xf32> to vector<1000x32xf32>
    %get3A_24 = arith.constant 1 : index
    %get3A_25 = arith.constant 0 : index
    %get3A_26 = arith.constant 0 : index
    %get3A_27 = vector.load %arg1[%get3A_24, %get3A_25, %get3A_26] : memref<2x1000x32xf32, #tpu.memory_space<vmem>>, vector<1x1000x32xf32>
    %get3A_28 = vector.shape_cast %get3A_27 : vector<1x1000x32xf32> to vector<1000x32xf32>
    %add3A_29 = arith.addf %get3A_23, %get3A_28 : vector<1000x32xf32>
    %get3A_30 = arith.constant 0 : index
    %get3A_31 = arith.constant 0 : index
    %get3A_32 = vector.load %arg3[%get3A_30, %get3A_31] : memref<1000x32xf32, #tpu.memory_space<vmem>>, vector<1000x32xf32>
    %add3A_33 = arith.addf %add3A_29, %get3A_32 : vector<1000x32xf32>
    %mul3A = vector.broadcast %rsqrt3A : vector<1000x1xf32> to vector<1000x32xf32>
    %mul3A_34 = arith.mulf %mul3A, %add3A_33 : vector<1000x32xf32>
    %get3A_35 = arith.constant 0 : index
    %get3A_36 = arith.constant 0 : index
    %get3A_37 = vector.load %arg9[%get3A_35, %get3A_36] : memref<1x32xf32, #tpu.memory_space<vmem>>, vector<1x32xf32>
    %add3A_38 = vector.broadcast %get3A_37 : vector<1x32xf32> to vector<1000x32xf32>
    %add3A_39 = arith.addf %mul3A_34, %add3A_38 : vector<1000x32xf32>
    %max3A = arith.constant 0.000000e+00 : f32
    %max3A_40 = vector.broadcast %max3A : f32 to vector<1000x32xf32>
    %max3A_41 = arith.maximumf %add3A_39, %max3A_40 : vector<1000x32xf32>
    %mul3A_42 = vector.broadcast %rsqrt3A : vector<1000x1xf32> to vector<1000x32xf32>
    %mul3A_43 = arith.mulf %mul3A_42, %max3A_41 : vector<1000x32xf32>
    %swap3A = arith.constant 0 : index
    %swap3A_44 = arith.constant 0 : index
    %swap3A_45 = vector.load %arg12[%swap3A, %swap3A_44] : memref<1000x32xf32, #tpu.memory_space<vmem>>, vector<1000x32xf32>
    tpu.vector_store %arg12[%swap3A, %swap3A_44], %mul3A_43 {strides = array<i32>} : memref<1000x32xf32, #tpu.memory_space<vmem>>, vector<1000x32xf32>,
    %get3A_46 = arith.constant 0 : index
    %get3A_47 = arith.constant 0 : index
    %get3A_48 = arith.constant 0 : index
    %get3A_49 = vector.load %arg2[%get3A_46, %get3A_47, %get3A_48] : memref<2x1000x32xf32, #tpu.memory_space<vmem>>, vector<1x1000x32xf32>
    %get3A_50 = vector.shape_cast %get3A_49 : vector<1x1000x32xf32> to vector<1000x32xf32>
    %get3A_51 = arith.constant 1 : index
    %get3A_52 = arith.constant 0 : index
    %get3A_53 = arith.constant 0 : index
    %get3A_54 = vector.load %arg2[%get3A_51, %get3A_52, %get3A_53] : memref<2x1000x32xf32, #tpu.memory_space<vmem>>, vector<1x1000x32xf32>
    %get3A_55 = vector.shape_cast %get3A_54 : vector<1x1000x32xf32> to vector<1000x32xf32>
    %add3A_56 = arith.addf %get3A_50, %get3A_55 : vector<1000x32xf32>
    %get3A_57 = arith.constant 0 : index
    %get3A_58 = arith.constant 0 : index
    %get3A_59 = vector.load %arg4[%get3A_57, %get3A_58] : memref<1000x32xf32, #tpu.memory_space<vmem>>, vector<1000x32xf32>
    %add3A_60 = arith.addf %add3A_56, %get3A_59 : vector<1000x32xf32>
    %mul3A_61 = vector.broadcast %rsqrt3A_18 : vector<1000x1xf32> to vector<1000x32xf32>
    %mul3A_62 = arith.mulf %mul3A_61, %add3A_60 : vector<1000x32xf32>
    %get3A_63 = arith.constant 0 : index
    %get3A_64 = arith.constant 0 : index
    %get3A_65 = vector.load %arg10[%get3A_63, %get3A_64] : memref<1x32xf32, #tpu.memory_space<vmem>>, vector<1x32xf32>
    %add3A_66 = vector.broadcast %get3A_65 : vector<1x32xf32> to vector<1000x32xf32>
    %add3A_67 = arith.addf %mul3A_62, %add3A_66 : vector<1000x32xf32>
    %max3A_68 = arith.constant 0.000000e+00 : f32
    %max3A_69 = vector.broadcast %max3A_68 : f32 to vector<1000x32xf32>
    %max3A_70 = arith.maximumf %add3A_67, %max3A_69 : vector<1000x32xf32>
    %get3A_71 = arith.constant 0 : index
    %get3A_72 = arith.constant 0 : index
    %get3A_73 = vector.load %arg11[%get3A_71, %get3A_72] : memref<32x11xf32, #tpu.memory_space<vmem>>, vector<32x11xf32>
    %dot_general3A = arith.constant dense<0.000000e+00> : vector<1000x11xf32>
    %dot_general3A_74 = tpu.matmul %max3A_70, %get3A_73, %dot_general3A {dimension_numbers = #tpu.dot_dimension_numbers<[1], [0], [0], [1], [0, 0, 1, 1], [], []>, transpose_lhs_hint = false} : vector<1000x32xf32>, vector<32x11xf32>, vector<1000x11xf32> -> vector<1000x11xf32>
    %mul3A_75 = vector.broadcast %rsqrt3A_18 : vector<1000x1xf32> to vector<1000x11xf32>
    %mul3A_76 = arith.mulf %dot_general3A_74, %mul3A_75 : vector<1000x11xf32>
    %broadcast_in_dim3A = arith.constant 0.000000e+00 : f32
    %broadcast_in_dim3A_77 = vector.broadcast %broadcast_in_dim3A : f32 to vector<1000x5xf32>
    %concatenate3A = tpu.concatenate %mul3A_76, %broadcast_in_dim3A_77 in 1 : vector<1000x11xf32>, vector<1000x5xf32> -> vector<1000x16xf32>
    %swap3A_78 = arith.constant 0 : index
    %swap3A_79 = arith.constant 0 : index
    %swap3A_80 = vector.load %arg13[%swap3A_78, %swap3A_79] : memref<1000x16xf32, #tpu.memory_space<vmem>>, vector<1000x16xf32>
    tpu.vector_store %arg13[%swap3A_78, %swap3A_79], %concatenate3A {strides = array<i32>} : memref<1000x16xf32, #tpu.memory_space<vmem>>, vector<1000x16xf32>,
    return
  }
  func.func @transform_0(%arg0: i32) -> (i32, i32, i32) {
    %c0_i32 = arith.constant 0 : i32
    %c0_i32_0 = arith.constant 0 : i32
    %c0_i32_1 = arith.constant 0 : i32
    return %c0_i32, %arg0, %c0_i32_0 : i32, i32, i32
  }
  func.func @transform_1(%arg0: i32) -> (i32, i32, i32) {
    %c0_i32 = arith.constant 0 : i32
    %c0_i32_0 = arith.constant 0 : i32
    %c0_i32_1 = arith.constant 0 : i32
    return %c0_i32, %arg0, %c0_i32_0 : i32, i32, i32
  }
  func.func @transform_2(%arg0: i32) -> (i32, i32) {
    %c0_i32 = arith.constant 0 : i32
    %c0_i32_0 = arith.constant 0 : i32
    return %arg0, %c0_i32 : i32, i32
  }
  func.func @transform_3(%arg0: i32) -> (i32, i32) {
    %c0_i32 = arith.constant 0 : i32
    %c0_i32_0 = arith.constant 0 : i32
    return %arg0, %c0_i32 : i32, i32
  }
  func.func @transform_4(%arg0: i32) -> (i32, i32) {
    %c0_i32 = arith.constant 0 : i32
    %c0_i32_0 = arith.constant 0 : i32
    return %arg0, %c0_i32 : i32, i32
  }
  func.func @transform_5(%arg0: i32) -> (i32, i32) {
    %c0_i32 = arith.constant 0 : i32
    %c0_i32_0 = arith.constant 0 : i32
    return %arg0, %c0_i32 : i32, i32
  }
  func.func @transform_6(%arg0: i32) -> (i32, i32) {
    %c0_i32 = arith.constant 0 : i32
    %c0_i32_0 = arith.constant 0 : i32
    return %arg0, %c0_i32 : i32, i32
  }
  func.func @transform_7(%arg0: i32) -> (i32, i32) {
    %c0_i32 = arith.constant 0 : i32
    %c0_i32_0 = arith.constant 0 : i32
    return %arg0, %c0_i32 : i32, i32
  }
  func.func @transform_8(%arg0: i32) -> (i32, i32) {
    %c0_i32 = arith.constant 0 : i32
    %c0_i32_0 = arith.constant 0 : i32
    %c0_i32_1 = arith.constant 0 : i32
    return %c0_i32, %c0_i32_0 : i32, i32
  }
  func.func @transform_9(%arg0: i32) -> (i32, i32) {
    %c0_i32 = arith.constant 0 : i32
    %c0_i32_0 = arith.constant 0 : i32
    %c0_i32_1 = arith.constant 0 : i32
    return %c0_i32, %c0_i32_0 : i32, i32
  }
  func.func @transform_10(%arg0: i32) -> (i32, i32) {
    %c0_i32 = arith.constant 0 : i32
    %c0_i32_0 = arith.constant 0 : i32
    %c0_i32_1 = arith.constant 0 : i32
    return %c0_i32, %c0_i32_0 : i32, i32
  }
  func.func @transform_11(%arg0: i32) -> (i32, i32) {
    %c0_i32 = arith.constant 0 : i32
    %c0_i32_0 = arith.constant 0 : i32
    return %arg0, %c0_i32 : i32, i32
  }
  func.func @transform_12(%arg0: i32) -> (i32, i32) {
    %c0_i32 = arith.constant 0 : i32
    %c0_i32_0 = arith.constant 0 : i32
    return %arg0, %c0_i32 : i32, i32
  }
}

module attributes {stable_mosaic.version = 14 : i64} {
  func.func @_tc_c_body(%arg0: i32, %arg1: memref<2x1000x32xf32, #tpu.memory_space<vmem>>, %arg2: memref<2x1000x16xf32, #tpu.memory_space<vmem>>, %arg3: memref<1000x32xf32, #tpu.memory_space<vmem>>, %arg4: memref<1000x16xf32, #tpu.memory_space<vmem>>, %arg5: memref<1000x1xf32, #tpu.memory_space<vmem>>, %arg6: memref<1000x1xf32, #tpu.memory_space<vmem>>, %arg7: memref<1000x1xf32, #tpu.memory_space<vmem>>, %arg8: memref<1000x1xf32, #tpu.memory_space<vmem>>, %arg9: memref<32x33xf32, #tpu.memory_space<vmem>>, %arg10: memref<1x33xf32, #tpu.memory_space<vmem>>, %arg11: memref<1x11xf32, #tpu.memory_space<vmem>>, %arg12: memref<44x33xf32, #tpu.memory_space<vmem>>, %arg13: memref<1x33xf32, #tpu.memory_space<vmem>>, %arg14: memref<33x128xf32, #tpu.memory_space<vmem>>, %arg15: memref<1x128xf32, #tpu.memory_space<vmem>>, %arg16: memref<1000x128xf32, #tpu.memory_space<vmem>>) attributes {dimension_semantics = [#tpu.dimension_semantics<arbitrary>], iteration_bounds = array<i64: 10>, scalar_prefetch = 0 : i64, scratch_operands = 0 : i64, tpu.core_type = #tpu.core_type<tc>, window_params = [{transform_indices = @transform_0, window_bounds = array<i64: 2, 1000, 32>}, {transform_indices = @transform_1, window_bounds = array<i64: 2, 1000, 16>}, {transform_indices = @transform_2, window_bounds = array<i64: 1000, 32>}, {transform_indices = @transform_3, window_bounds = array<i64: 1000, 16>}, {transform_indices = @transform_4, window_bounds = array<i64: 1000, 1>}, {transform_indices = @transform_5, window_bounds = array<i64: 1000, 1>}, {transform_indices = @transform_6, window_bounds = array<i64: 1000, 1>}, {transform_indices = @transform_7, window_bounds = array<i64: 1000, 1>}, {pipeline_mode = #tpu.pipeline_mode<synchronous>, transform_indices = @transform_8, window_bounds = array<i64: 32, 33>}, {pipeline_mode = #tpu.pipeline_mode<synchronous>, transform_indices = @transform_9, window_bounds = array<i64: 1, 33>}, {pipeline_mode = #tpu.pipeline_mode<synchronous>, transform_indices = @transform_10, window_bounds = array<i64: 1, 11>}, {pipeline_mode = #tpu.pipeline_mode<synchronous>, transform_indices = @transform_11, window_bounds = array<i64: 44, 33>}, {pipeline_mode = #tpu.pipeline_mode<synchronous>, transform_indices = @transform_12, window_bounds = array<i64: 1, 33>}, {pipeline_mode = #tpu.pipeline_mode<synchronous>, transform_indices = @transform_13, window_bounds = array<i64: 33, 128>}, {pipeline_mode = #tpu.pipeline_mode<synchronous>, transform_indices = @transform_14, window_bounds = array<i64: 1, 128>}, {transform_indices = @transform_15, window_bounds = array<i64: 1000, 128>}]} {
    %get3A = arith.constant 0 : index
    %get3A_0 = arith.constant 0 : index
    %get3A_1 = vector.load %arg5[%get3A, %get3A_0] : memref<1000x1xf32, #tpu.memory_space<vmem>>, vector<1000x1xf32>
    %get3A_2 = arith.constant 0 : index
    %get3A_3 = arith.constant 0 : index
    %get3A_4 = vector.load %arg6[%get3A_2, %get3A_3] : memref<1000x1xf32, #tpu.memory_space<vmem>>, vector<1000x1xf32>
    %add3A = arith.addf %get3A_1, %get3A_4 : vector<1000x1xf32>
    %add3A_5 = arith.constant 1.000000e+00 : f32
    %add3A_6 = vector.broadcast %add3A_5 : f32 to vector<1000x1xf32>
    %add3A_7 = arith.addf %add3A, %add3A_6 : vector<1000x1xf32>
    %rsqrt3A = math.rsqrt %add3A_7 : vector<1000x1xf32>
    %get3A_8 = arith.constant 0 : index
    %get3A_9 = arith.constant 0 : index
    %get3A_10 = vector.load %arg7[%get3A_8, %get3A_9] : memref<1000x1xf32, #tpu.memory_space<vmem>>, vector<1000x1xf32>
    %get3A_11 = arith.constant 0 : index
    %get3A_12 = arith.constant 0 : index
    %get3A_13 = vector.load %arg8[%get3A_11, %get3A_12] : memref<1000x1xf32, #tpu.memory_space<vmem>>, vector<1000x1xf32>
    %add3A_14 = arith.addf %get3A_10, %get3A_13 : vector<1000x1xf32>
    %add3A_15 = arith.constant 1.000000e+00 : f32
    %add3A_16 = vector.broadcast %add3A_15 : f32 to vector<1000x1xf32>
    %add3A_17 = arith.addf %add3A_14, %add3A_16 : vector<1000x1xf32>
    %rsqrt3A_18 = math.rsqrt %add3A_17 : vector<1000x1xf32>
    %get3A_19 = arith.constant 0 : index
    %get3A_20 = arith.constant 0 : index
    %get3A_21 = arith.constant 0 : index
    %get3A_22 = vector.load %arg1[%get3A_19, %get3A_20, %get3A_21] : memref<2x1000x32xf32, #tpu.memory_space<vmem>>, vector<1x1000x32xf32>
    %get3A_23 = vector.shape_cast %get3A_22 : vector<1x1000x32xf32> to vector<1000x32xf32>
    %get3A_24 = arith.constant 1 : index
    %get3A_25 = arith.constant 0 : index
    %get3A_26 = arith.constant 0 : index
    %get3A_27 = vector.load %arg1[%get3A_24, %get3A_25, %get3A_26] : memref<2x1000x32xf32, #tpu.memory_space<vmem>>, vector<1x1000x32xf32>
    %get3A_28 = vector.shape_cast %get3A_27 : vector<1x1000x32xf32> to vector<1000x32xf32>
    %add3A_29 = arith.addf %get3A_23, %get3A_28 : vector<1000x32xf32>
    %get3A_30 = arith.constant 0 : index
    %get3A_31 = arith.constant 0 : index
    %get3A_32 = vector.load %arg3[%get3A_30, %get3A_31] : memref<1000x32xf32, #tpu.memory_space<vmem>>, vector<1000x32xf32>
    %add3A_33 = arith.addf %add3A_29, %get3A_32 : vector<1000x32xf32>
    %mul3A = vector.broadcast %rsqrt3A : vector<1000x1xf32> to vector<1000x32xf32>
    %mul3A_34 = arith.mulf %mul3A, %add3A_33 : vector<1000x32xf32>
    %get3A_35 = arith.constant 0 : index
    %get3A_36 = arith.constant 0 : index
    %get3A_37 = vector.load %arg9[%get3A_35, %get3A_36] : memref<32x33xf32, #tpu.memory_space<vmem>>, vector<32x33xf32>
    %dot_general3A = arith.constant dense<0.000000e+00> : vector<1000x33xf32>
    %dot_general3A_38 = tpu.matmul %mul3A_34, %get3A_37, %dot_general3A {dimension_numbers = #tpu.dot_dimension_numbers<[1], [0], [0], [1], [0, 0, 1, 1], [], []>, transpose_lhs_hint = false} : vector<1000x32xf32>, vector<32x33xf32>, vector<1000x33xf32> -> vector<1000x33xf32>
    %get3A_39 = arith.constant 0 : index
    %get3A_40 = arith.constant 0 : index
    %get3A_41 = vector.load %arg10[%get3A_39, %get3A_40] : memref<1x33xf32, #tpu.memory_space<vmem>>, vector<1x33xf32>
    %add3A_42 = vector.broadcast %get3A_41 : vector<1x33xf32> to vector<1000x33xf32>
    %add3A_43 = arith.addf %dot_general3A_38, %add3A_42 : vector<1000x33xf32>
    %get3A_44 = arith.constant 0 : index
    %get3A_45 = arith.constant 0 : index
    %get3A_46 = arith.constant 0 : index
    %get3A_47 = vector.load %arg2[%get3A_44, %get3A_45, %get3A_46] : memref<2x1000x16xf32, #tpu.memory_space<vmem>>, vector<1x1000x16xf32>
    %get3A_48 = vector.shape_cast %get3A_47 : vector<1x1000x16xf32> to vector<1000x16xf32>
    %get3A_49 = arith.constant 1 : index
    %get3A_50 = arith.constant 0 : index
    %get3A_51 = arith.constant 0 : index
    %get3A_52 = vector.load %arg2[%get3A_49, %get3A_50, %get3A_51] : memref<2x1000x16xf32, #tpu.memory_space<vmem>>, vector<1x1000x16xf32>
    %get3A_53 = vector.shape_cast %get3A_52 : vector<1x1000x16xf32> to vector<1000x16xf32>
    %add3A_54 = arith.addf %get3A_48, %get3A_53 : vector<1000x16xf32>
    %get3A_55 = arith.constant 0 : index
    %get3A_56 = arith.constant 0 : index
    %get3A_57 = vector.load %arg4[%get3A_55, %get3A_56] : memref<1000x16xf32, #tpu.memory_space<vmem>>, vector<1000x16xf32>
    %add3A_58 = arith.addf %add3A_54, %get3A_57 : vector<1000x16xf32>
    %slice3A = vector.extract_strided_slice %add3A_58 {offsets = [0, 0], sizes = [1000, 11], strides = [1, 1]} : vector<1000x16xf32> to vector<1000x11xf32>
    %mul3A_59 = vector.broadcast %rsqrt3A_18 : vector<1000x1xf32> to vector<1000x11xf32>
    %mul3A_60 = arith.mulf %mul3A_59, %slice3A : vector<1000x11xf32>
    %get3A_61 = arith.constant 0 : index
    %get3A_62 = arith.constant 0 : index
    %get3A_63 = vector.load %arg11[%get3A_61, %get3A_62] : memref<1x11xf32, #tpu.memory_space<vmem>>, vector<1x11xf32>
    %add3A_64 = vector.broadcast %get3A_63 : vector<1x11xf32> to vector<1000x11xf32>
    %add3A_65 = arith.addf %mul3A_60, %add3A_64 : vector<1000x11xf32>
    %concatenate3A = tpu.concatenate %add3A_43, %add3A_65 in 1 : vector<1000x33xf32>, vector<1000x11xf32> -> vector<1000x44xf32>
    %max3A = arith.constant 0.000000e+00 : f32
    %max3A_66 = vector.broadcast %max3A : f32 to vector<1000x44xf32>
    %max3A_67 = arith.maximumf %concatenate3A, %max3A_66 : vector<1000x44xf32>
    %get3A_68 = arith.constant 0 : index
    %get3A_69 = arith.constant 0 : index
    %get3A_70 = vector.load %arg12[%get3A_68, %get3A_69] : memref<44x33xf32, #tpu.memory_space<vmem>>, vector<44x33xf32>
    %dot_general3A_71 = arith.constant dense<0.000000e+00> : vector<1000x33xf32>
    %dot_general3A_72 = tpu.matmul %max3A_67, %get3A_70, %dot_general3A_71 {dimension_numbers = #tpu.dot_dimension_numbers<[1], [0], [0], [1], [0, 0, 1, 1], [], []>, transpose_lhs_hint = false} : vector<1000x44xf32>, vector<44x33xf32>, vector<1000x33xf32> -> vector<1000x33xf32>
    %get3A_73 = arith.constant 0 : index
    %get3A_74 = arith.constant 0 : index
    %get3A_75 = vector.load %arg13[%get3A_73, %get3A_74] : memref<1x33xf32, #tpu.memory_space<vmem>>, vector<1x33xf32>
    %add3A_76 = vector.broadcast %get3A_75 : vector<1x33xf32> to vector<1000x33xf32>
    %add3A_77 = arith.addf %dot_general3A_72, %add3A_76 : vector<1000x33xf32>
    %max3A_78 = arith.constant 0.000000e+00 : f32
    %max3A_79 = vector.broadcast %max3A_78 : f32 to vector<1000x33xf32>
    %max3A_80 = arith.maximumf %add3A_77, %max3A_79 : vector<1000x33xf32>
    %get3A_81 = arith.constant 0 : index
    %get3A_82 = arith.constant 0 : index
    %get3A_83 = vector.load %arg14[%get3A_81, %get3A_82] : memref<33x128xf32, #tpu.memory_space<vmem>>, vector<33x128xf32>
    %dot_general3A_84 = arith.constant dense<0.000000e+00> : vector<1000x128xf32>
    %dot_general3A_85 = tpu.matmul %max3A_80, %get3A_83, %dot_general3A_84 {dimension_numbers = #tpu.dot_dimension_numbers<[1], [0], [0], [1], [0, 0, 1, 1], [], []>, transpose_lhs_hint = false} : vector<1000x33xf32>, vector<33x128xf32>, vector<1000x128xf32> -> vector<1000x128xf32>
    %get3A_86 = arith.constant 0 : index
    %get3A_87 = arith.constant 0 : index
    %get3A_88 = vector.load %arg15[%get3A_86, %get3A_87] : memref<1x128xf32, #tpu.memory_space<vmem>>, vector<1x128xf32>
    %add3A_89 = vector.broadcast %get3A_88 : vector<1x128xf32> to vector<1000x128xf32>
    %add3A_90 = arith.addf %dot_general3A_85, %add3A_89 : vector<1000x128xf32>
    %swap3A = arith.constant 0 : index
    %swap3A_91 = arith.constant 0 : index
    %swap3A_92 = vector.load %arg16[%swap3A, %swap3A_91] : memref<1000x128xf32, #tpu.memory_space<vmem>>, vector<1000x128xf32>
    tpu.vector_store %arg16[%swap3A, %swap3A_91], %add3A_90 {strides = array<i32>} : memref<1000x128xf32, #tpu.memory_space<vmem>>, vector<1000x128xf32>,
    return
  }
  func.func @transform_0(%arg0: i32) -> (i32, i32, i32) {
    %c0_i32 = arith.constant 0 : i32
    %c0_i32_0 = arith.constant 0 : i32
    %c0_i32_1 = arith.constant 0 : i32
    return %c0_i32, %arg0, %c0_i32_0 : i32, i32, i32
  }
  func.func @transform_1(%arg0: i32) -> (i32, i32, i32) {
    %c0_i32 = arith.constant 0 : i32
    %c0_i32_0 = arith.constant 0 : i32
    %c0_i32_1 = arith.constant 0 : i32
    return %c0_i32, %arg0, %c0_i32_0 : i32, i32, i32
  }
  func.func @transform_2(%arg0: i32) -> (i32, i32) {
    %c0_i32 = arith.constant 0 : i32
    %c0_i32_0 = arith.constant 0 : i32
    return %arg0, %c0_i32 : i32, i32
  }
  func.func @transform_3(%arg0: i32) -> (i32, i32) {
    %c0_i32 = arith.constant 0 : i32
    %c0_i32_0 = arith.constant 0 : i32
    return %arg0, %c0_i32 : i32, i32
  }
  func.func @transform_4(%arg0: i32) -> (i32, i32) {
    %c0_i32 = arith.constant 0 : i32
    %c0_i32_0 = arith.constant 0 : i32
    return %arg0, %c0_i32 : i32, i32
  }
  func.func @transform_5(%arg0: i32) -> (i32, i32) {
    %c0_i32 = arith.constant 0 : i32
    %c0_i32_0 = arith.constant 0 : i32
    return %arg0, %c0_i32 : i32, i32
  }
  func.func @transform_6(%arg0: i32) -> (i32, i32) {
    %c0_i32 = arith.constant 0 : i32
    %c0_i32_0 = arith.constant 0 : i32
    return %arg0, %c0_i32 : i32, i32
  }
  func.func @transform_7(%arg0: i32) -> (i32, i32) {
    %c0_i32 = arith.constant 0 : i32
    %c0_i32_0 = arith.constant 0 : i32
    return %arg0, %c0_i32 : i32, i32
  }
  func.func @transform_8(%arg0: i32) -> (i32, i32) {
    %c0_i32 = arith.constant 0 : i32
    %c0_i32_0 = arith.constant 0 : i32
    %c0_i32_1 = arith.constant 0 : i32
    return %c0_i32, %c0_i32_0 : i32, i32
  }
  func.func @transform_9(%arg0: i32) -> (i32, i32) {
    %c0_i32 = arith.constant 0 : i32
    %c0_i32_0 = arith.constant 0 : i32
    %c0_i32_1 = arith.constant 0 : i32
    return %c0_i32, %c0_i32_0 : i32, i32
  }
  func.func @transform_10(%arg0: i32) -> (i32, i32) {
    %c0_i32 = arith.constant 0 : i32
    %c0_i32_0 = arith.constant 0 : i32
    %c0_i32_1 = arith.constant 0 : i32
    return %c0_i32, %c0_i32_0 : i32, i32
  }
  func.func @transform_11(%arg0: i32) -> (i32, i32) {
    %c0_i32 = arith.constant 0 : i32
    %c0_i32_0 = arith.constant 0 : i32
    %c0_i32_1 = arith.constant 0 : i32
    return %c0_i32, %c0_i32_0 : i32, i32
  }
  func.func @transform_12(%arg0: i32) -> (i32, i32) {
    %c0_i32 = arith.constant 0 : i32
    %c0_i32_0 = arith.constant 0 : i32
    %c0_i32_1 = arith.constant 0 : i32
    return %c0_i32, %c0_i32_0 : i32, i32
  }
  func.func @transform_13(%arg0: i32) -> (i32, i32) {
    %c0_i32 = arith.constant 0 : i32
    %c0_i32_0 = arith.constant 0 : i32
    %c0_i32_1 = arith.constant 0 : i32
    return %c0_i32, %c0_i32_0 : i32, i32
  }
  func.func @transform_14(%arg0: i32) -> (i32, i32) {
    %c0_i32 = arith.constant 0 : i32
    %c0_i32_0 = arith.constant 0 : i32
    %c0_i32_1 = arith.constant 0 : i32
    return %c0_i32, %c0_i32_0 : i32, i32
  }
  func.func @transform_15(%arg0: i32) -> (i32, i32) {
    %c0_i32 = arith.constant 0 : i32
    %c0_i32_0 = arith.constant 0 : i32
    return %arg0, %c0_i32 : i32, i32
  }
}

</mosaic_0001>

<sc_bundles>
// kernel: kernel.11.cloned.1.call-start
scs
__scs_entry_jumppad:
0x0: {  	(pc) =	sbr.rel $0x88, $3  }
0x1: {  	(tag) =	ssettag $0x0;
	lr =	simm.s32 $0x1  }
0x2: {  	[smem:$0x3F8D] =	sst lr;
	_ =	strace $0xD0000000  }
0x3: {  	_ = 	snop  }
0x4: {  	_ = 	snop  }
0x5: {  	_ = 	snop  }
0x6: {  	_ = 	snop  }
0x7: {  	_ = 	snop  }
__scs_overlays_trampoline_lowered:
0x8: {  	[smem:$0x3F9C] =	sst s0  }
0x9: {  	[smem:$0x3F9D] =	sst s1  }
0xa: {  	[smem:$0x3F9E] =	sst s2  }
0xb: {  	[smem:$0x3F9F] =	sst s3  }
0xc: {  	[smem:$0x3FA0] =	sst s4  }
0xd: {  	[smem:$0x3FA1] =	sst s5  }
0xe: {  	[smem:$0x3FA2] =	sst s6  }
0xf: {  	[smem:$0x3FA3] =	sst s7  }
0x10: {  	[smem:$0x3FA4] =	sst s8  }
0x11: {  	[smem:$0x3FA5] =	sst s9;
	s0 =	simm.s32 @!p0 $0x0  }
0x12: {  	s1 =	sld [smem:$0x3F8B];
	s0 =	simm.s32 @p0 $0x1  }
0x13: {  	[smem:$0x3FA6] =	sst s0;
	s0 =	simm.s32 @!p1 $0x0  }
0x14: {  	s2 =	sld [smem:$0x3F8A];
	s0 =	simm.s32 @p1 $0x1  }
0x15: {  	[smem:$0x3FA7] =	sst s0;
	s0 =	simm.s32 @!p2 $0x0  }
0x16: {  	s3 =	sld [smem:$0x3FDB];
	s0 =	simm.s32 @p2 $0x1  }
0x17: {  	s4 =	simm.s32 $0x1BF5;
	[smem:$0x3FA9] =	sst s0  }
0x18: {  	s0 =	sld [smem:$0x3F8C];
	_ =	swait.ge [sflag:s4], $0x0  }
0x19: {  	s7 =	sld [smem:$0x3F8D]  }
0x1a: {  	s8 =	sadd.s32 $0xFFFFE003, lr  }
0x1b: {  	s9 =	sadd.s32 $0xFFFFFEF7, lr;
	s5 =	simm.s32 $0xFFFFFFFF;
	p2 =	slt.u32 s8, $0xFFFFF086  }
0x1c: {  	p1 =	slt.u32 s9, $0xF7A;
	s5 =	simm.s32 @!p2 $0x0  }
0x1d: {  	s5 =	simm.s32 @p1 $0x1;
	p0 =	seq.s32 s7, s2  }
0x1e: {  	s7 =	smul.u32 @!p0 $0xF7A, s2;
	p2 =	seq.s32 @!p0 s5, $0x0  }
0x1f: {  	s9 =	smul.u32 $0xF7A, s1;
	s8 =	simm.s32 @!p0 $0x1BF5;
	p2 =	por !p2, p0  }
0x20: {  	[sflag:s8] =	ssyncset.s32 @!p0 $0xFFFFF086;
	s6 =	sadd.s32 @!p0 s3, s7;
	s7 =	simm.s32 @!p0 $0x108  }
0x21: {  	s3 =	sadd.s32 s3, s9;
	s6 =	sadd.s32 @!p0 $0x88, s6;
	s7 =	simm.s32 @p2 $0x1082  }
0x22: {  	[simem:s7], [sflag:s8] =	dma.local @!p0 [hbm:s6], $0xF7A  }
0x23: {  	s9 =	sor.u32 $0xD0000000, s2;
	s6 =	simm.s32 $0x108;
	_ =	swait.ge @!p0 [sflag:s8], $0x0  }
0x24: {  	s3 =	sadd.s32 $0x88, s3;
	s6 =	simm.s32 @!p1 $0x1082;
	[sflag:s4] =	ssyncset.s32 $0xFFFFF086  }
0x25: {  	[simem:s6], [sflag:s4] =	dma.local [hbm:s3], $0xF7A  }
0x26: {  	[smem:$0x3F8D] =	sst s1;
	(tag) =	ssettag s2;
	_ =	strace s9  }
0x27: {  	s1 =	sld [smem:$0x3F9D]  }
0x28: {  	s2 =	sld [smem:$0x3F9E]  }
0x29: {  	s4 =	sld [smem:$0x3FA0]  }
0x2a: {  	p0 =	seq.s32 s5, $0x0;
	s5 =	sld [smem:$0x3FA1]  }
0x2b: {  	s6 =	sld [smem:$0x3FA2]  }
0x2c: {  	s7 =	sld [smem:$0x3FA3]  }
0x2d: {  	s3 =	simm.s32 $0x108;
	s8 =	sld [smem:$0x3FA4]  }
0x2e: {  	s3 =	simm.s32 @!p0 $0x1082;
	s9 =	sld [smem:$0x3FA5]  }
0x2f: {  	lr =	sadd.s32 s0, s3;
	s0 =	sld [smem:$0x3F9C]  }
0x30: {  	s3 =	sld [smem:$0x3F9F]  }
0x31: {  	[smem:$0x3FA8] =	sst s10  }
0x32: {  	s10 =	sld [smem:$0x3FA6];
	_ =	sdelay $0x3  }
0x33: {  	p0 =	seq.s32 s10, $0x1;
	s10 =	sld [smem:$0x3FA8];
	_ =	sdelay $0x3  }
0x34: {  	[smem:$0x3FA8] =	sst s10  }
0x35: {  	s10 =	sld [smem:$0x3FA7];
	_ =	sdelay $0x3  }
0x36: {  	p1 =	seq.s32 s10, $0x1;
	s10 =	sld [smem:$0x3FA8];
	_ =	sdelay $0x3  }
0x37: {  	[smem:$0x3FA8] =	sst s10  }
0x38: {  	s10 =	sld [smem:$0x3FA9]  }
0x39: {  	_ = 	snop;
	(pc) =	sbr.ind lr, $3  }
0x3a: {  	_ = 	snop  }
0x3b: {  	_ = 	snop  }
0x3c: {  	p2 =	seq.s32 s10, $0x1;
	s10 =	sld [smem:$0x3FA8]  }
0x3d: {  	_ =	shalt  }
0x3e: {  	_ =	shalt  }
0x3f: {  	_ =	shalt  }
0x40: {  	_ =	shalt  }
0x41: {  	_ =	shalt  }
0x42: {  	_ =	shalt  }
0x43: {  	_ =	shalt  }
0x44: {  	_ =	shalt  }
0x45: {  	_ =	shalt  }
0x46: {  	_ =	shalt  }
0x47: {  	_ =	shalt  }
0x48: {  	_ =	shalt  }
0x49: {  	_ =	shalt  }
0x4a: {  	_ =	shalt  }
0x4b: {  	_ =	shalt  }
0x4c: {  	_ =	shalt  }
0x4d: {  	_ =	shalt  }
0x4e: {  	_ =	shalt  }
0x4f: {  	_ =	shalt  }
0x50: {  	_ =	shalt  }
0x51: {  	_ =	shalt  }
0x52: {  	_ =	shalt  }
0x53: {  	_ =	shalt  }
0x54: {  	_ =	shalt  }
0x55: {  	_ =	shalt  }
0x56: {  	_ =	shalt  }
0x57: {  	_ =	shalt  }
0x58: {  	_ =	shalt  }
0x59: {  	_ =	shalt  }
0x5a: {  	_ =	shalt  }
0x5b: {  	_ =	shalt  }
0x5c: {  	_ =	shalt  }
0x5d: {  	_ =	shalt  }
0x5e: {  	_ =	shalt  }
0x5f: {  	_ =	shalt  }
0x60: {  	_ =	shalt  }
0x61: {  	_ =	shalt  }
0x62: {  	_ =	shalt  }
0x63: {  	_ =	shalt  }
0x64: {  	_ =	shalt  }
0x65: {  	_ =	shalt  }
0x66: {  	_ =	shalt  }
0x67: {  	_ =	shalt  }
0x68: {  	_ =	shalt  }
0x69: {  	_ =	shalt  }
0x6a: {  	_ =	shalt  }
0x6b: {  	_ =	shalt  }
0x6c: {  	_ =	shalt  }
0x6d: {  	_ =	shalt  }
0x6e: {  	_ =	shalt  }
0x6f: {  	_ =	shalt  }
0x70: {  	_ =	shalt  }
0x71: {  	_ =	shalt  }
0x72: {  	_ =	shalt  }
0x73: {  	_ =	shalt  }
0x74: {  	_ =	shalt  }
0x75: {  	_ =	shalt  }
0x76: {  	_ =	shalt  }
0x77: {  	_ =	shalt  }
0x78: {  	_ =	shalt  }
0x79: {  	_ =	shalt  }
0x7a: {  	_ =	shalt  }
0x7b: {  	_ =	shalt  }
0x7c: {  	_ =	shalt  }
0x7d: {  	_ =	shalt  }
0x7e: {  	_ =	shalt  }
0x7f: {  	_ =	shalt  }
0x80: {  	_ =	shalt  }
0x81: {  	_ =	shalt  }
0x82: {  	_ =	shalt  }
0x83: {  	_ =	shalt  }
0x84: {  	_ =	shalt  }
0x85: {  	_ =	shalt  }
0x86: {  	_ =	shalt  }
0x87: {  	_ =	shalt  }
.Lfunc_end0:
.L_simem_size_0:
called_computation.1_lowered:
.L_overlay_start_0:
0x88: {  	s2 =	sld [smem:$0x3FD9]  }
0x89: {  	s3 =	sld [smem:$0x3FFE];
	_ =	sdelay $0x1  }
0x8a: {  	s1 =	srdreg.scid  }
0x8b: {  	s0 =	sand.u32 $0x1, s1  }
0x8c: {  	s17 =	sshll.u32 s0, $0xA;
	s2 =	sadd.s32 s3, s2  }
0x8d: {  	s2 =	sadd.s32 s2, s17  }
0x8e: {  	[smem:$0x3FB4] =	sst s2  }
0x8f: {  	_ = 	snop  }
0x90: {  	s2 =	sld [smem:$0x3FD0];
	(tm) =	ssettm $0x1  }
0x91: {  	s18 =	sld [smem:$0x3FFB];
	_ =	sdelay $0x3  }
0x92: {  	_ =	strace s18  }
0x93: {  	s3 =	sld [smem:$0x3FFC];
	_ =	sdelay $0x3  }
0x94: {  	_ =	strace s3  }
0x95: {  	s3 =	sld [smem:$0x3FFD];
	_ =	sdelay $0x3  }
0x96: {  	_ =	strace s3  }
0x97: {  	_ =	strace $0x8FFFFFFF  }
0x98: {  	s19 =	sld [smem:$0x3FDB];
	_ =	sdelay $0x1  }
0x99: {  	s4 =	simm.s32 $_scs_section_size  }
0x9a: {  	s5 =	simm.s32 $_size__tile_overlayer_lowered;
	s6 =	simm.s32 $_tile_overlayer_lowered  }
0x9b: {  	s22 =	simm.s32 $0x1BFF;
	s21 =	sshll.u32 s6, $0x1;
	s3 =	sadd.s32 s4, s19  }
0x9c: {  	s7 =	simm.s32 $0x0;
	s20 =	sshll.u32 s5, $0x1;
	s5 =	sadd.s32 s21, s3  }
0x9d: {  	[timem:s7], [sflag:s22] =	dma.local [hbm:s5], s20  }
0x9e: {  	_ =	swait.ge [sflag:s22], s20  }
0x9f: {  	s4 =	ssub.s32 $0x0, s20;
	[sflag:s22] =	ssyncset.done $0x0  }
0xa0: {  	[sflag:s22] =	ssyncadd.s32 s4;
	_ =	sdelay $0x1  }
0xa1: {  	s23 =	simm.s32 $0x1B8B  }
0xa2: {  	_ =	swait.ge [sflag:s23], $0x1  }
0xa3: {  	[sflag:s23] =	ssyncset.done $0x0  }
0xa4: {  	s25 =	simm.s32 $0x1B8E;
	s24 =	sld [smem:$0x3FFE];
	[sflag:s23] =	ssyncadd.s32 $0xFFFFFFFF  }
0xa5: {  	s26 =	simm.s32 $execute0_lowered;
	[smem:$0x3FD2] =	sst s25  }
0xa6: {  	s5 =	sshll.u32 s26, $0x1;
	_ =	strace $0x80000049;
	[dreg:$0x1] =	wrdreg $0xFFFFFFFF  }
0xa7: {  	s28 =	simm.s32 $_size_execute0_lowered;
	s3 =	sadd.s32 s3, s5;
	[dreg:$0x0] =	wrdreg $0x0  }
0xa8: {  	s5 =	sshll.u32 s28, $0x1;
	[dreg:$0x2] =	wrdreg s3  }
0xa9: {  	[dreg:$0x3] =	wrdreg s5  }
0xaa: {  	[dreg:$0x4] =	wrdreg $0xC0  }
0xab: {  	_ =	task [dreg:s7], $0x5FFFF  }
0xac: {  	[dreg:$0x1] =	wrdreg $0xFFFFFFFF  }
0xad: {  	[dreg:$0x0] =	wrdreg $0x60  }
0xae: {  	[dreg:$0x2] =	wrdreg s24  }
0xaf: {  	[dreg:$0x3] =	wrdreg s2  }
0xb0: {  	[dreg:$0x4] =	wrdreg $0x98000  }
0xb1: {  	[dreg:$0x5] =	wrdreg $0xE8000  }
0xb2: {  	[dreg:$0x6] =	wrdreg $0x9  }
0xb3: {  	_ =	task.clear_ibuf [dreg:s7], $0x7FFFF;
	_ =	strace $0x90000049  }
0xb4: {  	s29 =	simm.s32 $0x9;
	_ =	strace $0x8000004B  }
0xb5: {  	_ =	swait.ge [sflag:s29], $0x1  }
0xb6: {  	[sflag:s29] =	ssyncadd.s32 $0xFFFFFFFF  }
0xb7: {  	_ =	strace $0x9000004B  }
0xb8: {  	_ =	sfence  }
0xb9: {  	s30 =	sld [smem:$0x0];
	_ =	sdelay $0x2  }
0xba: {  	s31 =	sshll.u32 s1, $0xD;
	s1 =	sshrl.u32 s1, $0x2  }
0xbb: {  	s3 =	sand.u32 $0x4000, s31;
	s1 =	sadd.s32 s1, s30  }
0xbc: {  	s0 =	sor.u32 s3, s0;
	s1 =	sshll.u32 s1, $0x11  }
0xbd: {  	s0 =	sor.u32 s1, s0  }
0xbe: {  	s0 =	sadd.s32 $0x8F2B, s0  }
0xbf: {  	[sflag:s0] =	ssyncadd.remote.s32 $0x1  }
0xc0: {  	_ =	sfence.sel $0xFFFF  }
0xc1: {  	[dreg:$0x0] =	wrdreg $0xFFFFFFFF;
	(pc) =	sbr.abs _section_cstart, $3  }
0xc2: {  	[dreg:$0x1] =	wrdreg $0xFFFFFFFF  }
0xc3: {  	_ =	task.clear_ibuf [dreg:s7], $0x2FFFF;
	_ =	strace $0x9FFFFFFF  }
0xc4: {  	(tm) =	ssettm $0x7FFFFFFF  }
0xc5: {  	_ =	shalt  }
tec
execute0_lowered:
.L_overlay_start_1:
0x0: {  	(tag) =	ssettag $0x1  }
0x1: {  	s0 =	rddreg [dreg:$0x0]  }
0x2: {  	s11 =	rddreg [dreg:$0x1]  }
0x3: {  	s1 =	rddreg [dreg:$0x2]  }
0x4: {  	s3 =	rddreg [dreg:$0x3];
	s4 =	simm.s32 $0x0  }
0x5: {  	s5 =	srdreg.scid;
	s2 =	stileid.u32;
	s22 =	simm.s32 $0x13800  }
0x6: {  	s23 =	simm.s32 $0x3;
	s28 =	simm.s32 $0x200;
	s29 =	simm.s32 $0x4C00  }
0x7: {  	s30 =	simm.s32 $0x0;
	[smem:$0x7FF] =	sst s4;
	s12 =	sand.u32 $0x1, s5  }
0x8: {  	s9 =	smul.u32 $0x5000, s2;
	s5 =	sadd.s32 $0xD9A00, s0;
	s6 =	sadd.s32 $0xCFC00, s0  }
0x9: {  	s15 =	sadd.s32 $0x25C00, s0;
	s16 =	sadd.s32 $0x10A00, s0;
	s17 =	sadd.s32 $0x1BC00, s0  }
0xa: {  	s18 =	sadd.s32 $0x6A00, s0;
	s14 =	smul.u32 $0x980, s2;
	s20 =	sshll.u32 s2, $0x7  }
0xb: {  	_ =	strace $0x8000004A;
	s7 =	smul.u32 $0x50000, s12;
	s8 =	ssub.s32 $0x2, s12  }
0xc: {  	p0 =	seq.s32 s12, $0x1;
	s20 =	sor.u32 $0x9800, s20;
	s24 =	sshrl.u32 s8, $0x1  }
0xd: {  	s10 =	sadd.s32 $0x4000, s9;
	s25 =	sadd.s32 s15, s14;
	s26 =	sadd.s32 s16, s14  }
0xe: {  	s31 =	sadd.s32 s17, s14;
	s14 =	sadd.s32 s18, s14;
	s15 =	sadd.s32 s15, s20  }
0xf: {  	s16 =	sadd.s32 s16, s20;
	s17 =	sadd.s32 s17, s20;
	s18 =	sadd.s32 s18, s20  }
0x10: {  	s7 =	sadd.s32 s9, s7;
	s21 =	ssub.s32 s8, s24;
	[dreg:$0x5] =	wrdreg s25  }
.Ltmp0:
0x11: {  	s8 =	sadd.s32 s10, s1;
	[dreg:$0x6] =	wrdreg s26;
	(pc) =	sbr.rel .LBB2_1-.Ltmp0, $4  }
0x12: {  	s10 =	sadd.s32 s10, s3;
	[dreg:$0x7] =	wrdreg s31;
	s24 =	simm.s32 $0x17800  }
0x13: {  	s25 =	simm.s32 $0x1;
	s26 =	simm.s32 $0x2;
	s19 =	sshrl.u32 s7, $0x3  }
0x14: {  	s7 =	sadd.s32 s9, s1;
	s9 =	sadd.s32 s9, s3;
	s0 =	sadd.s32 s19, s0  }
0x15: {  	v0 =	vimm.f32 $0.0e+00;
	s21 =	smax.u32 s21, $0x1;
	s19 =	sadd.s32 s11, s19;
	s20 =	sadd.s32 $0xE3800, s0  }
.LBB2_10:
0x16: {  	[tilespmem:s4], [sflag:$0x3] =	stream.linear.gather [hbm4b:s15+s4], $0x400, $0x38;
	[tilespmem:$0x1B800] =	vst v63  }
0x17: {  	_ =	swait.ge [sflag:s23], $0x400  }
0x18: {  	[sflag:s23] =	ssyncset.done $0x0  }
0x19: {  	s31 =	simm.s32 $0x4C00;
	[sflag:s23] =	ssyncadd.s32 $0xFFFFFC00  }
0x1a: {  	[tilespmem:s31], [sflag:$0x3] =	stream.linear.gather [hbm4b:s16+s4], $0x400, $0x38;
	[tilespmem:$0x1B800] =	vst v63  }
0x1b: {  	_ =	swait.ge [sflag:s23], $0x400  }
0x1c: {  	[sflag:s23] =	ssyncset.done $0x0  }
0x1d: {  	s0 =	simm.s32 $0x200;
	[sflag:s23] =	ssyncadd.s32 $0xFFFFFC00  }
0x1e: {  	[tilespmem:s22], [sflag:$0x1] =	stream.indirect.gather [hbm4b:s5+s0], $0x20, s4, s0, $0xb8;
	[tilespmem:$0x1B800] =	vst v63  }
0x1f: {  	_ = 	snop  }
0x20: {  	[tilespmem:s24], [sflag:$0x2] =	stream.indirect.gather [hbm4b:s5+s0], $0x20, s0, s0, $0xb8;
	[tilespmem:$0x1B800] =	vst v63  }
0x21: {  	_ =	swait.ge [sflag:s25], $0x4000  }
0x22: {  	[sflag:s25] =	ssyncset.done $0x0  }
0x23: {  	[sflag:s25] =	ssyncadd.s32 $0xFFFFC000  }
0x24: {  	[spmem:s1] =	stream.indirect.scatter.add.f32 [tilespmem:s22], [sflag:$0x3], $0x20, s31, s0, $0xb8;
	[tilespmem:$0x1B800] =	vst v63  }
0x25: {  	_ =	swait.ge [sflag:s23], $0x4000  }
0x26: {  	[sflag:s23] =	ssyncset.done $0x0  }
0x27: {  	[sflag:s23] =	ssyncadd.s32 $0xFFFFC000  }
0x28: {  	_ =	swait.ge [sflag:s26], $0x4000  }
0x29: {  	[sflag:s26] =	ssyncset.done $0x0  }
0x2a: {  	s11 =	simm.s32 $0x4E00;
	[sflag:s26] =	ssyncadd.s32 $0xFFFFC000  }
0x2b: {  	[spmem:s1] =	stream.indirect.scatter.add.f32 [tilespmem:s24], [sflag:$0x3], $0x20, s11, s0, $0xb8;
	[tilespmem:$0x1B800] =	vst v63  }
0x2c: {  	_ =	swait.ge [sflag:s23], $0x4000  }
0x2d: {  	[sflag:s23] =	ssyncset.done $0x0  }
0x2e: {  	[sflag:s23] =	ssyncadd.s32 $0xFFFFC000  }
0x2f: {  	[tilespmem:s4], [sflag:$0x3] =	stream.linear.gather [hbm4b:s17+s4], $0x400, $0x38;
	[tilespmem:$0x1B800] =	vst v63  }
0x30: {  	_ =	swait.ge [sflag:s23], $0x400  }
0x31: {  	[sflag:s23] =	ssyncset.done $0x0  }
0x32: {  	[sflag:s23] =	ssyncadd.s32 $0xFFFFFC00  }
0x33: {  	[tilespmem:s31], [sflag:$0x3] =	stream.linear.gather [hbm4b:s18+s4], $0x400, $0x38;
	[tilespmem:$0x1B800] =	vst v63  }
0x34: {  	_ =	swait.ge [sflag:s23], $0x400  }
0x35: {  	[sflag:s23] =	ssyncset.done $0x0  }
0x36: {  	[sflag:s23] =	ssyncadd.s32 $0xFFFFFC00  }
0x37: {  	[tilespmem:s22], [sflag:$0x1] =	stream.indirect.gather [hbm4b:s6+s0], $0x20, s4, s0, $0xb8;
	[tilespmem:$0x1B800] =	vst v63  }
.LBB2_11:
0x38: {  	[tilespmem:s24], [sflag:$0x2] =	stream.indirect.gather [hbm4b:s6+s28], $0x20, s0, s28, $0xb8;
	[tilespmem:$0x1B800] =	vst v63  }
0x39: {  	_ =	swait.ge [sflag:s25], $0x4000  }
0x3a: {  	[sflag:s25] =	ssyncset.done $0x0  }
0x3b: {  	[sflag:s25] =	ssyncadd.s32 $0xFFFFC000  }
0x3c: {  	[spmem:s3] =	stream.indirect.scatter.add.f32 [tilespmem:s22], [sflag:$0x3], $0x20, s31, s28, $0xb8;
	[tilespmem:$0x1B800] =	vst v63  }
0x3d: {  	_ =	swait.ge [sflag:s23], $0x4000  }
0x3e: {  	[sflag:s23] =	ssyncset.done $0x0  }
0x3f: {  	[sflag:s23] =	ssyncadd.s32 $0xFFFFC000  }
0x40: {  	_ =	swait.ge [sflag:s26], $0x4000  }
0x41: {  	[sflag:s26] =	ssyncset.done $0x0  }
0x42: {  	[sflag:s26] =	ssyncadd.s32 $0xFFFFC000  }
0x43: {  	[spmem:s3] =	stream.indirect.scatter.add.f32 [tilespmem:s24], [sflag:$0x3], $0x20, s11, s28, $0xb8;
	[tilespmem:$0x1B800] =	vst v63  }
0x44: {  	_ =	swait.ge [sflag:s23], $0x4000  }
0x45: {  	[sflag:s23] =	ssyncset.done $0x0  }
0x46: {  	s12 =	sshll.u32 s2, $0x6;
	[sflag:s23] =	ssyncadd.s32 $0xFFFFC000  }
0x47: {  	s13 =	sshrl.u32 s7, $0x3;
	s0 =	sor.u32 $0x1C03, s12;
	[bflag:$0x0] =	sbarrier.arrive $0xFFFF  }
0x48: {  	[hbm:s19], [sflag:s0] =	dma.local [spmem:s13], $0xA00  }
0x49: {  	s30 =	sadd.s32 $0x1, s30;
	_ =	swait.ge [sflag:s23], $0xA00  }
0x4a: {  	p1 =	sne.s32 s30, s21;
	[sflag:s23] =	ssyncset.done $0x0  }
.Ltmp1:
0x4b: {  	s31 =	sshrl.u32 s9, $0x3;
	[sflag:s23] =	ssyncadd.s32 $0xFFFFF600;
	(pc) =	sbr.rel @!p1 .LBB2_12-.Ltmp1, $4  }
0x4c: {  	[hbm:s20], [sflag:s0] =	dma.local [spmem:s31], $0xA00  }
0x4d: {  	_ =	swait.ge [sflag:s23], $0xA00  }
0x4e: {  	[sflag:s23] =	ssyncset.done $0x0  }
0x4f: {  	[sflag:s23] =	ssyncadd.s32 $0xFFFFF600  }
.LBB2_1:
0x50: {  	s0 =	simm.s32 $0x80;
	s11 =	simm.s32 $0x0  }
.LBB2_2:
0x51: {  	p1 =	sne.s32 s0, $0xFF80;
	[tilespmem:s11+$0x13800] =	vst v0;
	s31 =	smov.u32 s0;
	s0 =	sadd.s32 $0x80, s0  }
.Ltmp2:
0x52: {  	[tilespmem:s11+$0x13810] =	vst v0;
	(pc) =	sbr.rel @p1 .LBB2_2-.Ltmp2, $2  }
0x53: {  	_ =	sdelay $0x2  }
0x54: {  	s11 =	sshra.s32 s31, $0x2  }
0x55: {  	[tilespmem:s11+$0x13800] =	vst v0  }
0x56: {  	[tilespmem:s11+$0x13810] =	vst v0  }
0x57: {  	[spmem:s7] =	stream.linear.scatter [tilespmem:s22], [sflag:$0x3], $0x4000, $0x38;
	[tilespmem:$0x1B800] =	vst v63  }
0x58: {  	_ =	swait.ge [sflag:s23], $0x4000  }
0x59: {  	[sflag:s23] =	ssyncset.done $0x0  }
0x5a: {  	[sflag:s23] =	ssyncadd.s32 $0xFFFFC000  }
0x5b: {  	[spmem:s8] =	stream.linear.scatter [tilespmem:s22], [sflag:$0x3], $0x1000, $0x38;
	[tilespmem:$0x1B800] =	vst v63  }
0x5c: {  	_ =	swait.ge [sflag:s23], $0x1000  }
0x5d: {  	[sflag:s23] =	ssyncset.done $0x0  }
0x5e: {  	[sflag:s23] =	ssyncadd.s32 $0xFFFFF000  }
0x5f: {  	[spmem:s9] =	stream.linear.scatter [tilespmem:s22], [sflag:$0x3], $0x4000, $0x38;
	[tilespmem:$0x1B800] =	vst v63  }
0x60: {  	_ =	swait.ge [sflag:s23], $0x4000  }
0x61: {  	[sflag:s23] =	ssyncset.done $0x0  }
0x62: {  	[sflag:s23] =	ssyncadd.s32 $0xFFFFC000  }
0x63: {  	[spmem:s10] =	stream.linear.scatter [tilespmem:s22], [sflag:$0x3], $0x1000, $0x38;
	[tilespmem:$0x1B800] =	vst v63  }
.Ltmp3:
0x64: {  	_ =	swait.ge [sflag:s23], $0x1000;
	(pc) =	sbr.rel @p0 .LBB2_10-.Ltmp3, $3  }
0x65: {  	[sflag:s23] =	ssyncset.done $0x0  }
0x66: {  	[sflag:s23] =	ssyncadd.s32 $0xFFFFF000  }
0x67: {  	[bflag:$0x0] =	sbarrier.arrive $0xFFFF;
	_ =	sdelay $0x1  }
0x68: {  	s0 =	simm.s32 $0x0;
	s11 =	rddreg [dreg:$0x5]  }
0x69: {  	[tilespmem:s0], [sflag:$0x3] =	stream.linear.gather [hbm4b:s11+s0], $0x4C00, $0x38;
	[tilespmem:$0x1B800] =	vst v63  }
0x6a: {  	_ =	swait.ge [sflag:s23], $0x4C00  }
0x6b: {  	[sflag:s23] =	ssyncset.done $0x0  }
0x6c: {  	s12 =	rddreg [dreg:$0x6];
	[sflag:s23] =	ssyncadd.s32 $0xFFFFB400  }
0x6d: {  	[tilespmem:s29], [sflag:$0x3] =	stream.linear.gather [hbm4b:s12+s0], $0x4C00, $0x38;
	[tilespmem:$0x1B800] =	vst v63  }
0x6e: {  	_ =	swait.ge [sflag:s23], $0x4C00  }
0x6f: {  	[sflag:s23] =	ssyncset.done $0x0  }
0x70: {  	[sflag:s23] =	ssyncadd.s32 $0xFFFFB400  }
0x71: {  	[tilespmem:s22], [sflag:$0x1] =	stream.indirect.gather [hbm4b:s5+s28], $0x20, s0, s28, $0xb8;
	[tilespmem:$0x1B800] =	vst v63  }
0x72: {  	s13 =	simm.s32 $0x200  }
0x73: {  	[tilespmem:s24], [sflag:$0x2] =	stream.indirect.gather [hbm4b:s5+s28], $0x20, s13, s28, $0xb8;
	[tilespmem:$0x1B800] =	vst v63  }
0x74: {  	_ =	swait.ge [sflag:s25], $0x4000  }
0x75: {  	[sflag:s25] =	ssyncset.done $0x0  }
0x76: {  	s11 =	simm.s32 $0x4C00;
	[sflag:s25] =	ssyncadd.s32 $0xFFFFC000  }
0x77: {  	[spmem:s1] =	stream.indirect.scatter.add.f32 [tilespmem:s22], [sflag:$0x3], $0x20, s11, s28, $0xb8;
	[tilespmem:$0x1B800] =	vst v63  }
0x78: {  	_ =	swait.ge [sflag:s23], $0x4000  }
0x79: {  	[sflag:s23] =	ssyncset.done $0x0  }
0x7a: {  	s12 =	simm.s32 $0x400;
	[sflag:s23] =	ssyncadd.s32 $0xFFFFC000  }
0x7b: {  	[tilespmem:s22], [sflag:$0x1] =	stream.indirect.gather [hbm4b:s5+s28], $0x20, s12, s28, $0xb8;
	[tilespmem:$0x1B800] =	vst v63  }
0x7c: {  	_ =	swait.ge [sflag:s26], $0x4000  }
0x7d: {  	[sflag:s26] =	ssyncset.done $0x0  }
0x7e: {  	s13 =	simm.s32 $0x4E00;
	[sflag:s26] =	ssyncadd.s32 $0xFFFFC000  }
0x7f: {  	[spmem:s1] =	stream.indirect.scatter.add.f32 [tilespmem:s24], [sflag:$0x3], $0x20, s13, s28, $0xb8;
	[tilespmem:$0x1B800] =	vst v63  }
0x80: {  	_ =	swait.ge [sflag:s23], $0x4000  }
0x81: {  	s31 =	simm.s32 $0x400;
	s0 =	simm.s32 $0x2000;
	[sflag:s23] =	ssyncset.done $0x0  }
.LBB2_5:
0x82: {  	s11 =	sadd.s32 $0x200, s31  }
0x83: {  	[sflag:s23] =	ssyncadd.s32 $0xFFFFC000;
	s12 =	smov.u32 s0;
	s13 =	sadd.s32 $0x1000, s0  }
0x84: {  	[tilespmem:s24], [sflag:$0x2] =	stream.indirect.gather [hbm4b:s5+s28], $0x20, s11, s28, $0xb8;
	[tilespmem:$0x1B800] =	vst v63  }
0x85: {  	p1 =	sne.s32 s0, $0x11000;
	_ =	swait.ge [sflag:s25], $0x4000  }
0x86: {  	[sflag:s25] =	ssyncset.done $0x0  }
0x87: {  	s0 =	sadd.s32 $0x4C00, s31;
	[sflag:s25] =	ssyncadd.s32 $0xFFFFC000  }
0x88: {  	[spmem:s1] =	stream.indirect.scatter.add.f32 [tilespmem:s22], [sflag:$0x3], $0x20, s0, s28, $0xb8;
	[tilespmem:$0x1B800] =	vst v63  }
0x89: {  	_ =	swait.ge [sflag:s23], $0x4000  }
0x8a: {  	[sflag:s23] =	ssyncset.done $0x0  }
0x8b: {  	s0 =	sadd.s32 $0x400, s31;
	[sflag:s23] =	ssyncadd.s32 $0xFFFFC000  }
0x8c: {  	[tilespmem:s22], [sflag:$0x1] =	stream.indirect.gather [hbm4b:s5+s28], $0x20, s0, s28, $0xb8;
	[tilespmem:$0x1B800] =	vst v63  }
0x8d: {  	_ =	swait.ge [sflag:s26], $0x4000  }
.Ltmp4:
0x8e: {  	[sflag:s26] =	ssyncset.done $0x0;
	(pc) =	sbr.rel @p1 .LBB2_5-.Ltmp4, $4  }
0x8f: {  	s0 =	sadd.s32 $0x4E00, s31;
	[sflag:s26] =	ssyncadd.s32 $0xFFFFC000  }
0x90: {  	[spmem:s1] =	stream.indirect.scatter.add.f32 [tilespmem:s24], [sflag:$0x3], $0x20, s0, s28, $0xb8;
	[tilespmem:$0x1B800] =	vst v63  }
0x91: {  	_ =	swait.ge [sflag:s23], $0x4000  }
0x92: {  	s31 =	sshra.s32 s12, $0x2;
	s0 =	smov.u32 s13;
	[sflag:s23] =	ssyncset.done $0x0  }
0x93: {  	s0 =	sadd.s32 $0x200, s31;
	[sflag:s23] =	ssyncadd.s32 $0xFFFFC000  }
0x94: {  	[tilespmem:s24], [sflag:$0x2] =	stream.indirect.gather [hbm4b:s5+s28], $0x20, s0, s28, $0xb8;
	[tilespmem:$0x1B800] =	vst v63  }
0x95: {  	_ =	swait.ge [sflag:s25], $0x4000  }
0x96: {  	[sflag:s25] =	ssyncset.done $0x0  }
0x97: {  	s13 =	sadd.s32 $0x4C00, s31;
	[sflag:s25] =	ssyncadd.s32 $0xFFFFC000  }
0x98: {  	[spmem:s1] =	stream.indirect.scatter.add.f32 [tilespmem:s22], [sflag:$0x3], $0x20, s13, s28, $0xb8;
	[tilespmem:$0x1B800] =	vst v63  }
0x99: {  	_ =	swait.ge [sflag:s23], $0x4000  }
0x9a: {  	[sflag:s23] =	ssyncset.done $0x0  }
0x9b: {  	s11 =	sadd.s32 $0x400, s31;
	[sflag:s23] =	ssyncadd.s32 $0xFFFFC000  }
0x9c: {  	[tilespmem:s22], [sflag:$0x1] =	stream.indirect.gather [hbm4b:s5+s28], $0x20, s11, s28, $0xb8;
	[tilespmem:$0x1B800] =	vst v63  }
0x9d: {  	_ =	swait.ge [sflag:s26], $0x4000  }
0x9e: {  	[sflag:s26] =	ssyncset.done $0x0  }
0x9f: {  	s12 =	sadd.s32 $0x4E00, s31;
	[sflag:s26] =	ssyncadd.s32 $0xFFFFC000  }
0xa0: {  	[spmem:s1] =	stream.indirect.scatter.add.f32 [tilespmem:s24], [sflag:$0x3], $0x20, s12, s28, $0xb8;
	[tilespmem:$0x1B800] =	vst v63  }
0xa1: {  	_ =	swait.ge [sflag:s23], $0x4000  }
0xa2: {  	[sflag:s23] =	ssyncset.done $0x0  }
0xa3: {  	s13 =	simm.s32 $0x4A00;
	[sflag:s23] =	ssyncadd.s32 $0xFFFFC000  }
0xa4: {  	[tilespmem:s24], [sflag:$0x2] =	stream.indirect.gather [hbm4b:s5+s28], $0x20, s13, s28, $0xb8;
	[tilespmem:$0x1B800] =	vst v63  }
0xa5: {  	_ =	swait.ge [sflag:s25], $0x4000  }
0xa6: {  	[sflag:s25] =	ssyncset.done $0x0  }
0xa7: {  	s11 =	simm.s32 $0x9400;
	[sflag:s25] =	ssyncadd.s32 $0xFFFFC000  }
0xa8: {  	[spmem:s1] =	stream.indirect.scatter.add.f32 [tilespmem:s22], [sflag:$0x3], $0x20, s11, s28, $0xb8;
	[tilespmem:$0x1B800] =	vst v63  }
0xa9: {  	_ =	swait.ge [sflag:s23], $0x4000  }
0xaa: {  	[sflag:s23] =	ssyncset.done $0x0  }
0xab: {  	[sflag:s23] =	ssyncadd.s32 $0xFFFFC000  }
0xac: {  	_ =	swait.ge [sflag:s26], $0x4000  }
0xad: {  	[sflag:s26] =	ssyncset.done $0x0  }
0xae: {  	s12 =	simm.s32 $0x9600;
	[sflag:s26] =	ssyncadd.s32 $0xFFFFC000  }
0xaf: {  	[spmem:s1] =	stream.indirect.scatter.add.f32 [tilespmem:s24], [sflag:$0x3], $0x20, s12, s28, $0xb8;
	[tilespmem:$0x1B800] =	vst v63  }
0xb0: {  	_ =	swait.ge [sflag:s23], $0x4000  }
0xb1: {  	[sflag:s23] =	ssyncset.done $0x0  }
0xb2: {  	s13 =	simm.s32 $0x0;
	s11 =	rddreg [dreg:$0x7];
	[sflag:s23] =	ssyncadd.s32 $0xFFFFC000  }
0xb3: {  	[tilespmem:s13], [sflag:$0x3] =	stream.linear.gather [hbm4b:s11+s13], $0x4C00, $0x38;
	[tilespmem:$0x1B800] =	vst v63  }
0xb4: {  	_ =	swait.ge [sflag:s23], $0x4C00  }
0xb5: {  	[sflag:s23] =	ssyncset.done $0x0  }
0xb6: {  	p2 =	por $0x0, $0x0;
	[sflag:s23] =	ssyncadd.s32 $0xFFFFB400  }
0xb7: {  	[tilespmem:s29], [sflag:$0x3] =	stream.linear.gather [hbm4b:s14+s13], $0x4C00, $0x38;
	[tilespmem:$0x1B800] =	vst v63  }
.Ltmp5:
0xb8: {  	_ = 	snop;
	(pc) =	sbr.rel @p2 .LBB2_9-.Ltmp5, $4  }
0xb9: {  	_ =	swait.ge [sflag:s23], $0x4C00  }
0xba: {  	[sflag:s23] =	ssyncset.done $0x0  }
0xbb: {  	s31 =	simm.s32 $0x0;
	p1 =	por $0x0, $0x0;
	[sflag:s23] =	ssyncadd.s32 $0xFFFFB400  }
0xbc: {  	[tilespmem:s22], [sflag:$0x1] =	stream.indirect.gather [hbm4b:s6+s28], $0x20, s13, s28, $0xb8;
	[tilespmem:$0x1B800] =	vst v63  }
0xbd: {  	s0 =	simm.s32 $0x200  }
0xbe: {  	[tilespmem:s24], [sflag:$0x2] =	stream.indirect.gather [hbm4b:s6+s28], $0x20, s0, s28, $0xb8;
	[tilespmem:$0x1B800] =	vst v63  }
0xbf: {  	_ =	swait.ge [sflag:s25], $0x4000  }
0xc0: {  	[sflag:s25] =	ssyncset.done $0x0  }
0xc1: {  	s11 =	simm.s32 $0x4C00;
	[sflag:s25] =	ssyncadd.s32 $0xFFFFC000  }
0xc2: {  	[spmem:s3] =	stream.indirect.scatter.add.f32 [tilespmem:s22], [sflag:$0x3], $0x20, s11, s28, $0xb8;
	[tilespmem:$0x1B800] =	vst v63  }
0xc3: {  	_ =	swait.ge [sflag:s23], $0x4000  }
0xc4: {  	[sflag:s23] =	ssyncset.done $0x0  }
0xc5: {  	s12 =	simm.s32 $0x400;
	[sflag:s23] =	ssyncadd.s32 $0xFFFFC000  }
0xc6: {  	[tilespmem:s22], [sflag:$0x1] =	stream.indirect.gather [hbm4b:s6+s28], $0x20, s12, s28, $0xb8;
	[tilespmem:$0x1B800] =	vst v63  }
0xc7: {  	p2 =	por $0x0, $0x0;
	_ =	swait.ge [sflag:s26], $0x4000  }
.Ltmp6:
0xc8: {  	[sflag:s26] =	ssyncset.done $0x0;
	(pc) =	sbr.rel @p2 .LBB2_9-.Ltmp6, $4  }
0xc9: {  	s13 =	simm.s32 $0x4E00;
	[sflag:s26] =	ssyncadd.s32 $0xFFFFC000  }
0xca: {  	[spmem:s3] =	stream.indirect.scatter.add.f32 [tilespmem:s24], [sflag:$0x3], $0x20, s13, s28, $0xb8;
	[tilespmem:$0x1B800] =	vst v63  }
0xcb: {  	s31 =	simm.s32 $0x400;
	_ =	swait.ge [sflag:s23], $0x4000  }
0xcc: {  	p1 =	por $0x1, $0x1;
	s0 =	simm.s32 $0x2000;
	[sflag:s23] =	ssyncset.done $0x0  }
.LBB2_8:
0xcd: {  	s11 =	sadd.s32 $0x200, s31  }
0xce: {  	[sflag:s23] =	ssyncadd.s32 $0xFFFFC000;
	s12 =	smov.u32 s0;
	s13 =	sadd.s32 $0x1000, s0  }
0xcf: {  	[tilespmem:s24], [sflag:$0x2] =	stream.indirect.gather [hbm4b:s6+s28], $0x20, s11, s28, $0xb8;
	[tilespmem:$0x1B800] =	vst v63  }
0xd0: {  	p2 =	seq.s32 s0, $0x11000;
	_ =	swait.ge [sflag:s25], $0x4000  }
0xd1: {  	[sflag:s25] =	ssyncset.done $0x0  }
0xd2: {  	s0 =	sadd.s32 $0x4C00, s31;
	[sflag:s25] =	ssyncadd.s32 $0xFFFFC000  }
0xd3: {  	[spmem:s3] =	stream.indirect.scatter.add.f32 [tilespmem:s22], [sflag:$0x3], $0x20, s0, s28, $0xb8;
	[tilespmem:$0x1B800] =	vst v63  }
0xd4: {  	_ =	swait.ge [sflag:s23], $0x4000  }
0xd5: {  	[sflag:s23] =	ssyncset.done $0x0  }
0xd6: {  	s0 =	sadd.s32 $0x400, s31;
	[sflag:s23] =	ssyncadd.s32 $0xFFFFC000  }
0xd7: {  	[tilespmem:s22], [sflag:$0x1] =	stream.indirect.gather [hbm4b:s6+s28], $0x20, s0, s28, $0xb8;
	[tilespmem:$0x1B800] =	vst v63  }
0xd8: {  	_ =	swait.ge [sflag:s26], $0x4000  }
.Ltmp7:
0xd9: {  	[sflag:s26] =	ssyncset.done $0x0;
	(pc) =	sbr.rel @!p2 .LBB2_8-.Ltmp7, $4  }
0xda: {  	s0 =	sadd.s32 $0x4E00, s31;
	[sflag:s26] =	ssyncadd.s32 $0xFFFFC000  }
0xdb: {  	[spmem:s3] =	stream.indirect.scatter.add.f32 [tilespmem:s24], [sflag:$0x3], $0x20, s0, s28, $0xb8;
	[tilespmem:$0x1B800] =	vst v63  }
0xdc: {  	_ =	swait.ge [sflag:s23], $0x4000  }
0xdd: {  	s31 =	sshra.s32 s12, $0x2;
	s0 =	smov.u32 s13;
	[sflag:s23] =	ssyncset.done $0x0  }
.LBB2_9:
0xde: {  	s0 =	sadd.s32 $0x200, s31;
	[sflag:s23] =	ssyncadd.s32 @p1 $0xFFFFC000  }
0xdf: {  	[tilespmem:s24], [sflag:$0x2] =	stream.indirect.gather [hbm4b:s6+s28], $0x20, s0, s28, $0xb8;
	[tilespmem:$0x1B800] =	vst v63  }
0xe0: {  	_ =	swait.ge [sflag:s25], $0x4000  }
0xe1: {  	[sflag:s25] =	ssyncset.done $0x0  }
0xe2: {  	s11 =	sadd.s32 $0x4C00, s31;
	[sflag:s25] =	ssyncadd.s32 $0xFFFFC000  }
0xe3: {  	[spmem:s3] =	stream.indirect.scatter.add.f32 [tilespmem:s22], [sflag:$0x3], $0x20, s11, s28, $0xb8;
	[tilespmem:$0x1B800] =	vst v63  }
0xe4: {  	_ =	swait.ge [sflag:s23], $0x4000  }
0xe5: {  	[sflag:s23] =	ssyncset.done $0x0  }
0xe6: {  	s12 =	sadd.s32 $0x400, s31;
	[sflag:s23] =	ssyncadd.s32 $0xFFFFC000  }
0xe7: {  	[tilespmem:s22], [sflag:$0x1] =	stream.indirect.gather [hbm4b:s6+s28], $0x20, s12, s28, $0xb8;
	[tilespmem:$0x1B800] =	vst v63  }
0xe8: {  	_ =	swait.ge [sflag:s26], $0x4000  }
0xe9: {  	[sflag:s26] =	ssyncset.done $0x0  }
.Ltmp8:
0xea: {  	s13 =	sadd.s32 $0x4E00, s31;
	[sflag:s26] =	ssyncadd.s32 $0xFFFFC000;
	(pc) =	sbr.rel .LBB2_11-.Ltmp8, $4  }
0xeb: {  	[spmem:s3] =	stream.indirect.scatter.add.f32 [tilespmem:s24], [sflag:$0x3], $0x20, s13, s28, $0xb8;
	[tilespmem:$0x1B800] =	vst v63  }
0xec: {  	_ =	swait.ge [sflag:s23], $0x4000  }
0xed: {  	s31 =	simm.s32 $0x9400;
	[sflag:s23] =	ssyncset.done $0x0  }
0xee: {  	s0 =	simm.s32 $0x4A00;
	s11 =	simm.s32 $0x9600;
	[sflag:s23] =	ssyncadd.s32 $0xFFFFC000  }
.LBB2_12:
0xef: {  	_ =	sfence.sel $0x180000  }
0xf0: {  	[bflag:$0x0] =	sbarrier.arrive $0xFFFF  }
0xf1: {  	_ =	strace $0x9000004A  }
0xf2: {  	[bflag:$0x2] =	sbarrier.arrive $0xFFFF  }
0xf3: {  	p0 =	sne.s32 s2, $0x0;
	s0 =	rddreg [dreg:$0x4]  }
0xf4: {  	s0 =	sadd.s32 @!p0 $0x100000, s0  }
0xf5: {  	[sflag:s0] =	ssyncadd.tile.s32 @!p0 $0x1;
	_ =	shalt  }
.Lfunc_end2:
_tile_overlayer_lowered:
.L_overlay_start_2:
0xf6: {  	(tag) =	ssettag $0x2  }
0xf7: {  	s0 =	rddreg [dreg:$0x0];
	s2 =	stileid.u32  }
0xf8: {  	s1 =	rddreg [dreg:$0x1];
	p0 =	sne.s32 s2, $0x0  }
0xf9: {  	s3 =	rddreg [dreg:$0x2];
	[bflag:$0x3] =	sbarrier.arrive $0xFFFF;
	s2 =	simm.s32 @!p0 $0x1C03  }
0xfa: {  	[timem:s3], [sflag:s2] =	dma.local @!p0 [hbm:s0], s1  }
0xfb: {  	s0 =	simm.s32 @!p0 $0x3  }
0xfc: {  	_ =	swait.ge @!p0 [sflag:s0], s1  }
0xfd: {  	s1 =	ssub.s32 @!p0 $0x0, s1;
	[sflag:s0] =	ssyncset.done @!p0 $0x0  }
0xfe: {  	[sflag:s0] =	ssyncadd.s32 @!p0 s1  }
0xff: {  	[bflag:$0x3] =	sbarrier.arrive $0xFFFF  }
0x100: {  	_ =	shalt  }

// kernel: kernel.14.cloned.1.call-start
scs
__scs_entry_jumppad:
0x0: {  	(pc) =	sbr.rel $0x88, $3  }
0x1: {  	(tag) =	ssettag $0x0;
	lr =	simm.s32 $0x1  }
0x2: {  	[smem:$0x3F8D] =	sst lr;
	_ =	strace $0xD0000000  }
0x3: {  	_ = 	snop  }
0x4: {  	_ = 	snop  }
0x5: {  	_ = 	snop  }
0x6: {  	_ = 	snop  }
0x7: {  	_ = 	snop  }
__scs_overlays_trampoline_lowered:
0x8: {  	[smem:$0x3F9C] =	sst s0  }
0x9: {  	[smem:$0x3F9D] =	sst s1  }
0xa: {  	[smem:$0x3F9E] =	sst s2  }
0xb: {  	[smem:$0x3F9F] =	sst s3  }
0xc: {  	[smem:$0x3FA0] =	sst s4  }
0xd: {  	[smem:$0x3FA1] =	sst s5  }
0xe: {  	[smem:$0x3FA2] =	sst s6  }
0xf: {  	[smem:$0x3FA3] =	sst s7  }
0x10: {  	[smem:$0x3FA4] =	sst s8  }
0x11: {  	[smem:$0x3FA5] =	sst s9;
	s0 =	simm.s32 @!p0 $0x0  }
0x12: {  	s1 =	sld [smem:$0x3F8B];
	s0 =	simm.s32 @p0 $0x1  }
0x13: {  	[smem:$0x3FA6] =	sst s0;
	s0 =	simm.s32 @!p1 $0x0  }
0x14: {  	s2 =	sld [smem:$0x3F8A];
	s0 =	simm.s32 @p1 $0x1  }
0x15: {  	[smem:$0x3FA7] =	sst s0;
	s0 =	simm.s32 @!p2 $0x0  }
0x16: {  	s3 =	sld [smem:$0x3FDB];
	s0 =	simm.s32 @p2 $0x1  }
0x17: {  	s4 =	simm.s32 $0x1BF5;
	[smem:$0x3FA9] =	sst s0  }
0x18: {  	s0 =	sld [smem:$0x3F8C];
	_ =	swait.ge [sflag:s4], $0x0  }
0x19: {  	s7 =	sld [smem:$0x3F8D]  }
0x1a: {  	s8 =	sadd.s32 $0xFFFFE003, lr  }
0x1b: {  	s9 =	sadd.s32 $0xFFFFFEF7, lr;
	s5 =	simm.s32 $0xFFFFFFFF;
	p2 =	slt.u32 s8, $0xFFFFF086  }
0x1c: {  	p1 =	slt.u32 s9, $0xF7A;
	s5 =	simm.s32 @!p2 $0x0  }
0x1d: {  	s5 =	simm.s32 @p1 $0x1;
	p0 =	seq.s32 s7, s2  }
0x1e: {  	s7 =	smul.u32 @!p0 $0xF7A, s2;
	p2 =	seq.s32 @!p0 s5, $0x0  }
0x1f: {  	s9 =	smul.u32 $0xF7A, s1;
	s8 =	simm.s32 @!p0 $0x1BF5;
	p2 =	por !p2, p0  }
0x20: {  	[sflag:s8] =	ssyncset.s32 @!p0 $0xFFFFF086;
	s6 =	sadd.s32 @!p0 s3, s7;
	s7 =	simm.s32 @!p0 $0x108  }
0x21: {  	s3 =	sadd.s32 s3, s9;
	s6 =	sadd.s32 @!p0 $0x88, s6;
	s7 =	simm.s32 @p2 $0x1082  }
0x22: {  	[simem:s7], [sflag:s8] =	dma.local @!p0 [hbm:s6], $0xF7A  }
0x23: {  	s9 =	sor.u32 $0xD0000000, s2;
	s6 =	simm.s32 $0x108;
	_ =	swait.ge @!p0 [sflag:s8], $0x0  }
0x24: {  	s3 =	sadd.s32 $0x88, s3;
	s6 =	simm.s32 @!p1 $0x1082;
	[sflag:s4] =	ssyncset.s32 $0xFFFFF086  }
0x25: {  	[simem:s6], [sflag:s4] =	dma.local [hbm:s3], $0xF7A  }
0x26: {  	[smem:$0x3F8D] =	sst s1;
	(tag) =	ssettag s2;
	_ =	strace s9  }
0x27: {  	s1 =	sld [smem:$0x3F9D]  }
0x28: {  	s2 =	sld [smem:$0x3F9E]  }
0x29: {  	s4 =	sld [smem:$0x3FA0]  }
0x2a: {  	p0 =	seq.s32 s5, $0x0;
	s5 =	sld [smem:$0x3FA1]  }
0x2b: {  	s6 =	sld [smem:$0x3FA2]  }
0x2c: {  	s7 =	sld [smem:$0x3FA3]  }
0x2d: {  	s3 =	simm.s32 $0x108;
	s8 =	sld [smem:$0x3FA4]  }
0x2e: {  	s3 =	simm.s32 @!p0 $0x1082;
	s9 =	sld [smem:$0x3FA5]  }
0x2f: {  	lr =	sadd.s32 s0, s3;
	s0 =	sld [smem:$0x3F9C]  }
0x30: {  	s3 =	sld [smem:$0x3F9F]  }
0x31: {  	[smem:$0x3FA8] =	sst s10  }
0x32: {  	s10 =	sld [smem:$0x3FA6];
	_ =	sdelay $0x3  }
0x33: {  	p0 =	seq.s32 s10, $0x1;
	s10 =	sld [smem:$0x3FA8];
	_ =	sdelay $0x3  }
0x34: {  	[smem:$0x3FA8] =	sst s10  }
0x35: {  	s10 =	sld [smem:$0x3FA7];
	_ =	sdelay $0x3  }
0x36: {  	p1 =	seq.s32 s10, $0x1;
	s10 =	sld [smem:$0x3FA8];
	_ =	sdelay $0x3  }
0x37: {  	[smem:$0x3FA8] =	sst s10  }
0x38: {  	s10 =	sld [smem:$0x3FA9]  }
0x39: {  	_ = 	snop;
	(pc) =	sbr.ind lr, $3  }
0x3a: {  	_ = 	snop  }
0x3b: {  	_ = 	snop  }
0x3c: {  	p2 =	seq.s32 s10, $0x1;
	s10 =	sld [smem:$0x3FA8]  }
0x3d: {  	_ =	shalt  }
0x3e: {  	_ =	shalt  }
0x3f: {  	_ =	shalt  }
0x40: {  	_ =	shalt  }
0x41: {  	_ =	shalt  }
0x42: {  	_ =	shalt  }
0x43: {  	_ =	shalt  }
0x44: {  	_ =	shalt  }
0x45: {  	_ =	shalt  }
0x46: {  	_ =	shalt  }
0x47: {  	_ =	shalt  }
0x48: {  	_ =	shalt  }
0x49: {  	_ =	shalt  }
0x4a: {  	_ =	shalt  }
0x4b: {  	_ =	shalt  }
0x4c: {  	_ =	shalt  }
0x4d: {  	_ =	shalt  }
0x4e: {  	_ =	shalt  }
0x4f: {  	_ =	shalt  }
0x50: {  	_ =	shalt  }
0x51: {  	_ =	shalt  }
0x52: {  	_ =	shalt  }
0x53: {  	_ =	shalt  }
0x54: {  	_ =	shalt  }
0x55: {  	_ =	shalt  }
0x56: {  	_ =	shalt  }
0x57: {  	_ =	shalt  }
0x58: {  	_ =	shalt  }
0x59: {  	_ =	shalt  }
0x5a: {  	_ =	shalt  }
0x5b: {  	_ =	shalt  }
0x5c: {  	_ =	shalt  }
0x5d: {  	_ =	shalt  }
0x5e: {  	_ =	shalt  }
0x5f: {  	_ =	shalt  }
0x60: {  	_ =	shalt  }
0x61: {  	_ =	shalt  }
0x62: {  	_ =	shalt  }
0x63: {  	_ =	shalt  }
0x64: {  	_ =	shalt  }
0x65: {  	_ =	shalt  }
0x66: {  	_ =	shalt  }
0x67: {  	_ =	shalt  }
0x68: {  	_ =	shalt  }
0x69: {  	_ =	shalt  }
0x6a: {  	_ =	shalt  }
0x6b: {  	_ =	shalt  }
0x6c: {  	_ =	shalt  }
0x6d: {  	_ =	shalt  }
0x6e: {  	_ =	shalt  }
0x6f: {  	_ =	shalt  }
0x70: {  	_ =	shalt  }
0x71: {  	_ =	shalt  }
0x72: {  	_ =	shalt  }
0x73: {  	_ =	shalt  }
0x74: {  	_ =	shalt  }
0x75: {  	_ =	shalt  }
0x76: {  	_ =	shalt  }
0x77: {  	_ =	shalt  }
0x78: {  	_ =	shalt  }
0x79: {  	_ =	shalt  }
0x7a: {  	_ =	shalt  }
0x7b: {  	_ =	shalt  }
0x7c: {  	_ =	shalt  }
0x7d: {  	_ =	shalt  }
0x7e: {  	_ =	shalt  }
0x7f: {  	_ =	shalt  }
0x80: {  	_ =	shalt  }
0x81: {  	_ =	shalt  }
0x82: {  	_ =	shalt  }
0x83: {  	_ =	shalt  }
0x84: {  	_ =	shalt  }
0x85: {  	_ =	shalt  }
0x86: {  	_ =	shalt  }
0x87: {  	_ =	shalt  }
.Lfunc_end0:
.L_simem_size_0:
called_computation.2_lowered:
.L_overlay_start_0:
0x88: {  	s2 =	sld [smem:$0x3FD9]  }
0x89: {  	s3 =	sld [smem:$0x3FFE];
	_ =	sdelay $0x1  }
0x8a: {  	s1 =	srdreg.scid  }
0x8b: {  	s0 =	sand.u32 $0x1, s1  }
0x8c: {  	s16 =	sshll.u32 s0, $0xA;
	s2 =	sadd.s32 s3, s2  }
0x8d: {  	s2 =	sadd.s32 s2, s16  }
0x8e: {  	[smem:$0x3FB4] =	sst s2  }
0x8f: {  	_ = 	snop  }
0x90: {  	(tm) =	ssettm $0x1  }
0x91: {  	s17 =	sld [smem:$0x3FFB];
	_ =	sdelay $0x3  }
0x92: {  	_ =	strace s17  }
0x93: {  	s2 =	sld [smem:$0x3FFC];
	_ =	sdelay $0x3  }
0x94: {  	_ =	strace s2  }
0x95: {  	s2 =	sld [smem:$0x3FFD];
	_ =	sdelay $0x3  }
0x96: {  	_ =	strace s2  }
0x97: {  	_ =	strace $0x8FFFFFFF  }
0x98: {  	s18 =	sld [smem:$0x3FDB];
	_ =	sdelay $0x1  }
0x99: {  	s19 =	simm.s32 $_scs_section_size  }
0x9a: {  	s4 =	simm.s32 $_size__tile_overlayer_lowered;
	s5 =	simm.s32 $_tile_overlayer_lowered  }
0x9b: {  	s22 =	simm.s32 $0x1BFF;
	s21 =	sshll.u32 s5, $0x1;
	s2 =	sadd.s32 s19, s18  }
0x9c: {  	s6 =	simm.s32 $0x0;
	s20 =	sshll.u32 s4, $0x1;
	s4 =	sadd.s32 s21, s2  }
0x9d: {  	[timem:s6], [sflag:s22] =	dma.local [hbm:s4], s20  }
0x9e: {  	_ =	swait.ge [sflag:s22], s20  }
0x9f: {  	s3 =	ssub.s32 $0x0, s20;
	[sflag:s22] =	ssyncset.done $0x0  }
0xa0: {  	[sflag:s22] =	ssyncadd.s32 s3;
	_ =	sdelay $0x1  }
0xa1: {  	s23 =	simm.s32 $0x1B8B  }
0xa2: {  	_ =	swait.ge [sflag:s23], $0x1  }
0xa3: {  	[sflag:s23] =	ssyncset.done $0x0  }
0xa4: {  	s25 =	simm.s32 $0x1B8E;
	s24 =	sld [smem:$0x3FFE];
	[sflag:s23] =	ssyncadd.s32 $0xFFFFFFFF  }
0xa5: {  	s26 =	simm.s32 $execute0_lowered;
	[smem:$0x3FD2] =	sst s25  }
0xa6: {  	s4 =	sshll.u32 s26, $0x1;
	_ =	strace $0x8000004C;
	[dreg:$0x1] =	wrdreg $0xFFFFFFFF  }
0xa7: {  	s28 =	simm.s32 $_size_execute0_lowered;
	s2 =	sadd.s32 s2, s4;
	[dreg:$0x0] =	wrdreg $0x0  }
0xa8: {  	s4 =	sshll.u32 s28, $0x1;
	[dreg:$0x2] =	wrdreg s2  }
0xa9: {  	[dreg:$0x3] =	wrdreg s4  }
0xaa: {  	[dreg:$0x4] =	wrdreg $0xC0  }
0xab: {  	_ =	task [dreg:s6], $0x5FFFF  }
0xac: {  	[dreg:$0x1] =	wrdreg $0xFFFFFFFF  }
0xad: {  	[dreg:$0x0] =	wrdreg $0x60  }
0xae: {  	[dreg:$0x2] =	wrdreg s24  }
0xaf: {  	[dreg:$0x3] =	wrdreg $0x98000  }
0xb0: {  	[dreg:$0x4] =	wrdreg $0xE8000  }
0xb1: {  	[dreg:$0x5] =	wrdreg $0x9  }
0xb2: {  	_ =	task.clear_ibuf [dreg:s6], $0x6FFFF;
	_ =	strace $0x9000004C  }
0xb3: {  	s29 =	simm.s32 $0x9;
	_ =	strace $0x8000004E  }
0xb4: {  	_ =	swait.ge [sflag:s29], $0x1  }
0xb5: {  	[sflag:s29] =	ssyncadd.s32 $0xFFFFFFFF  }
0xb6: {  	_ =	strace $0x9000004E  }
0xb7: {  	_ =	sfence  }
0xb8: {  	s30 =	sld [smem:$0x0];
	_ =	sdelay $0x2  }
0xb9: {  	s31 =	sshll.u32 s1, $0xD;
	s1 =	sshrl.u32 s1, $0x2  }
0xba: {  	s3 =	sand.u32 $0x4000, s31;
	s1 =	sadd.s32 s1, s30  }
0xbb: {  	s0 =	sor.u32 s3, s0;
	s1 =	sshll.u32 s1, $0x11  }
0xbc: {  	s0 =	sor.u32 s1, s0  }
0xbd: {  	s0 =	sadd.s32 $0x8F2B, s0  }
0xbe: {  	[sflag:s0] =	ssyncadd.remote.s32 $0x1  }
0xbf: {  	_ =	sfence.sel $0xFFFF  }
0xc0: {  	[dreg:$0x0] =	wrdreg $0xFFFFFFFF;
	(pc) =	sbr.abs _section_cstart, $3  }
0xc1: {  	[dreg:$0x1] =	wrdreg $0xFFFFFFFF  }
0xc2: {  	_ =	task.clear_ibuf [dreg:s6], $0x2FFFF;
	_ =	strace $0x9FFFFFFF  }
0xc3: {  	(tm) =	ssettm $0x7FFFFFFF  }
tec
execute0_lowered:
.L_overlay_start_1:
0x0: {  	(tag) =	ssettag $0x1  }
0x1: {  	s0 =	rddreg [dreg:$0x0]  }
0x2: {  	s2 =	rddreg [dreg:$0x1]  }
0x3: {  	s3 =	rddreg [dreg:$0x2];
	s5 =	srdreg.scid  }
0x4: {  	s1 =	stileid.u32;
	s4 =	simm.s32 $0x0;
	s28 =	simm.s32 $0x2  }
0x5: {  	s29 =	simm.s32 $0x200;
	s30 =	simm.s32 $0x1B000;
	s31 =	simm.s32 $0x4C00  }
0x6: {  	s11 =	sand.u32 $0x1, s5;
	s7 =	smul.u32 $0x5000, s1;
	[smem:$0x7FF] =	sst s4  }
0x7: {  	s5 =	sadd.s32 $0xF6E00, s0;
	s9 =	smul.u32 $0x2800, s1;
	s6 =	sadd.s32 $0x100C00, s0  }
0x8: {  	s12 =	sadd.s32 $0x25C00, s0;
	s13 =	sadd.s32 $0x10A00, s0;
	s15 =	smul.u32 $0x280, s1  }
0x9: {  	s17 =	sadd.s32 $0x1BC00, s0;
	s18 =	sadd.s32 $0x6A00, s0;
	s20 =	smul.u32 $0x980, s1  }
0xa: {  	s23 =	sshll.u32 s1, $0x7;
	s8 =	smul.u32 $0x50000, s11;
	_ =	strace $0x8000004D  }
0xb: {  	s10 =	smul.u32 $0x28000, s11;
	s14 =	ssub.s32 $0x2, s11;
	p0 =	seq.s32 s11, $0x1  }
0xc: {  	s11 =	sor.u32 $0x9800, s23;
	s23 =	simm.s32 $0x3;
	s22 =	sadd.s32 s12, s20  }
0xd: {  	s24 =	sadd.s32 s13, s20;
	s25 =	sadd.s32 s17, s20;
	[dreg:$0x4] =	wrdreg s22  }
0xe: {  	s26 =	sadd.s32 s18, s20;
	s12 =	sadd.s32 s12, s11;
	[dreg:$0x5] =	wrdreg s24  }
0xf: {  	s17 =	sadd.s32 s17, s11;
	s18 =	sadd.s32 s18, s11;
	[dreg:$0x6] =	wrdreg s25  }
0x10: {  	s8 =	sadd.s32 s7, s8;
	s10 =	sadd.s32 s9, s10;
	[dreg:$0x7] =	wrdreg s26  }
0x11: {  	s7 =	sadd.s32 s7, s2;
	s9 =	sadd.s32 s9, s3;
	[dreg:$0x8] =	wrdreg s12  }
0x12: {  	s22 =	simm.s32 $0x11000;
	s24 =	simm.s32 $0x19000;
	s8 =	sshrl.u32 s8, $0x3  }
0x13: {  	s25 =	simm.s32 $0x15000;
	s10 =	sshrl.u32 s10, $0x3;
	s19 =	sadd.s32 s8, s0  }
.Ltmp0:
0x14: {  	s0 =	sadd.s32 s10, s0;
	s10 =	sshrl.u32 s14, $0x1;
	(pc) =	sbr.rel .LBB2_1-.Ltmp0, $4  }
0x15: {  	s26 =	simm.s32 $0x1;
	s21 =	ssub.s32 s14, s10;
	s14 =	sadd.s32 $0x200, s15  }
0x16: {  	s19 =	sadd.s32 $0x10FC00, s19;
	s20 =	sadd.s32 $0x105C00, s0;
	s0 =	simm.s32 $0x0  }
0x17: {  	s15 =	sshll.u32 s14, $0x5;
	s16 =	sshll.u32 s14, $0x4;
	s21 =	smax.u32 s21, $0x1  }
0x18: {  	v0 =	vimm.f32 $0.0e+00;
	s8 =	sadd.s32 s15, s2;
	s10 =	sadd.s32 s16, s3;
	s16 =	sadd.s32 s13, s11  }
.LBB2_12:
0x19: {  	s11 =	rddreg [dreg:$0x8]  }
0x1a: {  	[tilespmem:s4], [sflag:$0x3] =	stream.linear.gather [hbm4b:s11+s4], $0x400, $0x38;
	[tilespmem:$0x1D000] =	vst v63  }
0x1b: {  	_ =	swait.ge [sflag:s23], $0x400  }
0x1c: {  	[sflag:s23] =	ssyncset.done $0x0  }
0x1d: {  	s11 =	simm.s32 $0x4C00;
	[sflag:s23] =	ssyncadd.s32 $0xFFFFFC00  }
0x1e: {  	[tilespmem:s11], [sflag:$0x3] =	stream.linear.gather [hbm4b:s16+s4], $0x400, $0x38;
	[tilespmem:$0x1D000] =	vst v63  }
0x1f: {  	_ =	swait.ge [sflag:s23], $0x400  }
0x20: {  	[sflag:s23] =	ssyncset.done $0x0  }
0x21: {  	s12 =	simm.s32 $0x200;
	[sflag:s23] =	ssyncadd.s32 $0xFFFFFC00  }
0x22: {  	[tilespmem:s22], [sflag:$0x1] =	stream.indirect.gather [hbm4b:s5+s12], $0x20, s4, s12, $0xb8;
	[tilespmem:$0x1D000] =	vst v63  }
0x23: {  	_ = 	snop  }
0x24: {  	[tilespmem:s25], [sflag:$0x2] =	stream.indirect.gather [hbm4b:s5+s12], $0x20, s12, s12, $0xb8;
	[tilespmem:$0x1D000] =	vst v63  }
0x25: {  	_ =	swait.ge [sflag:s26], $0x4000  }
0x26: {  	[sflag:s26] =	ssyncset.done $0x0  }
0x27: {  	[sflag:s26] =	ssyncadd.s32 $0xFFFFC000  }
0x28: {  	[spmem:s2] =	stream.indirect.scatter.add.f32 [tilespmem:s22], [sflag:$0x3], $0x20, s11, s12, $0xb8;
	[tilespmem:$0x1D000] =	vst v63  }
0x29: {  	_ =	swait.ge [sflag:s23], $0x4000  }
0x2a: {  	[sflag:s23] =	ssyncset.done $0x0  }
0x2b: {  	[sflag:s23] =	ssyncadd.s32 $0xFFFFC000  }
0x2c: {  	_ =	swait.ge [sflag:s28], $0x4000  }
0x2d: {  	[sflag:s28] =	ssyncset.done $0x0  }
0x2e: {  	s13 =	simm.s32 $0x4E00;
	[sflag:s28] =	ssyncadd.s32 $0xFFFFC000  }
0x2f: {  	[spmem:s2] =	stream.indirect.scatter.add.f32 [tilespmem:s25], [sflag:$0x3], $0x20, s13, s12, $0xb8;
	[tilespmem:$0x1D000] =	vst v63  }
0x30: {  	_ =	swait.ge [sflag:s23], $0x4000  }
0x31: {  	[sflag:s23] =	ssyncset.done $0x0  }
0x32: {  	[sflag:s23] =	ssyncadd.s32 $0xFFFFC000  }
0x33: {  	[tilespmem:s4], [sflag:$0x3] =	stream.linear.gather [hbm4b:s17+s4], $0x400, $0x38;
	[tilespmem:$0x1D000] =	vst v63  }
0x34: {  	_ =	swait.ge [sflag:s23], $0x400  }
0x35: {  	[sflag:s23] =	ssyncset.done $0x0  }
0x36: {  	[sflag:s23] =	ssyncadd.s32 $0xFFFFFC00  }
0x37: {  	[tilespmem:s11], [sflag:$0x3] =	stream.linear.gather [hbm4b:s18+s4], $0x400, $0x38;
	[tilespmem:$0x1D000] =	vst v63  }
0x38: {  	_ =	swait.ge [sflag:s23], $0x400  }
0x39: {  	[sflag:s23] =	ssyncset.done $0x0  }
0x3a: {  	[sflag:s23] =	ssyncadd.s32 $0xFFFFFC00  }
0x3b: {  	[tilespmem:s24], [sflag:$0x1] =	stream.indirect.gather [hbm4b:s6+s12], $0x10, s4, s12, $0xb8;
	[tilespmem:$0x1D000] =	vst v63  }
.LBB2_13:
0x3c: {  	[tilespmem:s30], [sflag:$0x2] =	stream.indirect.gather [hbm4b:s6+s29], $0x10, s12, s29, $0xb8;
	[tilespmem:$0x1D000] =	vst v63  }
0x3d: {  	_ =	swait.ge [sflag:s26], $0x2000  }
0x3e: {  	[sflag:s26] =	ssyncset.done $0x0  }
0x3f: {  	[sflag:s26] =	ssyncadd.s32 $0xFFFFE000  }
0x40: {  	[spmem:s3] =	stream.indirect.scatter.add.f32 [tilespmem:s24], [sflag:$0x3], $0x10, s11, s29, $0xb8;
	[tilespmem:$0x1D000] =	vst v63  }
0x41: {  	_ =	swait.ge [sflag:s23], $0x2000  }
0x42: {  	[sflag:s23] =	ssyncset.done $0x0  }
0x43: {  	[sflag:s23] =	ssyncadd.s32 $0xFFFFE000  }
0x44: {  	_ =	swait.ge [sflag:s28], $0x2000  }
0x45: {  	[sflag:s28] =	ssyncset.done $0x0  }
0x46: {  	[sflag:s28] =	ssyncadd.s32 $0xFFFFE000  }
0x47: {  	[spmem:s3] =	stream.indirect.scatter.add.f32 [tilespmem:s30], [sflag:$0x3], $0x10, s13, s29, $0xb8;
	[tilespmem:$0x1D000] =	vst v63  }
0x48: {  	_ =	swait.ge [sflag:s23], $0x2000  }
0x49: {  	[sflag:s23] =	ssyncset.done $0x0  }
0x4a: {  	s13 =	sshll.u32 s1, $0x6;
	[sflag:s23] =	ssyncadd.s32 $0xFFFFE000  }
0x4b: {  	s14 =	sshrl.u32 s7, $0x3;
	s11 =	sor.u32 $0x1C03, s13;
	[bflag:$0x0] =	sbarrier.arrive $0xFFFF  }
0x4c: {  	[hbm:s19], [sflag:s11] =	dma.local [spmem:s14], $0xA00  }
0x4d: {  	s0 =	sadd.s32 $0x1, s0;
	_ =	swait.ge [sflag:s23], $0xA00  }
0x4e: {  	p1 =	sne.s32 s0, s21;
	[sflag:s23] =	ssyncset.done $0x0  }
.Ltmp1:
0x4f: {  	s15 =	sshrl.u32 s9, $0x3;
	[sflag:s23] =	ssyncadd.s32 $0xFFFFF600;
	(pc) =	sbr.rel @!p1 .LBB2_14-.Ltmp1, $4  }
0x50: {  	[hbm:s20], [sflag:s11] =	dma.local [spmem:s15], $0x500  }
0x51: {  	_ =	swait.ge [sflag:s23], $0x500  }
0x52: {  	[sflag:s23] =	ssyncset.done $0x0  }
0x53: {  	[sflag:s23] =	ssyncadd.s32 $0xFFFFFB00  }
.LBB2_1:
0x54: {  	s11 =	simm.s32 $0x0  }
.LBB2_2:
0x55: {  	p1 =	sne.s32 s11, $0xFF80  }
.Ltmp2:
0x56: {  	_ = 	snop;
	(pc) =	sbr.rel @p1 .LBB2_2-.Ltmp2, $4  }
0x57: {  	_ = 	snop  }
0x58: {  	s12 =	sshra.s32 s11, $0x2  }
0x59: {  	[tilespmem:s12+$0x11000] =	vst v0  }
0x5a: {  	s11 =	sadd.s32 $0x80, s11;
	[tilespmem:s12+$0x11010] =	vst v0  }
0x5b: {  	s11 =	simm.s32 $0x40;
	s12 =	simm.s32 $0x0  }
.LBB2_4:
0x5c: {  	p1 =	sne.s32 s11, $0x7FC0;
	[tilespmem:s12+$0x19000] =	vst v0;
	s12 =	smov.u32 s11;
	s11 =	sadd.s32 $0x40, s11  }
.Ltmp3:
0x5d: {  	(pc) =	sbr.rel @p1 .LBB2_4-.Ltmp3, $2  }
0x5e: {  	_ =	sdelay $0x2  }
0x5f: {  	s12 =	sshra.s32 s12, $0x2  }
0x60: {  	[tilespmem:s12+$0x19000] =	vst v0  }
0x61: {  	[spmem:s7] =	stream.linear.scatter [tilespmem:s22], [sflag:$0x3], $0x4000, $0x38;
	[tilespmem:$0x1D000] =	vst v63  }
0x62: {  	_ =	swait.ge [sflag:s23], $0x4000  }
0x63: {  	[sflag:s23] =	ssyncset.done $0x0  }
0x64: {  	[sflag:s23] =	ssyncadd.s32 $0xFFFFC000  }
0x65: {  	[spmem:s8] =	stream.linear.scatter [tilespmem:s22], [sflag:$0x3], $0x1000, $0x38;
	[tilespmem:$0x1D000] =	vst v63  }
0x66: {  	_ =	swait.ge [sflag:s23], $0x1000  }
0x67: {  	[sflag:s23] =	ssyncset.done $0x0  }
0x68: {  	[sflag:s23] =	ssyncadd.s32 $0xFFFFF000  }
0x69: {  	[spmem:s9] =	stream.linear.scatter [tilespmem:s24], [sflag:$0x3], $0x2000, $0x38;
	[tilespmem:$0x1D000] =	vst v63  }
0x6a: {  	_ =	swait.ge [sflag:s23], $0x2000  }
0x6b: {  	[sflag:s23] =	ssyncset.done $0x0  }
0x6c: {  	[sflag:s23] =	ssyncadd.s32 $0xFFFFE000  }
0x6d: {  	[spmem:s10] =	stream.linear.scatter [tilespmem:s24], [sflag:$0x3], $0x800, $0x38;
	[tilespmem:$0x1D000] =	vst v63  }
.Ltmp4:
0x6e: {  	_ =	swait.ge [sflag:s23], $0x800;
	(pc) =	sbr.rel @p0 .LBB2_12-.Ltmp4, $3  }
0x6f: {  	[sflag:s23] =	ssyncset.done $0x0  }
0x70: {  	[sflag:s23] =	ssyncadd.s32 $0xFFFFF800  }
0x71: {  	[bflag:$0x0] =	sbarrier.arrive $0xFFFF;
	_ =	sdelay $0x1  }
0x72: {  	s11 =	simm.s32 $0x0;
	s12 =	rddreg [dreg:$0x4]  }
0x73: {  	[tilespmem:s11], [sflag:$0x3] =	stream.linear.gather [hbm4b:s12+s11], $0x4C00, $0x38;
	[tilespmem:$0x1D000] =	vst v63  }
0x74: {  	_ =	swait.ge [sflag:s23], $0x4C00  }
0x75: {  	[sflag:s23] =	ssyncset.done $0x0  }
0x76: {  	s15 =	rddreg [dreg:$0x5];
	[sflag:s23] =	ssyncadd.s32 $0xFFFFB400  }
0x77: {  	[tilespmem:s31], [sflag:$0x3] =	stream.linear.gather [hbm4b:s15+s11], $0x4C00, $0x38;
	[tilespmem:$0x1D000] =	vst v63  }
0x78: {  	_ =	swait.ge [sflag:s23], $0x4C00  }
0x79: {  	[sflag:s23] =	ssyncset.done $0x0  }
0x7a: {  	[sflag:s23] =	ssyncadd.s32 $0xFFFFB400  }
0x7b: {  	[tilespmem:s22], [sflag:$0x1] =	stream.indirect.gather [hbm4b:s5+s29], $0x20, s11, s29, $0xb8;
	[tilespmem:$0x1D000] =	vst v63  }
0x7c: {  	s12 =	simm.s32 $0x200  }
0x7d: {  	[tilespmem:s25], [sflag:$0x2] =	stream.indirect.gather [hbm4b:s5+s29], $0x20, s12, s29, $0xb8;
	[tilespmem:$0x1D000] =	vst v63  }
0x7e: {  	_ =	swait.ge [sflag:s26], $0x4000  }
0x7f: {  	[sflag:s26] =	ssyncset.done $0x0  }
0x80: {  	s13 =	simm.s32 $0x4C00;
	[sflag:s26] =	ssyncadd.s32 $0xFFFFC000  }
0x81: {  	[spmem:s2] =	stream.indirect.scatter.add.f32 [tilespmem:s22], [sflag:$0x3], $0x20, s13, s29, $0xb8;
	[tilespmem:$0x1D000] =	vst v63  }
0x82: {  	_ =	swait.ge [sflag:s23], $0x4000  }
0x83: {  	[sflag:s23] =	ssyncset.done $0x0  }
0x84: {  	s14 =	simm.s32 $0x400;
	[sflag:s23] =	ssyncadd.s32 $0xFFFFC000  }
0x85: {  	[tilespmem:s22], [sflag:$0x1] =	stream.indirect.gather [hbm4b:s5+s29], $0x20, s14, s29, $0xb8;
	[tilespmem:$0x1D000] =	vst v63  }
0x86: {  	_ =	swait.ge [sflag:s28], $0x4000  }
0x87: {  	[sflag:s28] =	ssyncset.done $0x0  }
0x88: {  	s15 =	simm.s32 $0x4E00;
	[sflag:s28] =	ssyncadd.s32 $0xFFFFC000  }
0x89: {  	[spmem:s2] =	stream.indirect.scatter.add.f32 [tilespmem:s25], [sflag:$0x3], $0x20, s15, s29, $0xb8;
	[tilespmem:$0x1D000] =	vst v63  }
0x8a: {  	_ =	swait.ge [sflag:s23], $0x4000  }
0x8b: {  	s11 =	simm.s32 $0x400;
	s12 =	simm.s32 $0x2000;
	[sflag:s23] =	ssyncset.done $0x0  }
.LBB2_7:
0x8c: {  	s13 =	sadd.s32 $0x200, s11  }
0x8d: {  	[sflag:s23] =	ssyncadd.s32 $0xFFFFC000;
	s14 =	smov.u32 s12;
	s15 =	sadd.s32 $0x1000, s12  }
0x8e: {  	[tilespmem:s25], [sflag:$0x2] =	stream.indirect.gather [hbm4b:s5+s29], $0x20, s13, s29, $0xb8;
	[tilespmem:$0x1D000] =	vst v63  }
0x8f: {  	p1 =	sne.s32 s12, $0x11000;
	_ =	swait.ge [sflag:s26], $0x4000  }
0x90: {  	[sflag:s26] =	ssyncset.done $0x0  }
0x91: {  	s12 =	sadd.s32 $0x4C00, s11;
	[sflag:s26] =	ssyncadd.s32 $0xFFFFC000  }
0x92: {  	[spmem:s2] =	stream.indirect.scatter.add.f32 [tilespmem:s22], [sflag:$0x3], $0x20, s12, s29, $0xb8;
	[tilespmem:$0x1D000] =	vst v63  }
0x93: {  	_ =	swait.ge [sflag:s23], $0x4000  }
0x94: {  	[sflag:s23] =	ssyncset.done $0x0  }
0x95: {  	s12 =	sadd.s32 $0x400, s11;
	[sflag:s23] =	ssyncadd.s32 $0xFFFFC000  }
0x96: {  	[tilespmem:s22], [sflag:$0x1] =	stream.indirect.gather [hbm4b:s5+s29], $0x20, s12, s29, $0xb8;
	[tilespmem:$0x1D000] =	vst v63  }
0x97: {  	_ =	swait.ge [sflag:s28], $0x4000  }
.Ltmp5:
0x98: {  	[sflag:s28] =	ssyncset.done $0x0;
	(pc) =	sbr.rel @p1 .LBB2_7-.Ltmp5, $4  }
0x99: {  	s11 =	sadd.s32 $0x4E00, s11;
	[sflag:s28] =	ssyncadd.s32 $0xFFFFC000  }
0x9a: {  	[spmem:s2] =	stream.indirect.scatter.add.f32 [tilespmem:s25], [sflag:$0x3], $0x20, s11, s29, $0xb8;
	[tilespmem:$0x1D000] =	vst v63  }
0x9b: {  	_ =	swait.ge [sflag:s23], $0x4000  }
0x9c: {  	s12 =	smov.u32 s15;
	s11 =	sshra.s32 s14, $0x2;
	[sflag:s23] =	ssyncset.done $0x0  }
0x9d: {  	s12 =	sadd.s32 $0x200, s11;
	[sflag:s23] =	ssyncadd.s32 $0xFFFFC000  }
0x9e: {  	[tilespmem:s25], [sflag:$0x2] =	stream.indirect.gather [hbm4b:s5+s29], $0x20, s12, s29, $0xb8;
	[tilespmem:$0x1D000] =	vst v63  }
0x9f: {  	_ =	swait.ge [sflag:s26], $0x4000  }
0xa0: {  	[sflag:s26] =	ssyncset.done $0x0  }
0xa1: {  	s14 =	sadd.s32 $0x4C00, s11;
	[sflag:s26] =	ssyncadd.s32 $0xFFFFC000  }
0xa2: {  	[spmem:s2] =	stream.indirect.scatter.add.f32 [tilespmem:s22], [sflag:$0x3], $0x20, s14, s29, $0xb8;
	[tilespmem:$0x1D000] =	vst v63  }
0xa3: {  	_ =	swait.ge [sflag:s23], $0x4000  }
0xa4: {  	[sflag:s23] =	ssyncset.done $0x0  }
0xa5: {  	s15 =	sadd.s32 $0x400, s11;
	[sflag:s23] =	ssyncadd.s32 $0xFFFFC000  }
0xa6: {  	[tilespmem:s22], [sflag:$0x1] =	stream.indirect.gather [hbm4b:s5+s29], $0x20, s15, s29, $0xb8;
	[tilespmem:$0x1D000] =	vst v63  }
0xa7: {  	_ =	swait.ge [sflag:s28], $0x4000  }
0xa8: {  	[sflag:s28] =	ssyncset.done $0x0  }
0xa9: {  	s13 =	sadd.s32 $0x4E00, s11;
	[sflag:s28] =	ssyncadd.s32 $0xFFFFC000  }
0xaa: {  	[spmem:s2] =	stream.indirect.scatter.add.f32 [tilespmem:s25], [sflag:$0x3], $0x20, s13, s29, $0xb8;
	[tilespmem:$0x1D000] =	vst v63  }
0xab: {  	_ =	swait.ge [sflag:s23], $0x4000  }
0xac: {  	[sflag:s23] =	ssyncset.done $0x0  }
0xad: {  	s14 =	simm.s32 $0x4A00;
	[sflag:s23] =	ssyncadd.s32 $0xFFFFC000  }
0xae: {  	[tilespmem:s25], [sflag:$0x2] =	stream.indirect.gather [hbm4b:s5+s29], $0x20, s14, s29, $0xb8;
	[tilespmem:$0x1D000] =	vst v63  }
0xaf: {  	_ =	swait.ge [sflag:s26], $0x4000  }
0xb0: {  	[sflag:s26] =	ssyncset.done $0x0  }
0xb1: {  	s15 =	simm.s32 $0x9400;
	[sflag:s26] =	ssyncadd.s32 $0xFFFFC000  }
0xb2: {  	[spmem:s2] =	stream.indirect.scatter.add.f32 [tilespmem:s22], [sflag:$0x3], $0x20, s15, s29, $0xb8;
	[tilespmem:$0x1D000] =	vst v63  }
0xb3: {  	_ =	swait.ge [sflag:s23], $0x4000  }
0xb4: {  	[sflag:s23] =	ssyncset.done $0x0  }
0xb5: {  	[sflag:s23] =	ssyncadd.s32 $0xFFFFC000  }
0xb6: {  	_ =	swait.ge [sflag:s28], $0x4000  }
0xb7: {  	[sflag:s28] =	ssyncset.done $0x0  }
0xb8: {  	s12 =	simm.s32 $0x9600;
	[sflag:s28] =	ssyncadd.s32 $0xFFFFC000  }
0xb9: {  	[spmem:s2] =	stream.indirect.scatter.add.f32 [tilespmem:s25], [sflag:$0x3], $0x20, s12, s29, $0xb8;
	[tilespmem:$0x1D000] =	vst v63  }
0xba: {  	_ =	swait.ge [sflag:s23], $0x4000  }
0xbb: {  	[sflag:s23] =	ssyncset.done $0x0  }
0xbc: {  	s13 =	simm.s32 $0x0;
	s14 =	rddreg [dreg:$0x6];
	[sflag:s23] =	ssyncadd.s32 $0xFFFFC000  }
0xbd: {  	[tilespmem:s13], [sflag:$0x3] =	stream.linear.gather [hbm4b:s14+s13], $0x4C00, $0x38;
	[tilespmem:$0x1D000] =	vst v63  }
0xbe: {  	_ =	swait.ge [sflag:s23], $0x4C00  }
0xbf: {  	[sflag:s23] =	ssyncset.done $0x0  }
0xc0: {  	p2 =	por $0x0, $0x0;
	s15 =	rddreg [dreg:$0x7];
	[sflag:s23] =	ssyncadd.s32 $0xFFFFB400  }
0xc1: {  	[tilespmem:s31], [sflag:$0x3] =	stream.linear.gather [hbm4b:s15+s13], $0x4C00, $0x38;
	[tilespmem:$0x1D000] =	vst v63  }
.Ltmp6:
0xc2: {  	_ = 	snop;
	(pc) =	sbr.rel @p2 .LBB2_11-.Ltmp6, $4  }
0xc3: {  	_ =	swait.ge [sflag:s23], $0x4C00  }
0xc4: {  	[sflag:s23] =	ssyncset.done $0x0  }
0xc5: {  	s11 =	simm.s32 $0x0;
	p1 =	por $0x0, $0x0;
	[sflag:s23] =	ssyncadd.s32 $0xFFFFB400  }
0xc6: {  	[tilespmem:s24], [sflag:$0x1] =	stream.indirect.gather [hbm4b:s6+s29], $0x10, s13, s29, $0xb8;
	[tilespmem:$0x1D000] =	vst v63  }
0xc7: {  	s11 =	simm.s32 $0x200  }
0xc8: {  	[tilespmem:s30], [sflag:$0x2] =	stream.indirect.gather [hbm4b:s6+s29], $0x10, s11, s29, $0xb8;
	[tilespmem:$0x1D000] =	vst v63  }
0xc9: {  	_ =	swait.ge [sflag:s26], $0x2000  }
0xca: {  	[sflag:s26] =	ssyncset.done $0x0  }
0xcb: {  	s13 =	simm.s32 $0x4C00;
	[sflag:s26] =	ssyncadd.s32 $0xFFFFE000  }
0xcc: {  	[spmem:s3] =	stream.indirect.scatter.add.f32 [tilespmem:s24], [sflag:$0x3], $0x10, s13, s29, $0xb8;
	[tilespmem:$0x1D000] =	vst v63  }
0xcd: {  	_ =	swait.ge [sflag:s23], $0x2000  }
0xce: {  	[sflag:s23] =	ssyncset.done $0x0  }
0xcf: {  	s14 =	simm.s32 $0x400;
	[sflag:s23] =	ssyncadd.s32 $0xFFFFE000  }
0xd0: {  	[tilespmem:s24], [sflag:$0x1] =	stream.indirect.gather [hbm4b:s6+s29], $0x10, s14, s29, $0xb8;
	[tilespmem:$0x1D000] =	vst v63  }
0xd1: {  	p2 =	por $0x0, $0x0;
	_ =	swait.ge [sflag:s28], $0x2000  }
.Ltmp7:
0xd2: {  	[sflag:s28] =	ssyncset.done $0x0;
	(pc) =	sbr.rel @p2 .LBB2_11-.Ltmp7, $4  }
0xd3: {  	s15 =	simm.s32 $0x4E00;
	[sflag:s28] =	ssyncadd.s32 $0xFFFFE000  }
0xd4: {  	[spmem:s3] =	stream.indirect.scatter.add.f32 [tilespmem:s30], [sflag:$0x3], $0x10, s15, s29, $0xb8;
	[tilespmem:$0x1D000] =	vst v63  }
0xd5: {  	s12 =	simm.s32 $0x2000;
	_ =	swait.ge [sflag:s23], $0x2000  }
0xd6: {  	p1 =	por $0x1, $0x1;
	s11 =	simm.s32 $0x400;
	[sflag:s23] =	ssyncset.done $0x0  }
.LBB2_10:
0xd7: {  	s13 =	sadd.s32 $0x200, s11  }
0xd8: {  	[sflag:s23] =	ssyncadd.s32 $0xFFFFE000;
	s14 =	smov.u32 s12;
	s15 =	sadd.s32 $0x1000, s12  }
0xd9: {  	[tilespmem:s30], [sflag:$0x2] =	stream.indirect.gather [hbm4b:s6+s29], $0x10, s13, s29, $0xb8;
	[tilespmem:$0x1D000] =	vst v63  }
0xda: {  	p2 =	seq.s32 s12, $0x11000;
	_ =	swait.ge [sflag:s26], $0x2000  }
0xdb: {  	[sflag:s26] =	ssyncset.done $0x0  }
0xdc: {  	s12 =	sadd.s32 $0x4C00, s11;
	[sflag:s26] =	ssyncadd.s32 $0xFFFFE000  }
0xdd: {  	[spmem:s3] =	stream.indirect.scatter.add.f32 [tilespmem:s24], [sflag:$0x3], $0x10, s12, s29, $0xb8;
	[tilespmem:$0x1D000] =	vst v63  }
0xde: {  	_ =	swait.ge [sflag:s23], $0x2000  }
0xdf: {  	[sflag:s23] =	ssyncset.done $0x0  }
0xe0: {  	s12 =	sadd.s32 $0x400, s11;
	[sflag:s23] =	ssyncadd.s32 $0xFFFFE000  }
0xe1: {  	[tilespmem:s24], [sflag:$0x1] =	stream.indirect.gather [hbm4b:s6+s29], $0x10, s12, s29, $0xb8;
	[tilespmem:$0x1D000] =	vst v63  }
0xe2: {  	_ =	swait.ge [sflag:s28], $0x2000  }
.Ltmp8:
0xe3: {  	[sflag:s28] =	ssyncset.done $0x0;
	(pc) =	sbr.rel @!p2 .LBB2_10-.Ltmp8, $4  }
0xe4: {  	s11 =	sadd.s32 $0x4E00, s11;
	[sflag:s28] =	ssyncadd.s32 $0xFFFFE000  }
0xe5: {  	[spmem:s3] =	stream.indirect.scatter.add.f32 [tilespmem:s30], [sflag:$0x3], $0x10, s11, s29, $0xb8;
	[tilespmem:$0x1D000] =	vst v63  }
0xe6: {  	_ =	swait.ge [sflag:s23], $0x2000  }
0xe7: {  	s12 =	smov.u32 s15;
	s11 =	sshra.s32 s14, $0x2;
	[sflag:s23] =	ssyncset.done $0x0  }
.LBB2_11:
0xe8: {  	s12 =	sadd.s32 $0x200, s11;
	[sflag:s23] =	ssyncadd.s32 @p1 $0xFFFFE000  }
0xe9: {  	[tilespmem:s30], [sflag:$0x2] =	stream.indirect.gather [hbm4b:s6+s29], $0x10, s12, s29, $0xb8;
	[tilespmem:$0x1D000] =	vst v63  }
0xea: {  	_ =	swait.ge [sflag:s26], $0x2000  }
0xeb: {  	[sflag:s26] =	ssyncset.done $0x0  }
0xec: {  	s13 =	sadd.s32 $0x4C00, s11;
	[sflag:s26] =	ssyncadd.s32 $0xFFFFE000  }
0xed: {  	[spmem:s3] =	stream.indirect.scatter.add.f32 [tilespmem:s24], [sflag:$0x3], $0x10, s13, s29, $0xb8;
	[tilespmem:$0x1D000] =	vst v63  }
0xee: {  	_ =	swait.ge [sflag:s23], $0x2000  }
0xef: {  	[sflag:s23] =	ssyncset.done $0x0  }
0xf0: {  	s14 =	sadd.s32 $0x400, s11;
	[sflag:s23] =	ssyncadd.s32 $0xFFFFE000  }
0xf1: {  	[tilespmem:s24], [sflag:$0x1] =	stream.indirect.gather [hbm4b:s6+s29], $0x10, s14, s29, $0xb8;
	[tilespmem:$0x1D000] =	vst v63  }
0xf2: {  	_ =	swait.ge [sflag:s28], $0x2000  }
0xf3: {  	[sflag:s28] =	ssyncset.done $0x0  }
.Ltmp9:
0xf4: {  	s15 =	sadd.s32 $0x4E00, s11;
	[sflag:s28] =	ssyncadd.s32 $0xFFFFE000;
	(pc) =	sbr.rel .LBB2_13-.Ltmp9, $4  }
0xf5: {  	[spmem:s3] =	stream.indirect.scatter.add.f32 [tilespmem:s30], [sflag:$0x3], $0x10, s15, s29, $0xb8;
	[tilespmem:$0x1D000] =	vst v63  }
0xf6: {  	_ =	swait.ge [sflag:s23], $0x2000  }
0xf7: {  	s11 =	simm.s32 $0x9400;
	[sflag:s23] =	ssyncset.done $0x0  }
0xf8: {  	s12 =	simm.s32 $0x4A00;
	s13 =	simm.s32 $0x9600;
	[sflag:s23] =	ssyncadd.s32 $0xFFFFE000  }
.LBB2_14:
0xf9: {  	_ =	sfence.sel $0x180000  }
0xfa: {  	[bflag:$0x0] =	sbarrier.arrive $0xFFFF  }
0xfb: {  	_ =	strace $0x9000004D  }
0xfc: {  	[bflag:$0x2] =	sbarrier.arrive $0xFFFF  }
0xfd: {  	p0 =	sne.s32 s1, $0x0;
	s0 =	rddreg [dreg:$0x3]  }
0xfe: {  	s0 =	sadd.s32 @!p0 $0x100000, s0  }
0xff: {  	[sflag:s0] =	ssyncadd.tile.s32 @!p0 $0x1;
	_ =	shalt  }
.Lfunc_end2:
_tile_overlayer_lowered:
.L_overlay_start_2:
0x100: {  	(tag) =	ssettag $0x2  }
0x101: {  	s0 =	rddreg [dreg:$0x0];
	s2 =	stileid.u32  }
0x102: {  	s1 =	rddreg [dreg:$0x1];
	p0 =	sne.s32 s2, $0x0  }
0x103: {  	s3 =	rddreg [dreg:$0x2];
	[bflag:$0x3] =	sbarrier.arrive $0xFFFF;
	s2 =	simm.s32 @!p0 $0x1C03  }
0x104: {  	[timem:s3], [sflag:s2] =	dma.local @!p0 [hbm:s0], s1  }
0x105: {  	s0 =	simm.s32 @!p0 $0x3  }
0x106: {  	_ =	swait.ge @!p0 [sflag:s0], s1  }
0x107: {  	s1 =	ssub.s32 @!p0 $0x0, s1;
	[sflag:s0] =	ssyncset.done @!p0 $0x0  }
0x108: {  	[sflag:s0] =	ssyncadd.s32 @!p0 s1  }
0x109: {  	[bflag:$0x3] =	sbarrier.arrive $0xFFFF  }
0x10a: {  	_ =	shalt  }

// kernel: kernel.8.cloned.1.call-start
scs
__scs_entry_jumppad:
0x0: {  	(pc) =	sbr.rel $0x88, $3  }
0x1: {  	(tag) =	ssettag $0x0;
	lr =	simm.s32 $0x1  }
0x2: {  	[smem:$0x3F8D] =	sst lr;
	_ =	strace $0xD0000000  }
0x3: {  	_ = 	snop  }
0x4: {  	_ = 	snop  }
0x5: {  	_ = 	snop  }
0x6: {  	_ = 	snop  }
0x7: {  	_ = 	snop  }
__scs_overlays_trampoline_lowered:
0x8: {  	[smem:$0x3F9C] =	sst s0  }
0x9: {  	[smem:$0x3F9D] =	sst s1  }
0xa: {  	[smem:$0x3F9E] =	sst s2  }
0xb: {  	[smem:$0x3F9F] =	sst s3  }
0xc: {  	[smem:$0x3FA0] =	sst s4  }
0xd: {  	[smem:$0x3FA1] =	sst s5  }
0xe: {  	[smem:$0x3FA2] =	sst s6  }
0xf: {  	[smem:$0x3FA3] =	sst s7  }
0x10: {  	[smem:$0x3FA4] =	sst s8  }
0x11: {  	[smem:$0x3FA5] =	sst s9;
	s0 =	simm.s32 @!p0 $0x0  }
0x12: {  	s1 =	sld [smem:$0x3F8B];
	s0 =	simm.s32 @p0 $0x1  }
0x13: {  	[smem:$0x3FA6] =	sst s0;
	s0 =	simm.s32 @!p1 $0x0  }
0x14: {  	s2 =	sld [smem:$0x3F8A];
	s0 =	simm.s32 @p1 $0x1  }
0x15: {  	[smem:$0x3FA7] =	sst s0;
	s0 =	simm.s32 @!p2 $0x0  }
0x16: {  	s3 =	sld [smem:$0x3FDB];
	s0 =	simm.s32 @p2 $0x1  }
0x17: {  	s4 =	simm.s32 $0x1BF5;
	[smem:$0x3FA9] =	sst s0  }
0x18: {  	s0 =	sld [smem:$0x3F8C];
	_ =	swait.ge [sflag:s4], $0x0  }
0x19: {  	s7 =	sld [smem:$0x3F8D]  }
0x1a: {  	s8 =	sadd.s32 $0xFFFFE003, lr  }
0x1b: {  	s9 =	sadd.s32 $0xFFFFFEF7, lr;
	s5 =	simm.s32 $0xFFFFFFFF;
	p2 =	slt.u32 s8, $0xFFFFF086  }
0x1c: {  	p1 =	slt.u32 s9, $0xF7A;
	s5 =	simm.s32 @!p2 $0x0  }
0x1d: {  	s5 =	simm.s32 @p1 $0x1;
	p0 =	seq.s32 s7, s2  }
0x1e: {  	s7 =	smul.u32 @!p0 $0xF7A, s2;
	p2 =	seq.s32 @!p0 s5, $0x0  }
0x1f: {  	s9 =	smul.u32 $0xF7A, s1;
	s8 =	simm.s32 @!p0 $0x1BF5;
	p2 =	por !p2, p0  }
0x20: {  	[sflag:s8] =	ssyncset.s32 @!p0 $0xFFFFF086;
	s6 =	sadd.s32 @!p0 s3, s7;
	s7 =	simm.s32 @!p0 $0x108  }
0x21: {  	s3 =	sadd.s32 s3, s9;
	s6 =	sadd.s32 @!p0 $0x88, s6;
	s7 =	simm.s32 @p2 $0x1082  }
0x22: {  	[simem:s7], [sflag:s8] =	dma.local @!p0 [hbm:s6], $0xF7A  }
0x23: {  	s9 =	sor.u32 $0xD0000000, s2;
	s6 =	simm.s32 $0x108;
	_ =	swait.ge @!p0 [sflag:s8], $0x0  }
0x24: {  	s3 =	sadd.s32 $0x88, s3;
	s6 =	simm.s32 @!p1 $0x1082;
	[sflag:s4] =	ssyncset.s32 $0xFFFFF086  }
0x25: {  	[simem:s6], [sflag:s4] =	dma.local [hbm:s3], $0xF7A  }
0x26: {  	[smem:$0x3F8D] =	sst s1;
	(tag) =	ssettag s2;
	_ =	strace s9  }
0x27: {  	s1 =	sld [smem:$0x3F9D]  }
0x28: {  	s2 =	sld [smem:$0x3F9E]  }
0x29: {  	s4 =	sld [smem:$0x3FA0]  }
0x2a: {  	p0 =	seq.s32 s5, $0x0;
	s5 =	sld [smem:$0x3FA1]  }
0x2b: {  	s6 =	sld [smem:$0x3FA2]  }
0x2c: {  	s7 =	sld [smem:$0x3FA3]  }
0x2d: {  	s3 =	simm.s32 $0x108;
	s8 =	sld [smem:$0x3FA4]  }
0x2e: {  	s3 =	simm.s32 @!p0 $0x1082;
	s9 =	sld [smem:$0x3FA5]  }
0x2f: {  	lr =	sadd.s32 s0, s3;
	s0 =	sld [smem:$0x3F9C]  }
0x30: {  	s3 =	sld [smem:$0x3F9F]  }
0x31: {  	[smem:$0x3FA8] =	sst s10  }
0x32: {  	s10 =	sld [smem:$0x3FA6];
	_ =	sdelay $0x3  }
0x33: {  	p0 =	seq.s32 s10, $0x1;
	s10 =	sld [smem:$0x3FA8];
	_ =	sdelay $0x3  }
0x34: {  	[smem:$0x3FA8] =	sst s10  }
0x35: {  	s10 =	sld [smem:$0x3FA7];
	_ =	sdelay $0x3  }
0x36: {  	p1 =	seq.s32 s10, $0x1;
	s10 =	sld [smem:$0x3FA8];
	_ =	sdelay $0x3  }
0x37: {  	[smem:$0x3FA8] =	sst s10  }
0x38: {  	s10 =	sld [smem:$0x3FA9]  }
0x39: {  	_ = 	snop;
	(pc) =	sbr.ind lr, $3  }
0x3a: {  	_ = 	snop  }
0x3b: {  	_ = 	snop  }
0x3c: {  	p2 =	seq.s32 s10, $0x1;
	s10 =	sld [smem:$0x3FA8]  }
0x3d: {  	_ =	shalt  }
0x3e: {  	_ =	shalt  }
0x3f: {  	_ =	shalt  }
0x40: {  	_ =	shalt  }
0x41: {  	_ =	shalt  }
0x42: {  	_ =	shalt  }
0x43: {  	_ =	shalt  }
0x44: {  	_ =	shalt  }
0x45: {  	_ =	shalt  }
0x46: {  	_ =	shalt  }
0x47: {  	_ =	shalt  }
0x48: {  	_ =	shalt  }
0x49: {  	_ =	shalt  }
0x4a: {  	_ =	shalt  }
0x4b: {  	_ =	shalt  }
0x4c: {  	_ =	shalt  }
0x4d: {  	_ =	shalt  }
0x4e: {  	_ =	shalt  }
0x4f: {  	_ =	shalt  }
0x50: {  	_ =	shalt  }
0x51: {  	_ =	shalt  }
0x52: {  	_ =	shalt  }
0x53: {  	_ =	shalt  }
0x54: {  	_ =	shalt  }
0x55: {  	_ =	shalt  }
0x56: {  	_ =	shalt  }
0x57: {  	_ =	shalt  }
0x58: {  	_ =	shalt  }
0x59: {  	_ =	shalt  }
0x5a: {  	_ =	shalt  }
0x5b: {  	_ =	shalt  }
0x5c: {  	_ =	shalt  }
0x5d: {  	_ =	shalt  }
0x5e: {  	_ =	shalt  }
0x5f: {  	_ =	shalt  }
0x60: {  	_ =	shalt  }
0x61: {  	_ =	shalt  }
0x62: {  	_ =	shalt  }
0x63: {  	_ =	shalt  }
0x64: {  	_ =	shalt  }
0x65: {  	_ =	shalt  }
0x66: {  	_ =	shalt  }
0x67: {  	_ =	shalt  }
0x68: {  	_ =	shalt  }
0x69: {  	_ =	shalt  }
0x6a: {  	_ =	shalt  }
0x6b: {  	_ =	shalt  }
0x6c: {  	_ =	shalt  }
0x6d: {  	_ =	shalt  }
0x6e: {  	_ =	shalt  }
0x6f: {  	_ =	shalt  }
0x70: {  	_ =	shalt  }
0x71: {  	_ =	shalt  }
0x72: {  	_ =	shalt  }
0x73: {  	_ =	shalt  }
0x74: {  	_ =	shalt  }
0x75: {  	_ =	shalt  }
0x76: {  	_ =	shalt  }
0x77: {  	_ =	shalt  }
0x78: {  	_ =	shalt  }
0x79: {  	_ =	shalt  }
0x7a: {  	_ =	shalt  }
0x7b: {  	_ =	shalt  }
0x7c: {  	_ =	shalt  }
0x7d: {  	_ =	shalt  }
0x7e: {  	_ =	shalt  }
0x7f: {  	_ =	shalt  }
0x80: {  	_ =	shalt  }
0x81: {  	_ =	shalt  }
0x82: {  	_ =	shalt  }
0x83: {  	_ =	shalt  }
0x84: {  	_ =	shalt  }
0x85: {  	_ =	shalt  }
0x86: {  	_ =	shalt  }
0x87: {  	_ =	shalt  }
.Lfunc_end0:
.L_simem_size_0:
called_computation_lowered:
.L_overlay_start_0:
0x88: {  	s2 =	sld [smem:$0x3FD9]  }
0x89: {  	s3 =	sld [smem:$0x3FFE];
	_ =	sdelay $0x1  }
0x8a: {  	s1 =	srdreg.scid  }
0x8b: {  	s0 =	sand.u32 $0x1, s1  }
0x8c: {  	s17 =	sshll.u32 s0, $0xA;
	s2 =	sadd.s32 s3, s2  }
0x8d: {  	s2 =	sadd.s32 s2, s17  }
0x8e: {  	[smem:$0x3FB4] =	sst s2  }
0x8f: {  	_ = 	snop  }
0x90: {  	s2 =	sld [smem:$0x3FD0];
	(tm) =	ssettm $0x1  }
0x91: {  	s18 =	sld [smem:$0x3FFB];
	_ =	sdelay $0x3  }
0x92: {  	_ =	strace s18  }
0x93: {  	s3 =	sld [smem:$0x3FFC];
	_ =	sdelay $0x3  }
0x94: {  	_ =	strace s3  }
0x95: {  	s3 =	sld [smem:$0x3FFD];
	_ =	sdelay $0x3  }
0x96: {  	_ =	strace s3  }
0x97: {  	_ =	strace $0x8FFFFFFF  }
0x98: {  	s19 =	sld [smem:$0x3FDB];
	_ =	sdelay $0x1  }
0x99: {  	s4 =	simm.s32 $_scs_section_size  }
0x9a: {  	s5 =	simm.s32 $_size__tile_overlayer_lowered;
	s6 =	simm.s32 $_tile_overlayer_lowered  }
0x9b: {  	s22 =	simm.s32 $0x1BFF;
	s21 =	sshll.u32 s6, $0x1;
	s3 =	sadd.s32 s4, s19  }
0x9c: {  	s7 =	simm.s32 $0x0;
	s20 =	sshll.u32 s5, $0x1;
	s5 =	sadd.s32 s21, s3  }
0x9d: {  	[timem:s7], [sflag:s22] =	dma.local [hbm:s5], s20  }
0x9e: {  	_ =	swait.ge [sflag:s22], s20  }
0x9f: {  	s4 =	ssub.s32 $0x0, s20;
	[sflag:s22] =	ssyncset.done $0x0  }
0xa0: {  	[sflag:s22] =	ssyncadd.s32 s4;
	_ =	sdelay $0x1  }
0xa1: {  	s23 =	simm.s32 $0x1B8B  }
0xa2: {  	_ =	swait.ge [sflag:s23], $0x1  }
0xa3: {  	[sflag:s23] =	ssyncset.done $0x0  }
0xa4: {  	s25 =	simm.s32 $0x1B8E;
	s24 =	sld [smem:$0x3FFE];
	[sflag:s23] =	ssyncadd.s32 $0xFFFFFFFF  }
0xa5: {  	s26 =	simm.s32 $execute0_lowered;
	[smem:$0x3FD2] =	sst s25  }
0xa6: {  	s5 =	sshll.u32 s26, $0x1;
	_ =	strace $0x80000046;
	[dreg:$0x1] =	wrdreg $0xFFFFFFFF  }
0xa7: {  	s28 =	simm.s32 $_size_execute0_lowered;
	s3 =	sadd.s32 s3, s5;
	[dreg:$0x0] =	wrdreg $0x0  }
0xa8: {  	s5 =	sshll.u32 s28, $0x1;
	[dreg:$0x2] =	wrdreg s3  }
0xa9: {  	[dreg:$0x3] =	wrdreg s5  }
0xaa: {  	[dreg:$0x4] =	wrdreg $0xC0  }
0xab: {  	_ =	task [dreg:s7], $0x5FFFF  }
0xac: {  	[dreg:$0x1] =	wrdreg $0xFFFFFFFF  }
0xad: {  	[dreg:$0x0] =	wrdreg $0x60  }
0xae: {  	[dreg:$0x2] =	wrdreg s24  }
0xaf: {  	[dreg:$0x3] =	wrdreg s2  }
0xb0: {  	[dreg:$0x4] =	wrdreg $0x50800  }
0xb1: {  	[dreg:$0x5] =	wrdreg $0x53000  }
0xb2: {  	[dreg:$0x6] =	wrdreg $0x9  }
0xb3: {  	_ =	task.clear_ibuf [dreg:s7], $0x7FFFF;
	_ =	strace $0x90000046  }
0xb4: {  	s29 =	simm.s32 $0x9;
	_ =	strace $0x80000048  }
0xb5: {  	_ =	swait.ge [sflag:s29], $0x1  }
0xb6: {  	[sflag:s29] =	ssyncadd.s32 $0xFFFFFFFF  }
0xb7: {  	_ =	strace $0x90000048  }
0xb8: {  	_ =	sfence  }
0xb9: {  	s30 =	sld [smem:$0x0];
	_ =	sdelay $0x2  }
0xba: {  	s31 =	sshll.u32 s1, $0xD;
	s1 =	sshrl.u32 s1, $0x2  }
0xbb: {  	s3 =	sand.u32 $0x4000, s31;
	s1 =	sadd.s32 s1, s30  }
0xbc: {  	s0 =	sor.u32 s3, s0;
	s1 =	sshll.u32 s1, $0x11  }
0xbd: {  	s0 =	sor.u32 s1, s0  }
0xbe: {  	s0 =	sadd.s32 $0x8F2B, s0  }
0xbf: {  	[sflag:s0] =	ssyncadd.remote.s32 $0x1  }
0xc0: {  	_ =	sfence.sel $0xFFFF  }
0xc1: {  	[dreg:$0x0] =	wrdreg $0xFFFFFFFF;
	(pc) =	sbr.abs _section_cstart, $3  }
0xc2: {  	[dreg:$0x1] =	wrdreg $0xFFFFFFFF  }
0xc3: {  	_ =	task.clear_ibuf [dreg:s7], $0x2FFFF;
	_ =	strace $0x9FFFFFFF  }
0xc4: {  	(tm) =	ssettm $0x7FFFFFFF  }
0xc5: {  	_ =	shalt  }
tec
execute0_lowered:
.L_overlay_start_1:
0x0: {  	(tag) =	ssettag $0x1  }
0x1: {  	s8 =	rddreg [dreg:$0x0]  }
0x2: {  	s1 =	rddreg [dreg:$0x1]  }
0x3: {  	s2 =	rddreg [dreg:$0x2]  }
0x4: {  	s3 =	rddreg [dreg:$0x3]  }
0x5: {  	s0 =	rddreg [dreg:$0x4]  }
0x6: {  	s4 =	simm.s32 $0x0;
	s6 =	srdreg.scid;
	s5 =	stileid.u32  }
0x7: {  	s19 =	simm.s32 $0x200;
	s20 =	simm.s32 $0x4C00;
	s21 =	simm.s32 $0x0  }
0x8: {  	[smem:$0x7FF] =	sst s4;
	s14 =	sadd.s32 $0x10A00, s8;
	s15 =	sadd.s32 $0x6A00, s8  }
0x9: {  	s17 =	sand.u32 $0x1, s6;
	s6 =	sadd.s32 $0x1AA00, s8;
	s13 =	smul.u32 $0x280, s5  }
0xa: {  	s7 =	sadd.s32 $0x1B000, s8;
	s8 =	sadd.s32 $0x1B600, s8;
	s11 =	sshll.u32 s5, $0x7  }
0xb: {  	s18 =	smul.u32 $0x980, s5;
	_ =	strace $0x80000047;
	s9 =	ssub.s32 $0x2, s17  }
.Ltmp0:
0xc: {  	s12 =	sor.u32 $0x9800, s11;
	p0 =	sne.s32 s17, $0x0;
	(pc) =	sbr.rel .LBB2_1-.Ltmp0, $4  }
0xd: {  	s17 =	simm.s32 $0x4E00;
	s10 =	sshrl.u32 s9, $0x1;
	s11 =	sadd.s32 s14, s12  }
0xe: {  	s12 =	sadd.s32 s15, s12;
	s14 =	sadd.s32 s14, s18;
	s15 =	sadd.s32 s15, s18  }
0xf: {  	s18 =	simm.s32 $0x1;
	s16 =	ssub.s32 s9, s10;
	s9 =	sadd.s32 s13, s2  }
0x10: {  	v0 =	vimm.f32 $1.000000000e+00;
	v1 =	vimm.f32 $0.0e+00;
	s10 =	sadd.s32 s13, s3;
	s13 =	sshrl.u32 s13, $0x3;
	s16 =	smax.u32 s16, $0x1  }
.LBB2_7:
0x11: {  	[tilespmem:s4], [sflag:$0x1] =	stream.linear.gather [hbm4b:s11+s4], $0x400, $0x38;
	[tilespmem:$0x5580] =	vst v63  }
0x12: {  	_ =	swait.ge [sflag:s18], $0x400  }
0x13: {  	[sflag:s18] =	ssyncset.done $0x0  }
0x14: {  	[sflag:s18] =	ssyncadd.s32 $0xFFFFFC00  }
0x15: {  	[spmem:s2] =	stream.indirect.scatter.add.f32 [tilespmem:s20], [sflag:$0x1], $0x1, s4, s19, $0xb8;
	[tilespmem:$0x5580] =	vst v63  }
0x16: {  	_ =	swait.ge [sflag:s18], $0x200  }
0x17: {  	[sflag:s18] =	ssyncset.done $0x0  }
0x18: {  	[sflag:s18] =	ssyncadd.s32 $0xFFFFFE00  }
0x19: {  	[spmem:s2] =	stream.indirect.scatter.add.f32 [tilespmem:s20], [sflag:$0x1], $0x1, s19, s19, $0xb8;
	[tilespmem:$0x5580] =	vst v63  }
0x1a: {  	_ =	swait.ge [sflag:s18], $0x200  }
0x1b: {  	[sflag:s18] =	ssyncset.done $0x0  }
0x1c: {  	[sflag:s18] =	ssyncadd.s32 $0xFFFFFE00  }
0x1d: {  	[tilespmem:s4], [sflag:$0x1] =	stream.linear.gather [hbm4b:s12+s4], $0x400, $0x38;
	[tilespmem:$0x5580] =	vst v63  }
0x1e: {  	_ =	swait.ge [sflag:s18], $0x400  }
0x1f: {  	[sflag:s18] =	ssyncset.done $0x0  }
0x20: {  	[sflag:s18] =	ssyncadd.s32 $0xFFFFFC00  }
0x21: {  	[spmem:s3] =	stream.indirect.scatter.add.f32 [tilespmem:s20], [sflag:$0x1], $0x1, s4, s19, $0xb8;
	[tilespmem:$0x5580] =	vst v63  }
0x22: {  	_ =	swait.ge [sflag:s18], $0x200  }
0x23: {  	[sflag:s18] =	ssyncset.done $0x0  }
0x24: {  	[sflag:s18] =	ssyncadd.s32 $0xFFFFFE00  }
0x25: {  	[spmem:s3] =	stream.indirect.scatter.add.f32 [tilespmem:s20], [sflag:$0x1], $0x1, s19, s19, $0xb8;
	[tilespmem:$0x5580] =	vst v63  }
0x26: {  	_ =	swait.ge [sflag:s18], $0x200  }
0x27: {  	[sflag:s18] =	ssyncset.done $0x0  }
0x28: {  	s23 =	smov.u32 s6;
	s22 =	smov.u32 s8;
	[sflag:s18] =	ssyncadd.s32 $0xFFFFFE00  }
.LBB2_8:
0x29: {  	s23 =	sadd.s32 s23, s13;
	s24 =	sshll.u32 s5, $0x6  }
0x2a: {  	[bflag:$0x0] =	sbarrier.arrive $0xFFFF;
	s25 =	sshrl.u32 s9, $0x3;
	s24 =	sor.u32 $0x1C01, s24  }
0x2b: {  	[hbm:s23], [sflag:s24] =	dma.local [spmem:s25], $0x50  }
0x2c: {  	s21 =	sadd.s32 $0x1, s21;
	_ =	swait.ge [sflag:s18], $0x50  }
0x2d: {  	s22 =	sadd.s32 s22, s13;
	p1 =	sne.s32 s21, s16;
	[sflag:s18] =	ssyncset.done $0x0  }
.Ltmp1:
0x2e: {  	s31 =	sshrl.u32 s10, $0x3;
	[sflag:s18] =	ssyncadd.s32 $0xFFFFFFB0;
	(pc) =	sbr.rel @!p1 .LBB2_9-.Ltmp1, $4  }
0x2f: {  	[hbm:s22], [sflag:s24] =	dma.local [spmem:s31], $0x50  }
0x30: {  	_ =	swait.ge [sflag:s18], $0x50  }
0x31: {  	[sflag:s18] =	ssyncset.done $0x0  }
0x32: {  	[sflag:s18] =	ssyncadd.s32 $0xFFFFFFB0  }
.LBB2_1:
0x33: {  	[tilespmem:$0x4C00] =	vst v0  }
0x34: {  	[tilespmem:$0x4C10] =	vst v0  }
0x35: {  	[tilespmem:$0x4C20] =	vst v0  }
0x36: {  	[tilespmem:$0x4C30] =	vst v0  }
0x37: {  	[tilespmem:$0x4C40] =	vst v0  }
0x38: {  	[tilespmem:$0x4C50] =	vst v0  }
0x39: {  	[tilespmem:$0x4C60] =	vst v0  }
0x3a: {  	[tilespmem:$0x4C70] =	vst v0  }
0x3b: {  	[tilespmem:$0x4C80] =	vst v0  }
0x3c: {  	[tilespmem:$0x4C90] =	vst v0  }
0x3d: {  	[tilespmem:$0x4CA0] =	vst v0  }
0x3e: {  	[tilespmem:$0x4CB0] =	vst v0  }
0x3f: {  	[tilespmem:$0x4CC0] =	vst v0  }
0x40: {  	[tilespmem:$0x4CD0] =	vst v0  }
0x41: {  	[tilespmem:$0x4CE0] =	vst v0  }
0x42: {  	[tilespmem:$0x4CF0] =	vst v0  }
0x43: {  	[tilespmem:$0x4D00] =	vst v0  }
0x44: {  	[tilespmem:$0x4D10] =	vst v0  }
0x45: {  	[tilespmem:$0x4D20] =	vst v0  }
0x46: {  	[tilespmem:$0x4D30] =	vst v0  }
0x47: {  	[tilespmem:$0x4D40] =	vst v0  }
0x48: {  	[tilespmem:$0x4D50] =	vst v0  }
0x49: {  	[tilespmem:$0x4D60] =	vst v0  }
0x4a: {  	[tilespmem:$0x4D70] =	vst v0  }
0x4b: {  	[tilespmem:$0x4D80] =	vst v0  }
0x4c: {  	[tilespmem:$0x4D90] =	vst v0  }
0x4d: {  	[tilespmem:$0x4DA0] =	vst v0  }
0x4e: {  	[tilespmem:$0x4DB0] =	vst v0  }
0x4f: {  	[tilespmem:$0x4DC0] =	vst v0  }
0x50: {  	[tilespmem:$0x4DD0] =	vst v0  }
0x51: {  	[tilespmem:$0x4DE0] =	vst v0  }
0x52: {  	[tilespmem:$0x4DF0] =	vst v0  }
0x53: {  	[tilespmem:$0x4E00] =	vst v1  }
0x54: {  	[tilespmem:$0x4E10] =	vst v1  }
0x55: {  	[tilespmem:$0x4E20] =	vst v1  }
0x56: {  	[tilespmem:$0x4E30] =	vst v1  }
0x57: {  	[tilespmem:$0x4E40] =	vst v1  }
0x58: {  	[tilespmem:$0x4E50] =	vst v1  }
0x59: {  	[tilespmem:$0x4E60] =	vst v1  }
0x5a: {  	[tilespmem:$0x4E70] =	vst v1  }
0x5b: {  	[tilespmem:$0x4E80] =	vst v1  }
0x5c: {  	[tilespmem:$0x4E90] =	vst v1  }
0x5d: {  	[tilespmem:$0x4EA0] =	vst v1  }
0x5e: {  	[tilespmem:$0x4EB0] =	vst v1  }
0x5f: {  	[tilespmem:$0x4EC0] =	vst v1  }
0x60: {  	[tilespmem:$0x4ED0] =	vst v1  }
0x61: {  	[tilespmem:$0x4EE0] =	vst v1  }
0x62: {  	[tilespmem:$0x4EF0] =	vst v1  }
0x63: {  	[tilespmem:$0x4F00] =	vst v1  }
0x64: {  	[tilespmem:$0x4F10] =	vst v1  }
0x65: {  	[tilespmem:$0x4F20] =	vst v1  }
0x66: {  	[tilespmem:$0x4F30] =	vst v1  }
0x67: {  	[tilespmem:$0x4F40] =	vst v1  }
0x68: {  	[tilespmem:$0x4F50] =	vst v1  }
0x69: {  	[tilespmem:$0x4F60] =	vst v1  }
0x6a: {  	[tilespmem:$0x4F70] =	vst v1  }
0x6b: {  	[tilespmem:$0x4F80] =	vst v1  }
0x6c: {  	[tilespmem:$0x4F90] =	vst v1  }
0x6d: {  	[tilespmem:$0x4FA0] =	vst v1  }
0x6e: {  	[tilespmem:$0x4FB0] =	vst v1  }
0x6f: {  	[tilespmem:$0x4FC0] =	vst v1  }
0x70: {  	[tilespmem:$0x4FD0] =	vst v1  }
0x71: {  	[tilespmem:$0x4FE0] =	vst v1  }
0x72: {  	[tilespmem:$0x4FF0] =	vst v1  }
0x73: {  	[tilespmem:$0x5000] =	vst v1  }
0x74: {  	[tilespmem:$0x5010] =	vst v1  }
0x75: {  	[tilespmem:$0x5020] =	vst v1  }
0x76: {  	[tilespmem:$0x5030] =	vst v1  }
0x77: {  	[tilespmem:$0x5040] =	vst v1  }
0x78: {  	[tilespmem:$0x5050] =	vst v1  }
0x79: {  	[tilespmem:$0x5060] =	vst v1  }
0x7a: {  	[tilespmem:$0x5070] =	vst v1  }
0x7b: {  	[spmem:s9] =	stream.linear.scatter [tilespmem:s17], [sflag:$0x1], $0x280, $0x38;
	[tilespmem:$0x5580] =	vst v63  }
0x7c: {  	_ =	swait.ge [sflag:s18], $0x280  }
0x7d: {  	[sflag:s18] =	ssyncset.done $0x0  }
0x7e: {  	[sflag:s18] =	ssyncadd.s32 $0xFFFFFD80  }
0x7f: {  	[spmem:s10] =	stream.linear.scatter [tilespmem:s17], [sflag:$0x1], $0x280, $0x38;
	[tilespmem:$0x5580] =	vst v63  }
.Ltmp2:
0x80: {  	_ =	swait.ge [sflag:s18], $0x280;
	(pc) =	sbr.rel @p0 .LBB2_7-.Ltmp2, $3  }
0x81: {  	[sflag:s18] =	ssyncset.done $0x0  }
0x82: {  	[sflag:s18] =	ssyncadd.s32 $0xFFFFFD80  }
0x83: {  	[bflag:$0x0] =	sbarrier.arrive $0xFFFF;
	_ =	sdelay $0x1  }
0x84: {  	s22 =	simm.s32 $0x0  }
0x85: {  	[tilespmem:s22], [sflag:$0x1] =	stream.linear.gather [hbm4b:s14+s22], $0x4C00, $0x38;
	[tilespmem:$0x5580] =	vst v63  }
0x86: {  	_ =	swait.ge [sflag:s18], $0x4C00  }
0x87: {  	[sflag:s18] =	ssyncset.done $0x0  }
0x88: {  	s31 =	simm.s32 $0x0;
	[sflag:s18] =	ssyncadd.s32 $0xFFFFB400  }
0x89: {  	[spmem:s2] =	stream.indirect.scatter.add.f32 [tilespmem:s20], [sflag:$0x1], $0x1, s31, s19, $0xb8;
	[tilespmem:$0x5580] =	vst v63  }
0x8a: {  	_ =	swait.ge [sflag:s18], $0x200  }
0x8b: {  	s22 =	simm.s32 $0x800;
	[sflag:s18] =	ssyncset.done $0x0  }
.LBB2_3:
0x8c: {  	s23 =	sshra.s32 s22, $0x2;
	[sflag:s18] =	ssyncadd.s32 $0xFFFFFE00;
	p1 =	sne.s32 s22, $0x12800  }
0x8d: {  	[spmem:s2] =	stream.indirect.scatter.add.f32 [tilespmem:s20], [sflag:$0x1], $0x1, s23, s19, $0xb8;
	[tilespmem:$0x5580] =	vst v63  }
.Ltmp3:
0x8e: {  	_ = 	snop;
	(pc) =	sbr.rel @p1 .LBB2_3-.Ltmp3, $4  }
0x8f: {  	_ = 	snop  }
0x90: {  	s22 =	sadd.s32 $0x800, s22  }
0x91: {  	_ =	swait.ge [sflag:s18], $0x200  }
0x92: {  	[sflag:s18] =	ssyncset.done $0x0  }
0x93: {  	[sflag:s18] =	ssyncadd.s32 $0xFFFFFE00;
	s22 =	simm.s32 $0x0  }
0x94: {  	[tilespmem:s22], [sflag:$0x1] =	stream.linear.gather [hbm4b:s15+s22], $0x4C00, $0x38;
	[tilespmem:$0x5580] =	vst v63  }
0x95: {  	_ =	swait.ge [sflag:s18], $0x4C00  }
0x96: {  	[sflag:s18] =	ssyncset.done $0x0  }
0x97: {  	s31 =	simm.s32 $0x0;
	[sflag:s18] =	ssyncadd.s32 $0xFFFFB400  }
0x98: {  	[spmem:s3] =	stream.indirect.scatter.add.f32 [tilespmem:s20], [sflag:$0x1], $0x1, s31, s19, $0xb8;
	[tilespmem:$0x5580] =	vst v63  }
0x99: {  	_ =	swait.ge [sflag:s18], $0x200  }
0x9a: {  	s22 =	simm.s32 $0x800;
	[sflag:s18] =	ssyncset.done $0x0  }
.LBB2_5:
0x9b: {  	s23 =	sshra.s32 s22, $0x2;
	[sflag:s18] =	ssyncadd.s32 $0xFFFFFE00;
	p1 =	seq.s32 s22, $0x12800  }
0x9c: {  	[spmem:s3] =	stream.indirect.scatter.add.f32 [tilespmem:s20], [sflag:$0x1], $0x1, s23, s19, $0xb8;
	[tilespmem:$0x5580] =	vst v63  }
.Ltmp4:
0x9d: {  	_ = 	snop;
	(pc) =	sbr.rel @!p1 .LBB2_5-.Ltmp4, $4  }
0x9e: {  	_ = 	snop  }
0x9f: {  	s22 =	sadd.s32 $0x800, s22  }
0xa0: {  	_ =	swait.ge [sflag:s18], $0x200  }
0xa1: {  	[sflag:s18] =	ssyncset.done $0x0  }
.Ltmp5:
0xa2: {  	(pc) =	sbr.rel .LBB2_8-.Ltmp5, $2  }
0xa3: {  	_ =	sdelay $0x2  }
0xa4: {  	[sflag:s18] =	ssyncadd.s32 $0xFFFFFE00;
	s23 =	smov.u32 s1;
	s22 =	smov.u32 s7  }
.LBB2_9:
0xa5: {  	_ =	sfence.sel $0x180000  }
0xa6: {  	[bflag:$0x0] =	sbarrier.arrive $0xFFFF  }
0xa7: {  	p0 =	sne.s32 s5, $0x0;
	_ =	strace $0x90000047  }
0xa8: {  	s0 =	sadd.s32 @!p0 $0x100000, s0;
	[bflag:$0x2] =	sbarrier.arrive $0xFFFF  }
0xa9: {  	[sflag:s0] =	ssyncadd.tile.s32 @!p0 $0x1;
	_ =	shalt  }
.Lfunc_end2:
_tile_overlayer_lowered:
.L_overlay_start_2:
0xaa: {  	(tag) =	ssettag $0x2  }
0xab: {  	s0 =	rddreg [dreg:$0x0];
	s2 =	stileid.u32  }
0xac: {  	s1 =	rddreg [dreg:$0x1];
	p0 =	sne.s32 s2, $0x0  }
0xad: {  	s3 =	rddreg [dreg:$0x2];
	[bflag:$0x3] =	sbarrier.arrive $0xFFFF;
	s2 =	simm.s32 @!p0 $0x1C01  }
0xae: {  	[timem:s3], [sflag:s2] =	dma.local @!p0 [hbm:s0], s1  }
0xaf: {  	s0 =	simm.s32 @!p0 $0x1  }
0xb0: {  	_ =	swait.ge @!p0 [sflag:s0], s1  }
0xb1: {  	s1 =	ssub.s32 @!p0 $0x0, s1;
	[sflag:s0] =	ssyncset.done @!p0 $0x0  }
0xb2: {  	[sflag:s0] =	ssyncadd.s32 @!p0 s1  }
0xb3: {  	[bflag:$0x3] =	sbarrier.arrive $0xFFFF  }
0xb4: {  	_ =	shalt  }

</sc_bundles>
